<compile_context>
chip_gen: v7x
topology: tpu7x:2x2x1
jax: 0.10.2.dev20260603
libtpu: 0.0.44.dev20260713+nightly
codegen_flags: <defaults>
</compile_context>

<pallas_src>
import functools

import jax
import jax.numpy as jnp
from jax import lax
from jax.experimental import pallas as pl
from jax.experimental.pallas import tpu as pltpu
from jax.experimental.pallas import tpu_sc as plsc

B, N, C, MAX_INST = 16, 16384, 16, 16
NPW = N // 2
CHUNK = 2048
NCHUNK = NPW // CHUNK
GPC = CHUNK // 16
NGROUP = NPW // 16
UNROLL = 2

_F32 = jnp.float32
_I32 = jnp.int32


def _sqrt(x):
    xc = jnp.maximum(x, 1e-30)
    i = plsc.bitcast(xc, _I32)
    i = 0x5F3759DF - lax.shift_right_arithmetic(i, jnp.full((16,), 1, _I32))
    y = plsc.bitcast(i, _F32)
    xh = 0.5 * xc
    y = y * (1.5 - xh * y * y)
    y = y * (1.5 - xh * y * y)
    return x * y


@functools.partial(
    pl.kernel,
    out_type=jax.ShapeDtypeStruct((32, 16), _F32),
    mesh=plsc.VectorSubcoreMesh(core_axis_name="c", subcore_axis_name="s"),
    compiler_params=pltpu.CompilerParams(needs_layout_passes=False),
    scratch_types=[
        pltpu.VMEM((NPW,), _F32),
        pltpu.VMEM((NPW,), _F32),
        pltpu.VMEM((NPW,), _F32),
        pltpu.VMEM((NPW,), _I32),
        pltpu.VMEM((NPW,), _I32),
        pltpu.VMEM((CHUNK * C,), _F32),
        pltpu.VMEM((CHUNK * C,), _F32),
        pltpu.VMEM((256,), _F32),
        pltpu.VMEM((256,), _F32),
        pltpu.VMEM((256,), _F32),
        pltpu.VMEM((256,), _F32),
        pltpu.VMEM((64,), _F32),
        pltpu.VMEM((64,), _F32),
        pltpu.VMEM((48,), _F32),
        pltpu.VMEM((16,), _F32),
        pltpu.VMEM_SHARED((16, 64), _F32),
        pltpu.SemaphoreType.DMA,
        pltpu.SemaphoreType.DMA,
        pltpu.SemaphoreType.DMA,
    ],
)
def _loss_kernel(pts_hbm, sem_hbm, csv_hbm, label_hbm, out_hbm,
                 px_v, py_v, pz_v, cls_v, inst_v, sem0_v, sem1_v,
                 accx_v, accy_v, accz_v, accn_v,
                 acc_v, pacc_v, ctr_v, out_v, shared,
                 dsem_in, dsem0, dsem1):
    c = lax.axis_index("c")
    s = lax.axis_index("s")
    f = c * 8 + s // 2
    h = s % 2
    wid = c * 16 + s
    base = h * NPW

    iota = jnp.arange(16, dtype=_I32)
    iota16 = iota * 16
    ones_f = jnp.ones((16,), _F32)

    sem_bufs = (sem0_v, sem1_v)
    dsems = (dsem0, dsem1)

    def fire_chunk(ck):
        buf, dsem = sem_bufs[ck % 2], dsems[ck % 2]
        return [
            pltpu.async_copy(
                sem_hbm.at[f, cc, pl.ds(base + ck * CHUNK, CHUNK)],
                buf.at[pl.ds(cc * CHUNK, CHUNK)], dsem)
            for cc in range(C)
        ]

    pending = {0: fire_chunk(0)}

    in_copies = [
        pltpu.async_copy(pts_hbm.at[0, f, pl.ds(base, NPW)], px_v, dsem_in),
        pltpu.async_copy(pts_hbm.at[1, f, pl.ds(base, NPW)], py_v, dsem_in),
        pltpu.async_copy(pts_hbm.at[2, f, pl.ds(base, NPW)], pz_v, dsem_in),
        pltpu.async_copy(label_hbm.at[f, 0, pl.ds(base, NPW)], cls_v, dsem_in),
        pltpu.async_copy(label_hbm.at[f, 1, pl.ds(base, NPW)], inst_v, dsem_in),
    ]

    zero_f = jnp.zeros((16,), _F32)
    for r in range(16):
        accx_v[pl.ds(r * 16, 16)] = zero_f
        accy_v[pl.ds(r * 16, 16)] = zero_f
        accz_v[pl.ds(r * 16, 16)] = zero_f
        accn_v[pl.ds(r * 16, 16)] = zero_f

    for cp in in_copies:
        cp.wait()

    acc_sem = jnp.zeros((16,), _F32)
    csv_copies = []
    for ck in range(NCHUNK):
        if ck + 1 < NCHUNK:
            pending[ck + 1] = fire_chunk(ck + 1)
        for cp in pending.pop(ck):
            cp.wait()
        if ck + 1 >= NCHUNK:
            csv_copies = [
                pltpu.async_copy(csv_hbm.at[i, f, pl.ds(base, NPW)],
                                 sem0_v.at[pl.ds(i * NPW, NPW)], dsem_in)
                for i in range(3)
            ]
        sem_v = sem_bufs[ck % 2]

        def group1(off, acc, sem_v=sem_v, nbase=None):
            cls = cls_v[pl.ds(off, 16)]
            inst = inst_v[pl.ds(off, 16)]
            gsem = plsc.load_gather(sem_v, [cls * CHUNK + nbase])
            px = px_v[pl.ds(off, 16)]
            py = py_v[pl.ds(off, 16)]
            pz = pz_v[pl.ds(off, 16)]
            lidx = iota16 + inst
            plsc.addupdate_scatter(accx_v, [lidx], px)
            plsc.addupdate_scatter(accy_v, [lidx], py)
            plsc.addupdate_scatter(accz_v, [lidx], pz)
            plsc.addupdate_scatter(accn_v, [lidx], ones_f)
            return acc + gsem

        def body1(g, acc, ck=ck, sem_v=sem_v):
            for u in range(UNROLL):
                loc = (g * UNROLL + u) * 16
                acc = group1(ck * CHUNK + loc, acc, sem_v, iota + loc)
            return acc

        acc_sem = lax.fori_loop(0, GPC // UNROLL, body1, acc_sem)

    for dst, ref in ((0, accx_v), (16, accy_v), (32, accz_v), (48, accn_v)):
        tot = ref[pl.ds(0, 16)]
        for l in range(1, 16):
            tot = tot + ref[pl.ds(l * 16, 16)]
        acc_v[pl.ds(dst, 16)] = tot

    pltpu.sync_copy(acc_v, shared.at[s])
    plsc.subcore_barrier()
    pltpu.sync_copy(shared.at[s ^ 1], pacc_v)

    cnt = acc_v[pl.ds(48, 16)] + pacc_v[pl.ds(48, 16)]
    inv = 1.0 / jnp.maximum(cnt, 1.0)
    for o in (0, 16, 32):
        ctr_v[pl.ds(o, 16)] = (acc_v[pl.ds(o, 16)] + pacc_v[pl.ds(o, 16)]) * inv

    for cp in csv_copies:
        cp.wait()

    def group2(off, acc):
        inst = inst_v[pl.ds(off, 16)]
        cx = plsc.load_gather(ctr_v, [inst])
        cy = plsc.load_gather(ctr_v, [inst + 16])
        cz = plsc.load_gather(ctr_v, [inst + 32])
        gtx = cx - px_v[pl.ds(off, 16)]
        gty = cy - py_v[pl.ds(off, 16)]
        gtz = cz - pz_v[pl.ds(off, 16)]
        w = jnp.minimum(_sqrt(gtx * gtx + gty * gty + gtz * gtz), 1.0)
        dx = gtx - sem0_v[pl.ds(off, 16)]
        dy = gty - sem0_v[pl.ds(NPW + off, 16)]
        dz = gtz - sem0_v[pl.ds(2 * NPW + off, 16)]
        d = _sqrt(dx * dx + dy * dy + dz * dz)
        return acc + d * w

    def body2(g, acc):
        for u in range(UNROLL):
            acc = group2((g * UNROLL + u) * 16, acc)
        return acc

    acc_csv = lax.fori_loop(0, NGROUP // UNROLL, body2,
                            jnp.zeros((16,), _F32))

    out_v[...] = (acc_csv * 0.2 - acc_sem) * (1.0 / (B * N))
    pltpu.sync_copy(out_v, out_hbm.at[wid])


def kernel(points, pred_sem_mat, pred_center_shift_vectors, label, device):
    partials = _loss_kernel(
        jnp.transpose(points, (2, 0, 1)),
        jnp.transpose(pred_sem_mat, (0, 2, 1)),
        jnp.transpose(pred_center_shift_vectors, (2, 0, 1)),
        label,
    )
    return jnp.sum(partials)

# --- scband reference (transcript-rebuilt; emitter-appended) ---
"""Pipeline reference for scband-get-loss-13829794693841 (READ-ONLY COPY).

The authoritative reference and input builder live on the scoring server;
editing this copy changes nothing except your own understanding.
"""

import jax, jax.numpy as jnp
import numpy as np

B, N, C, MAX_INST = 16, 16384, 16, 16

def setup_inputs(seed: int = 0) -> dict:
    key = jax.random.key(seed)
    k1, k2, k3, k4 = jax.random.split(key, 4)
    points = jax.random.normal(k1, (B, N, 3), dtype=jnp.float32)
    pred_sem_mat = jax.random.normal(k2, (B, N, C), dtype=jnp.float32)
    pred_center_shift_vectors = jax.random.normal(k3, (B, N, 3), dtype=jnp.float32)
    label = jax.random.randint(k4, (B, 2, N), 0, MAX_INST)
    return {"points": points, "pred_sem_mat": pred_sem_mat,
            "pred_center_shift_vectors": pred_center_shift_vectors,
            "label": label, "device": 0}

def reference(points, pred_sem_mat, pred_center_shift_vectors, label, device):
    # device is a placeholder (ignored in jax)
    instance_gt = label[:, 1, :]
    class_gt = label[:, 0, :]
    Bn, Nn, _ = points.shape
    # sem loss: per-frame nll_loss (mean over points) averaged over frames
    # == global mean of -log_prob at target class since N is equal per frame
    gathered = jnp.take_along_axis(pred_sem_mat, class_gt[:, :, None], axis=2)[..., 0]
    sem_loss = -jnp.mean(gathered)
    # center shift gt via per-frame per-instance mean (segment reduce)
    seg = (instance_gt + jnp.arange(Bn)[:, None] * MAX_INST).reshape(-1)
    pts_flat = points.reshape(-1, 3)
    sums = jax.ops.segment_sum(pts_flat, seg, num_segments=Bn * MAX_INST)
    counts = jax.ops.segment_sum(jnp.ones((Bn * Nn,), dtype=points.dtype), seg,
                                 num_segments=Bn * MAX_INST)
    centers = sums / jnp.maximum(counts, 1.0)[:, None]
    gt = (centers[seg] - pts_flat).reshape(Bn, Nn, 3)
    weight = jnp.minimum(jnp.linalg.norm(gt, axis=2), 1.0)
    csv_loss = jnp.mean(jnp.linalg.norm(gt - pred_center_shift_vectors, axis=2) * weight)
    return sem_loss + 0.2 * csv_loss

if __name__ == "__main__":
    import jax
    _d = setup_inputs()
    print(jax.jit(kernel)(*tuple(_d.values())))

</pallas_src>

<mosaic_0001>
#map = affine_map<(d0, d1) -> (0, 0, 0)>
#map1 = affine_map<(d0, d1) -> (0, 0)>
module attributes {stable_mosaic.version = 14 : i64} {
  func.func @_loss_kernel(%arg0: i32, %arg1: i32, %arg2: memref<3x16x16384xf32, #tpu.memory_space<hbm>>, %arg3: memref<16x16x16384xf32, #tpu.memory_space<hbm>>, %arg4: memref<3x16x16384xf32, #tpu.memory_space<hbm>>, %arg5: memref<16x2x16384xi32, #tpu.memory_space<hbm>>, %arg6: memref<32x16xf32, #tpu.memory_space<hbm>>, %arg7: memref<8192xf32, #tpu.memory_space<vmem>>, %arg8: memref<8192xf32, #tpu.memory_space<vmem>>, %arg9: memref<8192xf32, #tpu.memory_space<vmem>>, %arg10: memref<8192xi32, #tpu.memory_space<vmem>>, %arg11: memref<8192xi32, #tpu.memory_space<vmem>>, %arg12: memref<32768xf32, #tpu.memory_space<vmem>>, %arg13: memref<32768xf32, #tpu.memory_space<vmem>>, %arg14: memref<256xf32, #tpu.memory_space<vmem>>, %arg15: memref<256xf32, #tpu.memory_space<vmem>>, %arg16: memref<256xf32, #tpu.memory_space<vmem>>, %arg17: memref<256xf32, #tpu.memory_space<vmem>>, %arg18: memref<64xf32, #tpu.memory_space<vmem>>, %arg19: memref<64xf32, #tpu.memory_space<vmem>>, %arg20: memref<48xf32, #tpu.memory_space<vmem>>, %arg21: memref<16xf32, #tpu.memory_space<vmem>>, %arg22: memref<16x64xf32, #tpu.memory_space<vmem_shared>>, %arg23: memref<!tpu.dma_semaphore, #tpu.memory_space<semaphore_mem>>, %arg24: memref<!tpu.dma_semaphore, #tpu.memory_space<semaphore_mem>>, %arg25: memref<!tpu.dma_semaphore, #tpu.memory_space<semaphore_mem>>) attributes {dimension_semantics = [#tpu.dimension_semantics<core_parallel>, #tpu.dimension_semantics<subcore_parallel>], iteration_bounds = array<i64: 2, 16>, scalar_prefetch = 0 : i64, scratch_operands = 19 : i64, tpu.core_type = #tpu.core_type<sc_vector_subcore>, window_params = [{transform_indices = #map}, {transform_indices = #map}, {transform_indices = #map}, {transform_indices = #map}, {transform_indices = #map1}]} {
    %mul3A = arith.constant 8 : i32
    %mul3A_0 = arith.muli %arg0, %mul3A : i32
    %jit3A = arith.constant 2 : i32
    %div3A = arith.divsi %arg1, %jit3A : i32
    %sign3A = arith.constant 0 : i32
    %sign3A_1 = arith.cmpi sgt, %arg1, %sign3A : i32
    %sign3A_2 = arith.extui %sign3A_1 : i1 to i32
    %sign3A_3 = arith.constant 0 : i32
    %sign3A_4 = arith.cmpi slt, %arg1, %sign3A_3 : i32
    %sign3A_5 = arith.extui %sign3A_4 : i1 to i32
    %sign3A_6 = arith.subi %sign3A_2, %sign3A_5 : i32
    %sign3A_7 = arith.constant 0 : i32
    %sign3A_8 = arith.cmpi sgt, %jit3A, %sign3A_7 : i32
    %sign3A_9 = arith.extui %sign3A_8 : i1 to i32
    %sign3A_10 = arith.constant 0 : i32
    %sign3A_11 = arith.cmpi slt, %jit3A, %sign3A_10 : i32
    %sign3A_12 = arith.extui %sign3A_11 : i1 to i32
    %sign3A_13 = arith.subi %sign3A_9, %sign3A_12 : i32
    %ne3A = arith.cmpi ne, %sign3A_6, %sign3A_13 : i32
    %rem3A = arith.remsi %arg1, %jit3A : i32
    %ne3A_14 = arith.constant 0 : i32
    %ne3A_15 = arith.cmpi ne, %rem3A, %ne3A_14 : i32
    %and3A = arith.andi %ne3A, %ne3A_15 : i1
    %sub3A = arith.constant 1 : i32
    %sub3A_16 = arith.subi %div3A, %sub3A : i32
    %select_n3A = arith.select %and3A, %sub3A_16, %div3A : i32
    %add3A = arith.addi %mul3A_0, %select_n3A : i32
    %jit3A_17 = arith.constant 2 : i32
    %eq3A = arith.constant 0 : i32
    %eq3A_18 = arith.cmpi eq, %jit3A_17, %eq3A : i32
    %jit3A_19 = arith.constant 1 : i32
    %select_n3A_20 = arith.select %eq3A_18, %jit3A_19, %jit3A_17 : i32
    %rem3A_21 = arith.remsi %arg1, %select_n3A_20 : i32
    %ne3A_22 = arith.constant 0 : i32
    %ne3A_23 = arith.cmpi ne, %rem3A_21, %ne3A_22 : i32
    %lt3A = arith.constant 0 : i32
    %lt3A_24 = arith.cmpi slt, %rem3A_21, %lt3A : i32
    %lt3A_25 = arith.constant 0 : i32
    %lt3A_26 = arith.cmpi slt, %select_n3A_20, %lt3A_25 : i32
    %ne3A_27 = arith.xori %lt3A_24, %lt3A_26 : i1
    %and3A_28 = arith.andi %ne3A_27, %ne3A_23 : i1
    %add3A_29 = arith.addi %rem3A_21, %select_n3A_20 : i32
    %select_n3A_30 = arith.select %and3A_28, %add3A_29, %rem3A_21 : i32
    %mul3A_31 = arith.constant 16 : i32
    %mul3A_32 = arith.muli %arg0, %mul3A_31 : i32
    %add3A_33 = arith.addi %mul3A_32, %arg1 : i32
    %mul3A_34 = arith.constant 8192 : i32
    %mul3A_35 = arith.muli %select_n3A_30, %mul3A_34 : i32
    %iota3A = tpu.iota {dimensions = array<i32: 0>} : vector<16xi32>
    %mul3A_36 = arith.constant 16 : i32
    %mul3A_37 = vector.broadcast %mul3A_36 : i32 to vector<16xi32>
    %mul3A_38 = arith.muli %iota3A, %mul3A_37 : vector<16xi32>
    %broadcast_in_dim3A = arith.constant 1.000000e+00 : f32
    %broadcast_in_dim3A_39 = vector.broadcast %broadcast_in_dim3A : f32 to vector<16xf32>
    %add3A_40 = arith.constant 0 : i32
    %add3A_41 = arith.addi %mul3A_35, %add3A_40 : i32
    %dma_start3A = arith.constant 0 : i32
    %dma_start3A_42 = arith.constant 0 : i32
    %dma_start3A_43 = tpu.memref_slice %arg12[%dma_start3A_42] : memref<32768xf32, #tpu.memory_space<vmem>> -> memref<2048xf32, #tpu.memory_space<vmem>>
    %dma_start3A_44 = tpu.memref_slice %arg3[%add3A, %dma_start3A, %add3A_41] : memref<16x16x16384xf32, #tpu.memory_space<hbm>> -> memref<1x1x2048xf32, #tpu.memory_space<hbm>>
    %dma_start3A_45 = tpu.memref_squeeze %dma_start3A_44 : memref<1x1x2048xf32, #tpu.memory_space<hbm>> -> memref<2048xf32, #tpu.memory_space<hbm>>
    %dma_start3A_46 = arith.constant 0 : i32
    %dma_start3A_47 = tpu.memref_slice %arg12[%dma_start3A_46] : memref<32768xf32, #tpu.memory_space<vmem>> -> memref<2048xf32, #tpu.memory_space<vmem>>
    %dma_start3A_48 = tpu.memref_slice %arg3[%add3A, %dma_start3A, %add3A_41] : memref<16x16x16384xf32, #tpu.memory_space<hbm>> -> memref<1x1x2048xf32, #tpu.memory_space<hbm>>
    %dma_start3A_49 = tpu.memref_squeeze %dma_start3A_48 : memref<1x1x2048xf32, #tpu.memory_space<hbm>> -> memref<2048xf32, #tpu.memory_space<hbm>>
    tpu.enqueue_dma source(%dma_start3A_49 : memref<2048xf32, #tpu.memory_space<hbm>>) target(%dma_start3A_47 : memref<2048xf32, #tpu.memory_space<vmem>>) target_semaphore(%arg24 : memref<!tpu.dma_semaphore, #tpu.memory_space<semaphore_mem>>)
    %add3A_50 = arith.constant 0 : i32
    %add3A_51 = arith.addi %mul3A_35, %add3A_50 : i32
    %dma_start3A_52 = arith.constant 1 : i32
    %dma_start3A_53 = arith.constant 2048 : i32
    %dma_start3A_54 = tpu.memref_slice %arg12[%dma_start3A_53] : memref<32768xf32, #tpu.memory_space<vmem>> -> memref<2048xf32, #tpu.memory_space<vmem>>
    %dma_start3A_55 = tpu.memref_slice %arg3[%add3A, %dma_start3A_52, %add3A_51] : memref<16x16x16384xf32, #tpu.memory_space<hbm>> -> memref<1x1x2048xf32, #tpu.memory_space<hbm>>
    %dma_start3A_56 = tpu.memref_squeeze %dma_start3A_55 : memref<1x1x2048xf32, #tpu.memory_space<hbm>> -> memref<2048xf32, #tpu.memory_space<hbm>>
    %dma_start3A_57 = arith.constant 2048 : i32
    %dma_start3A_58 = tpu.memref_slice %arg12[%dma_start3A_57] : memref<32768xf32, #tpu.memory_space<vmem>> -> memref<2048xf32, #tpu.memory_space<vmem>>
    %dma_start3A_59 = tpu.memref_slice %arg3[%add3A, %dma_start3A_52, %add3A_51] : memref<16x16x16384xf32, #tpu.memory_space<hbm>> -> memref<1x1x2048xf32, #tpu.memory_space<hbm>>
    %dma_start3A_60 = tpu.memref_squeeze %dma_start3A_59 : memref<1x1x2048xf32, #tpu.memory_space<hbm>> -> memref<2048xf32, #tpu.memory_space<hbm>>
    tpu.enqueue_dma source(%dma_start3A_60 : memref<2048xf32, #tpu.memory_space<hbm>>) target(%dma_start3A_58 : memref<2048xf32, #tpu.memory_space<vmem>>) target_semaphore(%arg24 : memref<!tpu.dma_semaphore, #tpu.memory_space<semaphore_mem>>)
    %add3A_61 = arith.constant 0 : i32
    %add3A_62 = arith.addi %mul3A_35, %add3A_61 : i32
    %dma_start3A_63 = arith.constant 2 : i32
    %dma_start3A_64 = arith.constant 4096 : i32
    %dma_start3A_65 = tpu.memref_slice %arg12[%dma_start3A_64] : memref<32768xf32, #tpu.memory_space<vmem>> -> memref<2048xf32, #tpu.memory_space<vmem>>
    %dma_start3A_66 = tpu.memref_slice %arg3[%add3A, %dma_start3A_63, %add3A_62] : memref<16x16x16384xf32, #tpu.memory_space<hbm>> -> memref<1x1x2048xf32, #tpu.memory_space<hbm>>
    %dma_start3A_67 = tpu.memref_squeeze %dma_start3A_66 : memref<1x1x2048xf32, #tpu.memory_space<hbm>> -> memref<2048xf32, #tpu.memory_space<hbm>>
    %dma_start3A_68 = arith.constant 4096 : i32
    %dma_start3A_69 = tpu.memref_slice %arg12[%dma_start3A_68] : memref<32768xf32, #tpu.memory_space<vmem>> -> memref<2048xf32, #tpu.memory_space<vmem>>
    %dma_start3A_70 = tpu.memref_slice %arg3[%add3A, %dma_start3A_63, %add3A_62] : memref<16x16x16384xf32, #tpu.memory_space<hbm>> -> memref<1x1x2048xf32, #tpu.memory_space<hbm>>
    %dma_start3A_71 = tpu.memref_squeeze %dma_start3A_70 : memref<1x1x2048xf32, #tpu.memory_space<hbm>> -> memref<2048xf32, #tpu.memory_space<hbm>>
    tpu.enqueue_dma source(%dma_start3A_71 : memref<2048xf32, #tpu.memory_space<hbm>>) target(%dma_start3A_69 : memref<2048xf32, #tpu.memory_space<vmem>>) target_semaphore(%arg24 : memref<!tpu.dma_semaphore, #tpu.memory_space<semaphore_mem>>)
    %add3A_72 = arith.constant 0 : i32
    %add3A_73 = arith.addi %mul3A_35, %add3A_72 : i32
    %dma_start3A_74 = arith.constant 3 : i32
    %dma_start3A_75 = arith.constant 6144 : i32
    %dma_start3A_76 = tpu.memref_slice %arg12[%dma_start3A_75] : memref<32768xf32, #tpu.memory_space<vmem>> -> memref<2048xf32, #tpu.memory_space<vmem>>
    %dma_start3A_77 = tpu.memref_slice %arg3[%add3A, %dma_start3A_74, %add3A_73] : memref<16x16x16384xf32, #tpu.memory_space<hbm>> -> memref<1x1x2048xf32, #tpu.memory_space<hbm>>
    %dma_start3A_78 = tpu.memref_squeeze %dma_start3A_77 : memref<1x1x2048xf32, #tpu.memory_space<hbm>> -> memref<2048xf32, #tpu.memory_space<hbm>>
    %dma_start3A_79 = arith.constant 6144 : i32
    %dma_start3A_80 = tpu.memref_slice %arg12[%dma_start3A_79] : memref<32768xf32, #tpu.memory_space<vmem>> -> memref<2048xf32, #tpu.memory_space<vmem>>
    %dma_start3A_81 = tpu.memref_slice %arg3[%add3A, %dma_start3A_74, %add3A_73] : memref<16x16x16384xf32, #tpu.memory_space<hbm>> -> memref<1x1x2048xf32, #tpu.memory_space<hbm>>
    %dma_start3A_82 = tpu.memref_squeeze %dma_start3A_81 : memref<1x1x2048xf32, #tpu.memory_space<hbm>> -> memref<2048xf32, #tpu.memory_space<hbm>>
    tpu.enqueue_dma source(%dma_start3A_82 : memref<2048xf32, #tpu.memory_space<hbm>>) target(%dma_start3A_80 : memref<2048xf32, #tpu.memory_space<vmem>>) target_semaphore(%arg24 : memref<!tpu.dma_semaphore, #tpu.memory_space<semaphore_mem>>)
    %add3A_83 = arith.constant 0 : i32
    %add3A_84 = arith.addi %mul3A_35, %add3A_83 : i32
    %dma_start3A_85 = arith.constant 4 : i32
    %dma_start3A_86 = arith.constant 8192 : i32
    %dma_start3A_87 = tpu.memref_slice %arg12[%dma_start3A_86] : memref<32768xf32, #tpu.memory_space<vmem>> -> memref<2048xf32, #tpu.memory_space<vmem>>
    %dma_start3A_88 = tpu.memref_slice %arg3[%add3A, %dma_start3A_85, %add3A_84] : memref<16x16x16384xf32, #tpu.memory_space<hbm>> -> memref<1x1x2048xf32, #tpu.memory_space<hbm>>
    %dma_start3A_89 = tpu.memref_squeeze %dma_start3A_88 : memref<1x1x2048xf32, #tpu.memory_space<hbm>> -> memref<2048xf32, #tpu.memory_space<hbm>>
    %dma_start3A_90 = arith.constant 8192 : i32
    %dma_start3A_91 = tpu.memref_slice %arg12[%dma_start3A_90] : memref<32768xf32, #tpu.memory_space<vmem>> -> memref<2048xf32, #tpu.memory_space<vmem>>
    %dma_start3A_92 = tpu.memref_slice %arg3[%add3A, %dma_start3A_85, %add3A_84] : memref<16x16x16384xf32, #tpu.memory_space<hbm>> -> memref<1x1x2048xf32, #tpu.memory_space<hbm>>
    %dma_start3A_93 = tpu.memref_squeeze %dma_start3A_92 : memref<1x1x2048xf32, #tpu.memory_space<hbm>> -> memref<2048xf32, #tpu.memory_space<hbm>>
    tpu.enqueue_dma source(%dma_start3A_93 : memref<2048xf32, #tpu.memory_space<hbm>>) target(%dma_start3A_91 : memref<2048xf32, #tpu.memory_space<vmem>>) target_semaphore(%arg24 : memref<!tpu.dma_semaphore, #tpu.memory_space<semaphore_mem>>)
    %add3A_94 = arith.constant 0 : i32
    %add3A_95 = arith.addi %mul3A_35, %add3A_94 : i32
    %dma_start3A_96 = arith.constant 5 : i32
    %dma_start3A_97 = arith.constant 10240 : i32
    %dma_start3A_98 = tpu.memref_slice %arg12[%dma_start3A_97] : memref<32768xf32, #tpu.memory_space<vmem>> -> memref<2048xf32, #tpu.memory_space<vmem>>
    %dma_start3A_99 = tpu.memref_slice %arg3[%add3A, %dma_start3A_96, %add3A_95] : memref<16x16x16384xf32, #tpu.memory_space<hbm>> -> memref<1x1x2048xf32, #tpu.memory_space<hbm>>
    %dma_start3A_100 = tpu.memref_squeeze %dma_start3A_99 : memref<1x1x2048xf32, #tpu.memory_space<hbm>> -> memref<2048xf32, #tpu.memory_space<hbm>>
    %dma_start3A_101 = arith.constant 10240 : i32
    %dma_start3A_102 = tpu.memref_slice %arg12[%dma_start3A_101] : memref<32768xf32, #tpu.memory_space<vmem>> -> memref<2048xf32, #tpu.memory_space<vmem>>
    %dma_start3A_103 = tpu.memref_slice %arg3[%add3A, %dma_start3A_96, %add3A_95] : memref<16x16x16384xf32, #tpu.memory_space<hbm>> -> memref<1x1x2048xf32, #tpu.memory_space<hbm>>
    %dma_start3A_104 = tpu.memref_squeeze %dma_start3A_103 : memref<1x1x2048xf32, #tpu.memory_space<hbm>> -> memref<2048xf32, #tpu.memory_space<hbm>>
    tpu.enqueue_dma source(%dma_start3A_104 : memref<2048xf32, #tpu.memory_space<hbm>>) target(%dma_start3A_102 : memref<2048xf32, #tpu.memory_space<vmem>>) target_semaphore(%arg24 : memref<!tpu.dma_semaphore, #tpu.memory_space<semaphore_mem>>)
    %add3A_105 = arith.constant 0 : i32
    %add3A_106 = arith.addi %mul3A_35, %add3A_105 : i32
    %dma_start3A_107 = arith.constant 6 : i32
    %dma_start3A_108 = arith.constant 12288 : i32
    %dma_start3A_109 = tpu.memref_slice %arg12[%dma_start3A_108] : memref<32768xf32, #tpu.memory_space<vmem>> -> memref<2048xf32, #tpu.memory_space<vmem>>
    %dma_start3A_110 = tpu.memref_slice %arg3[%add3A, %dma_start3A_107, %add3A_106] : memref<16x16x16384xf32, #tpu.memory_space<hbm>> -> memref<1x1x2048xf32, #tpu.memory_space<hbm>>
    %dma_start3A_111 = tpu.memref_squeeze %dma_start3A_110 : memref<1x1x2048xf32, #tpu.memory_space<hbm>> -> memref<2048xf32, #tpu.memory_space<hbm>>
    %dma_start3A_112 = arith.constant 12288 : i32
    %dma_start3A_113 = tpu.memref_slice %arg12[%dma_start3A_112] : memref<32768xf32, #tpu.memory_space<vmem>> -> memref<2048xf32, #tpu.memory_space<vmem>>
    %dma_start3A_114 = tpu.memref_slice %arg3[%add3A, %dma_start3A_107, %add3A_106] : memref<16x16x16384xf32, #tpu.memory_space<hbm>> -> memref<1x1x2048xf32, #tpu.memory_space<hbm>>
    %dma_start3A_115 = tpu.memref_squeeze %dma_start3A_114 : memref<1x1x2048xf32, #tpu.memory_space<hbm>> -> memref<2048xf32, #tpu.memory_space<hbm>>
    tpu.enqueue_dma source(%dma_start3A_115 : memref<2048xf32, #tpu.memory_space<hbm>>) target(%dma_start3A_113 : memref<2048xf32, #tpu.memory_space<vmem>>) target_semaphore(%arg24 : memref<!tpu.dma_semaphore, #tpu.memory_space<semaphore_mem>>)
    %add3A_116 = arith.constant 0 : i32
    %add3A_117 = arith.addi %mul3A_35, %add3A_116 : i32
    %dma_start3A_118 = arith.constant 7 : i32
    %dma_start3A_119 = arith.constant 14336 : i32
    %dma_start3A_120 = tpu.memref_slice %arg12[%dma_start3A_119] : memref<32768xf32, #tpu.memory_space<vmem>> -> memref<2048xf32, #tpu.memory_space<vmem>>
    %dma_start3A_121 = tpu.memref_slice %arg3[%add3A, %dma_start3A_118, %add3A_117] : memref<16x16x16384xf32, #tpu.memory_space<hbm>> -> memref<1x1x2048xf32, #tpu.memory_space<hbm>>
    %dma_start3A_122 = tpu.memref_squeeze %dma_start3A_121 : memref<1x1x2048xf32, #tpu.memory_space<hbm>> -> memref<2048xf32, #tpu.memory_space<hbm>>
    %dma_start3A_123 = arith.constant 14336 : i32
    %dma_start3A_124 = tpu.memref_slice %arg12[%dma_start3A_123] : memref<32768xf32, #tpu.memory_space<vmem>> -> memref<2048xf32, #tpu.memory_space<vmem>>
    %dma_start3A_125 = tpu.memref_slice %arg3[%add3A, %dma_start3A_118, %add3A_117] : memref<16x16x16384xf32, #tpu.memory_space<hbm>> -> memref<1x1x2048xf32, #tpu.memory_space<hbm>>
    %dma_start3A_126 = tpu.memref_squeeze %dma_start3A_125 : memref<1x1x2048xf32, #tpu.memory_space<hbm>> -> memref<2048xf32, #tpu.memory_space<hbm>>
    tpu.enqueue_dma source(%dma_start3A_126 : memref<2048xf32, #tpu.memory_space<hbm>>) target(%dma_start3A_124 : memref<2048xf32, #tpu.memory_space<vmem>>) target_semaphore(%arg24 : memref<!tpu.dma_semaphore, #tpu.memory_space<semaphore_mem>>)
    %add3A_127 = arith.constant 0 : i32
    %add3A_128 = arith.addi %mul3A_35, %add3A_127 : i32
    %dma_start3A_129 = arith.constant 8 : i32
    %dma_start3A_130 = arith.constant 16384 : i32
    %dma_start3A_131 = tpu.memref_slice %arg12[%dma_start3A_130] : memref<32768xf32, #tpu.memory_space<vmem>> -> memref<2048xf32, #tpu.memory_space<vmem>>
    %dma_start3A_132 = tpu.memref_slice %arg3[%add3A, %dma_start3A_129, %add3A_128] : memref<16x16x16384xf32, #tpu.memory_space<hbm>> -> memref<1x1x2048xf32, #tpu.memory_space<hbm>>
    %dma_start3A_133 = tpu.memref_squeeze %dma_start3A_132 : memref<1x1x2048xf32, #tpu.memory_space<hbm>> -> memref<2048xf32, #tpu.memory_space<hbm>>
    %dma_start3A_134 = arith.constant 16384 : i32
    %dma_start3A_135 = tpu.memref_slice %arg12[%dma_start3A_134] : memref<32768xf32, #tpu.memory_space<vmem>> -> memref<2048xf32, #tpu.memory_space<vmem>>
    %dma_start3A_136 = tpu.memref_slice %arg3[%add3A, %dma_start3A_129, %add3A_128] : memref<16x16x16384xf32, #tpu.memory_space<hbm>> -> memref<1x1x2048xf32, #tpu.memory_space<hbm>>
    %dma_start3A_137 = tpu.memref_squeeze %dma_start3A_136 : memref<1x1x2048xf32, #tpu.memory_space<hbm>> -> memref<2048xf32, #tpu.memory_space<hbm>>
    tpu.enqueue_dma source(%dma_start3A_137 : memref<2048xf32, #tpu.memory_space<hbm>>) target(%dma_start3A_135 : memref<2048xf32, #tpu.memory_space<vmem>>) target_semaphore(%arg24 : memref<!tpu.dma_semaphore, #tpu.memory_space<semaphore_mem>>)
    %add3A_138 = arith.constant 0 : i32
    %add3A_139 = arith.addi %mul3A_35, %add3A_138 : i32
    %dma_start3A_140 = arith.constant 9 : i32
    %dma_start3A_141 = arith.constant 18432 : i32
    %dma_start3A_142 = tpu.memref_slice %arg12[%dma_start3A_141] : memref<32768xf32, #tpu.memory_space<vmem>> -> memref<2048xf32, #tpu.memory_space<vmem>>
    %dma_start3A_143 = tpu.memref_slice %arg3[%add3A, %dma_start3A_140, %add3A_139] : memref<16x16x16384xf32, #tpu.memory_space<hbm>> -> memref<1x1x2048xf32, #tpu.memory_space<hbm>>
    %dma_start3A_144 = tpu.memref_squeeze %dma_start3A_143 : memref<1x1x2048xf32, #tpu.memory_space<hbm>> -> memref<2048xf32, #tpu.memory_space<hbm>>
    %dma_start3A_145 = arith.constant 18432 : i32
    %dma_start3A_146 = tpu.memref_slice %arg12[%dma_start3A_145] : memref<32768xf32, #tpu.memory_space<vmem>> -> memref<2048xf32, #tpu.memory_space<vmem>>
    %dma_start3A_147 = tpu.memref_slice %arg3[%add3A, %dma_start3A_140, %add3A_139] : memref<16x16x16384xf32, #tpu.memory_space<hbm>> -> memref<1x1x2048xf32, #tpu.memory_space<hbm>>
    %dma_start3A_148 = tpu.memref_squeeze %dma_start3A_147 : memref<1x1x2048xf32, #tpu.memory_space<hbm>> -> memref<2048xf32, #tpu.memory_space<hbm>>
    tpu.enqueue_dma source(%dma_start3A_148 : memref<2048xf32, #tpu.memory_space<hbm>>) target(%dma_start3A_146 : memref<2048xf32, #tpu.memory_space<vmem>>) target_semaphore(%arg24 : memref<!tpu.dma_semaphore, #tpu.memory_space<semaphore_mem>>)
    %add3A_149 = arith.constant 0 : i32
    %add3A_150 = arith.addi %mul3A_35, %add3A_149 : i32
    %dma_start3A_151 = arith.constant 10 : i32
    %dma_start3A_152 = arith.constant 20480 : i32
    %dma_start3A_153 = tpu.memref_slice %arg12[%dma_start3A_152] : memref<32768xf32, #tpu.memory_space<vmem>> -> memref<2048xf32, #tpu.memory_space<vmem>>
    %dma_start3A_154 = tpu.memref_slice %arg3[%add3A, %dma_start3A_151, %add3A_150] : memref<16x16x16384xf32, #tpu.memory_space<hbm>> -> memref<1x1x2048xf32, #tpu.memory_space<hbm>>
    %dma_start3A_155 = tpu.memref_squeeze %dma_start3A_154 : memref<1x1x2048xf32, #tpu.memory_space<hbm>> -> memref<2048xf32, #tpu.memory_space<hbm>>
    %dma_start3A_156 = arith.constant 20480 : i32
    %dma_start3A_157 = tpu.memref_slice %arg12[%dma_start3A_156] : memref<32768xf32, #tpu.memory_space<vmem>> -> memref<2048xf32, #tpu.memory_space<vmem>>
    %dma_start3A_158 = tpu.memref_slice %arg3[%add3A, %dma_start3A_151, %add3A_150] : memref<16x16x16384xf32, #tpu.memory_space<hbm>> -> memref<1x1x2048xf32, #tpu.memory_space<hbm>>
    %dma_start3A_159 = tpu.memref_squeeze %dma_start3A_158 : memref<1x1x2048xf32, #tpu.memory_space<hbm>> -> memref<2048xf32, #tpu.memory_space<hbm>>
    tpu.enqueue_dma source(%dma_start3A_159 : memref<2048xf32, #tpu.memory_space<hbm>>) target(%dma_start3A_157 : memref<2048xf32, #tpu.memory_space<vmem>>) target_semaphore(%arg24 : memref<!tpu.dma_semaphore, #tpu.memory_space<semaphore_mem>>)
    %add3A_160 = arith.constant 0 : i32
    %add3A_161 = arith.addi %mul3A_35, %add3A_160 : i32
    %dma_start3A_162 = arith.constant 11 : i32
    %dma_start3A_163 = arith.constant 22528 : i32
    %dma_start3A_164 = tpu.memref_slice %arg12[%dma_start3A_163] : memref<32768xf32, #tpu.memory_space<vmem>> -> memref<2048xf32, #tpu.memory_space<vmem>>
    %dma_start3A_165 = tpu.memref_slice %arg3[%add3A, %dma_start3A_162, %add3A_161] : memref<16x16x16384xf32, #tpu.memory_space<hbm>> -> memref<1x1x2048xf32, #tpu.memory_space<hbm>>
    %dma_start3A_166 = tpu.memref_squeeze %dma_start3A_165 : memref<1x1x2048xf32, #tpu.memory_space<hbm>> -> memref<2048xf32, #tpu.memory_space<hbm>>
    %dma_start3A_167 = arith.constant 22528 : i32
    %dma_start3A_168 = tpu.memref_slice %arg12[%dma_start3A_167] : memref<32768xf32, #tpu.memory_space<vmem>> -> memref<2048xf32, #tpu.memory_space<vmem>>
    %dma_start3A_169 = tpu.memref_slice %arg3[%add3A, %dma_start3A_162, %add3A_161] : memref<16x16x16384xf32, #tpu.memory_space<hbm>> -> memref<1x1x2048xf32, #tpu.memory_space<hbm>>
    %dma_start3A_170 = tpu.memref_squeeze %dma_start3A_169 : memref<1x1x2048xf32, #tpu.memory_space<hbm>> -> memref<2048xf32, #tpu.memory_space<hbm>>
    tpu.enqueue_dma source(%dma_start3A_170 : memref<2048xf32, #tpu.memory_space<hbm>>) target(%dma_start3A_168 : memref<2048xf32, #tpu.memory_space<vmem>>) target_semaphore(%arg24 : memref<!tpu.dma_semaphore, #tpu.memory_space<semaphore_mem>>)
    %add3A_171 = arith.constant 0 : i32
    %add3A_172 = arith.addi %mul3A_35, %add3A_171 : i32
    %dma_start3A_173 = arith.constant 12 : i32
    %dma_start3A_174 = arith.constant 24576 : i32
    %dma_start3A_175 = tpu.memref_slice %arg12[%dma_start3A_174] : memref<32768xf32, #tpu.memory_space<vmem>> -> memref<2048xf32, #tpu.memory_space<vmem>>
    %dma_start3A_176 = tpu.memref_slice %arg3[%add3A, %dma_start3A_173, %add3A_172] : memref<16x16x16384xf32, #tpu.memory_space<hbm>> -> memref<1x1x2048xf32, #tpu.memory_space<hbm>>
    %dma_start3A_177 = tpu.memref_squeeze %dma_start3A_176 : memref<1x1x2048xf32, #tpu.memory_space<hbm>> -> memref<2048xf32, #tpu.memory_space<hbm>>
    %dma_start3A_178 = arith.constant 24576 : i32
    %dma_start3A_179 = tpu.memref_slice %arg12[%dma_start3A_178] : memref<32768xf32, #tpu.memory_space<vmem>> -> memref<2048xf32, #tpu.memory_space<vmem>>
    %dma_start3A_180 = tpu.memref_slice %arg3[%add3A, %dma_start3A_173, %add3A_172] : memref<16x16x16384xf32, #tpu.memory_space<hbm>> -> memref<1x1x2048xf32, #tpu.memory_space<hbm>>
    %dma_start3A_181 = tpu.memref_squeeze %dma_start3A_180 : memref<1x1x2048xf32, #tpu.memory_space<hbm>> -> memref<2048xf32, #tpu.memory_space<hbm>>
    tpu.enqueue_dma source(%dma_start3A_181 : memref<2048xf32, #tpu.memory_space<hbm>>) target(%dma_start3A_179 : memref<2048xf32, #tpu.memory_space<vmem>>) target_semaphore(%arg24 : memref<!tpu.dma_semaphore, #tpu.memory_space<semaphore_mem>>)
    %add3A_182 = arith.constant 0 : i32
    %add3A_183 = arith.addi %mul3A_35, %add3A_182 : i32
    %dma_start3A_184 = arith.constant 13 : i32
    %dma_start3A_185 = arith.constant 26624 : i32
    %dma_start3A_186 = tpu.memref_slice %arg12[%dma_start3A_185] : memref<32768xf32, #tpu.memory_space<vmem>> -> memref<2048xf32, #tpu.memory_space<vmem>>
    %dma_start3A_187 = tpu.memref_slice %arg3[%add3A, %dma_start3A_184, %add3A_183] : memref<16x16x16384xf32, #tpu.memory_space<hbm>> -> memref<1x1x2048xf32, #tpu.memory_space<hbm>>
    %dma_start3A_188 = tpu.memref_squeeze %dma_start3A_187 : memref<1x1x2048xf32, #tpu.memory_space<hbm>> -> memref<2048xf32, #tpu.memory_space<hbm>>
    %dma_start3A_189 = arith.constant 26624 : i32
    %dma_start3A_190 = tpu.memref_slice %arg12[%dma_start3A_189] : memref<32768xf32, #tpu.memory_space<vmem>> -> memref<2048xf32, #tpu.memory_space<vmem>>
    %dma_start3A_191 = tpu.memref_slice %arg3[%add3A, %dma_start3A_184, %add3A_183] : memref<16x16x16384xf32, #tpu.memory_space<hbm>> -> memref<1x1x2048xf32, #tpu.memory_space<hbm>>
    %dma_start3A_192 = tpu.memref_squeeze %dma_start3A_191 : memref<1x1x2048xf32, #tpu.memory_space<hbm>> -> memref<2048xf32, #tpu.memory_space<hbm>>
    tpu.enqueue_dma source(%dma_start3A_192 : memref<2048xf32, #tpu.memory_space<hbm>>) target(%dma_start3A_190 : memref<2048xf32, #tpu.memory_space<vmem>>) target_semaphore(%arg24 : memref<!tpu.dma_semaphore, #tpu.memory_space<semaphore_mem>>)
    %add3A_193 = arith.constant 0 : i32
    %add3A_194 = arith.addi %mul3A_35, %add3A_193 : i32
    %dma_start3A_195 = arith.constant 14 : i32
    %dma_start3A_196 = arith.constant 28672 : i32
    %dma_start3A_197 = tpu.memref_slice %arg12[%dma_start3A_196] : memref<32768xf32, #tpu.memory_space<vmem>> -> memref<2048xf32, #tpu.memory_space<vmem>>
    %dma_start3A_198 = tpu.memref_slice %arg3[%add3A, %dma_start3A_195, %add3A_194] : memref<16x16x16384xf32, #tpu.memory_space<hbm>> -> memref<1x1x2048xf32, #tpu.memory_space<hbm>>
    %dma_start3A_199 = tpu.memref_squeeze %dma_start3A_198 : memref<1x1x2048xf32, #tpu.memory_space<hbm>> -> memref<2048xf32, #tpu.memory_space<hbm>>
    %dma_start3A_200 = arith.constant 28672 : i32
    %dma_start3A_201 = tpu.memref_slice %arg12[%dma_start3A_200] : memref<32768xf32, #tpu.memory_space<vmem>> -> memref<2048xf32, #tpu.memory_space<vmem>>
    %dma_start3A_202 = tpu.memref_slice %arg3[%add3A, %dma_start3A_195, %add3A_194] : memref<16x16x16384xf32, #tpu.memory_space<hbm>> -> memref<1x1x2048xf32, #tpu.memory_space<hbm>>
    %dma_start3A_203 = tpu.memref_squeeze %dma_start3A_202 : memref<1x1x2048xf32, #tpu.memory_space<hbm>> -> memref<2048xf32, #tpu.memory_space<hbm>>
    tpu.enqueue_dma source(%dma_start3A_203 : memref<2048xf32, #tpu.memory_space<hbm>>) target(%dma_start3A_201 : memref<2048xf32, #tpu.memory_space<vmem>>) target_semaphore(%arg24 : memref<!tpu.dma_semaphore, #tpu.memory_space<semaphore_mem>>)
    %add3A_204 = arith.constant 0 : i32
    %add3A_205 = arith.addi %mul3A_35, %add3A_204 : i32
    %dma_start3A_206 = arith.constant 15 : i32
    %dma_start3A_207 = arith.constant 30720 : i32
    %dma_start3A_208 = tpu.memref_slice %arg12[%dma_start3A_207] : memref<32768xf32, #tpu.memory_space<vmem>> -> memref<2048xf32, #tpu.memory_space<vmem>>
    %dma_start3A_209 = tpu.memref_slice %arg3[%add3A, %dma_start3A_206, %add3A_205] : memref<16x16x16384xf32, #tpu.memory_space<hbm>> -> memref<1x1x2048xf32, #tpu.memory_space<hbm>>
    %dma_start3A_210 = tpu.memref_squeeze %dma_start3A_209 : memref<1x1x2048xf32, #tpu.memory_space<hbm>> -> memref<2048xf32, #tpu.memory_space<hbm>>
    %dma_start3A_211 = arith.constant 30720 : i32
    %dma_start3A_212 = tpu.memref_slice %arg12[%dma_start3A_211] : memref<32768xf32, #tpu.memory_space<vmem>> -> memref<2048xf32, #tpu.memory_space<vmem>>
    %dma_start3A_213 = tpu.memref_slice %arg3[%add3A, %dma_start3A_206, %add3A_205] : memref<16x16x16384xf32, #tpu.memory_space<hbm>> -> memref<1x1x2048xf32, #tpu.memory_space<hbm>>
    %dma_start3A_214 = tpu.memref_squeeze %dma_start3A_213 : memref<1x1x2048xf32, #tpu.memory_space<hbm>> -> memref<2048xf32, #tpu.memory_space<hbm>>
    tpu.enqueue_dma source(%dma_start3A_214 : memref<2048xf32, #tpu.memory_space<hbm>>) target(%dma_start3A_212 : memref<2048xf32, #tpu.memory_space<vmem>>) target_semaphore(%arg24 : memref<!tpu.dma_semaphore, #tpu.memory_space<semaphore_mem>>)
    %dma_start3A_215 = arith.constant 0 : i32
    %dma_start3A_216 = tpu.memref_slice %arg2[%dma_start3A_215, %add3A, %mul3A_35] : memref<3x16x16384xf32, #tpu.memory_space<hbm>> -> memref<1x1x8192xf32, #tpu.memory_space<hbm>>
    %dma_start3A_217 = tpu.memref_squeeze %dma_start3A_216 : memref<1x1x8192xf32, #tpu.memory_space<hbm>> -> memref<8192xf32, #tpu.memory_space<hbm>>
    %dma_start3A_218 = tpu.memref_slice %arg2[%dma_start3A_215, %add3A, %mul3A_35] : memref<3x16x16384xf32, #tpu.memory_space<hbm>> -> memref<1x1x8192xf32, #tpu.memory_space<hbm>>
    %dma_start3A_219 = tpu.memref_squeeze %dma_start3A_218 : memref<1x1x8192xf32, #tpu.memory_space<hbm>> -> memref<8192xf32, #tpu.memory_space<hbm>>
    tpu.enqueue_dma source(%dma_start3A_219 : memref<8192xf32, #tpu.memory_space<hbm>>) target(%arg7 : memref<8192xf32, #tpu.memory_space<vmem>>) target_semaphore(%arg23 : memref<!tpu.dma_semaphore, #tpu.memory_space<semaphore_mem>>)
    %dma_start3A_220 = arith.constant 1 : i32
    %dma_start3A_221 = tpu.memref_slice %arg2[%dma_start3A_220, %add3A, %mul3A_35] : memref<3x16x16384xf32, #tpu.memory_space<hbm>> -> memref<1x1x8192xf32, #tpu.memory_space<hbm>>
    %dma_start3A_222 = tpu.memref_squeeze %dma_start3A_221 : memref<1x1x8192xf32, #tpu.memory_space<hbm>> -> memref<8192xf32, #tpu.memory_space<hbm>>
    %dma_start3A_223 = tpu.memref_slice %arg2[%dma_start3A_220, %add3A, %mul3A_35] : memref<3x16x16384xf32, #tpu.memory_space<hbm>> -> memref<1x1x8192xf32, #tpu.memory_space<hbm>>
    %dma_start3A_224 = tpu.memref_squeeze %dma_start3A_223 : memref<1x1x8192xf32, #tpu.memory_space<hbm>> -> memref<8192xf32, #tpu.memory_space<hbm>>
    tpu.enqueue_dma source(%dma_start3A_224 : memref<8192xf32, #tpu.memory_space<hbm>>) target(%arg8 : memref<8192xf32, #tpu.memory_space<vmem>>) target_semaphore(%arg23 : memref<!tpu.dma_semaphore, #tpu.memory_space<semaphore_mem>>)
    %dma_start3A_225 = arith.constant 2 : i32
    %dma_start3A_226 = tpu.memref_slice %arg2[%dma_start3A_225, %add3A, %mul3A_35] : memref<3x16x16384xf32, #tpu.memory_space<hbm>> -> memref<1x1x8192xf32, #tpu.memory_space<hbm>>
    %dma_start3A_227 = tpu.memref_squeeze %dma_start3A_226 : memref<1x1x8192xf32, #tpu.memory_space<hbm>> -> memref<8192xf32, #tpu.memory_space<hbm>>
    %dma_start3A_228 = tpu.memref_slice %arg2[%dma_start3A_225, %add3A, %mul3A_35] : memref<3x16x16384xf32, #tpu.memory_space<hbm>> -> memref<1x1x8192xf32, #tpu.memory_space<hbm>>
    %dma_start3A_229 = tpu.memref_squeeze %dma_start3A_228 : memref<1x1x8192xf32, #tpu.memory_space<hbm>> -> memref<8192xf32, #tpu.memory_space<hbm>>
    tpu.enqueue_dma source(%dma_start3A_229 : memref<8192xf32, #tpu.memory_space<hbm>>) target(%arg9 : memref<8192xf32, #tpu.memory_space<vmem>>) target_semaphore(%arg23 : memref<!tpu.dma_semaphore, #tpu.memory_space<semaphore_mem>>)
    %dma_start3A_230 = arith.constant 0 : i32
    %dma_start3A_231 = tpu.memref_slice %arg5[%add3A, %dma_start3A_230, %mul3A_35] : memref<16x2x16384xi32, #tpu.memory_space<hbm>> -> memref<1x1x8192xi32, #tpu.memory_space<hbm>>
    %dma_start3A_232 = tpu.memref_squeeze %dma_start3A_231 : memref<1x1x8192xi32, #tpu.memory_space<hbm>> -> memref<8192xi32, #tpu.memory_space<hbm>>
    %dma_start3A_233 = tpu.memref_slice %arg5[%add3A, %dma_start3A_230, %mul3A_35] : memref<16x2x16384xi32, #tpu.memory_space<hbm>> -> memref<1x1x8192xi32, #tpu.memory_space<hbm>>
    %dma_start3A_234 = tpu.memref_squeeze %dma_start3A_233 : memref<1x1x8192xi32, #tpu.memory_space<hbm>> -> memref<8192xi32, #tpu.memory_space<hbm>>
    tpu.enqueue_dma source(%dma_start3A_234 : memref<8192xi32, #tpu.memory_space<hbm>>) target(%arg10 : memref<8192xi32, #tpu.memory_space<vmem>>) target_semaphore(%arg23 : memref<!tpu.dma_semaphore, #tpu.memory_space<semaphore_mem>>)
    %dma_start3A_235 = arith.constant 1 : i32
    %dma_start3A_236 = tpu.memref_slice %arg5[%add3A, %dma_start3A_235, %mul3A_35] : memref<16x2x16384xi32, #tpu.memory_space<hbm>> -> memref<1x1x8192xi32, #tpu.memory_space<hbm>>
    %dma_start3A_237 = tpu.memref_squeeze %dma_start3A_236 : memref<1x1x8192xi32, #tpu.memory_space<hbm>> -> memref<8192xi32, #tpu.memory_space<hbm>>
    %dma_start3A_238 = tpu.memref_slice %arg5[%add3A, %dma_start3A_235, %mul3A_35] : memref<16x2x16384xi32, #tpu.memory_space<hbm>> -> memref<1x1x8192xi32, #tpu.memory_space<hbm>>
    %dma_start3A_239 = tpu.memref_squeeze %dma_start3A_238 : memref<1x1x8192xi32, #tpu.memory_space<hbm>> -> memref<8192xi32, #tpu.memory_space<hbm>>
    tpu.enqueue_dma source(%dma_start3A_239 : memref<8192xi32, #tpu.memory_space<hbm>>) target(%arg11 : memref<8192xi32, #tpu.memory_space<vmem>>) target_semaphore(%arg23 : memref<!tpu.dma_semaphore, #tpu.memory_space<semaphore_mem>>)
    %broadcast_in_dim3A_240 = arith.constant 0.000000e+00 : f32
    %broadcast_in_dim3A_241 = vector.broadcast %broadcast_in_dim3A_240 : f32 to vector<16xf32>
    %swap3A = arith.constant 0 : index
    %swap3A_242 = tpu.vector_load %arg14[%swap3A] {strides = array<i32>} : memref<256xf32, #tpu.memory_space<vmem>>, vector<16xf32>,
    tpu.vector_store %arg14[%swap3A], %broadcast_in_dim3A_241 {strides = array<i32>} : memref<256xf32, #tpu.memory_space<vmem>>, vector<16xf32>,
    %swap3A_243 = arith.constant 0 : index
    %swap3A_244 = tpu.vector_load %arg15[%swap3A_243] {strides = array<i32>} : memref<256xf32, #tpu.memory_space<vmem>>, vector<16xf32>,
    tpu.vector_store %arg15[%swap3A_243], %broadcast_in_dim3A_241 {strides = array<i32>} : memref<256xf32, #tpu.memory_space<vmem>>, vector<16xf32>,
    %swap3A_245 = arith.constant 0 : index
    %swap3A_246 = tpu.vector_load %arg16[%swap3A_245] {strides = array<i32>} : memref<256xf32, #tpu.memory_space<vmem>>, vector<16xf32>,
    tpu.vector_store %arg16[%swap3A_245], %broadcast_in_dim3A_241 {strides = array<i32>} : memref<256xf32, #tpu.memory_space<vmem>>, vector<16xf32>,
    %swap3A_247 = arith.constant 0 : index
    %swap3A_248 = tpu.vector_load %arg17[%swap3A_247] {strides = array<i32>} : memref<256xf32, #tpu.memory_space<vmem>>, vector<16xf32>,
    tpu.vector_store %arg17[%swap3A_247], %broadcast_in_dim3A_241 {strides = array<i32>} : memref<256xf32, #tpu.memory_space<vmem>>, vector<16xf32>,
    %swap3A_249 = arith.constant 16 : index
    %swap3A_250 = tpu.vector_load %arg14[%swap3A_249] {strides = array<i32>} : memref<256xf32, #tpu.memory_space<vmem>>, vector<16xf32>,
    tpu.vector_store %arg14[%swap3A_249], %broadcast_in_dim3A_241 {strides = array<i32>} : memref<256xf32, #tpu.memory_space<vmem>>, vector<16xf32>,
    %swap3A_251 = arith.constant 16 : index
    %swap3A_252 = tpu.vector_load %arg15[%swap3A_251] {strides = array<i32>} : memref<256xf32, #tpu.memory_space<vmem>>, vector<16xf32>,
    tpu.vector_store %arg15[%swap3A_251], %broadcast_in_dim3A_241 {strides = array<i32>} : memref<256xf32, #tpu.memory_space<vmem>>, vector<16xf32>,
    %swap3A_253 = arith.constant 16 : index
    %swap3A_254 = tpu.vector_load %arg16[%swap3A_253] {strides = array<i32>} : memref<256xf32, #tpu.memory_space<vmem>>, vector<16xf32>,
    tpu.vector_store %arg16[%swap3A_253], %broadcast_in_dim3A_241 {strides = array<i32>} : memref<256xf32, #tpu.memory_space<vmem>>, vector<16xf32>,
    %swap3A_255 = arith.constant 16 : index
    %swap3A_256 = tpu.vector_load %arg17[%swap3A_255] {strides = array<i32>} : memref<256xf32, #tpu.memory_space<vmem>>, vector<16xf32>,
    tpu.vector_store %arg17[%swap3A_255], %broadcast_in_dim3A_241 {strides = array<i32>} : memref<256xf32, #tpu.memory_space<vmem>>, vector<16xf32>,
    %swap3A_257 = arith.constant 32 : index
    %swap3A_258 = tpu.vector_load %arg14[%swap3A_257] {strides = array<i32>} : memref<256xf32, #tpu.memory_space<vmem>>, vector<16xf32>,
    tpu.vector_store %arg14[%swap3A_257], %broadcast_in_dim3A_241 {strides = array<i32>} : memref<256xf32, #tpu.memory_space<vmem>>, vector<16xf32>,
    %swap3A_259 = arith.constant 32 : index
    %swap3A_260 = tpu.vector_load %arg15[%swap3A_259] {strides = array<i32>} : memref<256xf32, #tpu.memory_space<vmem>>, vector<16xf32>,
    tpu.vector_store %arg15[%swap3A_259], %broadcast_in_dim3A_241 {strides = array<i32>} : memref<256xf32, #tpu.memory_space<vmem>>, vector<16xf32>,
    %swap3A_261 = arith.constant 32 : index
    %swap3A_262 = tpu.vector_load %arg16[%swap3A_261] {strides = array<i32>} : memref<256xf32, #tpu.memory_space<vmem>>, vector<16xf32>,
    tpu.vector_store %arg16[%swap3A_261], %broadcast_in_dim3A_241 {strides = array<i32>} : memref<256xf32, #tpu.memory_space<vmem>>, vector<16xf32>,
    %swap3A_263 = arith.constant 32 : index
    %swap3A_264 = tpu.vector_load %arg17[%swap3A_263] {strides = array<i32>} : memref<256xf32, #tpu.memory_space<vmem>>, vector<16xf32>,
    tpu.vector_store %arg17[%swap3A_263], %broadcast_in_dim3A_241 {strides = array<i32>} : memref<256xf32, #tpu.memory_space<vmem>>, vector<16xf32>,
    %swap3A_265 = arith.constant 48 : index
    %swap3A_266 = tpu.vector_load %arg14[%swap3A_265] {strides = array<i32>} : memref<256xf32, #tpu.memory_space<vmem>>, vector<16xf32>,
    tpu.vector_store %arg14[%swap3A_265], %broadcast_in_dim3A_241 {strides = array<i32>} : memref<256xf32, #tpu.memory_space<vmem>>, vector<16xf32>,
    %swap3A_267 = arith.constant 48 : index
    %swap3A_268 = tpu.vector_load %arg15[%swap3A_267] {strides = array<i32>} : memref<256xf32, #tpu.memory_space<vmem>>, vector<16xf32>,
    tpu.vector_store %arg15[%swap3A_267], %broadcast_in_dim3A_241 {strides = array<i32>} : memref<256xf32, #tpu.memory_space<vmem>>, vector<16xf32>,
    %swap3A_269 = arith.constant 48 : index
    %swap3A_270 = tpu.vector_load %arg16[%swap3A_269] {strides = array<i32>} : memref<256xf32, #tpu.memory_space<vmem>>, vector<16xf32>,
    tpu.vector_store %arg16[%swap3A_269], %broadcast_in_dim3A_241 {strides = array<i32>} : memref<256xf32, #tpu.memory_space<vmem>>, vector<16xf32>,
    %swap3A_271 = arith.constant 48 : index
    %swap3A_272 = tpu.vector_load %arg17[%swap3A_271] {strides = array<i32>} : memref<256xf32, #tpu.memory_space<vmem>>, vector<16xf32>,
    tpu.vector_store %arg17[%swap3A_271], %broadcast_in_dim3A_241 {strides = array<i32>} : memref<256xf32, #tpu.memory_space<vmem>>, vector<16xf32>,
    %swap3A_273 = arith.constant 64 : index
    %swap3A_274 = tpu.vector_load %arg14[%swap3A_273] {strides = array<i32>} : memref<256xf32, #tpu.memory_space<vmem>>, vector<16xf32>,
    tpu.vector_store %arg14[%swap3A_273], %broadcast_in_dim3A_241 {strides = array<i32>} : memref<256xf32, #tpu.memory_space<vmem>>, vector<16xf32>,
    %swap3A_275 = arith.constant 64 : index
    %swap3A_276 = tpu.vector_load %arg15[%swap3A_275] {strides = array<i32>} : memref<256xf32, #tpu.memory_space<vmem>>, vector<16xf32>,
    tpu.vector_store %arg15[%swap3A_275], %broadcast_in_dim3A_241 {strides = array<i32>} : memref<256xf32, #tpu.memory_space<vmem>>, vector<16xf32>,
    %swap3A_277 = arith.constant 64 : index
    %swap3A_278 = tpu.vector_load %arg16[%swap3A_277] {strides = array<i32>} : memref<256xf32, #tpu.memory_space<vmem>>, vector<16xf32>,
    tpu.vector_store %arg16[%swap3A_277], %broadcast_in_dim3A_241 {strides = array<i32>} : memref<256xf32, #tpu.memory_space<vmem>>, vector<16xf32>,
    %swap3A_279 = arith.constant 64 : index
    %swap3A_280 = tpu.vector_load %arg17[%swap3A_279] {strides = array<i32>} : memref<256xf32, #tpu.memory_space<vmem>>, vector<16xf32>,
    tpu.vector_store %arg17[%swap3A_279], %broadcast_in_dim3A_241 {strides = array<i32>} : memref<256xf32, #tpu.memory_space<vmem>>, vector<16xf32>,
    %swap3A_281 = arith.constant 80 : index
    %swap3A_282 = tpu.vector_load %arg14[%swap3A_281] {strides = array<i32>} : memref<256xf32, #tpu.memory_space<vmem>>, vector<16xf32>,
    tpu.vector_store %arg14[%swap3A_281], %broadcast_in_dim3A_241 {strides = array<i32>} : memref<256xf32, #tpu.memory_space<vmem>>, vector<16xf32>,
    %swap3A_283 = arith.constant 80 : index
    %swap3A_284 = tpu.vector_load %arg15[%swap3A_283] {strides = array<i32>} : memref<256xf32, #tpu.memory_space<vmem>>, vector<16xf32>,
    tpu.vector_store %arg15[%swap3A_283], %broadcast_in_dim3A_241 {strides = array<i32>} : memref<256xf32, #tpu.memory_space<vmem>>, vector<16xf32>,
    %swap3A_285 = arith.constant 80 : index
    %swap3A_286 = tpu.vector_load %arg16[%swap3A_285] {strides = array<i32>} : memref<256xf32, #tpu.memory_space<vmem>>, vector<16xf32>,
    tpu.vector_store %arg16[%swap3A_285], %broadcast_in_dim3A_241 {strides = array<i32>} : memref<256xf32, #tpu.memory_space<vmem>>, vector<16xf32>,
    %swap3A_287 = arith.constant 80 : index
    %swap3A_288 = tpu.vector_load %arg17[%swap3A_287] {strides = array<i32>} : memref<256xf32, #tpu.memory_space<vmem>>, vector<16xf32>,
    tpu.vector_store %arg17[%swap3A_287], %broadcast_in_dim3A_241 {strides = array<i32>} : memref<256xf32, #tpu.memory_space<vmem>>, vector<16xf32>,
    %swap3A_289 = arith.constant 96 : index
    %swap3A_290 = tpu.vector_load %arg14[%swap3A_289] {strides = array<i32>} : memref<256xf32, #tpu.memory_space<vmem>>, vector<16xf32>,
    tpu.vector_store %arg14[%swap3A_289], %broadcast_in_dim3A_241 {strides = array<i32>} : memref<256xf32, #tpu.memory_space<vmem>>, vector<16xf32>,
    %swap3A_291 = arith.constant 96 : index
    %swap3A_292 = tpu.vector_load %arg15[%swap3A_291] {strides = array<i32>} : memref<256xf32, #tpu.memory_space<vmem>>, vector<16xf32>,
    tpu.vector_store %arg15[%swap3A_291], %broadcast_in_dim3A_241 {strides = array<i32>} : memref<256xf32, #tpu.memory_space<vmem>>, vector<16xf32>,
    %swap3A_293 = arith.constant 96 : index
    %swap3A_294 = tpu.vector_load %arg16[%swap3A_293] {strides = array<i32>} : memref<256xf32, #tpu.memory_space<vmem>>, vector<16xf32>,
    tpu.vector_store %arg16[%swap3A_293], %broadcast_in_dim3A_241 {strides = array<i32>} : memref<256xf32, #tpu.memory_space<vmem>>, vector<16xf32>,
    %swap3A_295 = arith.constant 96 : index
    %swap3A_296 = tpu.vector_load %arg17[%swap3A_295] {strides = array<i32>} : memref<256xf32, #tpu.memory_space<vmem>>, vector<16xf32>,
    tpu.vector_store %arg17[%swap3A_295], %broadcast_in_dim3A_241 {strides = array<i32>} : memref<256xf32, #tpu.memory_space<vmem>>, vector<16xf32>,
    %swap3A_297 = arith.constant 112 : index
    %swap3A_298 = tpu.vector_load %arg14[%swap3A_297] {strides = array<i32>} : memref<256xf32, #tpu.memory_space<vmem>>, vector<16xf32>,
    tpu.vector_store %arg14[%swap3A_297], %broadcast_in_dim3A_241 {strides = array<i32>} : memref<256xf32, #tpu.memory_space<vmem>>, vector<16xf32>,
    %swap3A_299 = arith.constant 112 : index
    %swap3A_300 = tpu.vector_load %arg15[%swap3A_299] {strides = array<i32>} : memref<256xf32, #tpu.memory_space<vmem>>, vector<16xf32>,
    tpu.vector_store %arg15[%swap3A_299], %broadcast_in_dim3A_241 {strides = array<i32>} : memref<256xf32, #tpu.memory_space<vmem>>, vector<16xf32>,
    %swap3A_301 = arith.constant 112 : index
    %swap3A_302 = tpu.vector_load %arg16[%swap3A_301] {strides = array<i32>} : memref<256xf32, #tpu.memory_space<vmem>>, vector<16xf32>,
    tpu.vector_store %arg16[%swap3A_301], %broadcast_in_dim3A_241 {strides = array<i32>} : memref<256xf32, #tpu.memory_space<vmem>>, vector<16xf32>,
    %swap3A_303 = arith.constant 112 : index
    %swap3A_304 = tpu.vector_load %arg17[%swap3A_303] {strides = array<i32>} : memref<256xf32, #tpu.memory_space<vmem>>, vector<16xf32>,
    tpu.vector_store %arg17[%swap3A_303], %broadcast_in_dim3A_241 {strides = array<i32>} : memref<256xf32, #tpu.memory_space<vmem>>, vector<16xf32>,
    %swap3A_305 = arith.constant 128 : index
    %swap3A_306 = tpu.vector_load %arg14[%swap3A_305] {strides = array<i32>} : memref<256xf32, #tpu.memory_space<vmem>>, vector<16xf32>,
    tpu.vector_store %arg14[%swap3A_305], %broadcast_in_dim3A_241 {strides = array<i32>} : memref<256xf32, #tpu.memory_space<vmem>>, vector<16xf32>,
    %swap3A_307 = arith.constant 128 : index
    %swap3A_308 = tpu.vector_load %arg15[%swap3A_307] {strides = array<i32>} : memref<256xf32, #tpu.memory_space<vmem>>, vector<16xf32>,
    tpu.vector_store %arg15[%swap3A_307], %broadcast_in_dim3A_241 {strides = array<i32>} : memref<256xf32, #tpu.memory_space<vmem>>, vector<16xf32>,
    %swap3A_309 = arith.constant 128 : index
    %swap3A_310 = tpu.vector_load %arg16[%swap3A_309] {strides = array<i32>} : memref<256xf32, #tpu.memory_space<vmem>>, vector<16xf32>,
    tpu.vector_store %arg16[%swap3A_309], %broadcast_in_dim3A_241 {strides = array<i32>} : memref<256xf32, #tpu.memory_space<vmem>>, vector<16xf32>,
    %swap3A_311 = arith.constant 128 : index
    %swap3A_312 = tpu.vector_load %arg17[%swap3A_311] {strides = array<i32>} : memref<256xf32, #tpu.memory_space<vmem>>, vector<16xf32>,
    tpu.vector_store %arg17[%swap3A_311], %broadcast_in_dim3A_241 {strides = array<i32>} : memref<256xf32, #tpu.memory_space<vmem>>, vector<16xf32>,
    %swap3A_313 = arith.constant 144 : index
    %swap3A_314 = tpu.vector_load %arg14[%swap3A_313] {strides = array<i32>} : memref<256xf32, #tpu.memory_space<vmem>>, vector<16xf32>,
    tpu.vector_store %arg14[%swap3A_313], %broadcast_in_dim3A_241 {strides = array<i32>} : memref<256xf32, #tpu.memory_space<vmem>>, vector<16xf32>,
    %swap3A_315 = arith.constant 144 : index
    %swap3A_316 = tpu.vector_load %arg15[%swap3A_315] {strides = array<i32>} : memref<256xf32, #tpu.memory_space<vmem>>, vector<16xf32>,
    tpu.vector_store %arg15[%swap3A_315], %broadcast_in_dim3A_241 {strides = array<i32>} : memref<256xf32, #tpu.memory_space<vmem>>, vector<16xf32>,
    %swap3A_317 = arith.constant 144 : index
    %swap3A_318 = tpu.vector_load %arg16[%swap3A_317] {strides = array<i32>} : memref<256xf32, #tpu.memory_space<vmem>>, vector<16xf32>,
    tpu.vector_store %arg16[%swap3A_317], %broadcast_in_dim3A_241 {strides = array<i32>} : memref<256xf32, #tpu.memory_space<vmem>>, vector<16xf32>,
    %swap3A_319 = arith.constant 144 : index
    %swap3A_320 = tpu.vector_load %arg17[%swap3A_319] {strides = array<i32>} : memref<256xf32, #tpu.memory_space<vmem>>, vector<16xf32>,
    tpu.vector_store %arg17[%swap3A_319], %broadcast_in_dim3A_241 {strides = array<i32>} : memref<256xf32, #tpu.memory_space<vmem>>, vector<16xf32>,
    %swap3A_321 = arith.constant 160 : index
    %swap3A_322 = tpu.vector_load %arg14[%swap3A_321] {strides = array<i32>} : memref<256xf32, #tpu.memory_space<vmem>>, vector<16xf32>,
    tpu.vector_store %arg14[%swap3A_321], %broadcast_in_dim3A_241 {strides = array<i32>} : memref<256xf32, #tpu.memory_space<vmem>>, vector<16xf32>,
    %swap3A_323 = arith.constant 160 : index
    %swap3A_324 = tpu.vector_load %arg15[%swap3A_323] {strides = array<i32>} : memref<256xf32, #tpu.memory_space<vmem>>, vector<16xf32>,
    tpu.vector_store %arg15[%swap3A_323], %broadcast_in_dim3A_241 {strides = array<i32>} : memref<256xf32, #tpu.memory_space<vmem>>, vector<16xf32>,
    %swap3A_325 = arith.constant 160 : index
    %swap3A_326 = tpu.vector_load %arg16[%swap3A_325] {strides = array<i32>} : memref<256xf32, #tpu.memory_space<vmem>>, vector<16xf32>,
    tpu.vector_store %arg16[%swap3A_325], %broadcast_in_dim3A_241 {strides = array<i32>} : memref<256xf32, #tpu.memory_space<vmem>>, vector<16xf32>,
    %swap3A_327 = arith.constant 160 : index
    %swap3A_328 = tpu.vector_load %arg17[%swap3A_327] {strides = array<i32>} : memref<256xf32, #tpu.memory_space<vmem>>, vector<16xf32>,
    tpu.vector_store %arg17[%swap3A_327], %broadcast_in_dim3A_241 {strides = array<i32>} : memref<256xf32, #tpu.memory_space<vmem>>, vector<16xf32>,
    %swap3A_329 = arith.constant 176 : index
    %swap3A_330 = tpu.vector_load %arg14[%swap3A_329] {strides = array<i32>} : memref<256xf32, #tpu.memory_space<vmem>>, vector<16xf32>,
    tpu.vector_store %arg14[%swap3A_329], %broadcast_in_dim3A_241 {strides = array<i32>} : memref<256xf32, #tpu.memory_space<vmem>>, vector<16xf32>,
    %swap3A_331 = arith.constant 176 : index
    %swap3A_332 = tpu.vector_load %arg15[%swap3A_331] {strides = array<i32>} : memref<256xf32, #tpu.memory_space<vmem>>, vector<16xf32>,
    tpu.vector_store %arg15[%swap3A_331], %broadcast_in_dim3A_241 {strides = array<i32>} : memref<256xf32, #tpu.memory_space<vmem>>, vector<16xf32>,
    %swap3A_333 = arith.constant 176 : index
    %swap3A_334 = tpu.vector_load %arg16[%swap3A_333] {strides = array<i32>} : memref<256xf32, #tpu.memory_space<vmem>>, vector<16xf32>,
    tpu.vector_store %arg16[%swap3A_333], %broadcast_in_dim3A_241 {strides = array<i32>} : memref<256xf32, #tpu.memory_space<vmem>>, vector<16xf32>,
    %swap3A_335 = arith.constant 176 : index
    %swap3A_336 = tpu.vector_load %arg17[%swap3A_335] {strides = array<i32>} : memref<256xf32, #tpu.memory_space<vmem>>, vector<16xf32>,
    tpu.vector_store %arg17[%swap3A_335], %broadcast_in_dim3A_241 {strides = array<i32>} : memref<256xf32, #tpu.memory_space<vmem>>, vector<16xf32>,
    %swap3A_337 = arith.constant 192 : index
    %swap3A_338 = tpu.vector_load %arg14[%swap3A_337] {strides = array<i32>} : memref<256xf32, #tpu.memory_space<vmem>>, vector<16xf32>,
    tpu.vector_store %arg14[%swap3A_337], %broadcast_in_dim3A_241 {strides = array<i32>} : memref<256xf32, #tpu.memory_space<vmem>>, vector<16xf32>,
    %swap3A_339 = arith.constant 192 : index
    %swap3A_340 = tpu.vector_load %arg15[%swap3A_339] {strides = array<i32>} : memref<256xf32, #tpu.memory_space<vmem>>, vector<16xf32>,
    tpu.vector_store %arg15[%swap3A_339], %broadcast_in_dim3A_241 {strides = array<i32>} : memref<256xf32, #tpu.memory_space<vmem>>, vector<16xf32>,
    %swap3A_341 = arith.constant 192 : index
    %swap3A_342 = tpu.vector_load %arg16[%swap3A_341] {strides = array<i32>} : memref<256xf32, #tpu.memory_space<vmem>>, vector<16xf32>,
    tpu.vector_store %arg16[%swap3A_341], %broadcast_in_dim3A_241 {strides = array<i32>} : memref<256xf32, #tpu.memory_space<vmem>>, vector<16xf32>,
    %swap3A_343 = arith.constant 192 : index
    %swap3A_344 = tpu.vector_load %arg17[%swap3A_343] {strides = array<i32>} : memref<256xf32, #tpu.memory_space<vmem>>, vector<16xf32>,
    tpu.vector_store %arg17[%swap3A_343], %broadcast_in_dim3A_241 {strides = array<i32>} : memref<256xf32, #tpu.memory_space<vmem>>, vector<16xf32>,
    %swap3A_345 = arith.constant 208 : index
    %swap3A_346 = tpu.vector_load %arg14[%swap3A_345] {strides = array<i32>} : memref<256xf32, #tpu.memory_space<vmem>>, vector<16xf32>,
    tpu.vector_store %arg14[%swap3A_345], %broadcast_in_dim3A_241 {strides = array<i32>} : memref<256xf32, #tpu.memory_space<vmem>>, vector<16xf32>,
    %swap3A_347 = arith.constant 208 : index
    %swap3A_348 = tpu.vector_load %arg15[%swap3A_347] {strides = array<i32>} : memref<256xf32, #tpu.memory_space<vmem>>, vector<16xf32>,
    tpu.vector_store %arg15[%swap3A_347], %broadcast_in_dim3A_241 {strides = array<i32>} : memref<256xf32, #tpu.memory_space<vmem>>, vector<16xf32>,
    %swap3A_349 = arith.constant 208 : index
    %swap3A_350 = tpu.vector_load %arg16[%swap3A_349] {strides = array<i32>} : memref<256xf32, #tpu.memory_space<vmem>>, vector<16xf32>,
    tpu.vector_store %arg16[%swap3A_349], %broadcast_in_dim3A_241 {strides = array<i32>} : memref<256xf32, #tpu.memory_space<vmem>>, vector<16xf32>,
    %swap3A_351 = arith.constant 208 : index
    %swap3A_352 = tpu.vector_load %arg17[%swap3A_351] {strides = array<i32>} : memref<256xf32, #tpu.memory_space<vmem>>, vector<16xf32>,
    tpu.vector_store %arg17[%swap3A_351], %broadcast_in_dim3A_241 {strides = array<i32>} : memref<256xf32, #tpu.memory_space<vmem>>, vector<16xf32>,
    %swap3A_353 = arith.constant 224 : index
    %swap3A_354 = tpu.vector_load %arg14[%swap3A_353] {strides = array<i32>} : memref<256xf32, #tpu.memory_space<vmem>>, vector<16xf32>,
    tpu.vector_store %arg14[%swap3A_353], %broadcast_in_dim3A_241 {strides = array<i32>} : memref<256xf32, #tpu.memory_space<vmem>>, vector<16xf32>,
    %swap3A_355 = arith.constant 224 : index
    %swap3A_356 = tpu.vector_load %arg15[%swap3A_355] {strides = array<i32>} : memref<256xf32, #tpu.memory_space<vmem>>, vector<16xf32>,
    tpu.vector_store %arg15[%swap3A_355], %broadcast_in_dim3A_241 {strides = array<i32>} : memref<256xf32, #tpu.memory_space<vmem>>, vector<16xf32>,
    %swap3A_357 = arith.constant 224 : index
    %swap3A_358 = tpu.vector_load %arg16[%swap3A_357] {strides = array<i32>} : memref<256xf32, #tpu.memory_space<vmem>>, vector<16xf32>,
    tpu.vector_store %arg16[%swap3A_357], %broadcast_in_dim3A_241 {strides = array<i32>} : memref<256xf32, #tpu.memory_space<vmem>>, vector<16xf32>,
    %swap3A_359 = arith.constant 224 : index
    %swap3A_360 = tpu.vector_load %arg17[%swap3A_359] {strides = array<i32>} : memref<256xf32, #tpu.memory_space<vmem>>, vector<16xf32>,
    tpu.vector_store %arg17[%swap3A_359], %broadcast_in_dim3A_241 {strides = array<i32>} : memref<256xf32, #tpu.memory_space<vmem>>, vector<16xf32>,
    %swap3A_361 = arith.constant 240 : index
    %swap3A_362 = tpu.vector_load %arg14[%swap3A_361] {strides = array<i32>} : memref<256xf32, #tpu.memory_space<vmem>>, vector<16xf32>,
    tpu.vector_store %arg14[%swap3A_361], %broadcast_in_dim3A_241 {strides = array<i32>} : memref<256xf32, #tpu.memory_space<vmem>>, vector<16xf32>,
    %swap3A_363 = arith.constant 240 : index
    %swap3A_364 = tpu.vector_load %arg15[%swap3A_363] {strides = array<i32>} : memref<256xf32, #tpu.memory_space<vmem>>, vector<16xf32>,
    tpu.vector_store %arg15[%swap3A_363], %broadcast_in_dim3A_241 {strides = array<i32>} : memref<256xf32, #tpu.memory_space<vmem>>, vector<16xf32>,
    %swap3A_365 = arith.constant 240 : index
    %swap3A_366 = tpu.vector_load %arg16[%swap3A_365] {strides = array<i32>} : memref<256xf32, #tpu.memory_space<vmem>>, vector<16xf32>,
    tpu.vector_store %arg16[%swap3A_365], %broadcast_in_dim3A_241 {strides = array<i32>} : memref<256xf32, #tpu.memory_space<vmem>>, vector<16xf32>,
    %swap3A_367 = arith.constant 240 : index
    %swap3A_368 = tpu.vector_load %arg17[%swap3A_367] {strides = array<i32>} : memref<256xf32, #tpu.memory_space<vmem>>, vector<16xf32>,
    tpu.vector_store %arg17[%swap3A_367], %broadcast_in_dim3A_241 {strides = array<i32>} : memref<256xf32, #tpu.memory_space<vmem>>, vector<16xf32>,
    %dma_wait3A = arith.constant 0 : i32
    %dma_wait3A_369 = tpu.memref_slice %arg2[%dma_wait3A, %add3A, %mul3A_35] : memref<3x16x16384xf32, #tpu.memory_space<hbm>> -> memref<1x1x8192xf32, #tpu.memory_space<hbm>>
    %dma_wait3A_370 = tpu.memref_squeeze %dma_wait3A_369 : memref<1x1x8192xf32, #tpu.memory_space<hbm>> -> memref<8192xf32, #tpu.memory_space<hbm>>
    %dma_wait3A_371 = tpu.memref_slice %arg2[%dma_wait3A, %add3A, %mul3A_35] : memref<3x16x16384xf32, #tpu.memory_space<hbm>> -> memref<1x1x8192xf32, #tpu.memory_space<hbm>>
    %dma_wait3A_372 = tpu.memref_squeeze %dma_wait3A_371 : memref<1x1x8192xf32, #tpu.memory_space<hbm>> -> memref<8192xf32, #tpu.memory_space<hbm>>
    tpu.wait_dma2 semaphore(%arg23 : memref<!tpu.dma_semaphore, #tpu.memory_space<semaphore_mem>>) src(%dma_wait3A_372 : memref<8192xf32, #tpu.memory_space<hbm>>) dst(%arg7 : memref<8192xf32, #tpu.memory_space<vmem>>)
    %dma_wait3A_373 = arith.constant 1 : i32
    %dma_wait3A_374 = tpu.memref_slice %arg2[%dma_wait3A_373, %add3A, %mul3A_35] : memref<3x16x16384xf32, #tpu.memory_space<hbm>> -> memref<1x1x8192xf32, #tpu.memory_space<hbm>>
    %dma_wait3A_375 = tpu.memref_squeeze %dma_wait3A_374 : memref<1x1x8192xf32, #tpu.memory_space<hbm>> -> memref<8192xf32, #tpu.memory_space<hbm>>
    %dma_wait3A_376 = tpu.memref_slice %arg2[%dma_wait3A_373, %add3A, %mul3A_35] : memref<3x16x16384xf32, #tpu.memory_space<hbm>> -> memref<1x1x8192xf32, #tpu.memory_space<hbm>>
    %dma_wait3A_377 = tpu.memref_squeeze %dma_wait3A_376 : memref<1x1x8192xf32, #tpu.memory_space<hbm>> -> memref<8192xf32, #tpu.memory_space<hbm>>
    tpu.wait_dma2 semaphore(%arg23 : memref<!tpu.dma_semaphore, #tpu.memory_space<semaphore_mem>>) src(%dma_wait3A_377 : memref<8192xf32, #tpu.memory_space<hbm>>) dst(%arg8 : memref<8192xf32, #tpu.memory_space<vmem>>)
    %dma_wait3A_378 = arith.constant 2 : i32
    %dma_wait3A_379 = tpu.memref_slice %arg2[%dma_wait3A_378, %add3A, %mul3A_35] : memref<3x16x16384xf32, #tpu.memory_space<hbm>> -> memref<1x1x8192xf32, #tpu.memory_space<hbm>>
    %dma_wait3A_380 = tpu.memref_squeeze %dma_wait3A_379 : memref<1x1x8192xf32, #tpu.memory_space<hbm>> -> memref<8192xf32, #tpu.memory_space<hbm>>
    %dma_wait3A_381 = tpu.memref_slice %arg2[%dma_wait3A_378, %add3A, %mul3A_35] : memref<3x16x16384xf32, #tpu.memory_space<hbm>> -> memref<1x1x8192xf32, #tpu.memory_space<hbm>>
    %dma_wait3A_382 = tpu.memref_squeeze %dma_wait3A_381 : memref<1x1x8192xf32, #tpu.memory_space<hbm>> -> memref<8192xf32, #tpu.memory_space<hbm>>
    tpu.wait_dma2 semaphore(%arg23 : memref<!tpu.dma_semaphore, #tpu.memory_space<semaphore_mem>>) src(%dma_wait3A_382 : memref<8192xf32, #tpu.memory_space<hbm>>) dst(%arg9 : memref<8192xf32, #tpu.memory_space<vmem>>)
    %dma_wait3A_383 = arith.constant 0 : i32
    %dma_wait3A_384 = tpu.memref_slice %arg5[%add3A, %dma_wait3A_383, %mul3A_35] : memref<16x2x16384xi32, #tpu.memory_space<hbm>> -> memref<1x1x8192xi32, #tpu.memory_space<hbm>>
    %dma_wait3A_385 = tpu.memref_squeeze %dma_wait3A_384 : memref<1x1x8192xi32, #tpu.memory_space<hbm>> -> memref<8192xi32, #tpu.memory_space<hbm>>
    %dma_wait3A_386 = tpu.memref_slice %arg5[%add3A, %dma_wait3A_383, %mul3A_35] : memref<16x2x16384xi32, #tpu.memory_space<hbm>> -> memref<1x1x8192xi32, #tpu.memory_space<hbm>>
    %dma_wait3A_387 = tpu.memref_squeeze %dma_wait3A_386 : memref<1x1x8192xi32, #tpu.memory_space<hbm>> -> memref<8192xi32, #tpu.memory_space<hbm>>
    tpu.wait_dma2 semaphore(%arg23 : memref<!tpu.dma_semaphore, #tpu.memory_space<semaphore_mem>>) src(%dma_wait3A_387 : memref<8192xi32, #tpu.memory_space<hbm>>) dst(%arg10 : memref<8192xi32, #tpu.memory_space<vmem>>)
    %dma_wait3A_388 = arith.constant 1 : i32
    %dma_wait3A_389 = tpu.memref_slice %arg5[%add3A, %dma_wait3A_388, %mul3A_35] : memref<16x2x16384xi32, #tpu.memory_space<hbm>> -> memref<1x1x8192xi32, #tpu.memory_space<hbm>>
    %dma_wait3A_390 = tpu.memref_squeeze %dma_wait3A_389 : memref<1x1x8192xi32, #tpu.memory_space<hbm>> -> memref<8192xi32, #tpu.memory_space<hbm>>
    %dma_wait3A_391 = tpu.memref_slice %arg5[%add3A, %dma_wait3A_388, %mul3A_35] : memref<16x2x16384xi32, #tpu.memory_space<hbm>> -> memref<1x1x8192xi32, #tpu.memory_space<hbm>>
    %dma_wait3A_392 = tpu.memref_squeeze %dma_wait3A_391 : memref<1x1x8192xi32, #tpu.memory_space<hbm>> -> memref<8192xi32, #tpu.memory_space<hbm>>
    tpu.wait_dma2 semaphore(%arg23 : memref<!tpu.dma_semaphore, #tpu.memory_space<semaphore_mem>>) src(%dma_wait3A_392 : memref<8192xi32, #tpu.memory_space<hbm>>) dst(%arg11 : memref<8192xi32, #tpu.memory_space<vmem>>)
    %broadcast_in_dim3A_393 = arith.constant 0.000000e+00 : f32
    %broadcast_in_dim3A_394 = vector.broadcast %broadcast_in_dim3A_393 : f32 to vector<16xf32>
    %add3A_395 = arith.constant 2048 : i32
    %add3A_396 = arith.addi %mul3A_35, %add3A_395 : i32
    %dma_start3A_397 = arith.constant 0 : i32
    %dma_start3A_398 = arith.constant 0 : i32
    %dma_start3A_399 = tpu.memref_slice %arg13[%dma_start3A_398] : memref<32768xf32, #tpu.memory_space<vmem>> -> memref<2048xf32, #tpu.memory_space<vmem>>
    %dma_start3A_400 = tpu.memref_slice %arg3[%add3A, %dma_start3A_397, %add3A_396] : memref<16x16x16384xf32, #tpu.memory_space<hbm>> -> memref<1x1x2048xf32, #tpu.memory_space<hbm>>
    %dma_start3A_401 = tpu.memref_squeeze %dma_start3A_400 : memref<1x1x2048xf32, #tpu.memory_space<hbm>> -> memref<2048xf32, #tpu.memory_space<hbm>>
    %dma_start3A_402 = arith.constant 0 : i32
    %dma_start3A_403 = tpu.memref_slice %arg13[%dma_start3A_402] : memref<32768xf32, #tpu.memory_space<vmem>> -> memref<2048xf32, #tpu.memory_space<vmem>>
    %dma_start3A_404 = tpu.memref_slice %arg3[%add3A, %dma_start3A_397, %add3A_396] : memref<16x16x16384xf32, #tpu.memory_space<hbm>> -> memref<1x1x2048xf32, #tpu.memory_space<hbm>>
    %dma_start3A_405 = tpu.memref_squeeze %dma_start3A_404 : memref<1x1x2048xf32, #tpu.memory_space<hbm>> -> memref<2048xf32, #tpu.memory_space<hbm>>
    tpu.enqueue_dma source(%dma_start3A_405 : memref<2048xf32, #tpu.memory_space<hbm>>) target(%dma_start3A_403 : memref<2048xf32, #tpu.memory_space<vmem>>) target_semaphore(%arg25 : memref<!tpu.dma_semaphore, #tpu.memory_space<semaphore_mem>>)
    %add3A_406 = arith.constant 2048 : i32
    %add3A_407 = arith.addi %mul3A_35, %add3A_406 : i32
    %dma_start3A_408 = arith.constant 1 : i32
    %dma_start3A_409 = arith.constant 2048 : i32
    %dma_start3A_410 = tpu.memref_slice %arg13[%dma_start3A_409] : memref<32768xf32, #tpu.memory_space<vmem>> -> memref<2048xf32, #tpu.memory_space<vmem>>
    %dma_start3A_411 = tpu.memref_slice %arg3[%add3A, %dma_start3A_408, %add3A_407] : memref<16x16x16384xf32, #tpu.memory_space<hbm>> -> memref<1x1x2048xf32, #tpu.memory_space<hbm>>
    %dma_start3A_412 = tpu.memref_squeeze %dma_start3A_411 : memref<1x1x2048xf32, #tpu.memory_space<hbm>> -> memref<2048xf32, #tpu.memory_space<hbm>>
    %dma_start3A_413 = arith.constant 2048 : i32
    %dma_start3A_414 = tpu.memref_slice %arg13[%dma_start3A_413] : memref<32768xf32, #tpu.memory_space<vmem>> -> memref<2048xf32, #tpu.memory_space<vmem>>
    %dma_start3A_415 = tpu.memref_slice %arg3[%add3A, %dma_start3A_408, %add3A_407] : memref<16x16x16384xf32, #tpu.memory_space<hbm>> -> memref<1x1x2048xf32, #tpu.memory_space<hbm>>
    %dma_start3A_416 = tpu.memref_squeeze %dma_start3A_415 : memref<1x1x2048xf32, #tpu.memory_space<hbm>> -> memref<2048xf32, #tpu.memory_space<hbm>>
    tpu.enqueue_dma source(%dma_start3A_416 : memref<2048xf32, #tpu.memory_space<hbm>>) target(%dma_start3A_414 : memref<2048xf32, #tpu.memory_space<vmem>>) target_semaphore(%arg25 : memref<!tpu.dma_semaphore, #tpu.memory_space<semaphore_mem>>)
    %add3A_417 = arith.constant 2048 : i32
    %add3A_418 = arith.addi %mul3A_35, %add3A_417 : i32
    %dma_start3A_419 = arith.constant 2 : i32
    %dma_start3A_420 = arith.constant 4096 : i32
    %dma_start3A_421 = tpu.memref_slice %arg13[%dma_start3A_420] : memref<32768xf32, #tpu.memory_space<vmem>> -> memref<2048xf32, #tpu.memory_space<vmem>>
    %dma_start3A_422 = tpu.memref_slice %arg3[%add3A, %dma_start3A_419, %add3A_418] : memref<16x16x16384xf32, #tpu.memory_space<hbm>> -> memref<1x1x2048xf32, #tpu.memory_space<hbm>>
    %dma_start3A_423 = tpu.memref_squeeze %dma_start3A_422 : memref<1x1x2048xf32, #tpu.memory_space<hbm>> -> memref<2048xf32, #tpu.memory_space<hbm>>
    %dma_start3A_424 = arith.constant 4096 : i32
    %dma_start3A_425 = tpu.memref_slice %arg13[%dma_start3A_424] : memref<32768xf32, #tpu.memory_space<vmem>> -> memref<2048xf32, #tpu.memory_space<vmem>>
    %dma_start3A_426 = tpu.memref_slice %arg3[%add3A, %dma_start3A_419, %add3A_418] : memref<16x16x16384xf32, #tpu.memory_space<hbm>> -> memref<1x1x2048xf32, #tpu.memory_space<hbm>>
    %dma_start3A_427 = tpu.memref_squeeze %dma_start3A_426 : memref<1x1x2048xf32, #tpu.memory_space<hbm>> -> memref<2048xf32, #tpu.memory_space<hbm>>
    tpu.enqueue_dma source(%dma_start3A_427 : memref<2048xf32, #tpu.memory_space<hbm>>) target(%dma_start3A_425 : memref<2048xf32, #tpu.memory_space<vmem>>) target_semaphore(%arg25 : memref<!tpu.dma_semaphore, #tpu.memory_space<semaphore_mem>>)
    %add3A_428 = arith.constant 2048 : i32
    %add3A_429 = arith.addi %mul3A_35, %add3A_428 : i32
    %dma_start3A_430 = arith.constant 3 : i32
    %dma_start3A_431 = arith.constant 6144 : i32
    %dma_start3A_432 = tpu.memref_slice %arg13[%dma_start3A_431] : memref<32768xf32, #tpu.memory_space<vmem>> -> memref<2048xf32, #tpu.memory_space<vmem>>
    %dma_start3A_433 = tpu.memref_slice %arg3[%add3A, %dma_start3A_430, %add3A_429] : memref<16x16x16384xf32, #tpu.memory_space<hbm>> -> memref<1x1x2048xf32, #tpu.memory_space<hbm>>
    %dma_start3A_434 = tpu.memref_squeeze %dma_start3A_433 : memref<1x1x2048xf32, #tpu.memory_space<hbm>> -> memref<2048xf32, #tpu.memory_space<hbm>>
    %dma_start3A_435 = arith.constant 6144 : i32
    %dma_start3A_436 = tpu.memref_slice %arg13[%dma_start3A_435] : memref<32768xf32, #tpu.memory_space<vmem>> -> memref<2048xf32, #tpu.memory_space<vmem>>
    %dma_start3A_437 = tpu.memref_slice %arg3[%add3A, %dma_start3A_430, %add3A_429] : memref<16x16x16384xf32, #tpu.memory_space<hbm>> -> memref<1x1x2048xf32, #tpu.memory_space<hbm>>
    %dma_start3A_438 = tpu.memref_squeeze %dma_start3A_437 : memref<1x1x2048xf32, #tpu.memory_space<hbm>> -> memref<2048xf32, #tpu.memory_space<hbm>>
    tpu.enqueue_dma source(%dma_start3A_438 : memref<2048xf32, #tpu.memory_space<hbm>>) target(%dma_start3A_436 : memref<2048xf32, #tpu.memory_space<vmem>>) target_semaphore(%arg25 : memref<!tpu.dma_semaphore, #tpu.memory_space<semaphore_mem>>)
    %add3A_439 = arith.constant 2048 : i32
    %add3A_440 = arith.addi %mul3A_35, %add3A_439 : i32
    %dma_start3A_441 = arith.constant 4 : i32
    %dma_start3A_442 = arith.constant 8192 : i32
    %dma_start3A_443 = tpu.memref_slice %arg13[%dma_start3A_442] : memref<32768xf32, #tpu.memory_space<vmem>> -> memref<2048xf32, #tpu.memory_space<vmem>>
    %dma_start3A_444 = tpu.memref_slice %arg3[%add3A, %dma_start3A_441, %add3A_440] : memref<16x16x16384xf32, #tpu.memory_space<hbm>> -> memref<1x1x2048xf32, #tpu.memory_space<hbm>>
    %dma_start3A_445 = tpu.memref_squeeze %dma_start3A_444 : memref<1x1x2048xf32, #tpu.memory_space<hbm>> -> memref<2048xf32, #tpu.memory_space<hbm>>
    %dma_start3A_446 = arith.constant 8192 : i32
    %dma_start3A_447 = tpu.memref_slice %arg13[%dma_start3A_446] : memref<32768xf32, #tpu.memory_space<vmem>> -> memref<2048xf32, #tpu.memory_space<vmem>>
    %dma_start3A_448 = tpu.memref_slice %arg3[%add3A, %dma_start3A_441, %add3A_440] : memref<16x16x16384xf32, #tpu.memory_space<hbm>> -> memref<1x1x2048xf32, #tpu.memory_space<hbm>>
    %dma_start3A_449 = tpu.memref_squeeze %dma_start3A_448 : memref<1x1x2048xf32, #tpu.memory_space<hbm>> -> memref<2048xf32, #tpu.memory_space<hbm>>
    tpu.enqueue_dma source(%dma_start3A_449 : memref<2048xf32, #tpu.memory_space<hbm>>) target(%dma_start3A_447 : memref<2048xf32, #tpu.memory_space<vmem>>) target_semaphore(%arg25 : memref<!tpu.dma_semaphore, #tpu.memory_space<semaphore_mem>>)
    %add3A_450 = arith.constant 2048 : i32
    %add3A_451 = arith.addi %mul3A_35, %add3A_450 : i32
    %dma_start3A_452 = arith.constant 5 : i32
    %dma_start3A_453 = arith.constant 10240 : i32
    %dma_start3A_454 = tpu.memref_slice %arg13[%dma_start3A_453] : memref<32768xf32, #tpu.memory_space<vmem>> -> memref<2048xf32, #tpu.memory_space<vmem>>
    %dma_start3A_455 = tpu.memref_slice %arg3[%add3A, %dma_start3A_452, %add3A_451] : memref<16x16x16384xf32, #tpu.memory_space<hbm>> -> memref<1x1x2048xf32, #tpu.memory_space<hbm>>
    %dma_start3A_456 = tpu.memref_squeeze %dma_start3A_455 : memref<1x1x2048xf32, #tpu.memory_space<hbm>> -> memref<2048xf32, #tpu.memory_space<hbm>>
    %dma_start3A_457 = arith.constant 10240 : i32
    %dma_start3A_458 = tpu.memref_slice %arg13[%dma_start3A_457] : memref<32768xf32, #tpu.memory_space<vmem>> -> memref<2048xf32, #tpu.memory_space<vmem>>
    %dma_start3A_459 = tpu.memref_slice %arg3[%add3A, %dma_start3A_452, %add3A_451] : memref<16x16x16384xf32, #tpu.memory_space<hbm>> -> memref<1x1x2048xf32, #tpu.memory_space<hbm>>
    %dma_start3A_460 = tpu.memref_squeeze %dma_start3A_459 : memref<1x1x2048xf32, #tpu.memory_space<hbm>> -> memref<2048xf32, #tpu.memory_space<hbm>>
    tpu.enqueue_dma source(%dma_start3A_460 : memref<2048xf32, #tpu.memory_space<hbm>>) target(%dma_start3A_458 : memref<2048xf32, #tpu.memory_space<vmem>>) target_semaphore(%arg25 : memref<!tpu.dma_semaphore, #tpu.memory_space<semaphore_mem>>)
    %add3A_461 = arith.constant 2048 : i32
    %add3A_462 = arith.addi %mul3A_35, %add3A_461 : i32
    %dma_start3A_463 = arith.constant 6 : i32
    %dma_start3A_464 = arith.constant 12288 : i32
    %dma_start3A_465 = tpu.memref_slice %arg13[%dma_start3A_464] : memref<32768xf32, #tpu.memory_space<vmem>> -> memref<2048xf32, #tpu.memory_space<vmem>>
    %dma_start3A_466 = tpu.memref_slice %arg3[%add3A, %dma_start3A_463, %add3A_462] : memref<16x16x16384xf32, #tpu.memory_space<hbm>> -> memref<1x1x2048xf32, #tpu.memory_space<hbm>>
    %dma_start3A_467 = tpu.memref_squeeze %dma_start3A_466 : memref<1x1x2048xf32, #tpu.memory_space<hbm>> -> memref<2048xf32, #tpu.memory_space<hbm>>
    %dma_start3A_468 = arith.constant 12288 : i32
    %dma_start3A_469 = tpu.memref_slice %arg13[%dma_start3A_468] : memref<32768xf32, #tpu.memory_space<vmem>> -> memref<2048xf32, #tpu.memory_space<vmem>>
    %dma_start3A_470 = tpu.memref_slice %arg3[%add3A, %dma_start3A_463, %add3A_462] : memref<16x16x16384xf32, #tpu.memory_space<hbm>> -> memref<1x1x2048xf32, #tpu.memory_space<hbm>>
    %dma_start3A_471 = tpu.memref_squeeze %dma_start3A_470 : memref<1x1x2048xf32, #tpu.memory_space<hbm>> -> memref<2048xf32, #tpu.memory_space<hbm>>
    tpu.enqueue_dma source(%dma_start3A_471 : memref<2048xf32, #tpu.memory_space<hbm>>) target(%dma_start3A_469 : memref<2048xf32, #tpu.memory_space<vmem>>) target_semaphore(%arg25 : memref<!tpu.dma_semaphore, #tpu.memory_space<semaphore_mem>>)
    %add3A_472 = arith.constant 2048 : i32
    %add3A_473 = arith.addi %mul3A_35, %add3A_472 : i32
    %dma_start3A_474 = arith.constant 7 : i32
    %dma_start3A_475 = arith.constant 14336 : i32
    %dma_start3A_476 = tpu.memref_slice %arg13[%dma_start3A_475] : memref<32768xf32, #tpu.memory_space<vmem>> -> memref<2048xf32, #tpu.memory_space<vmem>>
    %dma_start3A_477 = tpu.memref_slice %arg3[%add3A, %dma_start3A_474, %add3A_473] : memref<16x16x16384xf32, #tpu.memory_space<hbm>> -> memref<1x1x2048xf32, #tpu.memory_space<hbm>>
    %dma_start3A_478 = tpu.memref_squeeze %dma_start3A_477 : memref<1x1x2048xf32, #tpu.memory_space<hbm>> -> memref<2048xf32, #tpu.memory_space<hbm>>
    %dma_start3A_479 = arith.constant 14336 : i32
    %dma_start3A_480 = tpu.memref_slice %arg13[%dma_start3A_479] : memref<32768xf32, #tpu.memory_space<vmem>> -> memref<2048xf32, #tpu.memory_space<vmem>>
    %dma_start3A_481 = tpu.memref_slice %arg3[%add3A, %dma_start3A_474, %add3A_473] : memref<16x16x16384xf32, #tpu.memory_space<hbm>> -> memref<1x1x2048xf32, #tpu.memory_space<hbm>>
    %dma_start3A_482 = tpu.memref_squeeze %dma_start3A_481 : memref<1x1x2048xf32, #tpu.memory_space<hbm>> -> memref<2048xf32, #tpu.memory_space<hbm>>
    tpu.enqueue_dma source(%dma_start3A_482 : memref<2048xf32, #tpu.memory_space<hbm>>) target(%dma_start3A_480 : memref<2048xf32, #tpu.memory_space<vmem>>) target_semaphore(%arg25 : memref<!tpu.dma_semaphore, #tpu.memory_space<semaphore_mem>>)
    %add3A_483 = arith.constant 2048 : i32
    %add3A_484 = arith.addi %mul3A_35, %add3A_483 : i32
    %dma_start3A_485 = arith.constant 8 : i32
    %dma_start3A_486 = arith.constant 16384 : i32
    %dma_start3A_487 = tpu.memref_slice %arg13[%dma_start3A_486] : memref<32768xf32, #tpu.memory_space<vmem>> -> memref<2048xf32, #tpu.memory_space<vmem>>
    %dma_start3A_488 = tpu.memref_slice %arg3[%add3A, %dma_start3A_485, %add3A_484] : memref<16x16x16384xf32, #tpu.memory_space<hbm>> -> memref<1x1x2048xf32, #tpu.memory_space<hbm>>
    %dma_start3A_489 = tpu.memref_squeeze %dma_start3A_488 : memref<1x1x2048xf32, #tpu.memory_space<hbm>> -> memref<2048xf32, #tpu.memory_space<hbm>>
    %dma_start3A_490 = arith.constant 16384 : i32
    %dma_start3A_491 = tpu.memref_slice %arg13[%dma_start3A_490] : memref<32768xf32, #tpu.memory_space<vmem>> -> memref<2048xf32, #tpu.memory_space<vmem>>
    %dma_start3A_492 = tpu.memref_slice %arg3[%add3A, %dma_start3A_485, %add3A_484] : memref<16x16x16384xf32, #tpu.memory_space<hbm>> -> memref<1x1x2048xf32, #tpu.memory_space<hbm>>
    %dma_start3A_493 = tpu.memref_squeeze %dma_start3A_492 : memref<1x1x2048xf32, #tpu.memory_space<hbm>> -> memref<2048xf32, #tpu.memory_space<hbm>>
    tpu.enqueue_dma source(%dma_start3A_493 : memref<2048xf32, #tpu.memory_space<hbm>>) target(%dma_start3A_491 : memref<2048xf32, #tpu.memory_space<vmem>>) target_semaphore(%arg25 : memref<!tpu.dma_semaphore, #tpu.memory_space<semaphore_mem>>)
    %add3A_494 = arith.constant 2048 : i32
    %add3A_495 = arith.addi %mul3A_35, %add3A_494 : i32
    %dma_start3A_496 = arith.constant 9 : i32
    %dma_start3A_497 = arith.constant 18432 : i32
    %dma_start3A_498 = tpu.memref_slice %arg13[%dma_start3A_497] : memref<32768xf32, #tpu.memory_space<vmem>> -> memref<2048xf32, #tpu.memory_space<vmem>>
    %dma_start3A_499 = tpu.memref_slice %arg3[%add3A, %dma_start3A_496, %add3A_495] : memref<16x16x16384xf32, #tpu.memory_space<hbm>> -> memref<1x1x2048xf32, #tpu.memory_space<hbm>>
    %dma_start3A_500 = tpu.memref_squeeze %dma_start3A_499 : memref<1x1x2048xf32, #tpu.memory_space<hbm>> -> memref<2048xf32, #tpu.memory_space<hbm>>
    %dma_start3A_501 = arith.constant 18432 : i32
    %dma_start3A_502 = tpu.memref_slice %arg13[%dma_start3A_501] : memref<32768xf32, #tpu.memory_space<vmem>> -> memref<2048xf32, #tpu.memory_space<vmem>>
    %dma_start3A_503 = tpu.memref_slice %arg3[%add3A, %dma_start3A_496, %add3A_495] : memref<16x16x16384xf32, #tpu.memory_space<hbm>> -> memref<1x1x2048xf32, #tpu.memory_space<hbm>>
    %dma_start3A_504 = tpu.memref_squeeze %dma_start3A_503 : memref<1x1x2048xf32, #tpu.memory_space<hbm>> -> memref<2048xf32, #tpu.memory_space<hbm>>
    tpu.enqueue_dma source(%dma_start3A_504 : memref<2048xf32, #tpu.memory_space<hbm>>) target(%dma_start3A_502 : memref<2048xf32, #tpu.memory_space<vmem>>) target_semaphore(%arg25 : memref<!tpu.dma_semaphore, #tpu.memory_space<semaphore_mem>>)
    %add3A_505 = arith.constant 2048 : i32
    %add3A_506 = arith.addi %mul3A_35, %add3A_505 : i32
    %dma_start3A_507 = arith.constant 10 : i32
    %dma_start3A_508 = arith.constant 20480 : i32
    %dma_start3A_509 = tpu.memref_slice %arg13[%dma_start3A_508] : memref<32768xf32, #tpu.memory_space<vmem>> -> memref<2048xf32, #tpu.memory_space<vmem>>
    %dma_start3A_510 = tpu.memref_slice %arg3[%add3A, %dma_start3A_507, %add3A_506] : memref<16x16x16384xf32, #tpu.memory_space<hbm>> -> memref<1x1x2048xf32, #tpu.memory_space<hbm>>
    %dma_start3A_511 = tpu.memref_squeeze %dma_start3A_510 : memref<1x1x2048xf32, #tpu.memory_space<hbm>> -> memref<2048xf32, #tpu.memory_space<hbm>>
    %dma_start3A_512 = arith.constant 20480 : i32
    %dma_start3A_513 = tpu.memref_slice %arg13[%dma_start3A_512] : memref<32768xf32, #tpu.memory_space<vmem>> -> memref<2048xf32, #tpu.memory_space<vmem>>
    %dma_start3A_514 = tpu.memref_slice %arg3[%add3A, %dma_start3A_507, %add3A_506] : memref<16x16x16384xf32, #tpu.memory_space<hbm>> -> memref<1x1x2048xf32, #tpu.memory_space<hbm>>
    %dma_start3A_515 = tpu.memref_squeeze %dma_start3A_514 : memref<1x1x2048xf32, #tpu.memory_space<hbm>> -> memref<2048xf32, #tpu.memory_space<hbm>>
    tpu.enqueue_dma source(%dma_start3A_515 : memref<2048xf32, #tpu.memory_space<hbm>>) target(%dma_start3A_513 : memref<2048xf32, #tpu.memory_space<vmem>>) target_semaphore(%arg25 : memref<!tpu.dma_semaphore, #tpu.memory_space<semaphore_mem>>)
    %add3A_516 = arith.constant 2048 : i32
    %add3A_517 = arith.addi %mul3A_35, %add3A_516 : i32
    %dma_start3A_518 = arith.constant 11 : i32
    %dma_start3A_519 = arith.constant 22528 : i32
    %dma_start3A_520 = tpu.memref_slice %arg13[%dma_start3A_519] : memref<32768xf32, #tpu.memory_space<vmem>> -> memref<2048xf32, #tpu.memory_space<vmem>>
    %dma_start3A_521 = tpu.memref_slice %arg3[%add3A, %dma_start3A_518, %add3A_517] : memref<16x16x16384xf32, #tpu.memory_space<hbm>> -> memref<1x1x2048xf32, #tpu.memory_space<hbm>>
    %dma_start3A_522 = tpu.memref_squeeze %dma_start3A_521 : memref<1x1x2048xf32, #tpu.memory_space<hbm>> -> memref<2048xf32, #tpu.memory_space<hbm>>
    %dma_start3A_523 = arith.constant 22528 : i32
    %dma_start3A_524 = tpu.memref_slice %arg13[%dma_start3A_523] : memref<32768xf32, #tpu.memory_space<vmem>> -> memref<2048xf32, #tpu.memory_space<vmem>>
    %dma_start3A_525 = tpu.memref_slice %arg3[%add3A, %dma_start3A_518, %add3A_517] : memref<16x16x16384xf32, #tpu.memory_space<hbm>> -> memref<1x1x2048xf32, #tpu.memory_space<hbm>>
    %dma_start3A_526 = tpu.memref_squeeze %dma_start3A_525 : memref<1x1x2048xf32, #tpu.memory_space<hbm>> -> memref<2048xf32, #tpu.memory_space<hbm>>
    tpu.enqueue_dma source(%dma_start3A_526 : memref<2048xf32, #tpu.memory_space<hbm>>) target(%dma_start3A_524 : memref<2048xf32, #tpu.memory_space<vmem>>) target_semaphore(%arg25 : memref<!tpu.dma_semaphore, #tpu.memory_space<semaphore_mem>>)
    %add3A_527 = arith.constant 2048 : i32
    %add3A_528 = arith.addi %mul3A_35, %add3A_527 : i32
    %dma_start3A_529 = arith.constant 12 : i32
    %dma_start3A_530 = arith.constant 24576 : i32
    %dma_start3A_531 = tpu.memref_slice %arg13[%dma_start3A_530] : memref<32768xf32, #tpu.memory_space<vmem>> -> memref<2048xf32, #tpu.memory_space<vmem>>
    %dma_start3A_532 = tpu.memref_slice %arg3[%add3A, %dma_start3A_529, %add3A_528] : memref<16x16x16384xf32, #tpu.memory_space<hbm>> -> memref<1x1x2048xf32, #tpu.memory_space<hbm>>
    %dma_start3A_533 = tpu.memref_squeeze %dma_start3A_532 : memref<1x1x2048xf32, #tpu.memory_space<hbm>> -> memref<2048xf32, #tpu.memory_space<hbm>>
    %dma_start3A_534 = arith.constant 24576 : i32
    %dma_start3A_535 = tpu.memref_slice %arg13[%dma_start3A_534] : memref<32768xf32, #tpu.memory_space<vmem>> -> memref<2048xf32, #tpu.memory_space<vmem>>
    %dma_start3A_536 = tpu.memref_slice %arg3[%add3A, %dma_start3A_529, %add3A_528] : memref<16x16x16384xf32, #tpu.memory_space<hbm>> -> memref<1x1x2048xf32, #tpu.memory_space<hbm>>
    %dma_start3A_537 = tpu.memref_squeeze %dma_start3A_536 : memref<1x1x2048xf32, #tpu.memory_space<hbm>> -> memref<2048xf32, #tpu.memory_space<hbm>>
    tpu.enqueue_dma source(%dma_start3A_537 : memref<2048xf32, #tpu.memory_space<hbm>>) target(%dma_start3A_535 : memref<2048xf32, #tpu.memory_space<vmem>>) target_semaphore(%arg25 : memref<!tpu.dma_semaphore, #tpu.memory_space<semaphore_mem>>)
    %add3A_538 = arith.constant 2048 : i32
    %add3A_539 = arith.addi %mul3A_35, %add3A_538 : i32
    %dma_start3A_540 = arith.constant 13 : i32
    %dma_start3A_541 = arith.constant 26624 : i32
    %dma_start3A_542 = tpu.memref_slice %arg13[%dma_start3A_541] : memref<32768xf32, #tpu.memory_space<vmem>> -> memref<2048xf32, #tpu.memory_space<vmem>>
    %dma_start3A_543 = tpu.memref_slice %arg3[%add3A, %dma_start3A_540, %add3A_539] : memref<16x16x16384xf32, #tpu.memory_space<hbm>> -> memref<1x1x2048xf32, #tpu.memory_space<hbm>>
    %dma_start3A_544 = tpu.memref_squeeze %dma_start3A_543 : memref<1x1x2048xf32, #tpu.memory_space<hbm>> -> memref<2048xf32, #tpu.memory_space<hbm>>
    %dma_start3A_545 = arith.constant 26624 : i32
    %dma_start3A_546 = tpu.memref_slice %arg13[%dma_start3A_545] : memref<32768xf32, #tpu.memory_space<vmem>> -> memref<2048xf32, #tpu.memory_space<vmem>>
    %dma_start3A_547 = tpu.memref_slice %arg3[%add3A, %dma_start3A_540, %add3A_539] : memref<16x16x16384xf32, #tpu.memory_space<hbm>> -> memref<1x1x2048xf32, #tpu.memory_space<hbm>>
    %dma_start3A_548 = tpu.memref_squeeze %dma_start3A_547 : memref<1x1x2048xf32, #tpu.memory_space<hbm>> -> memref<2048xf32, #tpu.memory_space<hbm>>
    tpu.enqueue_dma source(%dma_start3A_548 : memref<2048xf32, #tpu.memory_space<hbm>>) target(%dma_start3A_546 : memref<2048xf32, #tpu.memory_space<vmem>>) target_semaphore(%arg25 : memref<!tpu.dma_semaphore, #tpu.memory_space<semaphore_mem>>)
    %add3A_549 = arith.constant 2048 : i32
    %add3A_550 = arith.addi %mul3A_35, %add3A_549 : i32
    %dma_start3A_551 = arith.constant 14 : i32
    %dma_start3A_552 = arith.constant 28672 : i32
    %dma_start3A_553 = tpu.memref_slice %arg13[%dma_start3A_552] : memref<32768xf32, #tpu.memory_space<vmem>> -> memref<2048xf32, #tpu.memory_space<vmem>>
    %dma_start3A_554 = tpu.memref_slice %arg3[%add3A, %dma_start3A_551, %add3A_550] : memref<16x16x16384xf32, #tpu.memory_space<hbm>> -> memref<1x1x2048xf32, #tpu.memory_space<hbm>>
    %dma_start3A_555 = tpu.memref_squeeze %dma_start3A_554 : memref<1x1x2048xf32, #tpu.memory_space<hbm>> -> memref<2048xf32, #tpu.memory_space<hbm>>
    %dma_start3A_556 = arith.constant 28672 : i32
    %dma_start3A_557 = tpu.memref_slice %arg13[%dma_start3A_556] : memref<32768xf32, #tpu.memory_space<vmem>> -> memref<2048xf32, #tpu.memory_space<vmem>>
    %dma_start3A_558 = tpu.memref_slice %arg3[%add3A, %dma_start3A_551, %add3A_550] : memref<16x16x16384xf32, #tpu.memory_space<hbm>> -> memref<1x1x2048xf32, #tpu.memory_space<hbm>>
    %dma_start3A_559 = tpu.memref_squeeze %dma_start3A_558 : memref<1x1x2048xf32, #tpu.memory_space<hbm>> -> memref<2048xf32, #tpu.memory_space<hbm>>
    tpu.enqueue_dma source(%dma_start3A_559 : memref<2048xf32, #tpu.memory_space<hbm>>) target(%dma_start3A_557 : memref<2048xf32, #tpu.memory_space<vmem>>) target_semaphore(%arg25 : memref<!tpu.dma_semaphore, #tpu.memory_space<semaphore_mem>>)
    %add3A_560 = arith.constant 2048 : i32
    %add3A_561 = arith.addi %mul3A_35, %add3A_560 : i32
    %dma_start3A_562 = arith.constant 15 : i32
    %dma_start3A_563 = arith.constant 30720 : i32
    %dma_start3A_564 = tpu.memref_slice %arg13[%dma_start3A_563] : memref<32768xf32, #tpu.memory_space<vmem>> -> memref<2048xf32, #tpu.memory_space<vmem>>
    %dma_start3A_565 = tpu.memref_slice %arg3[%add3A, %dma_start3A_562, %add3A_561] : memref<16x16x16384xf32, #tpu.memory_space<hbm>> -> memref<1x1x2048xf32, #tpu.memory_space<hbm>>
    %dma_start3A_566 = tpu.memref_squeeze %dma_start3A_565 : memref<1x1x2048xf32, #tpu.memory_space<hbm>> -> memref<2048xf32, #tpu.memory_space<hbm>>
    %dma_start3A_567 = arith.constant 30720 : i32
    %dma_start3A_568 = tpu.memref_slice %arg13[%dma_start3A_567] : memref<32768xf32, #tpu.memory_space<vmem>> -> memref<2048xf32, #tpu.memory_space<vmem>>
    %dma_start3A_569 = tpu.memref_slice %arg3[%add3A, %dma_start3A_562, %add3A_561] : memref<16x16x16384xf32, #tpu.memory_space<hbm>> -> memref<1x1x2048xf32, #tpu.memory_space<hbm>>
    %dma_start3A_570 = tpu.memref_squeeze %dma_start3A_569 : memref<1x1x2048xf32, #tpu.memory_space<hbm>> -> memref<2048xf32, #tpu.memory_space<hbm>>
    tpu.enqueue_dma source(%dma_start3A_570 : memref<2048xf32, #tpu.memory_space<hbm>>) target(%dma_start3A_568 : memref<2048xf32, #tpu.memory_space<vmem>>) target_semaphore(%arg25 : memref<!tpu.dma_semaphore, #tpu.memory_space<semaphore_mem>>)
    %dma_wait3A_571 = arith.constant 0 : i32
    %dma_wait3A_572 = arith.constant 0 : i32
    %dma_wait3A_573 = tpu.memref_slice %arg12[%dma_wait3A_572] : memref<32768xf32, #tpu.memory_space<vmem>> -> memref<2048xf32, #tpu.memory_space<vmem>>
    %dma_wait3A_574 = tpu.memref_slice %arg3[%add3A, %dma_wait3A_571, %add3A_41] : memref<16x16x16384xf32, #tpu.memory_space<hbm>> -> memref<1x1x2048xf32, #tpu.memory_space<hbm>>
    %dma_wait3A_575 = tpu.memref_squeeze %dma_wait3A_574 : memref<1x1x2048xf32, #tpu.memory_space<hbm>> -> memref<2048xf32, #tpu.memory_space<hbm>>
    %dma_wait3A_576 = arith.constant 0 : i32
    %dma_wait3A_577 = tpu.memref_slice %arg12[%dma_wait3A_576] : memref<32768xf32, #tpu.memory_space<vmem>> -> memref<2048xf32, #tpu.memory_space<vmem>>
    %dma_wait3A_578 = tpu.memref_slice %arg3[%add3A, %dma_wait3A_571, %add3A_41] : memref<16x16x16384xf32, #tpu.memory_space<hbm>> -> memref<1x1x2048xf32, #tpu.memory_space<hbm>>
    %dma_wait3A_579 = tpu.memref_squeeze %dma_wait3A_578 : memref<1x1x2048xf32, #tpu.memory_space<hbm>> -> memref<2048xf32, #tpu.memory_space<hbm>>
    tpu.wait_dma2 semaphore(%arg24 : memref<!tpu.dma_semaphore, #tpu.memory_space<semaphore_mem>>) src(%dma_wait3A_579 : memref<2048xf32, #tpu.memory_space<hbm>>) dst(%dma_wait3A_577 : memref<2048xf32, #tpu.memory_space<vmem>>)
    %dma_wait3A_580 = arith.constant 1 : i32
    %dma_wait3A_581 = arith.constant 2048 : i32
    %dma_wait3A_582 = tpu.memref_slice %arg12[%dma_wait3A_581] : memref<32768xf32, #tpu.memory_space<vmem>> -> memref<2048xf32, #tpu.memory_space<vmem>>
    %dma_wait3A_583 = tpu.memref_slice %arg3[%add3A, %dma_wait3A_580, %add3A_51] : memref<16x16x16384xf32, #tpu.memory_space<hbm>> -> memref<1x1x2048xf32, #tpu.memory_space<hbm>>
    %dma_wait3A_584 = tpu.memref_squeeze %dma_wait3A_583 : memref<1x1x2048xf32, #tpu.memory_space<hbm>> -> memref<2048xf32, #tpu.memory_space<hbm>>
    %dma_wait3A_585 = arith.constant 2048 : i32
    %dma_wait3A_586 = tpu.memref_slice %arg12[%dma_wait3A_585] : memref<32768xf32, #tpu.memory_space<vmem>> -> memref<2048xf32, #tpu.memory_space<vmem>>
    %dma_wait3A_587 = tpu.memref_slice %arg3[%add3A, %dma_wait3A_580, %add3A_51] : memref<16x16x16384xf32, #tpu.memory_space<hbm>> -> memref<1x1x2048xf32, #tpu.memory_space<hbm>>
    %dma_wait3A_588 = tpu.memref_squeeze %dma_wait3A_587 : memref<1x1x2048xf32, #tpu.memory_space<hbm>> -> memref<2048xf32, #tpu.memory_space<hbm>>
    tpu.wait_dma2 semaphore(%arg24 : memref<!tpu.dma_semaphore, #tpu.memory_space<semaphore_mem>>) src(%dma_wait3A_588 : memref<2048xf32, #tpu.memory_space<hbm>>) dst(%dma_wait3A_586 : memref<2048xf32, #tpu.memory_space<vmem>>)
    %dma_wait3A_589 = arith.constant 2 : i32
    %dma_wait3A_590 = arith.constant 4096 : i32
    %dma_wait3A_591 = tpu.memref_slice %arg12[%dma_wait3A_590] : memref<32768xf32, #tpu.memory_space<vmem>> -> memref<2048xf32, #tpu.memory_space<vmem>>
    %dma_wait3A_592 = tpu.memref_slice %arg3[%add3A, %dma_wait3A_589, %add3A_62] : memref<16x16x16384xf32, #tpu.memory_space<hbm>> -> memref<1x1x2048xf32, #tpu.memory_space<hbm>>
    %dma_wait3A_593 = tpu.memref_squeeze %dma_wait3A_592 : memref<1x1x2048xf32, #tpu.memory_space<hbm>> -> memref<2048xf32, #tpu.memory_space<hbm>>
    %dma_wait3A_594 = arith.constant 4096 : i32
    %dma_wait3A_595 = tpu.memref_slice %arg12[%dma_wait3A_594] : memref<32768xf32, #tpu.memory_space<vmem>> -> memref<2048xf32, #tpu.memory_space<vmem>>
    %dma_wait3A_596 = tpu.memref_slice %arg3[%add3A, %dma_wait3A_589, %add3A_62] : memref<16x16x16384xf32, #tpu.memory_space<hbm>> -> memref<1x1x2048xf32, #tpu.memory_space<hbm>>
    %dma_wait3A_597 = tpu.memref_squeeze %dma_wait3A_596 : memref<1x1x2048xf32, #tpu.memory_space<hbm>> -> memref<2048xf32, #tpu.memory_space<hbm>>
    tpu.wait_dma2 semaphore(%arg24 : memref<!tpu.dma_semaphore, #tpu.memory_space<semaphore_mem>>) src(%dma_wait3A_597 : memref<2048xf32, #tpu.memory_space<hbm>>) dst(%dma_wait3A_595 : memref<2048xf32, #tpu.memory_space<vmem>>)
    %dma_wait3A_598 = arith.constant 3 : i32
    %dma_wait3A_599 = arith.constant 6144 : i32
    %dma_wait3A_600 = tpu.memref_slice %arg12[%dma_wait3A_599] : memref<32768xf32, #tpu.memory_space<vmem>> -> memref<2048xf32, #tpu.memory_space<vmem>>
    %dma_wait3A_601 = tpu.memref_slice %arg3[%add3A, %dma_wait3A_598, %add3A_73] : memref<16x16x16384xf32, #tpu.memory_space<hbm>> -> memref<1x1x2048xf32, #tpu.memory_space<hbm>>
    %dma_wait3A_602 = tpu.memref_squeeze %dma_wait3A_601 : memref<1x1x2048xf32, #tpu.memory_space<hbm>> -> memref<2048xf32, #tpu.memory_space<hbm>>
    %dma_wait3A_603 = arith.constant 6144 : i32
    %dma_wait3A_604 = tpu.memref_slice %arg12[%dma_wait3A_603] : memref<32768xf32, #tpu.memory_space<vmem>> -> memref<2048xf32, #tpu.memory_space<vmem>>
    %dma_wait3A_605 = tpu.memref_slice %arg3[%add3A, %dma_wait3A_598, %add3A_73] : memref<16x16x16384xf32, #tpu.memory_space<hbm>> -> memref<1x1x2048xf32, #tpu.memory_space<hbm>>
    %dma_wait3A_606 = tpu.memref_squeeze %dma_wait3A_605 : memref<1x1x2048xf32, #tpu.memory_space<hbm>> -> memref<2048xf32, #tpu.memory_space<hbm>>
    tpu.wait_dma2 semaphore(%arg24 : memref<!tpu.dma_semaphore, #tpu.memory_space<semaphore_mem>>) src(%dma_wait3A_606 : memref<2048xf32, #tpu.memory_space<hbm>>) dst(%dma_wait3A_604 : memref<2048xf32, #tpu.memory_space<vmem>>)
    %dma_wait3A_607 = arith.constant 4 : i32
    %dma_wait3A_608 = arith.constant 8192 : i32
    %dma_wait3A_609 = tpu.memref_slice %arg12[%dma_wait3A_608] : memref<32768xf32, #tpu.memory_space<vmem>> -> memref<2048xf32, #tpu.memory_space<vmem>>
    %dma_wait3A_610 = tpu.memref_slice %arg3[%add3A, %dma_wait3A_607, %add3A_84] : memref<16x16x16384xf32, #tpu.memory_space<hbm>> -> memref<1x1x2048xf32, #tpu.memory_space<hbm>>
    %dma_wait3A_611 = tpu.memref_squeeze %dma_wait3A_610 : memref<1x1x2048xf32, #tpu.memory_space<hbm>> -> memref<2048xf32, #tpu.memory_space<hbm>>
    %dma_wait3A_612 = arith.constant 8192 : i32
    %dma_wait3A_613 = tpu.memref_slice %arg12[%dma_wait3A_612] : memref<32768xf32, #tpu.memory_space<vmem>> -> memref<2048xf32, #tpu.memory_space<vmem>>
    %dma_wait3A_614 = tpu.memref_slice %arg3[%add3A, %dma_wait3A_607, %add3A_84] : memref<16x16x16384xf32, #tpu.memory_space<hbm>> -> memref<1x1x2048xf32, #tpu.memory_space<hbm>>
    %dma_wait3A_615 = tpu.memref_squeeze %dma_wait3A_614 : memref<1x1x2048xf32, #tpu.memory_space<hbm>> -> memref<2048xf32, #tpu.memory_space<hbm>>
    tpu.wait_dma2 semaphore(%arg24 : memref<!tpu.dma_semaphore, #tpu.memory_space<semaphore_mem>>) src(%dma_wait3A_615 : memref<2048xf32, #tpu.memory_space<hbm>>) dst(%dma_wait3A_613 : memref<2048xf32, #tpu.memory_space<vmem>>)
    %dma_wait3A_616 = arith.constant 5 : i32
    %dma_wait3A_617 = arith.constant 10240 : i32
    %dma_wait3A_618 = tpu.memref_slice %arg12[%dma_wait3A_617] : memref<32768xf32, #tpu.memory_space<vmem>> -> memref<2048xf32, #tpu.memory_space<vmem>>
    %dma_wait3A_619 = tpu.memref_slice %arg3[%add3A, %dma_wait3A_616, %add3A_95] : memref<16x16x16384xf32, #tpu.memory_space<hbm>> -> memref<1x1x2048xf32, #tpu.memory_space<hbm>>
    %dma_wait3A_620 = tpu.memref_squeeze %dma_wait3A_619 : memref<1x1x2048xf32, #tpu.memory_space<hbm>> -> memref<2048xf32, #tpu.memory_space<hbm>>
    %dma_wait3A_621 = arith.constant 10240 : i32
    %dma_wait3A_622 = tpu.memref_slice %arg12[%dma_wait3A_621] : memref<32768xf32, #tpu.memory_space<vmem>> -> memref<2048xf32, #tpu.memory_space<vmem>>
    %dma_wait3A_623 = tpu.memref_slice %arg3[%add3A, %dma_wait3A_616, %add3A_95] : memref<16x16x16384xf32, #tpu.memory_space<hbm>> -> memref<1x1x2048xf32, #tpu.memory_space<hbm>>
    %dma_wait3A_624 = tpu.memref_squeeze %dma_wait3A_623 : memref<1x1x2048xf32, #tpu.memory_space<hbm>> -> memref<2048xf32, #tpu.memory_space<hbm>>
    tpu.wait_dma2 semaphore(%arg24 : memref<!tpu.dma_semaphore, #tpu.memory_space<semaphore_mem>>) src(%dma_wait3A_624 : memref<2048xf32, #tpu.memory_space<hbm>>) dst(%dma_wait3A_622 : memref<2048xf32, #tpu.memory_space<vmem>>)
    %dma_wait3A_625 = arith.constant 6 : i32
    %dma_wait3A_626 = arith.constant 12288 : i32
    %dma_wait3A_627 = tpu.memref_slice %arg12[%dma_wait3A_626] : memref<32768xf32, #tpu.memory_space<vmem>> -> memref<2048xf32, #tpu.memory_space<vmem>>
    %dma_wait3A_628 = tpu.memref_slice %arg3[%add3A, %dma_wait3A_625, %add3A_106] : memref<16x16x16384xf32, #tpu.memory_space<hbm>> -> memref<1x1x2048xf32, #tpu.memory_space<hbm>>
    %dma_wait3A_629 = tpu.memref_squeeze %dma_wait3A_628 : memref<1x1x2048xf32, #tpu.memory_space<hbm>> -> memref<2048xf32, #tpu.memory_space<hbm>>
    %dma_wait3A_630 = arith.constant 12288 : i32
    %dma_wait3A_631 = tpu.memref_slice %arg12[%dma_wait3A_630] : memref<32768xf32, #tpu.memory_space<vmem>> -> memref<2048xf32, #tpu.memory_space<vmem>>
    %dma_wait3A_632 = tpu.memref_slice %arg3[%add3A, %dma_wait3A_625, %add3A_106] : memref<16x16x16384xf32, #tpu.memory_space<hbm>> -> memref<1x1x2048xf32, #tpu.memory_space<hbm>>
    %dma_wait3A_633 = tpu.memref_squeeze %dma_wait3A_632 : memref<1x1x2048xf32, #tpu.memory_space<hbm>> -> memref<2048xf32, #tpu.memory_space<hbm>>
    tpu.wait_dma2 semaphore(%arg24 : memref<!tpu.dma_semaphore, #tpu.memory_space<semaphore_mem>>) src(%dma_wait3A_633 : memref<2048xf32, #tpu.memory_space<hbm>>) dst(%dma_wait3A_631 : memref<2048xf32, #tpu.memory_space<vmem>>)
    %dma_wait3A_634 = arith.constant 7 : i32
    %dma_wait3A_635 = arith.constant 14336 : i32
    %dma_wait3A_636 = tpu.memref_slice %arg12[%dma_wait3A_635] : memref<32768xf32, #tpu.memory_space<vmem>> -> memref<2048xf32, #tpu.memory_space<vmem>>
    %dma_wait3A_637 = tpu.memref_slice %arg3[%add3A, %dma_wait3A_634, %add3A_117] : memref<16x16x16384xf32, #tpu.memory_space<hbm>> -> memref<1x1x2048xf32, #tpu.memory_space<hbm>>
    %dma_wait3A_638 = tpu.memref_squeeze %dma_wait3A_637 : memref<1x1x2048xf32, #tpu.memory_space<hbm>> -> memref<2048xf32, #tpu.memory_space<hbm>>
    %dma_wait3A_639 = arith.constant 14336 : i32
    %dma_wait3A_640 = tpu.memref_slice %arg12[%dma_wait3A_639] : memref<32768xf32, #tpu.memory_space<vmem>> -> memref<2048xf32, #tpu.memory_space<vmem>>
    %dma_wait3A_641 = tpu.memref_slice %arg3[%add3A, %dma_wait3A_634, %add3A_117] : memref<16x16x16384xf32, #tpu.memory_space<hbm>> -> memref<1x1x2048xf32, #tpu.memory_space<hbm>>
    %dma_wait3A_642 = tpu.memref_squeeze %dma_wait3A_641 : memref<1x1x2048xf32, #tpu.memory_space<hbm>> -> memref<2048xf32, #tpu.memory_space<hbm>>
    tpu.wait_dma2 semaphore(%arg24 : memref<!tpu.dma_semaphore, #tpu.memory_space<semaphore_mem>>) src(%dma_wait3A_642 : memref<2048xf32, #tpu.memory_space<hbm>>) dst(%dma_wait3A_640 : memref<2048xf32, #tpu.memory_space<vmem>>)
    %dma_wait3A_643 = arith.constant 8 : i32
    %dma_wait3A_644 = arith.constant 16384 : i32
    %dma_wait3A_645 = tpu.memref_slice %arg12[%dma_wait3A_644] : memref<32768xf32, #tpu.memory_space<vmem>> -> memref<2048xf32, #tpu.memory_space<vmem>>
    %dma_wait3A_646 = tpu.memref_slice %arg3[%add3A, %dma_wait3A_643, %add3A_128] : memref<16x16x16384xf32, #tpu.memory_space<hbm>> -> memref<1x1x2048xf32, #tpu.memory_space<hbm>>
    %dma_wait3A_647 = tpu.memref_squeeze %dma_wait3A_646 : memref<1x1x2048xf32, #tpu.memory_space<hbm>> -> memref<2048xf32, #tpu.memory_space<hbm>>
    %dma_wait3A_648 = arith.constant 16384 : i32
    %dma_wait3A_649 = tpu.memref_slice %arg12[%dma_wait3A_648] : memref<32768xf32, #tpu.memory_space<vmem>> -> memref<2048xf32, #tpu.memory_space<vmem>>
    %dma_wait3A_650 = tpu.memref_slice %arg3[%add3A, %dma_wait3A_643, %add3A_128] : memref<16x16x16384xf32, #tpu.memory_space<hbm>> -> memref<1x1x2048xf32, #tpu.memory_space<hbm>>
    %dma_wait3A_651 = tpu.memref_squeeze %dma_wait3A_650 : memref<1x1x2048xf32, #tpu.memory_space<hbm>> -> memref<2048xf32, #tpu.memory_space<hbm>>
    tpu.wait_dma2 semaphore(%arg24 : memref<!tpu.dma_semaphore, #tpu.memory_space<semaphore_mem>>) src(%dma_wait3A_651 : memref<2048xf32, #tpu.memory_space<hbm>>) dst(%dma_wait3A_649 : memref<2048xf32, #tpu.memory_space<vmem>>)
    %dma_wait3A_652 = arith.constant 9 : i32
    %dma_wait3A_653 = arith.constant 18432 : i32
    %dma_wait3A_654 = tpu.memref_slice %arg12[%dma_wait3A_653] : memref<32768xf32, #tpu.memory_space<vmem>> -> memref<2048xf32, #tpu.memory_space<vmem>>
    %dma_wait3A_655 = tpu.memref_slice %arg3[%add3A, %dma_wait3A_652, %add3A_139] : memref<16x16x16384xf32, #tpu.memory_space<hbm>> -> memref<1x1x2048xf32, #tpu.memory_space<hbm>>
    %dma_wait3A_656 = tpu.memref_squeeze %dma_wait3A_655 : memref<1x1x2048xf32, #tpu.memory_space<hbm>> -> memref<2048xf32, #tpu.memory_space<hbm>>
    %dma_wait3A_657 = arith.constant 18432 : i32
    %dma_wait3A_658 = tpu.memref_slice %arg12[%dma_wait3A_657] : memref<32768xf32, #tpu.memory_space<vmem>> -> memref<2048xf32, #tpu.memory_space<vmem>>
    %dma_wait3A_659 = tpu.memref_slice %arg3[%add3A, %dma_wait3A_652, %add3A_139] : memref<16x16x16384xf32, #tpu.memory_space<hbm>> -> memref<1x1x2048xf32, #tpu.memory_space<hbm>>
    %dma_wait3A_660 = tpu.memref_squeeze %dma_wait3A_659 : memref<1x1x2048xf32, #tpu.memory_space<hbm>> -> memref<2048xf32, #tpu.memory_space<hbm>>
    tpu.wait_dma2 semaphore(%arg24 : memref<!tpu.dma_semaphore, #tpu.memory_space<semaphore_mem>>) src(%dma_wait3A_660 : memref<2048xf32, #tpu.memory_space<hbm>>) dst(%dma_wait3A_658 : memref<2048xf32, #tpu.memory_space<vmem>>)
    %dma_wait3A_661 = arith.constant 10 : i32
    %dma_wait3A_662 = arith.constant 20480 : i32
    %dma_wait3A_663 = tpu.memref_slice %arg12[%dma_wait3A_662] : memref<32768xf32, #tpu.memory_space<vmem>> -> memref<2048xf32, #tpu.memory_space<vmem>>
    %dma_wait3A_664 = tpu.memref_slice %arg3[%add3A, %dma_wait3A_661, %add3A_150] : memref<16x16x16384xf32, #tpu.memory_space<hbm>> -> memref<1x1x2048xf32, #tpu.memory_space<hbm>>
    %dma_wait3A_665 = tpu.memref_squeeze %dma_wait3A_664 : memref<1x1x2048xf32, #tpu.memory_space<hbm>> -> memref<2048xf32, #tpu.memory_space<hbm>>
    %dma_wait3A_666 = arith.constant 20480 : i32
    %dma_wait3A_667 = tpu.memref_slice %arg12[%dma_wait3A_666] : memref<32768xf32, #tpu.memory_space<vmem>> -> memref<2048xf32, #tpu.memory_space<vmem>>
    %dma_wait3A_668 = tpu.memref_slice %arg3[%add3A, %dma_wait3A_661, %add3A_150] : memref<16x16x16384xf32, #tpu.memory_space<hbm>> -> memref<1x1x2048xf32, #tpu.memory_space<hbm>>
    %dma_wait3A_669 = tpu.memref_squeeze %dma_wait3A_668 : memref<1x1x2048xf32, #tpu.memory_space<hbm>> -> memref<2048xf32, #tpu.memory_space<hbm>>
    tpu.wait_dma2 semaphore(%arg24 : memref<!tpu.dma_semaphore, #tpu.memory_space<semaphore_mem>>) src(%dma_wait3A_669 : memref<2048xf32, #tpu.memory_space<hbm>>) dst(%dma_wait3A_667 : memref<2048xf32, #tpu.memory_space<vmem>>)
    %dma_wait3A_670 = arith.constant 11 : i32
    %dma_wait3A_671 = arith.constant 22528 : i32
    %dma_wait3A_672 = tpu.memref_slice %arg12[%dma_wait3A_671] : memref<32768xf32, #tpu.memory_space<vmem>> -> memref<2048xf32, #tpu.memory_space<vmem>>
    %dma_wait3A_673 = tpu.memref_slice %arg3[%add3A, %dma_wait3A_670, %add3A_161] : memref<16x16x16384xf32, #tpu.memory_space<hbm>> -> memref<1x1x2048xf32, #tpu.memory_space<hbm>>
    %dma_wait3A_674 = tpu.memref_squeeze %dma_wait3A_673 : memref<1x1x2048xf32, #tpu.memory_space<hbm>> -> memref<2048xf32, #tpu.memory_space<hbm>>
    %dma_wait3A_675 = arith.constant 22528 : i32
    %dma_wait3A_676 = tpu.memref_slice %arg12[%dma_wait3A_675] : memref<32768xf32, #tpu.memory_space<vmem>> -> memref<2048xf32, #tpu.memory_space<vmem>>
    %dma_wait3A_677 = tpu.memref_slice %arg3[%add3A, %dma_wait3A_670, %add3A_161] : memref<16x16x16384xf32, #tpu.memory_space<hbm>> -> memref<1x1x2048xf32, #tpu.memory_space<hbm>>
    %dma_wait3A_678 = tpu.memref_squeeze %dma_wait3A_677 : memref<1x1x2048xf32, #tpu.memory_space<hbm>> -> memref<2048xf32, #tpu.memory_space<hbm>>
    tpu.wait_dma2 semaphore(%arg24 : memref<!tpu.dma_semaphore, #tpu.memory_space<semaphore_mem>>) src(%dma_wait3A_678 : memref<2048xf32, #tpu.memory_space<hbm>>) dst(%dma_wait3A_676 : memref<2048xf32, #tpu.memory_space<vmem>>)
    %dma_wait3A_679 = arith.constant 12 : i32
    %dma_wait3A_680 = arith.constant 24576 : i32
    %dma_wait3A_681 = tpu.memref_slice %arg12[%dma_wait3A_680] : memref<32768xf32, #tpu.memory_space<vmem>> -> memref<2048xf32, #tpu.memory_space<vmem>>
    %dma_wait3A_682 = tpu.memref_slice %arg3[%add3A, %dma_wait3A_679, %add3A_172] : memref<16x16x16384xf32, #tpu.memory_space<hbm>> -> memref<1x1x2048xf32, #tpu.memory_space<hbm>>
    %dma_wait3A_683 = tpu.memref_squeeze %dma_wait3A_682 : memref<1x1x2048xf32, #tpu.memory_space<hbm>> -> memref<2048xf32, #tpu.memory_space<hbm>>
    %dma_wait3A_684 = arith.constant 24576 : i32
    %dma_wait3A_685 = tpu.memref_slice %arg12[%dma_wait3A_684] : memref<32768xf32, #tpu.memory_space<vmem>> -> memref<2048xf32, #tpu.memory_space<vmem>>
    %dma_wait3A_686 = tpu.memref_slice %arg3[%add3A, %dma_wait3A_679, %add3A_172] : memref<16x16x16384xf32, #tpu.memory_space<hbm>> -> memref<1x1x2048xf32, #tpu.memory_space<hbm>>
    %dma_wait3A_687 = tpu.memref_squeeze %dma_wait3A_686 : memref<1x1x2048xf32, #tpu.memory_space<hbm>> -> memref<2048xf32, #tpu.memory_space<hbm>>
    tpu.wait_dma2 semaphore(%arg24 : memref<!tpu.dma_semaphore, #tpu.memory_space<semaphore_mem>>) src(%dma_wait3A_687 : memref<2048xf32, #tpu.memory_space<hbm>>) dst(%dma_wait3A_685 : memref<2048xf32, #tpu.memory_space<vmem>>)
    %dma_wait3A_688 = arith.constant 13 : i32
    %dma_wait3A_689 = arith.constant 26624 : i32
    %dma_wait3A_690 = tpu.memref_slice %arg12[%dma_wait3A_689] : memref<32768xf32, #tpu.memory_space<vmem>> -> memref<2048xf32, #tpu.memory_space<vmem>>
    %dma_wait3A_691 = tpu.memref_slice %arg3[%add3A, %dma_wait3A_688, %add3A_183] : memref<16x16x16384xf32, #tpu.memory_space<hbm>> -> memref<1x1x2048xf32, #tpu.memory_space<hbm>>
    %dma_wait3A_692 = tpu.memref_squeeze %dma_wait3A_691 : memref<1x1x2048xf32, #tpu.memory_space<hbm>> -> memref<2048xf32, #tpu.memory_space<hbm>>
    %dma_wait3A_693 = arith.constant 26624 : i32
    %dma_wait3A_694 = tpu.memref_slice %arg12[%dma_wait3A_693] : memref<32768xf32, #tpu.memory_space<vmem>> -> memref<2048xf32, #tpu.memory_space<vmem>>
    %dma_wait3A_695 = tpu.memref_slice %arg3[%add3A, %dma_wait3A_688, %add3A_183] : memref<16x16x16384xf32, #tpu.memory_space<hbm>> -> memref<1x1x2048xf32, #tpu.memory_space<hbm>>
    %dma_wait3A_696 = tpu.memref_squeeze %dma_wait3A_695 : memref<1x1x2048xf32, #tpu.memory_space<hbm>> -> memref<2048xf32, #tpu.memory_space<hbm>>
    tpu.wait_dma2 semaphore(%arg24 : memref<!tpu.dma_semaphore, #tpu.memory_space<semaphore_mem>>) src(%dma_wait3A_696 : memref<2048xf32, #tpu.memory_space<hbm>>) dst(%dma_wait3A_694 : memref<2048xf32, #tpu.memory_space<vmem>>)
    %dma_wait3A_697 = arith.constant 14 : i32
    %dma_wait3A_698 = arith.constant 28672 : i32
    %dma_wait3A_699 = tpu.memref_slice %arg12[%dma_wait3A_698] : memref<32768xf32, #tpu.memory_space<vmem>> -> memref<2048xf32, #tpu.memory_space<vmem>>
    %dma_wait3A_700 = tpu.memref_slice %arg3[%add3A, %dma_wait3A_697, %add3A_194] : memref<16x16x16384xf32, #tpu.memory_space<hbm>> -> memref<1x1x2048xf32, #tpu.memory_space<hbm>>
    %dma_wait3A_701 = tpu.memref_squeeze %dma_wait3A_700 : memref<1x1x2048xf32, #tpu.memory_space<hbm>> -> memref<2048xf32, #tpu.memory_space<hbm>>
    %dma_wait3A_702 = arith.constant 28672 : i32
    %dma_wait3A_703 = tpu.memref_slice %arg12[%dma_wait3A_702] : memref<32768xf32, #tpu.memory_space<vmem>> -> memref<2048xf32, #tpu.memory_space<vmem>>
    %dma_wait3A_704 = tpu.memref_slice %arg3[%add3A, %dma_wait3A_697, %add3A_194] : memref<16x16x16384xf32, #tpu.memory_space<hbm>> -> memref<1x1x2048xf32, #tpu.memory_space<hbm>>
    %dma_wait3A_705 = tpu.memref_squeeze %dma_wait3A_704 : memref<1x1x2048xf32, #tpu.memory_space<hbm>> -> memref<2048xf32, #tpu.memory_space<hbm>>
    tpu.wait_dma2 semaphore(%arg24 : memref<!tpu.dma_semaphore, #tpu.memory_space<semaphore_mem>>) src(%dma_wait3A_705 : memref<2048xf32, #tpu.memory_space<hbm>>) dst(%dma_wait3A_703 : memref<2048xf32, #tpu.memory_space<vmem>>)
    %dma_wait3A_706 = arith.constant 15 : i32
    %dma_wait3A_707 = arith.constant 30720 : i32
    %dma_wait3A_708 = tpu.memref_slice %arg12[%dma_wait3A_707] : memref<32768xf32, #tpu.memory_space<vmem>> -> memref<2048xf32, #tpu.memory_space<vmem>>
    %dma_wait3A_709 = tpu.memref_slice %arg3[%add3A, %dma_wait3A_706, %add3A_205] : memref<16x16x16384xf32, #tpu.memory_space<hbm>> -> memref<1x1x2048xf32, #tpu.memory_space<hbm>>
    %dma_wait3A_710 = tpu.memref_squeeze %dma_wait3A_709 : memref<1x1x2048xf32, #tpu.memory_space<hbm>> -> memref<2048xf32, #tpu.memory_space<hbm>>
    %dma_wait3A_711 = arith.constant 30720 : i32
    %dma_wait3A_712 = tpu.memref_slice %arg12[%dma_wait3A_711] : memref<32768xf32, #tpu.memory_space<vmem>> -> memref<2048xf32, #tpu.memory_space<vmem>>
    %dma_wait3A_713 = tpu.memref_slice %arg3[%add3A, %dma_wait3A_706, %add3A_205] : memref<16x16x16384xf32, #tpu.memory_space<hbm>> -> memref<1x1x2048xf32, #tpu.memory_space<hbm>>
    %dma_wait3A_714 = tpu.memref_squeeze %dma_wait3A_713 : memref<1x1x2048xf32, #tpu.memory_space<hbm>> -> memref<2048xf32, #tpu.memory_space<hbm>>
    tpu.wait_dma2 semaphore(%arg24 : memref<!tpu.dma_semaphore, #tpu.memory_space<semaphore_mem>>) src(%dma_wait3A_714 : memref<2048xf32, #tpu.memory_space<hbm>>) dst(%dma_wait3A_712 : memref<2048xf32, #tpu.memory_space<vmem>>)
    %scan3A = arith.constant 0 : i32
    %scan3A_715 = arith.constant 64 : i32
    %scan3A_716 = arith.addi %scan3A, %scan3A_715 : i32
    %scan3A_717 = arith.constant 1 : i32
    %scan3A_718 = scf.for %scan3A_1823 = %scan3A to %scan3A_716 step %scan3A_717 iter_args(%scan3A_1824 = %broadcast_in_dim3A_394) -> (vector<16xf32>)  : i32 {
      %mul3A_1825 = arith.constant 2 : i32
      %mul3A_1826 = arith.muli %scan3A_1823, %mul3A_1825 : i32
      %add3A_1827 = arith.constant 0 : i32
      %add3A_1828 = arith.addi %mul3A_1826, %add3A_1827 : i32
      %mul3A_1829 = arith.constant 16 : i32
      %mul3A_1830 = arith.muli %add3A_1828, %mul3A_1829 : i32
      %add3A_1831 = arith.constant 0 : i32
      %add3A_1832 = arith.addi %add3A_1831, %mul3A_1830 : i32
      %add3A_1833 = vector.broadcast %mul3A_1830 : i32 to vector<16xi32>
      %add3A_1834 = arith.addi %iota3A, %add3A_1833 : vector<16xi32>
      %get3A_1835 = arith.index_cast %add3A_1832 : i32 to index
      %get3A_1836 = tpu.vector_load %arg10[%get3A_1835] {strides = array<i32>} : memref<8192xi32, #tpu.memory_space<vmem>>, vector<16xi32>,
      %get3A_1837 = arith.index_cast %add3A_1832 : i32 to index
      %get3A_1838 = tpu.vector_load %arg11[%get3A_1837] {strides = array<i32>} : memref<8192xi32, #tpu.memory_space<vmem>>, vector<16xi32>,
      %mul3A_1839 = arith.constant 2048 : i32
      %mul3A_1840 = vector.broadcast %mul3A_1839 : i32 to vector<16xi32>
      %mul3A_1841 = arith.muli %get3A_1836, %mul3A_1840 : vector<16xi32>
      %add3A_1842 = arith.addi %mul3A_1841, %add3A_1834 : vector<16xi32>
      %gather3A = tpu.vector_load_idx %arg12[%add3A_1842] : memref<32768xf32, #tpu.memory_space<vmem>>[vector<16xi32>], vector<16xf32>,
      %get3A_1843 = arith.index_cast %add3A_1832 : i32 to index
      %get3A_1844 = tpu.vector_load %arg7[%get3A_1843] {strides = array<i32>} : memref<8192xf32, #tpu.memory_space<vmem>>, vector<16xf32>,
      %get3A_1845 = arith.index_cast %add3A_1832 : i32 to index
      %get3A_1846 = tpu.vector_load %arg8[%get3A_1845] {strides = array<i32>} : memref<8192xf32, #tpu.memory_space<vmem>>, vector<16xf32>,
      %get3A_1847 = arith.index_cast %add3A_1832 : i32 to index
      %get3A_1848 = tpu.vector_load %arg9[%get3A_1847] {strides = array<i32>} : memref<8192xf32, #tpu.memory_space<vmem>>, vector<16xf32>,
      %add3A_1849 = arith.addi %mul3A_38, %get3A_1838 : vector<16xi32>
      tpu.vector_store_idx %arg14[%add3A_1849], %get3A_1844 {add = true} : memref<256xf32, #tpu.memory_space<vmem>>[vector<16xi32>], vector<16xf32>,
      tpu.vector_store_idx %arg15[%add3A_1849], %get3A_1846 {add = true} : memref<256xf32, #tpu.memory_space<vmem>>[vector<16xi32>], vector<16xf32>,
      tpu.vector_store_idx %arg16[%add3A_1849], %get3A_1848 {add = true} : memref<256xf32, #tpu.memory_space<vmem>>[vector<16xi32>], vector<16xf32>,
      tpu.vector_store_idx %arg17[%add3A_1849], %broadcast_in_dim3A_39 {add = true} : memref<256xf32, #tpu.memory_space<vmem>>[vector<16xi32>], vector<16xf32>,
      %add3A_1850 = arith.addf %scan3A_1824, %gather3A : vector<16xf32>
      %mul3A_1851 = arith.constant 2 : i32
      %mul3A_1852 = arith.muli %scan3A_1823, %mul3A_1851 : i32
      %add3A_1853 = arith.constant 1 : i32
      %add3A_1854 = arith.addi %mul3A_1852, %add3A_1853 : i32
      %mul3A_1855 = arith.constant 16 : i32
      %mul3A_1856 = arith.muli %add3A_1854, %mul3A_1855 : i32
      %add3A_1857 = arith.constant 0 : i32
      %add3A_1858 = arith.addi %add3A_1857, %mul3A_1856 : i32
      %add3A_1859 = vector.broadcast %mul3A_1856 : i32 to vector<16xi32>
      %add3A_1860 = arith.addi %iota3A, %add3A_1859 : vector<16xi32>
      %get3A_1861 = arith.index_cast %add3A_1858 : i32 to index
      %get3A_1862 = tpu.vector_load %arg10[%get3A_1861] {strides = array<i32>} : memref<8192xi32, #tpu.memory_space<vmem>>, vector<16xi32>,
      %get3A_1863 = arith.index_cast %add3A_1858 : i32 to index
      %get3A_1864 = tpu.vector_load %arg11[%get3A_1863] {strides = array<i32>} : memref<8192xi32, #tpu.memory_space<vmem>>, vector<16xi32>,
      %mul3A_1865 = arith.constant 2048 : i32
      %mul3A_1866 = vector.broadcast %mul3A_1865 : i32 to vector<16xi32>
      %mul3A_1867 = arith.muli %get3A_1862, %mul3A_1866 : vector<16xi32>
      %add3A_1868 = arith.addi %mul3A_1867, %add3A_1860 : vector<16xi32>
      %gather3A_1869 = tpu.vector_load_idx %arg12[%add3A_1868] : memref<32768xf32, #tpu.memory_space<vmem>>[vector<16xi32>], vector<16xf32>,
      %get3A_1870 = arith.index_cast %add3A_1858 : i32 to index
      %get3A_1871 = tpu.vector_load %arg7[%get3A_1870] {strides = array<i32>} : memref<8192xf32, #tpu.memory_space<vmem>>, vector<16xf32>,
      %get3A_1872 = arith.index_cast %add3A_1858 : i32 to index
      %get3A_1873 = tpu.vector_load %arg8[%get3A_1872] {strides = array<i32>} : memref<8192xf32, #tpu.memory_space<vmem>>, vector<16xf32>,
      %get3A_1874 = arith.index_cast %add3A_1858 : i32 to index
      %get3A_1875 = tpu.vector_load %arg9[%get3A_1874] {strides = array<i32>} : memref<8192xf32, #tpu.memory_space<vmem>>, vector<16xf32>,
      %add3A_1876 = arith.addi %mul3A_38, %get3A_1864 : vector<16xi32>
      tpu.vector_store_idx %arg14[%add3A_1876], %get3A_1871 {add = true} : memref<256xf32, #tpu.memory_space<vmem>>[vector<16xi32>], vector<16xf32>,
      tpu.vector_store_idx %arg15[%add3A_1876], %get3A_1873 {add = true} : memref<256xf32, #tpu.memory_space<vmem>>[vector<16xi32>], vector<16xf32>,
      tpu.vector_store_idx %arg16[%add3A_1876], %get3A_1875 {add = true} : memref<256xf32, #tpu.memory_space<vmem>>[vector<16xi32>], vector<16xf32>,
      tpu.vector_store_idx %arg17[%add3A_1876], %broadcast_in_dim3A_39 {add = true} : memref<256xf32, #tpu.memory_space<vmem>>[vector<16xi32>], vector<16xf32>,
      %add3A_1877 = arith.addf %add3A_1850, %gather3A_1869 : vector<16xf32>
      scf.yield %add3A_1877 : vector<16xf32>
    }
    %scan3A_719 = arith.constant 64 : i32
    %add3A_720 = arith.constant 4096 : i32
    %add3A_721 = arith.addi %mul3A_35, %add3A_720 : i32
    %dma_start3A_722 = arith.constant 0 : i32
    %dma_start3A_723 = arith.constant 0 : i32
    %dma_start3A_724 = tpu.memref_slice %arg12[%dma_start3A_723] : memref<32768xf32, #tpu.memory_space<vmem>> -> memref<2048xf32, #tpu.memory_space<vmem>>
    %dma_start3A_725 = tpu.memref_slice %arg3[%add3A, %dma_start3A_722, %add3A_721] : memref<16x16x16384xf32, #tpu.memory_space<hbm>> -> memref<1x1x2048xf32, #tpu.memory_space<hbm>>
    %dma_start3A_726 = tpu.memref_squeeze %dma_start3A_725 : memref<1x1x2048xf32, #tpu.memory_space<hbm>> -> memref<2048xf32, #tpu.memory_space<hbm>>
    %dma_start3A_727 = arith.constant 0 : i32
    %dma_start3A_728 = tpu.memref_slice %arg12[%dma_start3A_727] : memref<32768xf32, #tpu.memory_space<vmem>> -> memref<2048xf32, #tpu.memory_space<vmem>>
    %dma_start3A_729 = tpu.memref_slice %arg3[%add3A, %dma_start3A_722, %add3A_721] : memref<16x16x16384xf32, #tpu.memory_space<hbm>> -> memref<1x1x2048xf32, #tpu.memory_space<hbm>>
    %dma_start3A_730 = tpu.memref_squeeze %dma_start3A_729 : memref<1x1x2048xf32, #tpu.memory_space<hbm>> -> memref<2048xf32, #tpu.memory_space<hbm>>
    tpu.enqueue_dma source(%dma_start3A_730 : memref<2048xf32, #tpu.memory_space<hbm>>) target(%dma_start3A_728 : memref<2048xf32, #tpu.memory_space<vmem>>) target_semaphore(%arg24 : memref<!tpu.dma_semaphore, #tpu.memory_space<semaphore_mem>>)
    %add3A_731 = arith.constant 4096 : i32
    %add3A_732 = arith.addi %mul3A_35, %add3A_731 : i32
    %dma_start3A_733 = arith.constant 1 : i32
    %dma_start3A_734 = arith.constant 2048 : i32
    %dma_start3A_735 = tpu.memref_slice %arg12[%dma_start3A_734] : memref<32768xf32, #tpu.memory_space<vmem>> -> memref<2048xf32, #tpu.memory_space<vmem>>
    %dma_start3A_736 = tpu.memref_slice %arg3[%add3A, %dma_start3A_733, %add3A_732] : memref<16x16x16384xf32, #tpu.memory_space<hbm>> -> memref<1x1x2048xf32, #tpu.memory_space<hbm>>
    %dma_start3A_737 = tpu.memref_squeeze %dma_start3A_736 : memref<1x1x2048xf32, #tpu.memory_space<hbm>> -> memref<2048xf32, #tpu.memory_space<hbm>>
    %dma_start3A_738 = arith.constant 2048 : i32
    %dma_start3A_739 = tpu.memref_slice %arg12[%dma_start3A_738] : memref<32768xf32, #tpu.memory_space<vmem>> -> memref<2048xf32, #tpu.memory_space<vmem>>
    %dma_start3A_740 = tpu.memref_slice %arg3[%add3A, %dma_start3A_733, %add3A_732] : memref<16x16x16384xf32, #tpu.memory_space<hbm>> -> memref<1x1x2048xf32, #tpu.memory_space<hbm>>
    %dma_start3A_741 = tpu.memref_squeeze %dma_start3A_740 : memref<1x1x2048xf32, #tpu.memory_space<hbm>> -> memref<2048xf32, #tpu.memory_space<hbm>>
    tpu.enqueue_dma source(%dma_start3A_741 : memref<2048xf32, #tpu.memory_space<hbm>>) target(%dma_start3A_739 : memref<2048xf32, #tpu.memory_space<vmem>>) target_semaphore(%arg24 : memref<!tpu.dma_semaphore, #tpu.memory_space<semaphore_mem>>)
    %add3A_742 = arith.constant 4096 : i32
    %add3A_743 = arith.addi %mul3A_35, %add3A_742 : i32
    %dma_start3A_744 = arith.constant 2 : i32
    %dma_start3A_745 = arith.constant 4096 : i32
    %dma_start3A_746 = tpu.memref_slice %arg12[%dma_start3A_745] : memref<32768xf32, #tpu.memory_space<vmem>> -> memref<2048xf32, #tpu.memory_space<vmem>>
    %dma_start3A_747 = tpu.memref_slice %arg3[%add3A, %dma_start3A_744, %add3A_743] : memref<16x16x16384xf32, #tpu.memory_space<hbm>> -> memref<1x1x2048xf32, #tpu.memory_space<hbm>>
    %dma_start3A_748 = tpu.memref_squeeze %dma_start3A_747 : memref<1x1x2048xf32, #tpu.memory_space<hbm>> -> memref<2048xf32, #tpu.memory_space<hbm>>
    %dma_start3A_749 = arith.constant 4096 : i32
    %dma_start3A_750 = tpu.memref_slice %arg12[%dma_start3A_749] : memref<32768xf32, #tpu.memory_space<vmem>> -> memref<2048xf32, #tpu.memory_space<vmem>>
    %dma_start3A_751 = tpu.memref_slice %arg3[%add3A, %dma_start3A_744, %add3A_743] : memref<16x16x16384xf32, #tpu.memory_space<hbm>> -> memref<1x1x2048xf32, #tpu.memory_space<hbm>>
    %dma_start3A_752 = tpu.memref_squeeze %dma_start3A_751 : memref<1x1x2048xf32, #tpu.memory_space<hbm>> -> memref<2048xf32, #tpu.memory_space<hbm>>
    tpu.enqueue_dma source(%dma_start3A_752 : memref<2048xf32, #tpu.memory_space<hbm>>) target(%dma_start3A_750 : memref<2048xf32, #tpu.memory_space<vmem>>) target_semaphore(%arg24 : memref<!tpu.dma_semaphore, #tpu.memory_space<semaphore_mem>>)
    %add3A_753 = arith.constant 4096 : i32
    %add3A_754 = arith.addi %mul3A_35, %add3A_753 : i32
    %dma_start3A_755 = arith.constant 3 : i32
    %dma_start3A_756 = arith.constant 6144 : i32
    %dma_start3A_757 = tpu.memref_slice %arg12[%dma_start3A_756] : memref<32768xf32, #tpu.memory_space<vmem>> -> memref<2048xf32, #tpu.memory_space<vmem>>
    %dma_start3A_758 = tpu.memref_slice %arg3[%add3A, %dma_start3A_755, %add3A_754] : memref<16x16x16384xf32, #tpu.memory_space<hbm>> -> memref<1x1x2048xf32, #tpu.memory_space<hbm>>
    %dma_start3A_759 = tpu.memref_squeeze %dma_start3A_758 : memref<1x1x2048xf32, #tpu.memory_space<hbm>> -> memref<2048xf32, #tpu.memory_space<hbm>>
    %dma_start3A_760 = arith.constant 6144 : i32
    %dma_start3A_761 = tpu.memref_slice %arg12[%dma_start3A_760] : memref<32768xf32, #tpu.memory_space<vmem>> -> memref<2048xf32, #tpu.memory_space<vmem>>
    %dma_start3A_762 = tpu.memref_slice %arg3[%add3A, %dma_start3A_755, %add3A_754] : memref<16x16x16384xf32, #tpu.memory_space<hbm>> -> memref<1x1x2048xf32, #tpu.memory_space<hbm>>
    %dma_start3A_763 = tpu.memref_squeeze %dma_start3A_762 : memref<1x1x2048xf32, #tpu.memory_space<hbm>> -> memref<2048xf32, #tpu.memory_space<hbm>>
    tpu.enqueue_dma source(%dma_start3A_763 : memref<2048xf32, #tpu.memory_space<hbm>>) target(%dma_start3A_761 : memref<2048xf32, #tpu.memory_space<vmem>>) target_semaphore(%arg24 : memref<!tpu.dma_semaphore, #tpu.memory_space<semaphore_mem>>)
    %add3A_764 = arith.constant 4096 : i32
    %add3A_765 = arith.addi %mul3A_35, %add3A_764 : i32
    %dma_start3A_766 = arith.constant 4 : i32
    %dma_start3A_767 = arith.constant 8192 : i32
    %dma_start3A_768 = tpu.memref_slice %arg12[%dma_start3A_767] : memref<32768xf32, #tpu.memory_space<vmem>> -> memref<2048xf32, #tpu.memory_space<vmem>>
    %dma_start3A_769 = tpu.memref_slice %arg3[%add3A, %dma_start3A_766, %add3A_765] : memref<16x16x16384xf32, #tpu.memory_space<hbm>> -> memref<1x1x2048xf32, #tpu.memory_space<hbm>>
    %dma_start3A_770 = tpu.memref_squeeze %dma_start3A_769 : memref<1x1x2048xf32, #tpu.memory_space<hbm>> -> memref<2048xf32, #tpu.memory_space<hbm>>
    %dma_start3A_771 = arith.constant 8192 : i32
    %dma_start3A_772 = tpu.memref_slice %arg12[%dma_start3A_771] : memref<32768xf32, #tpu.memory_space<vmem>> -> memref<2048xf32, #tpu.memory_space<vmem>>
    %dma_start3A_773 = tpu.memref_slice %arg3[%add3A, %dma_start3A_766, %add3A_765] : memref<16x16x16384xf32, #tpu.memory_space<hbm>> -> memref<1x1x2048xf32, #tpu.memory_space<hbm>>
    %dma_start3A_774 = tpu.memref_squeeze %dma_start3A_773 : memref<1x1x2048xf32, #tpu.memory_space<hbm>> -> memref<2048xf32, #tpu.memory_space<hbm>>
    tpu.enqueue_dma source(%dma_start3A_774 : memref<2048xf32, #tpu.memory_space<hbm>>) target(%dma_start3A_772 : memref<2048xf32, #tpu.memory_space<vmem>>) target_semaphore(%arg24 : memref<!tpu.dma_semaphore, #tpu.memory_space<semaphore_mem>>)
    %add3A_775 = arith.constant 4096 : i32
    %add3A_776 = arith.addi %mul3A_35, %add3A_775 : i32
    %dma_start3A_777 = arith.constant 5 : i32
    %dma_start3A_778 = arith.constant 10240 : i32
    %dma_start3A_779 = tpu.memref_slice %arg12[%dma_start3A_778] : memref<32768xf32, #tpu.memory_space<vmem>> -> memref<2048xf32, #tpu.memory_space<vmem>>
    %dma_start3A_780 = tpu.memref_slice %arg3[%add3A, %dma_start3A_777, %add3A_776] : memref<16x16x16384xf32, #tpu.memory_space<hbm>> -> memref<1x1x2048xf32, #tpu.memory_space<hbm>>
    %dma_start3A_781 = tpu.memref_squeeze %dma_start3A_780 : memref<1x1x2048xf32, #tpu.memory_space<hbm>> -> memref<2048xf32, #tpu.memory_space<hbm>>
    %dma_start3A_782 = arith.constant 10240 : i32
    %dma_start3A_783 = tpu.memref_slice %arg12[%dma_start3A_782] : memref<32768xf32, #tpu.memory_space<vmem>> -> memref<2048xf32, #tpu.memory_space<vmem>>
    %dma_start3A_784 = tpu.memref_slice %arg3[%add3A, %dma_start3A_777, %add3A_776] : memref<16x16x16384xf32, #tpu.memory_space<hbm>> -> memref<1x1x2048xf32, #tpu.memory_space<hbm>>
    %dma_start3A_785 = tpu.memref_squeeze %dma_start3A_784 : memref<1x1x2048xf32, #tpu.memory_space<hbm>> -> memref<2048xf32, #tpu.memory_space<hbm>>
    tpu.enqueue_dma source(%dma_start3A_785 : memref<2048xf32, #tpu.memory_space<hbm>>) target(%dma_start3A_783 : memref<2048xf32, #tpu.memory_space<vmem>>) target_semaphore(%arg24 : memref<!tpu.dma_semaphore, #tpu.memory_space<semaphore_mem>>)
    %add3A_786 = arith.constant 4096 : i32
    %add3A_787 = arith.addi %mul3A_35, %add3A_786 : i32
    %dma_start3A_788 = arith.constant 6 : i32
    %dma_start3A_789 = arith.constant 12288 : i32
    %dma_start3A_790 = tpu.memref_slice %arg12[%dma_start3A_789] : memref<32768xf32, #tpu.memory_space<vmem>> -> memref<2048xf32, #tpu.memory_space<vmem>>
    %dma_start3A_791 = tpu.memref_slice %arg3[%add3A, %dma_start3A_788, %add3A_787] : memref<16x16x16384xf32, #tpu.memory_space<hbm>> -> memref<1x1x2048xf32, #tpu.memory_space<hbm>>
    %dma_start3A_792 = tpu.memref_squeeze %dma_start3A_791 : memref<1x1x2048xf32, #tpu.memory_space<hbm>> -> memref<2048xf32, #tpu.memory_space<hbm>>
    %dma_start3A_793 = arith.constant 12288 : i32
    %dma_start3A_794 = tpu.memref_slice %arg12[%dma_start3A_793] : memref<32768xf32, #tpu.memory_space<vmem>> -> memref<2048xf32, #tpu.memory_space<vmem>>
    %dma_start3A_795 = tpu.memref_slice %arg3[%add3A, %dma_start3A_788, %add3A_787] : memref<16x16x16384xf32, #tpu.memory_space<hbm>> -> memref<1x1x2048xf32, #tpu.memory_space<hbm>>
    %dma_start3A_796 = tpu.memref_squeeze %dma_start3A_795 : memref<1x1x2048xf32, #tpu.memory_space<hbm>> -> memref<2048xf32, #tpu.memory_space<hbm>>
    tpu.enqueue_dma source(%dma_start3A_796 : memref<2048xf32, #tpu.memory_space<hbm>>) target(%dma_start3A_794 : memref<2048xf32, #tpu.memory_space<vmem>>) target_semaphore(%arg24 : memref<!tpu.dma_semaphore, #tpu.memory_space<semaphore_mem>>)
    %add3A_797 = arith.constant 4096 : i32
    %add3A_798 = arith.addi %mul3A_35, %add3A_797 : i32
    %dma_start3A_799 = arith.constant 7 : i32
    %dma_start3A_800 = arith.constant 14336 : i32
    %dma_start3A_801 = tpu.memref_slice %arg12[%dma_start3A_800] : memref<32768xf32, #tpu.memory_space<vmem>> -> memref<2048xf32, #tpu.memory_space<vmem>>
    %dma_start3A_802 = tpu.memref_slice %arg3[%add3A, %dma_start3A_799, %add3A_798] : memref<16x16x16384xf32, #tpu.memory_space<hbm>> -> memref<1x1x2048xf32, #tpu.memory_space<hbm>>
    %dma_start3A_803 = tpu.memref_squeeze %dma_start3A_802 : memref<1x1x2048xf32, #tpu.memory_space<hbm>> -> memref<2048xf32, #tpu.memory_space<hbm>>
    %dma_start3A_804 = arith.constant 14336 : i32
    %dma_start3A_805 = tpu.memref_slice %arg12[%dma_start3A_804] : memref<32768xf32, #tpu.memory_space<vmem>> -> memref<2048xf32, #tpu.memory_space<vmem>>
    %dma_start3A_806 = tpu.memref_slice %arg3[%add3A, %dma_start3A_799, %add3A_798] : memref<16x16x16384xf32, #tpu.memory_space<hbm>> -> memref<1x1x2048xf32, #tpu.memory_space<hbm>>
    %dma_start3A_807 = tpu.memref_squeeze %dma_start3A_806 : memref<1x1x2048xf32, #tpu.memory_space<hbm>> -> memref<2048xf32, #tpu.memory_space<hbm>>
    tpu.enqueue_dma source(%dma_start3A_807 : memref<2048xf32, #tpu.memory_space<hbm>>) target(%dma_start3A_805 : memref<2048xf32, #tpu.memory_space<vmem>>) target_semaphore(%arg24 : memref<!tpu.dma_semaphore, #tpu.memory_space<semaphore_mem>>)
    %add3A_808 = arith.constant 4096 : i32
    %add3A_809 = arith.addi %mul3A_35, %add3A_808 : i32
    %dma_start3A_810 = arith.constant 8 : i32
    %dma_start3A_811 = arith.constant 16384 : i32
    %dma_start3A_812 = tpu.memref_slice %arg12[%dma_start3A_811] : memref<32768xf32, #tpu.memory_space<vmem>> -> memref<2048xf32, #tpu.memory_space<vmem>>
    %dma_start3A_813 = tpu.memref_slice %arg3[%add3A, %dma_start3A_810, %add3A_809] : memref<16x16x16384xf32, #tpu.memory_space<hbm>> -> memref<1x1x2048xf32, #tpu.memory_space<hbm>>
    %dma_start3A_814 = tpu.memref_squeeze %dma_start3A_813 : memref<1x1x2048xf32, #tpu.memory_space<hbm>> -> memref<2048xf32, #tpu.memory_space<hbm>>
    %dma_start3A_815 = arith.constant 16384 : i32
    %dma_start3A_816 = tpu.memref_slice %arg12[%dma_start3A_815] : memref<32768xf32, #tpu.memory_space<vmem>> -> memref<2048xf32, #tpu.memory_space<vmem>>
    %dma_start3A_817 = tpu.memref_slice %arg3[%add3A, %dma_start3A_810, %add3A_809] : memref<16x16x16384xf32, #tpu.memory_space<hbm>> -> memref<1x1x2048xf32, #tpu.memory_space<hbm>>
    %dma_start3A_818 = tpu.memref_squeeze %dma_start3A_817 : memref<1x1x2048xf32, #tpu.memory_space<hbm>> -> memref<2048xf32, #tpu.memory_space<hbm>>
    tpu.enqueue_dma source(%dma_start3A_818 : memref<2048xf32, #tpu.memory_space<hbm>>) target(%dma_start3A_816 : memref<2048xf32, #tpu.memory_space<vmem>>) target_semaphore(%arg24 : memref<!tpu.dma_semaphore, #tpu.memory_space<semaphore_mem>>)
    %add3A_819 = arith.constant 4096 : i32
    %add3A_820 = arith.addi %mul3A_35, %add3A_819 : i32
    %dma_start3A_821 = arith.constant 9 : i32
    %dma_start3A_822 = arith.constant 18432 : i32
    %dma_start3A_823 = tpu.memref_slice %arg12[%dma_start3A_822] : memref<32768xf32, #tpu.memory_space<vmem>> -> memref<2048xf32, #tpu.memory_space<vmem>>
    %dma_start3A_824 = tpu.memref_slice %arg3[%add3A, %dma_start3A_821, %add3A_820] : memref<16x16x16384xf32, #tpu.memory_space<hbm>> -> memref<1x1x2048xf32, #tpu.memory_space<hbm>>
    %dma_start3A_825 = tpu.memref_squeeze %dma_start3A_824 : memref<1x1x2048xf32, #tpu.memory_space<hbm>> -> memref<2048xf32, #tpu.memory_space<hbm>>
    %dma_start3A_826 = arith.constant 18432 : i32
    %dma_start3A_827 = tpu.memref_slice %arg12[%dma_start3A_826] : memref<32768xf32, #tpu.memory_space<vmem>> -> memref<2048xf32, #tpu.memory_space<vmem>>
    %dma_start3A_828 = tpu.memref_slice %arg3[%add3A, %dma_start3A_821, %add3A_820] : memref<16x16x16384xf32, #tpu.memory_space<hbm>> -> memref<1x1x2048xf32, #tpu.memory_space<hbm>>
    %dma_start3A_829 = tpu.memref_squeeze %dma_start3A_828 : memref<1x1x2048xf32, #tpu.memory_space<hbm>> -> memref<2048xf32, #tpu.memory_space<hbm>>
    tpu.enqueue_dma source(%dma_start3A_829 : memref<2048xf32, #tpu.memory_space<hbm>>) target(%dma_start3A_827 : memref<2048xf32, #tpu.memory_space<vmem>>) target_semaphore(%arg24 : memref<!tpu.dma_semaphore, #tpu.memory_space<semaphore_mem>>)
    %add3A_830 = arith.constant 4096 : i32
    %add3A_831 = arith.addi %mul3A_35, %add3A_830 : i32
    %dma_start3A_832 = arith.constant 10 : i32
    %dma_start3A_833 = arith.constant 20480 : i32
    %dma_start3A_834 = tpu.memref_slice %arg12[%dma_start3A_833] : memref<32768xf32, #tpu.memory_space<vmem>> -> memref<2048xf32, #tpu.memory_space<vmem>>
    %dma_start3A_835 = tpu.memref_slice %arg3[%add3A, %dma_start3A_832, %add3A_831] : memref<16x16x16384xf32, #tpu.memory_space<hbm>> -> memref<1x1x2048xf32, #tpu.memory_space<hbm>>
    %dma_start3A_836 = tpu.memref_squeeze %dma_start3A_835 : memref<1x1x2048xf32, #tpu.memory_space<hbm>> -> memref<2048xf32, #tpu.memory_space<hbm>>
    %dma_start3A_837 = arith.constant 20480 : i32
    %dma_start3A_838 = tpu.memref_slice %arg12[%dma_start3A_837] : memref<32768xf32, #tpu.memory_space<vmem>> -> memref<2048xf32, #tpu.memory_space<vmem>>
    %dma_start3A_839 = tpu.memref_slice %arg3[%add3A, %dma_start3A_832, %add3A_831] : memref<16x16x16384xf32, #tpu.memory_space<hbm>> -> memref<1x1x2048xf32, #tpu.memory_space<hbm>>
    %dma_start3A_840 = tpu.memref_squeeze %dma_start3A_839 : memref<1x1x2048xf32, #tpu.memory_space<hbm>> -> memref<2048xf32, #tpu.memory_space<hbm>>
    tpu.enqueue_dma source(%dma_start3A_840 : memref<2048xf32, #tpu.memory_space<hbm>>) target(%dma_start3A_838 : memref<2048xf32, #tpu.memory_space<vmem>>) target_semaphore(%arg24 : memref<!tpu.dma_semaphore, #tpu.memory_space<semaphore_mem>>)
    %add3A_841 = arith.constant 4096 : i32
    %add3A_842 = arith.addi %mul3A_35, %add3A_841 : i32
    %dma_start3A_843 = arith.constant 11 : i32
    %dma_start3A_844 = arith.constant 22528 : i32
    %dma_start3A_845 = tpu.memref_slice %arg12[%dma_start3A_844] : memref<32768xf32, #tpu.memory_space<vmem>> -> memref<2048xf32, #tpu.memory_space<vmem>>
    %dma_start3A_846 = tpu.memref_slice %arg3[%add3A, %dma_start3A_843, %add3A_842] : memref<16x16x16384xf32, #tpu.memory_space<hbm>> -> memref<1x1x2048xf32, #tpu.memory_space<hbm>>
    %dma_start3A_847 = tpu.memref_squeeze %dma_start3A_846 : memref<1x1x2048xf32, #tpu.memory_space<hbm>> -> memref<2048xf32, #tpu.memory_space<hbm>>
    %dma_start3A_848 = arith.constant 22528 : i32
    %dma_start3A_849 = tpu.memref_slice %arg12[%dma_start3A_848] : memref<32768xf32, #tpu.memory_space<vmem>> -> memref<2048xf32, #tpu.memory_space<vmem>>
    %dma_start3A_850 = tpu.memref_slice %arg3[%add3A, %dma_start3A_843, %add3A_842] : memref<16x16x16384xf32, #tpu.memory_space<hbm>> -> memref<1x1x2048xf32, #tpu.memory_space<hbm>>
    %dma_start3A_851 = tpu.memref_squeeze %dma_start3A_850 : memref<1x1x2048xf32, #tpu.memory_space<hbm>> -> memref<2048xf32, #tpu.memory_space<hbm>>
    tpu.enqueue_dma source(%dma_start3A_851 : memref<2048xf32, #tpu.memory_space<hbm>>) target(%dma_start3A_849 : memref<2048xf32, #tpu.memory_space<vmem>>) target_semaphore(%arg24 : memref<!tpu.dma_semaphore, #tpu.memory_space<semaphore_mem>>)
    %add3A_852 = arith.constant 4096 : i32
    %add3A_853 = arith.addi %mul3A_35, %add3A_852 : i32
    %dma_start3A_854 = arith.constant 12 : i32
    %dma_start3A_855 = arith.constant 24576 : i32
    %dma_start3A_856 = tpu.memref_slice %arg12[%dma_start3A_855] : memref<32768xf32, #tpu.memory_space<vmem>> -> memref<2048xf32, #tpu.memory_space<vmem>>
    %dma_start3A_857 = tpu.memref_slice %arg3[%add3A, %dma_start3A_854, %add3A_853] : memref<16x16x16384xf32, #tpu.memory_space<hbm>> -> memref<1x1x2048xf32, #tpu.memory_space<hbm>>
    %dma_start3A_858 = tpu.memref_squeeze %dma_start3A_857 : memref<1x1x2048xf32, #tpu.memory_space<hbm>> -> memref<2048xf32, #tpu.memory_space<hbm>>
    %dma_start3A_859 = arith.constant 24576 : i32
    %dma_start3A_860 = tpu.memref_slice %arg12[%dma_start3A_859] : memref<32768xf32, #tpu.memory_space<vmem>> -> memref<2048xf32, #tpu.memory_space<vmem>>
    %dma_start3A_861 = tpu.memref_slice %arg3[%add3A, %dma_start3A_854, %add3A_853] : memref<16x16x16384xf32, #tpu.memory_space<hbm>> -> memref<1x1x2048xf32, #tpu.memory_space<hbm>>
    %dma_start3A_862 = tpu.memref_squeeze %dma_start3A_861 : memref<1x1x2048xf32, #tpu.memory_space<hbm>> -> memref<2048xf32, #tpu.memory_space<hbm>>
    tpu.enqueue_dma source(%dma_start3A_862 : memref<2048xf32, #tpu.memory_space<hbm>>) target(%dma_start3A_860 : memref<2048xf32, #tpu.memory_space<vmem>>) target_semaphore(%arg24 : memref<!tpu.dma_semaphore, #tpu.memory_space<semaphore_mem>>)
    %add3A_863 = arith.constant 4096 : i32
    %add3A_864 = arith.addi %mul3A_35, %add3A_863 : i32
    %dma_start3A_865 = arith.constant 13 : i32
    %dma_start3A_866 = arith.constant 26624 : i32
    %dma_start3A_867 = tpu.memref_slice %arg12[%dma_start3A_866] : memref<32768xf32, #tpu.memory_space<vmem>> -> memref<2048xf32, #tpu.memory_space<vmem>>
    %dma_start3A_868 = tpu.memref_slice %arg3[%add3A, %dma_start3A_865, %add3A_864] : memref<16x16x16384xf32, #tpu.memory_space<hbm>> -> memref<1x1x2048xf32, #tpu.memory_space<hbm>>
    %dma_start3A_869 = tpu.memref_squeeze %dma_start3A_868 : memref<1x1x2048xf32, #tpu.memory_space<hbm>> -> memref<2048xf32, #tpu.memory_space<hbm>>
    %dma_start3A_870 = arith.constant 26624 : i32
    %dma_start3A_871 = tpu.memref_slice %arg12[%dma_start3A_870] : memref<32768xf32, #tpu.memory_space<vmem>> -> memref<2048xf32, #tpu.memory_space<vmem>>
    %dma_start3A_872 = tpu.memref_slice %arg3[%add3A, %dma_start3A_865, %add3A_864] : memref<16x16x16384xf32, #tpu.memory_space<hbm>> -> memref<1x1x2048xf32, #tpu.memory_space<hbm>>
    %dma_start3A_873 = tpu.memref_squeeze %dma_start3A_872 : memref<1x1x2048xf32, #tpu.memory_space<hbm>> -> memref<2048xf32, #tpu.memory_space<hbm>>
    tpu.enqueue_dma source(%dma_start3A_873 : memref<2048xf32, #tpu.memory_space<hbm>>) target(%dma_start3A_871 : memref<2048xf32, #tpu.memory_space<vmem>>) target_semaphore(%arg24 : memref<!tpu.dma_semaphore, #tpu.memory_space<semaphore_mem>>)
    %add3A_874 = arith.constant 4096 : i32
    %add3A_875 = arith.addi %mul3A_35, %add3A_874 : i32
    %dma_start3A_876 = arith.constant 14 : i32
    %dma_start3A_877 = arith.constant 28672 : i32
    %dma_start3A_878 = tpu.memref_slice %arg12[%dma_start3A_877] : memref<32768xf32, #tpu.memory_space<vmem>> -> memref<2048xf32, #tpu.memory_space<vmem>>
    %dma_start3A_879 = tpu.memref_slice %arg3[%add3A, %dma_start3A_876, %add3A_875] : memref<16x16x16384xf32, #tpu.memory_space<hbm>> -> memref<1x1x2048xf32, #tpu.memory_space<hbm>>
    %dma_start3A_880 = tpu.memref_squeeze %dma_start3A_879 : memref<1x1x2048xf32, #tpu.memory_space<hbm>> -> memref<2048xf32, #tpu.memory_space<hbm>>
    %dma_start3A_881 = arith.constant 28672 : i32
    %dma_start3A_882 = tpu.memref_slice %arg12[%dma_start3A_881] : memref<32768xf32, #tpu.memory_space<vmem>> -> memref<2048xf32, #tpu.memory_space<vmem>>
    %dma_start3A_883 = tpu.memref_slice %arg3[%add3A, %dma_start3A_876, %add3A_875] : memref<16x16x16384xf32, #tpu.memory_space<hbm>> -> memref<1x1x2048xf32, #tpu.memory_space<hbm>>
    %dma_start3A_884 = tpu.memref_squeeze %dma_start3A_883 : memref<1x1x2048xf32, #tpu.memory_space<hbm>> -> memref<2048xf32, #tpu.memory_space<hbm>>
    tpu.enqueue_dma source(%dma_start3A_884 : memref<2048xf32, #tpu.memory_space<hbm>>) target(%dma_start3A_882 : memref<2048xf32, #tpu.memory_space<vmem>>) target_semaphore(%arg24 : memref<!tpu.dma_semaphore, #tpu.memory_space<semaphore_mem>>)
    %add3A_885 = arith.constant 4096 : i32
    %add3A_886 = arith.addi %mul3A_35, %add3A_885 : i32
    %dma_start3A_887 = arith.constant 15 : i32
    %dma_start3A_888 = arith.constant 30720 : i32
    %dma_start3A_889 = tpu.memref_slice %arg12[%dma_start3A_888] : memref<32768xf32, #tpu.memory_space<vmem>> -> memref<2048xf32, #tpu.memory_space<vmem>>
    %dma_start3A_890 = tpu.memref_slice %arg3[%add3A, %dma_start3A_887, %add3A_886] : memref<16x16x16384xf32, #tpu.memory_space<hbm>> -> memref<1x1x2048xf32, #tpu.memory_space<hbm>>
    %dma_start3A_891 = tpu.memref_squeeze %dma_start3A_890 : memref<1x1x2048xf32, #tpu.memory_space<hbm>> -> memref<2048xf32, #tpu.memory_space<hbm>>
    %dma_start3A_892 = arith.constant 30720 : i32
    %dma_start3A_893 = tpu.memref_slice %arg12[%dma_start3A_892] : memref<32768xf32, #tpu.memory_space<vmem>> -> memref<2048xf32, #tpu.memory_space<vmem>>
    %dma_start3A_894 = tpu.memref_slice %arg3[%add3A, %dma_start3A_887, %add3A_886] : memref<16x16x16384xf32, #tpu.memory_space<hbm>> -> memref<1x1x2048xf32, #tpu.memory_space<hbm>>
    %dma_start3A_895 = tpu.memref_squeeze %dma_start3A_894 : memref<1x1x2048xf32, #tpu.memory_space<hbm>> -> memref<2048xf32, #tpu.memory_space<hbm>>
    tpu.enqueue_dma source(%dma_start3A_895 : memref<2048xf32, #tpu.memory_space<hbm>>) target(%dma_start3A_893 : memref<2048xf32, #tpu.memory_space<vmem>>) target_semaphore(%arg24 : memref<!tpu.dma_semaphore, #tpu.memory_space<semaphore_mem>>)
    %dma_wait3A_896 = arith.constant 0 : i32
    %dma_wait3A_897 = arith.constant 0 : i32
    %dma_wait3A_898 = tpu.memref_slice %arg13[%dma_wait3A_897] : memref<32768xf32, #tpu.memory_space<vmem>> -> memref<2048xf32, #tpu.memory_space<vmem>>
    %dma_wait3A_899 = tpu.memref_slice %arg3[%add3A, %dma_wait3A_896, %add3A_396] : memref<16x16x16384xf32, #tpu.memory_space<hbm>> -> memref<1x1x2048xf32, #tpu.memory_space<hbm>>
    %dma_wait3A_900 = tpu.memref_squeeze %dma_wait3A_899 : memref<1x1x2048xf32, #tpu.memory_space<hbm>> -> memref<2048xf32, #tpu.memory_space<hbm>>
    %dma_wait3A_901 = arith.constant 0 : i32
    %dma_wait3A_902 = tpu.memref_slice %arg13[%dma_wait3A_901] : memref<32768xf32, #tpu.memory_space<vmem>> -> memref<2048xf32, #tpu.memory_space<vmem>>
    %dma_wait3A_903 = tpu.memref_slice %arg3[%add3A, %dma_wait3A_896, %add3A_396] : memref<16x16x16384xf32, #tpu.memory_space<hbm>> -> memref<1x1x2048xf32, #tpu.memory_space<hbm>>
    %dma_wait3A_904 = tpu.memref_squeeze %dma_wait3A_903 : memref<1x1x2048xf32, #tpu.memory_space<hbm>> -> memref<2048xf32, #tpu.memory_space<hbm>>
    tpu.wait_dma2 semaphore(%arg25 : memref<!tpu.dma_semaphore, #tpu.memory_space<semaphore_mem>>) src(%dma_wait3A_904 : memref<2048xf32, #tpu.memory_space<hbm>>) dst(%dma_wait3A_902 : memref<2048xf32, #tpu.memory_space<vmem>>)
    %dma_wait3A_905 = arith.constant 1 : i32
    %dma_wait3A_906 = arith.constant 2048 : i32
    %dma_wait3A_907 = tpu.memref_slice %arg13[%dma_wait3A_906] : memref<32768xf32, #tpu.memory_space<vmem>> -> memref<2048xf32, #tpu.memory_space<vmem>>
    %dma_wait3A_908 = tpu.memref_slice %arg3[%add3A, %dma_wait3A_905, %add3A_407] : memref<16x16x16384xf32, #tpu.memory_space<hbm>> -> memref<1x1x2048xf32, #tpu.memory_space<hbm>>
    %dma_wait3A_909 = tpu.memref_squeeze %dma_wait3A_908 : memref<1x1x2048xf32, #tpu.memory_space<hbm>> -> memref<2048xf32, #tpu.memory_space<hbm>>
    %dma_wait3A_910 = arith.constant 2048 : i32
    %dma_wait3A_911 = tpu.memref_slice %arg13[%dma_wait3A_910] : memref<32768xf32, #tpu.memory_space<vmem>> -> memref<2048xf32, #tpu.memory_space<vmem>>
    %dma_wait3A_912 = tpu.memref_slice %arg3[%add3A, %dma_wait3A_905, %add3A_407] : memref<16x16x16384xf32, #tpu.memory_space<hbm>> -> memref<1x1x2048xf32, #tpu.memory_space<hbm>>
    %dma_wait3A_913 = tpu.memref_squeeze %dma_wait3A_912 : memref<1x1x2048xf32, #tpu.memory_space<hbm>> -> memref<2048xf32, #tpu.memory_space<hbm>>
    tpu.wait_dma2 semaphore(%arg25 : memref<!tpu.dma_semaphore, #tpu.memory_space<semaphore_mem>>) src(%dma_wait3A_913 : memref<2048xf32, #tpu.memory_space<hbm>>) dst(%dma_wait3A_911 : memref<2048xf32, #tpu.memory_space<vmem>>)
    %dma_wait3A_914 = arith.constant 2 : i32
    %dma_wait3A_915 = arith.constant 4096 : i32
    %dma_wait3A_916 = tpu.memref_slice %arg13[%dma_wait3A_915] : memref<32768xf32, #tpu.memory_space<vmem>> -> memref<2048xf32, #tpu.memory_space<vmem>>
    %dma_wait3A_917 = tpu.memref_slice %arg3[%add3A, %dma_wait3A_914, %add3A_418] : memref<16x16x16384xf32, #tpu.memory_space<hbm>> -> memref<1x1x2048xf32, #tpu.memory_space<hbm>>
    %dma_wait3A_918 = tpu.memref_squeeze %dma_wait3A_917 : memref<1x1x2048xf32, #tpu.memory_space<hbm>> -> memref<2048xf32, #tpu.memory_space<hbm>>
    %dma_wait3A_919 = arith.constant 4096 : i32
    %dma_wait3A_920 = tpu.memref_slice %arg13[%dma_wait3A_919] : memref<32768xf32, #tpu.memory_space<vmem>> -> memref<2048xf32, #tpu.memory_space<vmem>>
    %dma_wait3A_921 = tpu.memref_slice %arg3[%add3A, %dma_wait3A_914, %add3A_418] : memref<16x16x16384xf32, #tpu.memory_space<hbm>> -> memref<1x1x2048xf32, #tpu.memory_space<hbm>>
    %dma_wait3A_922 = tpu.memref_squeeze %dma_wait3A_921 : memref<1x1x2048xf32, #tpu.memory_space<hbm>> -> memref<2048xf32, #tpu.memory_space<hbm>>
    tpu.wait_dma2 semaphore(%arg25 : memref<!tpu.dma_semaphore, #tpu.memory_space<semaphore_mem>>) src(%dma_wait3A_922 : memref<2048xf32, #tpu.memory_space<hbm>>) dst(%dma_wait3A_920 : memref<2048xf32, #tpu.memory_space<vmem>>)
    %dma_wait3A_923 = arith.constant 3 : i32
    %dma_wait3A_924 = arith.constant 6144 : i32
    %dma_wait3A_925 = tpu.memref_slice %arg13[%dma_wait3A_924] : memref<32768xf32, #tpu.memory_space<vmem>> -> memref<2048xf32, #tpu.memory_space<vmem>>
    %dma_wait3A_926 = tpu.memref_slice %arg3[%add3A, %dma_wait3A_923, %add3A_429] : memref<16x16x16384xf32, #tpu.memory_space<hbm>> -> memref<1x1x2048xf32, #tpu.memory_space<hbm>>
    %dma_wait3A_927 = tpu.memref_squeeze %dma_wait3A_926 : memref<1x1x2048xf32, #tpu.memory_space<hbm>> -> memref<2048xf32, #tpu.memory_space<hbm>>
    %dma_wait3A_928 = arith.constant 6144 : i32
    %dma_wait3A_929 = tpu.memref_slice %arg13[%dma_wait3A_928] : memref<32768xf32, #tpu.memory_space<vmem>> -> memref<2048xf32, #tpu.memory_space<vmem>>
    %dma_wait3A_930 = tpu.memref_slice %arg3[%add3A, %dma_wait3A_923, %add3A_429] : memref<16x16x16384xf32, #tpu.memory_space<hbm>> -> memref<1x1x2048xf32, #tpu.memory_space<hbm>>
    %dma_wait3A_931 = tpu.memref_squeeze %dma_wait3A_930 : memref<1x1x2048xf32, #tpu.memory_space<hbm>> -> memref<2048xf32, #tpu.memory_space<hbm>>
    tpu.wait_dma2 semaphore(%arg25 : memref<!tpu.dma_semaphore, #tpu.memory_space<semaphore_mem>>) src(%dma_wait3A_931 : memref<2048xf32, #tpu.memory_space<hbm>>) dst(%dma_wait3A_929 : memref<2048xf32, #tpu.memory_space<vmem>>)
    %dma_wait3A_932 = arith.constant 4 : i32
    %dma_wait3A_933 = arith.constant 8192 : i32
    %dma_wait3A_934 = tpu.memref_slice %arg13[%dma_wait3A_933] : memref<32768xf32, #tpu.memory_space<vmem>> -> memref<2048xf32, #tpu.memory_space<vmem>>
    %dma_wait3A_935 = tpu.memref_slice %arg3[%add3A, %dma_wait3A_932, %add3A_440] : memref<16x16x16384xf32, #tpu.memory_space<hbm>> -> memref<1x1x2048xf32, #tpu.memory_space<hbm>>
    %dma_wait3A_936 = tpu.memref_squeeze %dma_wait3A_935 : memref<1x1x2048xf32, #tpu.memory_space<hbm>> -> memref<2048xf32, #tpu.memory_space<hbm>>
    %dma_wait3A_937 = arith.constant 8192 : i32
    %dma_wait3A_938 = tpu.memref_slice %arg13[%dma_wait3A_937] : memref<32768xf32, #tpu.memory_space<vmem>> -> memref<2048xf32, #tpu.memory_space<vmem>>
    %dma_wait3A_939 = tpu.memref_slice %arg3[%add3A, %dma_wait3A_932, %add3A_440] : memref<16x16x16384xf32, #tpu.memory_space<hbm>> -> memref<1x1x2048xf32, #tpu.memory_space<hbm>>
    %dma_wait3A_940 = tpu.memref_squeeze %dma_wait3A_939 : memref<1x1x2048xf32, #tpu.memory_space<hbm>> -> memref<2048xf32, #tpu.memory_space<hbm>>
    tpu.wait_dma2 semaphore(%arg25 : memref<!tpu.dma_semaphore, #tpu.memory_space<semaphore_mem>>) src(%dma_wait3A_940 : memref<2048xf32, #tpu.memory_space<hbm>>) dst(%dma_wait3A_938 : memref<2048xf32, #tpu.memory_space<vmem>>)
    %dma_wait3A_941 = arith.constant 5 : i32
    %dma_wait3A_942 = arith.constant 10240 : i32
    %dma_wait3A_943 = tpu.memref_slice %arg13[%dma_wait3A_942] : memref<32768xf32, #tpu.memory_space<vmem>> -> memref<2048xf32, #tpu.memory_space<vmem>>
    %dma_wait3A_944 = tpu.memref_slice %arg3[%add3A, %dma_wait3A_941, %add3A_451] : memref<16x16x16384xf32, #tpu.memory_space<hbm>> -> memref<1x1x2048xf32, #tpu.memory_space<hbm>>
    %dma_wait3A_945 = tpu.memref_squeeze %dma_wait3A_944 : memref<1x1x2048xf32, #tpu.memory_space<hbm>> -> memref<2048xf32, #tpu.memory_space<hbm>>
    %dma_wait3A_946 = arith.constant 10240 : i32
    %dma_wait3A_947 = tpu.memref_slice %arg13[%dma_wait3A_946] : memref<32768xf32, #tpu.memory_space<vmem>> -> memref<2048xf32, #tpu.memory_space<vmem>>
    %dma_wait3A_948 = tpu.memref_slice %arg3[%add3A, %dma_wait3A_941, %add3A_451] : memref<16x16x16384xf32, #tpu.memory_space<hbm>> -> memref<1x1x2048xf32, #tpu.memory_space<hbm>>
    %dma_wait3A_949 = tpu.memref_squeeze %dma_wait3A_948 : memref<1x1x2048xf32, #tpu.memory_space<hbm>> -> memref<2048xf32, #tpu.memory_space<hbm>>
    tpu.wait_dma2 semaphore(%arg25 : memref<!tpu.dma_semaphore, #tpu.memory_space<semaphore_mem>>) src(%dma_wait3A_949 : memref<2048xf32, #tpu.memory_space<hbm>>) dst(%dma_wait3A_947 : memref<2048xf32, #tpu.memory_space<vmem>>)
    %dma_wait3A_950 = arith.constant 6 : i32
    %dma_wait3A_951 = arith.constant 12288 : i32
    %dma_wait3A_952 = tpu.memref_slice %arg13[%dma_wait3A_951] : memref<32768xf32, #tpu.memory_space<vmem>> -> memref<2048xf32, #tpu.memory_space<vmem>>
    %dma_wait3A_953 = tpu.memref_slice %arg3[%add3A, %dma_wait3A_950, %add3A_462] : memref<16x16x16384xf32, #tpu.memory_space<hbm>> -> memref<1x1x2048xf32, #tpu.memory_space<hbm>>
    %dma_wait3A_954 = tpu.memref_squeeze %dma_wait3A_953 : memref<1x1x2048xf32, #tpu.memory_space<hbm>> -> memref<2048xf32, #tpu.memory_space<hbm>>
    %dma_wait3A_955 = arith.constant 12288 : i32
    %dma_wait3A_956 = tpu.memref_slice %arg13[%dma_wait3A_955] : memref<32768xf32, #tpu.memory_space<vmem>> -> memref<2048xf32, #tpu.memory_space<vmem>>
    %dma_wait3A_957 = tpu.memref_slice %arg3[%add3A, %dma_wait3A_950, %add3A_462] : memref<16x16x16384xf32, #tpu.memory_space<hbm>> -> memref<1x1x2048xf32, #tpu.memory_space<hbm>>
    %dma_wait3A_958 = tpu.memref_squeeze %dma_wait3A_957 : memref<1x1x2048xf32, #tpu.memory_space<hbm>> -> memref<2048xf32, #tpu.memory_space<hbm>>
    tpu.wait_dma2 semaphore(%arg25 : memref<!tpu.dma_semaphore, #tpu.memory_space<semaphore_mem>>) src(%dma_wait3A_958 : memref<2048xf32, #tpu.memory_space<hbm>>) dst(%dma_wait3A_956 : memref<2048xf32, #tpu.memory_space<vmem>>)
    %dma_wait3A_959 = arith.constant 7 : i32
    %dma_wait3A_960 = arith.constant 14336 : i32
    %dma_wait3A_961 = tpu.memref_slice %arg13[%dma_wait3A_960] : memref<32768xf32, #tpu.memory_space<vmem>> -> memref<2048xf32, #tpu.memory_space<vmem>>
    %dma_wait3A_962 = tpu.memref_slice %arg3[%add3A, %dma_wait3A_959, %add3A_473] : memref<16x16x16384xf32, #tpu.memory_space<hbm>> -> memref<1x1x2048xf32, #tpu.memory_space<hbm>>
    %dma_wait3A_963 = tpu.memref_squeeze %dma_wait3A_962 : memref<1x1x2048xf32, #tpu.memory_space<hbm>> -> memref<2048xf32, #tpu.memory_space<hbm>>
    %dma_wait3A_964 = arith.constant 14336 : i32
    %dma_wait3A_965 = tpu.memref_slice %arg13[%dma_wait3A_964] : memref<32768xf32, #tpu.memory_space<vmem>> -> memref<2048xf32, #tpu.memory_space<vmem>>
    %dma_wait3A_966 = tpu.memref_slice %arg3[%add3A, %dma_wait3A_959, %add3A_473] : memref<16x16x16384xf32, #tpu.memory_space<hbm>> -> memref<1x1x2048xf32, #tpu.memory_space<hbm>>
    %dma_wait3A_967 = tpu.memref_squeeze %dma_wait3A_966 : memref<1x1x2048xf32, #tpu.memory_space<hbm>> -> memref<2048xf32, #tpu.memory_space<hbm>>
    tpu.wait_dma2 semaphore(%arg25 : memref<!tpu.dma_semaphore, #tpu.memory_space<semaphore_mem>>) src(%dma_wait3A_967 : memref<2048xf32, #tpu.memory_space<hbm>>) dst(%dma_wait3A_965 : memref<2048xf32, #tpu.memory_space<vmem>>)
    %dma_wait3A_968 = arith.constant 8 : i32
    %dma_wait3A_969 = arith.constant 16384 : i32
    %dma_wait3A_970 = tpu.memref_slice %arg13[%dma_wait3A_969] : memref<32768xf32, #tpu.memory_space<vmem>> -> memref<2048xf32, #tpu.memory_space<vmem>>
    %dma_wait3A_971 = tpu.memref_slice %arg3[%add3A, %dma_wait3A_968, %add3A_484] : memref<16x16x16384xf32, #tpu.memory_space<hbm>> -> memref<1x1x2048xf32, #tpu.memory_space<hbm>>
    %dma_wait3A_972 = tpu.memref_squeeze %dma_wait3A_971 : memref<1x1x2048xf32, #tpu.memory_space<hbm>> -> memref<2048xf32, #tpu.memory_space<hbm>>
    %dma_wait3A_973 = arith.constant 16384 : i32
    %dma_wait3A_974 = tpu.memref_slice %arg13[%dma_wait3A_973] : memref<32768xf32, #tpu.memory_space<vmem>> -> memref<2048xf32, #tpu.memory_space<vmem>>
    %dma_wait3A_975 = tpu.memref_slice %arg3[%add3A, %dma_wait3A_968, %add3A_484] : memref<16x16x16384xf32, #tpu.memory_space<hbm>> -> memref<1x1x2048xf32, #tpu.memory_space<hbm>>
    %dma_wait3A_976 = tpu.memref_squeeze %dma_wait3A_975 : memref<1x1x2048xf32, #tpu.memory_space<hbm>> -> memref<2048xf32, #tpu.memory_space<hbm>>
    tpu.wait_dma2 semaphore(%arg25 : memref<!tpu.dma_semaphore, #tpu.memory_space<semaphore_mem>>) src(%dma_wait3A_976 : memref<2048xf32, #tpu.memory_space<hbm>>) dst(%dma_wait3A_974 : memref<2048xf32, #tpu.memory_space<vmem>>)
    %dma_wait3A_977 = arith.constant 9 : i32
    %dma_wait3A_978 = arith.constant 18432 : i32
    %dma_wait3A_979 = tpu.memref_slice %arg13[%dma_wait3A_978] : memref<32768xf32, #tpu.memory_space<vmem>> -> memref<2048xf32, #tpu.memory_space<vmem>>
    %dma_wait3A_980 = tpu.memref_slice %arg3[%add3A, %dma_wait3A_977, %add3A_495] : memref<16x16x16384xf32, #tpu.memory_space<hbm>> -> memref<1x1x2048xf32, #tpu.memory_space<hbm>>
    %dma_wait3A_981 = tpu.memref_squeeze %dma_wait3A_980 : memref<1x1x2048xf32, #tpu.memory_space<hbm>> -> memref<2048xf32, #tpu.memory_space<hbm>>
    %dma_wait3A_982 = arith.constant 18432 : i32
    %dma_wait3A_983 = tpu.memref_slice %arg13[%dma_wait3A_982] : memref<32768xf32, #tpu.memory_space<vmem>> -> memref<2048xf32, #tpu.memory_space<vmem>>
    %dma_wait3A_984 = tpu.memref_slice %arg3[%add3A, %dma_wait3A_977, %add3A_495] : memref<16x16x16384xf32, #tpu.memory_space<hbm>> -> memref<1x1x2048xf32, #tpu.memory_space<hbm>>
    %dma_wait3A_985 = tpu.memref_squeeze %dma_wait3A_984 : memref<1x1x2048xf32, #tpu.memory_space<hbm>> -> memref<2048xf32, #tpu.memory_space<hbm>>
    tpu.wait_dma2 semaphore(%arg25 : memref<!tpu.dma_semaphore, #tpu.memory_space<semaphore_mem>>) src(%dma_wait3A_985 : memref<2048xf32, #tpu.memory_space<hbm>>) dst(%dma_wait3A_983 : memref<2048xf32, #tpu.memory_space<vmem>>)
    %dma_wait3A_986 = arith.constant 10 : i32
    %dma_wait3A_987 = arith.constant 20480 : i32
    %dma_wait3A_988 = tpu.memref_slice %arg13[%dma_wait3A_987] : memref<32768xf32, #tpu.memory_space<vmem>> -> memref<2048xf32, #tpu.memory_space<vmem>>
    %dma_wait3A_989 = tpu.memref_slice %arg3[%add3A, %dma_wait3A_986, %add3A_506] : memref<16x16x16384xf32, #tpu.memory_space<hbm>> -> memref<1x1x2048xf32, #tpu.memory_space<hbm>>
    %dma_wait3A_990 = tpu.memref_squeeze %dma_wait3A_989 : memref<1x1x2048xf32, #tpu.memory_space<hbm>> -> memref<2048xf32, #tpu.memory_space<hbm>>
    %dma_wait3A_991 = arith.constant 20480 : i32
    %dma_wait3A_992 = tpu.memref_slice %arg13[%dma_wait3A_991] : memref<32768xf32, #tpu.memory_space<vmem>> -> memref<2048xf32, #tpu.memory_space<vmem>>
    %dma_wait3A_993 = tpu.memref_slice %arg3[%add3A, %dma_wait3A_986, %add3A_506] : memref<16x16x16384xf32, #tpu.memory_space<hbm>> -> memref<1x1x2048xf32, #tpu.memory_space<hbm>>
    %dma_wait3A_994 = tpu.memref_squeeze %dma_wait3A_993 : memref<1x1x2048xf32, #tpu.memory_space<hbm>> -> memref<2048xf32, #tpu.memory_space<hbm>>
    tpu.wait_dma2 semaphore(%arg25 : memref<!tpu.dma_semaphore, #tpu.memory_space<semaphore_mem>>) src(%dma_wait3A_994 : memref<2048xf32, #tpu.memory_space<hbm>>) dst(%dma_wait3A_992 : memref<2048xf32, #tpu.memory_space<vmem>>)
    %dma_wait3A_995 = arith.constant 11 : i32
    %dma_wait3A_996 = arith.constant 22528 : i32
    %dma_wait3A_997 = tpu.memref_slice %arg13[%dma_wait3A_996] : memref<32768xf32, #tpu.memory_space<vmem>> -> memref<2048xf32, #tpu.memory_space<vmem>>
    %dma_wait3A_998 = tpu.memref_slice %arg3[%add3A, %dma_wait3A_995, %add3A_517] : memref<16x16x16384xf32, #tpu.memory_space<hbm>> -> memref<1x1x2048xf32, #tpu.memory_space<hbm>>
    %dma_wait3A_999 = tpu.memref_squeeze %dma_wait3A_998 : memref<1x1x2048xf32, #tpu.memory_space<hbm>> -> memref<2048xf32, #tpu.memory_space<hbm>>
    %dma_wait3A_1000 = arith.constant 22528 : i32
    %dma_wait3A_1001 = tpu.memref_slice %arg13[%dma_wait3A_1000] : memref<32768xf32, #tpu.memory_space<vmem>> -> memref<2048xf32, #tpu.memory_space<vmem>>
    %dma_wait3A_1002 = tpu.memref_slice %arg3[%add3A, %dma_wait3A_995, %add3A_517] : memref<16x16x16384xf32, #tpu.memory_space<hbm>> -> memref<1x1x2048xf32, #tpu.memory_space<hbm>>
    %dma_wait3A_1003 = tpu.memref_squeeze %dma_wait3A_1002 : memref<1x1x2048xf32, #tpu.memory_space<hbm>> -> memref<2048xf32, #tpu.memory_space<hbm>>
    tpu.wait_dma2 semaphore(%arg25 : memref<!tpu.dma_semaphore, #tpu.memory_space<semaphore_mem>>) src(%dma_wait3A_1003 : memref<2048xf32, #tpu.memory_space<hbm>>) dst(%dma_wait3A_1001 : memref<2048xf32, #tpu.memory_space<vmem>>)
    %dma_wait3A_1004 = arith.constant 12 : i32
    %dma_wait3A_1005 = arith.constant 24576 : i32
    %dma_wait3A_1006 = tpu.memref_slice %arg13[%dma_wait3A_1005] : memref<32768xf32, #tpu.memory_space<vmem>> -> memref<2048xf32, #tpu.memory_space<vmem>>
    %dma_wait3A_1007 = tpu.memref_slice %arg3[%add3A, %dma_wait3A_1004, %add3A_528] : memref<16x16x16384xf32, #tpu.memory_space<hbm>> -> memref<1x1x2048xf32, #tpu.memory_space<hbm>>
    %dma_wait3A_1008 = tpu.memref_squeeze %dma_wait3A_1007 : memref<1x1x2048xf32, #tpu.memory_space<hbm>> -> memref<2048xf32, #tpu.memory_space<hbm>>
    %dma_wait3A_1009 = arith.constant 24576 : i32
    %dma_wait3A_1010 = tpu.memref_slice %arg13[%dma_wait3A_1009] : memref<32768xf32, #tpu.memory_space<vmem>> -> memref<2048xf32, #tpu.memory_space<vmem>>
    %dma_wait3A_1011 = tpu.memref_slice %arg3[%add3A, %dma_wait3A_1004, %add3A_528] : memref<16x16x16384xf32, #tpu.memory_space<hbm>> -> memref<1x1x2048xf32, #tpu.memory_space<hbm>>
    %dma_wait3A_1012 = tpu.memref_squeeze %dma_wait3A_1011 : memref<1x1x2048xf32, #tpu.memory_space<hbm>> -> memref<2048xf32, #tpu.memory_space<hbm>>
    tpu.wait_dma2 semaphore(%arg25 : memref<!tpu.dma_semaphore, #tpu.memory_space<semaphore_mem>>) src(%dma_wait3A_1012 : memref<2048xf32, #tpu.memory_space<hbm>>) dst(%dma_wait3A_1010 : memref<2048xf32, #tpu.memory_space<vmem>>)
    %dma_wait3A_1013 = arith.constant 13 : i32
    %dma_wait3A_1014 = arith.constant 26624 : i32
    %dma_wait3A_1015 = tpu.memref_slice %arg13[%dma_wait3A_1014] : memref<32768xf32, #tpu.memory_space<vmem>> -> memref<2048xf32, #tpu.memory_space<vmem>>
    %dma_wait3A_1016 = tpu.memref_slice %arg3[%add3A, %dma_wait3A_1013, %add3A_539] : memref<16x16x16384xf32, #tpu.memory_space<hbm>> -> memref<1x1x2048xf32, #tpu.memory_space<hbm>>
    %dma_wait3A_1017 = tpu.memref_squeeze %dma_wait3A_1016 : memref<1x1x2048xf32, #tpu.memory_space<hbm>> -> memref<2048xf32, #tpu.memory_space<hbm>>
    %dma_wait3A_1018 = arith.constant 26624 : i32
    %dma_wait3A_1019 = tpu.memref_slice %arg13[%dma_wait3A_1018] : memref<32768xf32, #tpu.memory_space<vmem>> -> memref<2048xf32, #tpu.memory_space<vmem>>
    %dma_wait3A_1020 = tpu.memref_slice %arg3[%add3A, %dma_wait3A_1013, %add3A_539] : memref<16x16x16384xf32, #tpu.memory_space<hbm>> -> memref<1x1x2048xf32, #tpu.memory_space<hbm>>
    %dma_wait3A_1021 = tpu.memref_squeeze %dma_wait3A_1020 : memref<1x1x2048xf32, #tpu.memory_space<hbm>> -> memref<2048xf32, #tpu.memory_space<hbm>>
    tpu.wait_dma2 semaphore(%arg25 : memref<!tpu.dma_semaphore, #tpu.memory_space<semaphore_mem>>) src(%dma_wait3A_1021 : memref<2048xf32, #tpu.memory_space<hbm>>) dst(%dma_wait3A_1019 : memref<2048xf32, #tpu.memory_space<vmem>>)
    %dma_wait3A_1022 = arith.constant 14 : i32
    %dma_wait3A_1023 = arith.constant 28672 : i32
    %dma_wait3A_1024 = tpu.memref_slice %arg13[%dma_wait3A_1023] : memref<32768xf32, #tpu.memory_space<vmem>> -> memref<2048xf32, #tpu.memory_space<vmem>>
    %dma_wait3A_1025 = tpu.memref_slice %arg3[%add3A, %dma_wait3A_1022, %add3A_550] : memref<16x16x16384xf32, #tpu.memory_space<hbm>> -> memref<1x1x2048xf32, #tpu.memory_space<hbm>>
    %dma_wait3A_1026 = tpu.memref_squeeze %dma_wait3A_1025 : memref<1x1x2048xf32, #tpu.memory_space<hbm>> -> memref<2048xf32, #tpu.memory_space<hbm>>
    %dma_wait3A_1027 = arith.constant 28672 : i32
    %dma_wait3A_1028 = tpu.memref_slice %arg13[%dma_wait3A_1027] : memref<32768xf32, #tpu.memory_space<vmem>> -> memref<2048xf32, #tpu.memory_space<vmem>>
    %dma_wait3A_1029 = tpu.memref_slice %arg3[%add3A, %dma_wait3A_1022, %add3A_550] : memref<16x16x16384xf32, #tpu.memory_space<hbm>> -> memref<1x1x2048xf32, #tpu.memory_space<hbm>>
    %dma_wait3A_1030 = tpu.memref_squeeze %dma_wait3A_1029 : memref<1x1x2048xf32, #tpu.memory_space<hbm>> -> memref<2048xf32, #tpu.memory_space<hbm>>
    tpu.wait_dma2 semaphore(%arg25 : memref<!tpu.dma_semaphore, #tpu.memory_space<semaphore_mem>>) src(%dma_wait3A_1030 : memref<2048xf32, #tpu.memory_space<hbm>>) dst(%dma_wait3A_1028 : memref<2048xf32, #tpu.memory_space<vmem>>)
    %dma_wait3A_1031 = arith.constant 15 : i32
    %dma_wait3A_1032 = arith.constant 30720 : i32
    %dma_wait3A_1033 = tpu.memref_slice %arg13[%dma_wait3A_1032] : memref<32768xf32, #tpu.memory_space<vmem>> -> memref<2048xf32, #tpu.memory_space<vmem>>
    %dma_wait3A_1034 = tpu.memref_slice %arg3[%add3A, %dma_wait3A_1031, %add3A_561] : memref<16x16x16384xf32, #tpu.memory_space<hbm>> -> memref<1x1x2048xf32, #tpu.memory_space<hbm>>
    %dma_wait3A_1035 = tpu.memref_squeeze %dma_wait3A_1034 : memref<1x1x2048xf32, #tpu.memory_space<hbm>> -> memref<2048xf32, #tpu.memory_space<hbm>>
    %dma_wait3A_1036 = arith.constant 30720 : i32
    %dma_wait3A_1037 = tpu.memref_slice %arg13[%dma_wait3A_1036] : memref<32768xf32, #tpu.memory_space<vmem>> -> memref<2048xf32, #tpu.memory_space<vmem>>
    %dma_wait3A_1038 = tpu.memref_slice %arg3[%add3A, %dma_wait3A_1031, %add3A_561] : memref<16x16x16384xf32, #tpu.memory_space<hbm>> -> memref<1x1x2048xf32, #tpu.memory_space<hbm>>
    %dma_wait3A_1039 = tpu.memref_squeeze %dma_wait3A_1038 : memref<1x1x2048xf32, #tpu.memory_space<hbm>> -> memref<2048xf32, #tpu.memory_space<hbm>>
    tpu.wait_dma2 semaphore(%arg25 : memref<!tpu.dma_semaphore, #tpu.memory_space<semaphore_mem>>) src(%dma_wait3A_1039 : memref<2048xf32, #tpu.memory_space<hbm>>) dst(%dma_wait3A_1037 : memref<2048xf32, #tpu.memory_space<vmem>>)
    %scan3A_1040 = arith.constant 0 : i32
    %scan3A_1041 = arith.constant 64 : i32
    %scan3A_1042 = arith.addi %scan3A_1040, %scan3A_1041 : i32
    %scan3A_1043 = arith.constant 1 : i32
    %scan3A_1044 = scf.for %scan3A_1823 = %scan3A_1040 to %scan3A_1042 step %scan3A_1043 iter_args(%scan3A_1824 = %scan3A_718) -> (vector<16xf32>)  : i32 {
      %mul3A_1825 = arith.constant 2 : i32
      %mul3A_1826 = arith.muli %scan3A_1823, %mul3A_1825 : i32
      %add3A_1827 = arith.constant 0 : i32
      %add3A_1828 = arith.addi %mul3A_1826, %add3A_1827 : i32
      %mul3A_1829 = arith.constant 16 : i32
      %mul3A_1830 = arith.muli %add3A_1828, %mul3A_1829 : i32
      %add3A_1831 = arith.constant 2048 : i32
      %add3A_1832 = arith.addi %add3A_1831, %mul3A_1830 : i32
      %add3A_1833 = vector.broadcast %mul3A_1830 : i32 to vector<16xi32>
      %add3A_1834 = arith.addi %iota3A, %add3A_1833 : vector<16xi32>
      %get3A_1835 = arith.index_cast %add3A_1832 : i32 to index
      %get3A_1836 = tpu.vector_load %arg10[%get3A_1835] {strides = array<i32>} : memref<8192xi32, #tpu.memory_space<vmem>>, vector<16xi32>,
      %get3A_1837 = arith.index_cast %add3A_1832 : i32 to index
      %get3A_1838 = tpu.vector_load %arg11[%get3A_1837] {strides = array<i32>} : memref<8192xi32, #tpu.memory_space<vmem>>, vector<16xi32>,
      %mul3A_1839 = arith.constant 2048 : i32
      %mul3A_1840 = vector.broadcast %mul3A_1839 : i32 to vector<16xi32>
      %mul3A_1841 = arith.muli %get3A_1836, %mul3A_1840 : vector<16xi32>
      %add3A_1842 = arith.addi %mul3A_1841, %add3A_1834 : vector<16xi32>
      %gather3A = tpu.vector_load_idx %arg13[%add3A_1842] : memref<32768xf32, #tpu.memory_space<vmem>>[vector<16xi32>], vector<16xf32>,
      %get3A_1843 = arith.index_cast %add3A_1832 : i32 to index
      %get3A_1844 = tpu.vector_load %arg7[%get3A_1843] {strides = array<i32>} : memref<8192xf32, #tpu.memory_space<vmem>>, vector<16xf32>,
      %get3A_1845 = arith.index_cast %add3A_1832 : i32 to index
      %get3A_1846 = tpu.vector_load %arg8[%get3A_1845] {strides = array<i32>} : memref<8192xf32, #tpu.memory_space<vmem>>, vector<16xf32>,
      %get3A_1847 = arith.index_cast %add3A_1832 : i32 to index
      %get3A_1848 = tpu.vector_load %arg9[%get3A_1847] {strides = array<i32>} : memref<8192xf32, #tpu.memory_space<vmem>>, vector<16xf32>,
      %add3A_1849 = arith.addi %mul3A_38, %get3A_1838 : vector<16xi32>
      tpu.vector_store_idx %arg14[%add3A_1849], %get3A_1844 {add = true} : memref<256xf32, #tpu.memory_space<vmem>>[vector<16xi32>], vector<16xf32>,
      tpu.vector_store_idx %arg15[%add3A_1849], %get3A_1846 {add = true} : memref<256xf32, #tpu.memory_space<vmem>>[vector<16xi32>], vector<16xf32>,
      tpu.vector_store_idx %arg16[%add3A_1849], %get3A_1848 {add = true} : memref<256xf32, #tpu.memory_space<vmem>>[vector<16xi32>], vector<16xf32>,
      tpu.vector_store_idx %arg17[%add3A_1849], %broadcast_in_dim3A_39 {add = true} : memref<256xf32, #tpu.memory_space<vmem>>[vector<16xi32>], vector<16xf32>,
      %add3A_1850 = arith.addf %scan3A_1824, %gather3A : vector<16xf32>
      %mul3A_1851 = arith.constant 2 : i32
      %mul3A_1852 = arith.muli %scan3A_1823, %mul3A_1851 : i32
      %add3A_1853 = arith.constant 1 : i32
      %add3A_1854 = arith.addi %mul3A_1852, %add3A_1853 : i32
      %mul3A_1855 = arith.constant 16 : i32
      %mul3A_1856 = arith.muli %add3A_1854, %mul3A_1855 : i32
      %add3A_1857 = arith.constant 2048 : i32
      %add3A_1858 = arith.addi %add3A_1857, %mul3A_1856 : i32
      %add3A_1859 = vector.broadcast %mul3A_1856 : i32 to vector<16xi32>
      %add3A_1860 = arith.addi %iota3A, %add3A_1859 : vector<16xi32>
      %get3A_1861 = arith.index_cast %add3A_1858 : i32 to index
      %get3A_1862 = tpu.vector_load %arg10[%get3A_1861] {strides = array<i32>} : memref<8192xi32, #tpu.memory_space<vmem>>, vector<16xi32>,
      %get3A_1863 = arith.index_cast %add3A_1858 : i32 to index
      %get3A_1864 = tpu.vector_load %arg11[%get3A_1863] {strides = array<i32>} : memref<8192xi32, #tpu.memory_space<vmem>>, vector<16xi32>,
      %mul3A_1865 = arith.constant 2048 : i32
      %mul3A_1866 = vector.broadcast %mul3A_1865 : i32 to vector<16xi32>
      %mul3A_1867 = arith.muli %get3A_1862, %mul3A_1866 : vector<16xi32>
      %add3A_1868 = arith.addi %mul3A_1867, %add3A_1860 : vector<16xi32>
      %gather3A_1869 = tpu.vector_load_idx %arg13[%add3A_1868] : memref<32768xf32, #tpu.memory_space<vmem>>[vector<16xi32>], vector<16xf32>,
      %get3A_1870 = arith.index_cast %add3A_1858 : i32 to index
      %get3A_1871 = tpu.vector_load %arg7[%get3A_1870] {strides = array<i32>} : memref<8192xf32, #tpu.memory_space<vmem>>, vector<16xf32>,
      %get3A_1872 = arith.index_cast %add3A_1858 : i32 to index
      %get3A_1873 = tpu.vector_load %arg8[%get3A_1872] {strides = array<i32>} : memref<8192xf32, #tpu.memory_space<vmem>>, vector<16xf32>,
      %get3A_1874 = arith.index_cast %add3A_1858 : i32 to index
      %get3A_1875 = tpu.vector_load %arg9[%get3A_1874] {strides = array<i32>} : memref<8192xf32, #tpu.memory_space<vmem>>, vector<16xf32>,
      %add3A_1876 = arith.addi %mul3A_38, %get3A_1864 : vector<16xi32>
      tpu.vector_store_idx %arg14[%add3A_1876], %get3A_1871 {add = true} : memref<256xf32, #tpu.memory_space<vmem>>[vector<16xi32>], vector<16xf32>,
      tpu.vector_store_idx %arg15[%add3A_1876], %get3A_1873 {add = true} : memref<256xf32, #tpu.memory_space<vmem>>[vector<16xi32>], vector<16xf32>,
      tpu.vector_store_idx %arg16[%add3A_1876], %get3A_1875 {add = true} : memref<256xf32, #tpu.memory_space<vmem>>[vector<16xi32>], vector<16xf32>,
      tpu.vector_store_idx %arg17[%add3A_1876], %broadcast_in_dim3A_39 {add = true} : memref<256xf32, #tpu.memory_space<vmem>>[vector<16xi32>], vector<16xf32>,
      %add3A_1877 = arith.addf %add3A_1850, %gather3A_1869 : vector<16xf32>
      scf.yield %add3A_1877 : vector<16xf32>
    }
    %scan3A_1045 = arith.constant 64 : i32
    %add3A_1046 = arith.constant 6144 : i32
    %add3A_1047 = arith.addi %mul3A_35, %add3A_1046 : i32
    %dma_start3A_1048 = arith.constant 0 : i32
    %dma_start3A_1049 = arith.constant 0 : i32
    %dma_start3A_1050 = tpu.memref_slice %arg13[%dma_start3A_1049] : memref<32768xf32, #tpu.memory_space<vmem>> -> memref<2048xf32, #tpu.memory_space<vmem>>
    %dma_start3A_1051 = tpu.memref_slice %arg3[%add3A, %dma_start3A_1048, %add3A_1047] : memref<16x16x16384xf32, #tpu.memory_space<hbm>> -> memref<1x1x2048xf32, #tpu.memory_space<hbm>>
    %dma_start3A_1052 = tpu.memref_squeeze %dma_start3A_1051 : memref<1x1x2048xf32, #tpu.memory_space<hbm>> -> memref<2048xf32, #tpu.memory_space<hbm>>
    %dma_start3A_1053 = arith.constant 0 : i32
    %dma_start3A_1054 = tpu.memref_slice %arg13[%dma_start3A_1053] : memref<32768xf32, #tpu.memory_space<vmem>> -> memref<2048xf32, #tpu.memory_space<vmem>>
    %dma_start3A_1055 = tpu.memref_slice %arg3[%add3A, %dma_start3A_1048, %add3A_1047] : memref<16x16x16384xf32, #tpu.memory_space<hbm>> -> memref<1x1x2048xf32, #tpu.memory_space<hbm>>
    %dma_start3A_1056 = tpu.memref_squeeze %dma_start3A_1055 : memref<1x1x2048xf32, #tpu.memory_space<hbm>> -> memref<2048xf32, #tpu.memory_space<hbm>>
    tpu.enqueue_dma source(%dma_start3A_1056 : memref<2048xf32, #tpu.memory_space<hbm>>) target(%dma_start3A_1054 : memref<2048xf32, #tpu.memory_space<vmem>>) target_semaphore(%arg25 : memref<!tpu.dma_semaphore, #tpu.memory_space<semaphore_mem>>)
    %add3A_1057 = arith.constant 6144 : i32
    %add3A_1058 = arith.addi %mul3A_35, %add3A_1057 : i32
    %dma_start3A_1059 = arith.constant 1 : i32
    %dma_start3A_1060 = arith.constant 2048 : i32
    %dma_start3A_1061 = tpu.memref_slice %arg13[%dma_start3A_1060] : memref<32768xf32, #tpu.memory_space<vmem>> -> memref<2048xf32, #tpu.memory_space<vmem>>
    %dma_start3A_1062 = tpu.memref_slice %arg3[%add3A, %dma_start3A_1059, %add3A_1058] : memref<16x16x16384xf32, #tpu.memory_space<hbm>> -> memref<1x1x2048xf32, #tpu.memory_space<hbm>>
    %dma_start3A_1063 = tpu.memref_squeeze %dma_start3A_1062 : memref<1x1x2048xf32, #tpu.memory_space<hbm>> -> memref<2048xf32, #tpu.memory_space<hbm>>
    %dma_start3A_1064 = arith.constant 2048 : i32
    %dma_start3A_1065 = tpu.memref_slice %arg13[%dma_start3A_1064] : memref<32768xf32, #tpu.memory_space<vmem>> -> memref<2048xf32, #tpu.memory_space<vmem>>
    %dma_start3A_1066 = tpu.memref_slice %arg3[%add3A, %dma_start3A_1059, %add3A_1058] : memref<16x16x16384xf32, #tpu.memory_space<hbm>> -> memref<1x1x2048xf32, #tpu.memory_space<hbm>>
    %dma_start3A_1067 = tpu.memref_squeeze %dma_start3A_1066 : memref<1x1x2048xf32, #tpu.memory_space<hbm>> -> memref<2048xf32, #tpu.memory_space<hbm>>
    tpu.enqueue_dma source(%dma_start3A_1067 : memref<2048xf32, #tpu.memory_space<hbm>>) target(%dma_start3A_1065 : memref<2048xf32, #tpu.memory_space<vmem>>) target_semaphore(%arg25 : memref<!tpu.dma_semaphore, #tpu.memory_space<semaphore_mem>>)
    %add3A_1068 = arith.constant 6144 : i32
    %add3A_1069 = arith.addi %mul3A_35, %add3A_1068 : i32
    %dma_start3A_1070 = arith.constant 2 : i32
    %dma_start3A_1071 = arith.constant 4096 : i32
    %dma_start3A_1072 = tpu.memref_slice %arg13[%dma_start3A_1071] : memref<32768xf32, #tpu.memory_space<vmem>> -> memref<2048xf32, #tpu.memory_space<vmem>>
    %dma_start3A_1073 = tpu.memref_slice %arg3[%add3A, %dma_start3A_1070, %add3A_1069] : memref<16x16x16384xf32, #tpu.memory_space<hbm>> -> memref<1x1x2048xf32, #tpu.memory_space<hbm>>
    %dma_start3A_1074 = tpu.memref_squeeze %dma_start3A_1073 : memref<1x1x2048xf32, #tpu.memory_space<hbm>> -> memref<2048xf32, #tpu.memory_space<hbm>>
    %dma_start3A_1075 = arith.constant 4096 : i32
    %dma_start3A_1076 = tpu.memref_slice %arg13[%dma_start3A_1075] : memref<32768xf32, #tpu.memory_space<vmem>> -> memref<2048xf32, #tpu.memory_space<vmem>>
    %dma_start3A_1077 = tpu.memref_slice %arg3[%add3A, %dma_start3A_1070, %add3A_1069] : memref<16x16x16384xf32, #tpu.memory_space<hbm>> -> memref<1x1x2048xf32, #tpu.memory_space<hbm>>
    %dma_start3A_1078 = tpu.memref_squeeze %dma_start3A_1077 : memref<1x1x2048xf32, #tpu.memory_space<hbm>> -> memref<2048xf32, #tpu.memory_space<hbm>>
    tpu.enqueue_dma source(%dma_start3A_1078 : memref<2048xf32, #tpu.memory_space<hbm>>) target(%dma_start3A_1076 : memref<2048xf32, #tpu.memory_space<vmem>>) target_semaphore(%arg25 : memref<!tpu.dma_semaphore, #tpu.memory_space<semaphore_mem>>)
    %add3A_1079 = arith.constant 6144 : i32
    %add3A_1080 = arith.addi %mul3A_35, %add3A_1079 : i32
    %dma_start3A_1081 = arith.constant 3 : i32
    %dma_start3A_1082 = arith.constant 6144 : i32
    %dma_start3A_1083 = tpu.memref_slice %arg13[%dma_start3A_1082] : memref<32768xf32, #tpu.memory_space<vmem>> -> memref<2048xf32, #tpu.memory_space<vmem>>
    %dma_start3A_1084 = tpu.memref_slice %arg3[%add3A, %dma_start3A_1081, %add3A_1080] : memref<16x16x16384xf32, #tpu.memory_space<hbm>> -> memref<1x1x2048xf32, #tpu.memory_space<hbm>>
    %dma_start3A_1085 = tpu.memref_squeeze %dma_start3A_1084 : memref<1x1x2048xf32, #tpu.memory_space<hbm>> -> memref<2048xf32, #tpu.memory_space<hbm>>
    %dma_start3A_1086 = arith.constant 6144 : i32
    %dma_start3A_1087 = tpu.memref_slice %arg13[%dma_start3A_1086] : memref<32768xf32, #tpu.memory_space<vmem>> -> memref<2048xf32, #tpu.memory_space<vmem>>
    %dma_start3A_1088 = tpu.memref_slice %arg3[%add3A, %dma_start3A_1081, %add3A_1080] : memref<16x16x16384xf32, #tpu.memory_space<hbm>> -> memref<1x1x2048xf32, #tpu.memory_space<hbm>>
    %dma_start3A_1089 = tpu.memref_squeeze %dma_start3A_1088 : memref<1x1x2048xf32, #tpu.memory_space<hbm>> -> memref<2048xf32, #tpu.memory_space<hbm>>
    tpu.enqueue_dma source(%dma_start3A_1089 : memref<2048xf32, #tpu.memory_space<hbm>>) target(%dma_start3A_1087 : memref<2048xf32, #tpu.memory_space<vmem>>) target_semaphore(%arg25 : memref<!tpu.dma_semaphore, #tpu.memory_space<semaphore_mem>>)
    %add3A_1090 = arith.constant 6144 : i32
    %add3A_1091 = arith.addi %mul3A_35, %add3A_1090 : i32
    %dma_start3A_1092 = arith.constant 4 : i32
    %dma_start3A_1093 = arith.constant 8192 : i32
    %dma_start3A_1094 = tpu.memref_slice %arg13[%dma_start3A_1093] : memref<32768xf32, #tpu.memory_space<vmem>> -> memref<2048xf32, #tpu.memory_space<vmem>>
    %dma_start3A_1095 = tpu.memref_slice %arg3[%add3A, %dma_start3A_1092, %add3A_1091] : memref<16x16x16384xf32, #tpu.memory_space<hbm>> -> memref<1x1x2048xf32, #tpu.memory_space<hbm>>
    %dma_start3A_1096 = tpu.memref_squeeze %dma_start3A_1095 : memref<1x1x2048xf32, #tpu.memory_space<hbm>> -> memref<2048xf32, #tpu.memory_space<hbm>>
    %dma_start3A_1097 = arith.constant 8192 : i32
    %dma_start3A_1098 = tpu.memref_slice %arg13[%dma_start3A_1097] : memref<32768xf32, #tpu.memory_space<vmem>> -> memref<2048xf32, #tpu.memory_space<vmem>>
    %dma_start3A_1099 = tpu.memref_slice %arg3[%add3A, %dma_start3A_1092, %add3A_1091] : memref<16x16x16384xf32, #tpu.memory_space<hbm>> -> memref<1x1x2048xf32, #tpu.memory_space<hbm>>
    %dma_start3A_1100 = tpu.memref_squeeze %dma_start3A_1099 : memref<1x1x2048xf32, #tpu.memory_space<hbm>> -> memref<2048xf32, #tpu.memory_space<hbm>>
    tpu.enqueue_dma source(%dma_start3A_1100 : memref<2048xf32, #tpu.memory_space<hbm>>) target(%dma_start3A_1098 : memref<2048xf32, #tpu.memory_space<vmem>>) target_semaphore(%arg25 : memref<!tpu.dma_semaphore, #tpu.memory_space<semaphore_mem>>)
    %add3A_1101 = arith.constant 6144 : i32
    %add3A_1102 = arith.addi %mul3A_35, %add3A_1101 : i32
    %dma_start3A_1103 = arith.constant 5 : i32
    %dma_start3A_1104 = arith.constant 10240 : i32
    %dma_start3A_1105 = tpu.memref_slice %arg13[%dma_start3A_1104] : memref<32768xf32, #tpu.memory_space<vmem>> -> memref<2048xf32, #tpu.memory_space<vmem>>
    %dma_start3A_1106 = tpu.memref_slice %arg3[%add3A, %dma_start3A_1103, %add3A_1102] : memref<16x16x16384xf32, #tpu.memory_space<hbm>> -> memref<1x1x2048xf32, #tpu.memory_space<hbm>>
    %dma_start3A_1107 = tpu.memref_squeeze %dma_start3A_1106 : memref<1x1x2048xf32, #tpu.memory_space<hbm>> -> memref<2048xf32, #tpu.memory_space<hbm>>
    %dma_start3A_1108 = arith.constant 10240 : i32
    %dma_start3A_1109 = tpu.memref_slice %arg13[%dma_start3A_1108] : memref<32768xf32, #tpu.memory_space<vmem>> -> memref<2048xf32, #tpu.memory_space<vmem>>
    %dma_start3A_1110 = tpu.memref_slice %arg3[%add3A, %dma_start3A_1103, %add3A_1102] : memref<16x16x16384xf32, #tpu.memory_space<hbm>> -> memref<1x1x2048xf32, #tpu.memory_space<hbm>>
    %dma_start3A_1111 = tpu.memref_squeeze %dma_start3A_1110 : memref<1x1x2048xf32, #tpu.memory_space<hbm>> -> memref<2048xf32, #tpu.memory_space<hbm>>
    tpu.enqueue_dma source(%dma_start3A_1111 : memref<2048xf32, #tpu.memory_space<hbm>>) target(%dma_start3A_1109 : memref<2048xf32, #tpu.memory_space<vmem>>) target_semaphore(%arg25 : memref<!tpu.dma_semaphore, #tpu.memory_space<semaphore_mem>>)
    %add3A_1112 = arith.constant 6144 : i32
    %add3A_1113 = arith.addi %mul3A_35, %add3A_1112 : i32
    %dma_start3A_1114 = arith.constant 6 : i32
    %dma_start3A_1115 = arith.constant 12288 : i32
    %dma_start3A_1116 = tpu.memref_slice %arg13[%dma_start3A_1115] : memref<32768xf32, #tpu.memory_space<vmem>> -> memref<2048xf32, #tpu.memory_space<vmem>>
    %dma_start3A_1117 = tpu.memref_slice %arg3[%add3A, %dma_start3A_1114, %add3A_1113] : memref<16x16x16384xf32, #tpu.memory_space<hbm>> -> memref<1x1x2048xf32, #tpu.memory_space<hbm>>
    %dma_start3A_1118 = tpu.memref_squeeze %dma_start3A_1117 : memref<1x1x2048xf32, #tpu.memory_space<hbm>> -> memref<2048xf32, #tpu.memory_space<hbm>>
    %dma_start3A_1119 = arith.constant 12288 : i32
    %dma_start3A_1120 = tpu.memref_slice %arg13[%dma_start3A_1119] : memref<32768xf32, #tpu.memory_space<vmem>> -> memref<2048xf32, #tpu.memory_space<vmem>>
    %dma_start3A_1121 = tpu.memref_slice %arg3[%add3A, %dma_start3A_1114, %add3A_1113] : memref<16x16x16384xf32, #tpu.memory_space<hbm>> -> memref<1x1x2048xf32, #tpu.memory_space<hbm>>
    %dma_start3A_1122 = tpu.memref_squeeze %dma_start3A_1121 : memref<1x1x2048xf32, #tpu.memory_space<hbm>> -> memref<2048xf32, #tpu.memory_space<hbm>>
    tpu.enqueue_dma source(%dma_start3A_1122 : memref<2048xf32, #tpu.memory_space<hbm>>) target(%dma_start3A_1120 : memref<2048xf32, #tpu.memory_space<vmem>>) target_semaphore(%arg25 : memref<!tpu.dma_semaphore, #tpu.memory_space<semaphore_mem>>)
    %add3A_1123 = arith.constant 6144 : i32
    %add3A_1124 = arith.addi %mul3A_35, %add3A_1123 : i32
    %dma_start3A_1125 = arith.constant 7 : i32
    %dma_start3A_1126 = arith.constant 14336 : i32
    %dma_start3A_1127 = tpu.memref_slice %arg13[%dma_start3A_1126] : memref<32768xf32, #tpu.memory_space<vmem>> -> memref<2048xf32, #tpu.memory_space<vmem>>
    %dma_start3A_1128 = tpu.memref_slice %arg3[%add3A, %dma_start3A_1125, %add3A_1124] : memref<16x16x16384xf32, #tpu.memory_space<hbm>> -> memref<1x1x2048xf32, #tpu.memory_space<hbm>>
    %dma_start3A_1129 = tpu.memref_squeeze %dma_start3A_1128 : memref<1x1x2048xf32, #tpu.memory_space<hbm>> -> memref<2048xf32, #tpu.memory_space<hbm>>
    %dma_start3A_1130 = arith.constant 14336 : i32
    %dma_start3A_1131 = tpu.memref_slice %arg13[%dma_start3A_1130] : memref<32768xf32, #tpu.memory_space<vmem>> -> memref<2048xf32, #tpu.memory_space<vmem>>
    %dma_start3A_1132 = tpu.memref_slice %arg3[%add3A, %dma_start3A_1125, %add3A_1124] : memref<16x16x16384xf32, #tpu.memory_space<hbm>> -> memref<1x1x2048xf32, #tpu.memory_space<hbm>>
    %dma_start3A_1133 = tpu.memref_squeeze %dma_start3A_1132 : memref<1x1x2048xf32, #tpu.memory_space<hbm>> -> memref<2048xf32, #tpu.memory_space<hbm>>
    tpu.enqueue_dma source(%dma_start3A_1133 : memref<2048xf32, #tpu.memory_space<hbm>>) target(%dma_start3A_1131 : memref<2048xf32, #tpu.memory_space<vmem>>) target_semaphore(%arg25 : memref<!tpu.dma_semaphore, #tpu.memory_space<semaphore_mem>>)
    %add3A_1134 = arith.constant 6144 : i32
    %add3A_1135 = arith.addi %mul3A_35, %add3A_1134 : i32
    %dma_start3A_1136 = arith.constant 8 : i32
    %dma_start3A_1137 = arith.constant 16384 : i32
    %dma_start3A_1138 = tpu.memref_slice %arg13[%dma_start3A_1137] : memref<32768xf32, #tpu.memory_space<vmem>> -> memref<2048xf32, #tpu.memory_space<vmem>>
    %dma_start3A_1139 = tpu.memref_slice %arg3[%add3A, %dma_start3A_1136, %add3A_1135] : memref<16x16x16384xf32, #tpu.memory_space<hbm>> -> memref<1x1x2048xf32, #tpu.memory_space<hbm>>
    %dma_start3A_1140 = tpu.memref_squeeze %dma_start3A_1139 : memref<1x1x2048xf32, #tpu.memory_space<hbm>> -> memref<2048xf32, #tpu.memory_space<hbm>>
    %dma_start3A_1141 = arith.constant 16384 : i32
    %dma_start3A_1142 = tpu.memref_slice %arg13[%dma_start3A_1141] : memref<32768xf32, #tpu.memory_space<vmem>> -> memref<2048xf32, #tpu.memory_space<vmem>>
    %dma_start3A_1143 = tpu.memref_slice %arg3[%add3A, %dma_start3A_1136, %add3A_1135] : memref<16x16x16384xf32, #tpu.memory_space<hbm>> -> memref<1x1x2048xf32, #tpu.memory_space<hbm>>
    %dma_start3A_1144 = tpu.memref_squeeze %dma_start3A_1143 : memref<1x1x2048xf32, #tpu.memory_space<hbm>> -> memref<2048xf32, #tpu.memory_space<hbm>>
    tpu.enqueue_dma source(%dma_start3A_1144 : memref<2048xf32, #tpu.memory_space<hbm>>) target(%dma_start3A_1142 : memref<2048xf32, #tpu.memory_space<vmem>>) target_semaphore(%arg25 : memref<!tpu.dma_semaphore, #tpu.memory_space<semaphore_mem>>)
    %add3A_1145 = arith.constant 6144 : i32
    %add3A_1146 = arith.addi %mul3A_35, %add3A_1145 : i32
    %dma_start3A_1147 = arith.constant 9 : i32
    %dma_start3A_1148 = arith.constant 18432 : i32
    %dma_start3A_1149 = tpu.memref_slice %arg13[%dma_start3A_1148] : memref<32768xf32, #tpu.memory_space<vmem>> -> memref<2048xf32, #tpu.memory_space<vmem>>
    %dma_start3A_1150 = tpu.memref_slice %arg3[%add3A, %dma_start3A_1147, %add3A_1146] : memref<16x16x16384xf32, #tpu.memory_space<hbm>> -> memref<1x1x2048xf32, #tpu.memory_space<hbm>>
    %dma_start3A_1151 = tpu.memref_squeeze %dma_start3A_1150 : memref<1x1x2048xf32, #tpu.memory_space<hbm>> -> memref<2048xf32, #tpu.memory_space<hbm>>
    %dma_start3A_1152 = arith.constant 18432 : i32
    %dma_start3A_1153 = tpu.memref_slice %arg13[%dma_start3A_1152] : memref<32768xf32, #tpu.memory_space<vmem>> -> memref<2048xf32, #tpu.memory_space<vmem>>
    %dma_start3A_1154 = tpu.memref_slice %arg3[%add3A, %dma_start3A_1147, %add3A_1146] : memref<16x16x16384xf32, #tpu.memory_space<hbm>> -> memref<1x1x2048xf32, #tpu.memory_space<hbm>>
    %dma_start3A_1155 = tpu.memref_squeeze %dma_start3A_1154 : memref<1x1x2048xf32, #tpu.memory_space<hbm>> -> memref<2048xf32, #tpu.memory_space<hbm>>
    tpu.enqueue_dma source(%dma_start3A_1155 : memref<2048xf32, #tpu.memory_space<hbm>>) target(%dma_start3A_1153 : memref<2048xf32, #tpu.memory_space<vmem>>) target_semaphore(%arg25 : memref<!tpu.dma_semaphore, #tpu.memory_space<semaphore_mem>>)
    %add3A_1156 = arith.constant 6144 : i32
    %add3A_1157 = arith.addi %mul3A_35, %add3A_1156 : i32
    %dma_start3A_1158 = arith.constant 10 : i32
    %dma_start3A_1159 = arith.constant 20480 : i32
    %dma_start3A_1160 = tpu.memref_slice %arg13[%dma_start3A_1159] : memref<32768xf32, #tpu.memory_space<vmem>> -> memref<2048xf32, #tpu.memory_space<vmem>>
    %dma_start3A_1161 = tpu.memref_slice %arg3[%add3A, %dma_start3A_1158, %add3A_1157] : memref<16x16x16384xf32, #tpu.memory_space<hbm>> -> memref<1x1x2048xf32, #tpu.memory_space<hbm>>
    %dma_start3A_1162 = tpu.memref_squeeze %dma_start3A_1161 : memref<1x1x2048xf32, #tpu.memory_space<hbm>> -> memref<2048xf32, #tpu.memory_space<hbm>>
    %dma_start3A_1163 = arith.constant 20480 : i32
    %dma_start3A_1164 = tpu.memref_slice %arg13[%dma_start3A_1163] : memref<32768xf32, #tpu.memory_space<vmem>> -> memref<2048xf32, #tpu.memory_space<vmem>>
    %dma_start3A_1165 = tpu.memref_slice %arg3[%add3A, %dma_start3A_1158, %add3A_1157] : memref<16x16x16384xf32, #tpu.memory_space<hbm>> -> memref<1x1x2048xf32, #tpu.memory_space<hbm>>
    %dma_start3A_1166 = tpu.memref_squeeze %dma_start3A_1165 : memref<1x1x2048xf32, #tpu.memory_space<hbm>> -> memref<2048xf32, #tpu.memory_space<hbm>>
    tpu.enqueue_dma source(%dma_start3A_1166 : memref<2048xf32, #tpu.memory_space<hbm>>) target(%dma_start3A_1164 : memref<2048xf32, #tpu.memory_space<vmem>>) target_semaphore(%arg25 : memref<!tpu.dma_semaphore, #tpu.memory_space<semaphore_mem>>)
    %add3A_1167 = arith.constant 6144 : i32
    %add3A_1168 = arith.addi %mul3A_35, %add3A_1167 : i32
    %dma_start3A_1169 = arith.constant 11 : i32
    %dma_start3A_1170 = arith.constant 22528 : i32
    %dma_start3A_1171 = tpu.memref_slice %arg13[%dma_start3A_1170] : memref<32768xf32, #tpu.memory_space<vmem>> -> memref<2048xf32, #tpu.memory_space<vmem>>
    %dma_start3A_1172 = tpu.memref_slice %arg3[%add3A, %dma_start3A_1169, %add3A_1168] : memref<16x16x16384xf32, #tpu.memory_space<hbm>> -> memref<1x1x2048xf32, #tpu.memory_space<hbm>>
    %dma_start3A_1173 = tpu.memref_squeeze %dma_start3A_1172 : memref<1x1x2048xf32, #tpu.memory_space<hbm>> -> memref<2048xf32, #tpu.memory_space<hbm>>
    %dma_start3A_1174 = arith.constant 22528 : i32
    %dma_start3A_1175 = tpu.memref_slice %arg13[%dma_start3A_1174] : memref<32768xf32, #tpu.memory_space<vmem>> -> memref<2048xf32, #tpu.memory_space<vmem>>
    %dma_start3A_1176 = tpu.memref_slice %arg3[%add3A, %dma_start3A_1169, %add3A_1168] : memref<16x16x16384xf32, #tpu.memory_space<hbm>> -> memref<1x1x2048xf32, #tpu.memory_space<hbm>>
    %dma_start3A_1177 = tpu.memref_squeeze %dma_start3A_1176 : memref<1x1x2048xf32, #tpu.memory_space<hbm>> -> memref<2048xf32, #tpu.memory_space<hbm>>
    tpu.enqueue_dma source(%dma_start3A_1177 : memref<2048xf32, #tpu.memory_space<hbm>>) target(%dma_start3A_1175 : memref<2048xf32, #tpu.memory_space<vmem>>) target_semaphore(%arg25 : memref<!tpu.dma_semaphore, #tpu.memory_space<semaphore_mem>>)
    %add3A_1178 = arith.constant 6144 : i32
    %add3A_1179 = arith.addi %mul3A_35, %add3A_1178 : i32
    %dma_start3A_1180 = arith.constant 12 : i32
    %dma_start3A_1181 = arith.constant 24576 : i32
    %dma_start3A_1182 = tpu.memref_slice %arg13[%dma_start3A_1181] : memref<32768xf32, #tpu.memory_space<vmem>> -> memref<2048xf32, #tpu.memory_space<vmem>>
    %dma_start3A_1183 = tpu.memref_slice %arg3[%add3A, %dma_start3A_1180, %add3A_1179] : memref<16x16x16384xf32, #tpu.memory_space<hbm>> -> memref<1x1x2048xf32, #tpu.memory_space<hbm>>
    %dma_start3A_1184 = tpu.memref_squeeze %dma_start3A_1183 : memref<1x1x2048xf32, #tpu.memory_space<hbm>> -> memref<2048xf32, #tpu.memory_space<hbm>>
    %dma_start3A_1185 = arith.constant 24576 : i32
    %dma_start3A_1186 = tpu.memref_slice %arg13[%dma_start3A_1185] : memref<32768xf32, #tpu.memory_space<vmem>> -> memref<2048xf32, #tpu.memory_space<vmem>>
    %dma_start3A_1187 = tpu.memref_slice %arg3[%add3A, %dma_start3A_1180, %add3A_1179] : memref<16x16x16384xf32, #tpu.memory_space<hbm>> -> memref<1x1x2048xf32, #tpu.memory_space<hbm>>
    %dma_start3A_1188 = tpu.memref_squeeze %dma_start3A_1187 : memref<1x1x2048xf32, #tpu.memory_space<hbm>> -> memref<2048xf32, #tpu.memory_space<hbm>>
    tpu.enqueue_dma source(%dma_start3A_1188 : memref<2048xf32, #tpu.memory_space<hbm>>) target(%dma_start3A_1186 : memref<2048xf32, #tpu.memory_space<vmem>>) target_semaphore(%arg25 : memref<!tpu.dma_semaphore, #tpu.memory_space<semaphore_mem>>)
    %add3A_1189 = arith.constant 6144 : i32
    %add3A_1190 = arith.addi %mul3A_35, %add3A_1189 : i32
    %dma_start3A_1191 = arith.constant 13 : i32
    %dma_start3A_1192 = arith.constant 26624 : i32
    %dma_start3A_1193 = tpu.memref_slice %arg13[%dma_start3A_1192] : memref<32768xf32, #tpu.memory_space<vmem>> -> memref<2048xf32, #tpu.memory_space<vmem>>
    %dma_start3A_1194 = tpu.memref_slice %arg3[%add3A, %dma_start3A_1191, %add3A_1190] : memref<16x16x16384xf32, #tpu.memory_space<hbm>> -> memref<1x1x2048xf32, #tpu.memory_space<hbm>>
    %dma_start3A_1195 = tpu.memref_squeeze %dma_start3A_1194 : memref<1x1x2048xf32, #tpu.memory_space<hbm>> -> memref<2048xf32, #tpu.memory_space<hbm>>
    %dma_start3A_1196 = arith.constant 26624 : i32
    %dma_start3A_1197 = tpu.memref_slice %arg13[%dma_start3A_1196] : memref<32768xf32, #tpu.memory_space<vmem>> -> memref<2048xf32, #tpu.memory_space<vmem>>
    %dma_start3A_1198 = tpu.memref_slice %arg3[%add3A, %dma_start3A_1191, %add3A_1190] : memref<16x16x16384xf32, #tpu.memory_space<hbm>> -> memref<1x1x2048xf32, #tpu.memory_space<hbm>>
    %dma_start3A_1199 = tpu.memref_squeeze %dma_start3A_1198 : memref<1x1x2048xf32, #tpu.memory_space<hbm>> -> memref<2048xf32, #tpu.memory_space<hbm>>
    tpu.enqueue_dma source(%dma_start3A_1199 : memref<2048xf32, #tpu.memory_space<hbm>>) target(%dma_start3A_1197 : memref<2048xf32, #tpu.memory_space<vmem>>) target_semaphore(%arg25 : memref<!tpu.dma_semaphore, #tpu.memory_space<semaphore_mem>>)
    %add3A_1200 = arith.constant 6144 : i32
    %add3A_1201 = arith.addi %mul3A_35, %add3A_1200 : i32
    %dma_start3A_1202 = arith.constant 14 : i32
    %dma_start3A_1203 = arith.constant 28672 : i32
    %dma_start3A_1204 = tpu.memref_slice %arg13[%dma_start3A_1203] : memref<32768xf32, #tpu.memory_space<vmem>> -> memref<2048xf32, #tpu.memory_space<vmem>>
    %dma_start3A_1205 = tpu.memref_slice %arg3[%add3A, %dma_start3A_1202, %add3A_1201] : memref<16x16x16384xf32, #tpu.memory_space<hbm>> -> memref<1x1x2048xf32, #tpu.memory_space<hbm>>
    %dma_start3A_1206 = tpu.memref_squeeze %dma_start3A_1205 : memref<1x1x2048xf32, #tpu.memory_space<hbm>> -> memref<2048xf32, #tpu.memory_space<hbm>>
    %dma_start3A_1207 = arith.constant 28672 : i32
    %dma_start3A_1208 = tpu.memref_slice %arg13[%dma_start3A_1207] : memref<32768xf32, #tpu.memory_space<vmem>> -> memref<2048xf32, #tpu.memory_space<vmem>>
    %dma_start3A_1209 = tpu.memref_slice %arg3[%add3A, %dma_start3A_1202, %add3A_1201] : memref<16x16x16384xf32, #tpu.memory_space<hbm>> -> memref<1x1x2048xf32, #tpu.memory_space<hbm>>
    %dma_start3A_1210 = tpu.memref_squeeze %dma_start3A_1209 : memref<1x1x2048xf32, #tpu.memory_space<hbm>> -> memref<2048xf32, #tpu.memory_space<hbm>>
    tpu.enqueue_dma source(%dma_start3A_1210 : memref<2048xf32, #tpu.memory_space<hbm>>) target(%dma_start3A_1208 : memref<2048xf32, #tpu.memory_space<vmem>>) target_semaphore(%arg25 : memref<!tpu.dma_semaphore, #tpu.memory_space<semaphore_mem>>)
    %add3A_1211 = arith.constant 6144 : i32
    %add3A_1212 = arith.addi %mul3A_35, %add3A_1211 : i32
    %dma_start3A_1213 = arith.constant 15 : i32
    %dma_start3A_1214 = arith.constant 30720 : i32
    %dma_start3A_1215 = tpu.memref_slice %arg13[%dma_start3A_1214] : memref<32768xf32, #tpu.memory_space<vmem>> -> memref<2048xf32, #tpu.memory_space<vmem>>
    %dma_start3A_1216 = tpu.memref_slice %arg3[%add3A, %dma_start3A_1213, %add3A_1212] : memref<16x16x16384xf32, #tpu.memory_space<hbm>> -> memref<1x1x2048xf32, #tpu.memory_space<hbm>>
    %dma_start3A_1217 = tpu.memref_squeeze %dma_start3A_1216 : memref<1x1x2048xf32, #tpu.memory_space<hbm>> -> memref<2048xf32, #tpu.memory_space<hbm>>
    %dma_start3A_1218 = arith.constant 30720 : i32
    %dma_start3A_1219 = tpu.memref_slice %arg13[%dma_start3A_1218] : memref<32768xf32, #tpu.memory_space<vmem>> -> memref<2048xf32, #tpu.memory_space<vmem>>
    %dma_start3A_1220 = tpu.memref_slice %arg3[%add3A, %dma_start3A_1213, %add3A_1212] : memref<16x16x16384xf32, #tpu.memory_space<hbm>> -> memref<1x1x2048xf32, #tpu.memory_space<hbm>>
    %dma_start3A_1221 = tpu.memref_squeeze %dma_start3A_1220 : memref<1x1x2048xf32, #tpu.memory_space<hbm>> -> memref<2048xf32, #tpu.memory_space<hbm>>
    tpu.enqueue_dma source(%dma_start3A_1221 : memref<2048xf32, #tpu.memory_space<hbm>>) target(%dma_start3A_1219 : memref<2048xf32, #tpu.memory_space<vmem>>) target_semaphore(%arg25 : memref<!tpu.dma_semaphore, #tpu.memory_space<semaphore_mem>>)
    %dma_wait3A_1222 = arith.constant 0 : i32
    %dma_wait3A_1223 = arith.constant 0 : i32
    %dma_wait3A_1224 = tpu.memref_slice %arg12[%dma_wait3A_1223] : memref<32768xf32, #tpu.memory_space<vmem>> -> memref<2048xf32, #tpu.memory_space<vmem>>
    %dma_wait3A_1225 = tpu.memref_slice %arg3[%add3A, %dma_wait3A_1222, %add3A_721] : memref<16x16x16384xf32, #tpu.memory_space<hbm>> -> memref<1x1x2048xf32, #tpu.memory_space<hbm>>
    %dma_wait3A_1226 = tpu.memref_squeeze %dma_wait3A_1225 : memref<1x1x2048xf32, #tpu.memory_space<hbm>> -> memref<2048xf32, #tpu.memory_space<hbm>>
    %dma_wait3A_1227 = arith.constant 0 : i32
    %dma_wait3A_1228 = tpu.memref_slice %arg12[%dma_wait3A_1227] : memref<32768xf32, #tpu.memory_space<vmem>> -> memref<2048xf32, #tpu.memory_space<vmem>>
    %dma_wait3A_1229 = tpu.memref_slice %arg3[%add3A, %dma_wait3A_1222, %add3A_721] : memref<16x16x16384xf32, #tpu.memory_space<hbm>> -> memref<1x1x2048xf32, #tpu.memory_space<hbm>>
    %dma_wait3A_1230 = tpu.memref_squeeze %dma_wait3A_1229 : memref<1x1x2048xf32, #tpu.memory_space<hbm>> -> memref<2048xf32, #tpu.memory_space<hbm>>
    tpu.wait_dma2 semaphore(%arg24 : memref<!tpu.dma_semaphore, #tpu.memory_space<semaphore_mem>>) src(%dma_wait3A_1230 : memref<2048xf32, #tpu.memory_space<hbm>>) dst(%dma_wait3A_1228 : memref<2048xf32, #tpu.memory_space<vmem>>)
    %dma_wait3A_1231 = arith.constant 1 : i32
    %dma_wait3A_1232 = arith.constant 2048 : i32
    %dma_wait3A_1233 = tpu.memref_slice %arg12[%dma_wait3A_1232] : memref<32768xf32, #tpu.memory_space<vmem>> -> memref<2048xf32, #tpu.memory_space<vmem>>
    %dma_wait3A_1234 = tpu.memref_slice %arg3[%add3A, %dma_wait3A_1231, %add3A_732] : memref<16x16x16384xf32, #tpu.memory_space<hbm>> -> memref<1x1x2048xf32, #tpu.memory_space<hbm>>
    %dma_wait3A_1235 = tpu.memref_squeeze %dma_wait3A_1234 : memref<1x1x2048xf32, #tpu.memory_space<hbm>> -> memref<2048xf32, #tpu.memory_space<hbm>>
    %dma_wait3A_1236 = arith.constant 2048 : i32
    %dma_wait3A_1237 = tpu.memref_slice %arg12[%dma_wait3A_1236] : memref<32768xf32, #tpu.memory_space<vmem>> -> memref<2048xf32, #tpu.memory_space<vmem>>
    %dma_wait3A_1238 = tpu.memref_slice %arg3[%add3A, %dma_wait3A_1231, %add3A_732] : memref<16x16x16384xf32, #tpu.memory_space<hbm>> -> memref<1x1x2048xf32, #tpu.memory_space<hbm>>
    %dma_wait3A_1239 = tpu.memref_squeeze %dma_wait3A_1238 : memref<1x1x2048xf32, #tpu.memory_space<hbm>> -> memref<2048xf32, #tpu.memory_space<hbm>>
    tpu.wait_dma2 semaphore(%arg24 : memref<!tpu.dma_semaphore, #tpu.memory_space<semaphore_mem>>) src(%dma_wait3A_1239 : memref<2048xf32, #tpu.memory_space<hbm>>) dst(%dma_wait3A_1237 : memref<2048xf32, #tpu.memory_space<vmem>>)
    %dma_wait3A_1240 = arith.constant 2 : i32
    %dma_wait3A_1241 = arith.constant 4096 : i32
    %dma_wait3A_1242 = tpu.memref_slice %arg12[%dma_wait3A_1241] : memref<32768xf32, #tpu.memory_space<vmem>> -> memref<2048xf32, #tpu.memory_space<vmem>>
    %dma_wait3A_1243 = tpu.memref_slice %arg3[%add3A, %dma_wait3A_1240, %add3A_743] : memref<16x16x16384xf32, #tpu.memory_space<hbm>> -> memref<1x1x2048xf32, #tpu.memory_space<hbm>>
    %dma_wait3A_1244 = tpu.memref_squeeze %dma_wait3A_1243 : memref<1x1x2048xf32, #tpu.memory_space<hbm>> -> memref<2048xf32, #tpu.memory_space<hbm>>
    %dma_wait3A_1245 = arith.constant 4096 : i32
    %dma_wait3A_1246 = tpu.memref_slice %arg12[%dma_wait3A_1245] : memref<32768xf32, #tpu.memory_space<vmem>> -> memref<2048xf32, #tpu.memory_space<vmem>>
    %dma_wait3A_1247 = tpu.memref_slice %arg3[%add3A, %dma_wait3A_1240, %add3A_743] : memref<16x16x16384xf32, #tpu.memory_space<hbm>> -> memref<1x1x2048xf32, #tpu.memory_space<hbm>>
    %dma_wait3A_1248 = tpu.memref_squeeze %dma_wait3A_1247 : memref<1x1x2048xf32, #tpu.memory_space<hbm>> -> memref<2048xf32, #tpu.memory_space<hbm>>
    tpu.wait_dma2 semaphore(%arg24 : memref<!tpu.dma_semaphore, #tpu.memory_space<semaphore_mem>>) src(%dma_wait3A_1248 : memref<2048xf32, #tpu.memory_space<hbm>>) dst(%dma_wait3A_1246 : memref<2048xf32, #tpu.memory_space<vmem>>)
    %dma_wait3A_1249 = arith.constant 3 : i32
    %dma_wait3A_1250 = arith.constant 6144 : i32
    %dma_wait3A_1251 = tpu.memref_slice %arg12[%dma_wait3A_1250] : memref<32768xf32, #tpu.memory_space<vmem>> -> memref<2048xf32, #tpu.memory_space<vmem>>
    %dma_wait3A_1252 = tpu.memref_slice %arg3[%add3A, %dma_wait3A_1249, %add3A_754] : memref<16x16x16384xf32, #tpu.memory_space<hbm>> -> memref<1x1x2048xf32, #tpu.memory_space<hbm>>
    %dma_wait3A_1253 = tpu.memref_squeeze %dma_wait3A_1252 : memref<1x1x2048xf32, #tpu.memory_space<hbm>> -> memref<2048xf32, #tpu.memory_space<hbm>>
    %dma_wait3A_1254 = arith.constant 6144 : i32
    %dma_wait3A_1255 = tpu.memref_slice %arg12[%dma_wait3A_1254] : memref<32768xf32, #tpu.memory_space<vmem>> -> memref<2048xf32, #tpu.memory_space<vmem>>
    %dma_wait3A_1256 = tpu.memref_slice %arg3[%add3A, %dma_wait3A_1249, %add3A_754] : memref<16x16x16384xf32, #tpu.memory_space<hbm>> -> memref<1x1x2048xf32, #tpu.memory_space<hbm>>
    %dma_wait3A_1257 = tpu.memref_squeeze %dma_wait3A_1256 : memref<1x1x2048xf32, #tpu.memory_space<hbm>> -> memref<2048xf32, #tpu.memory_space<hbm>>
    tpu.wait_dma2 semaphore(%arg24 : memref<!tpu.dma_semaphore, #tpu.memory_space<semaphore_mem>>) src(%dma_wait3A_1257 : memref<2048xf32, #tpu.memory_space<hbm>>) dst(%dma_wait3A_1255 : memref<2048xf32, #tpu.memory_space<vmem>>)
    %dma_wait3A_1258 = arith.constant 4 : i32
    %dma_wait3A_1259 = arith.constant 8192 : i32
    %dma_wait3A_1260 = tpu.memref_slice %arg12[%dma_wait3A_1259] : memref<32768xf32, #tpu.memory_space<vmem>> -> memref<2048xf32, #tpu.memory_space<vmem>>
    %dma_wait3A_1261 = tpu.memref_slice %arg3[%add3A, %dma_wait3A_1258, %add3A_765] : memref<16x16x16384xf32, #tpu.memory_space<hbm>> -> memref<1x1x2048xf32, #tpu.memory_space<hbm>>
    %dma_wait3A_1262 = tpu.memref_squeeze %dma_wait3A_1261 : memref<1x1x2048xf32, #tpu.memory_space<hbm>> -> memref<2048xf32, #tpu.memory_space<hbm>>
    %dma_wait3A_1263 = arith.constant 8192 : i32
    %dma_wait3A_1264 = tpu.memref_slice %arg12[%dma_wait3A_1263] : memref<32768xf32, #tpu.memory_space<vmem>> -> memref<2048xf32, #tpu.memory_space<vmem>>
    %dma_wait3A_1265 = tpu.memref_slice %arg3[%add3A, %dma_wait3A_1258, %add3A_765] : memref<16x16x16384xf32, #tpu.memory_space<hbm>> -> memref<1x1x2048xf32, #tpu.memory_space<hbm>>
    %dma_wait3A_1266 = tpu.memref_squeeze %dma_wait3A_1265 : memref<1x1x2048xf32, #tpu.memory_space<hbm>> -> memref<2048xf32, #tpu.memory_space<hbm>>
    tpu.wait_dma2 semaphore(%arg24 : memref<!tpu.dma_semaphore, #tpu.memory_space<semaphore_mem>>) src(%dma_wait3A_1266 : memref<2048xf32, #tpu.memory_space<hbm>>) dst(%dma_wait3A_1264 : memref<2048xf32, #tpu.memory_space<vmem>>)
    %dma_wait3A_1267 = arith.constant 5 : i32
    %dma_wait3A_1268 = arith.constant 10240 : i32
    %dma_wait3A_1269 = tpu.memref_slice %arg12[%dma_wait3A_1268] : memref<32768xf32, #tpu.memory_space<vmem>> -> memref<2048xf32, #tpu.memory_space<vmem>>
    %dma_wait3A_1270 = tpu.memref_slice %arg3[%add3A, %dma_wait3A_1267, %add3A_776] : memref<16x16x16384xf32, #tpu.memory_space<hbm>> -> memref<1x1x2048xf32, #tpu.memory_space<hbm>>
    %dma_wait3A_1271 = tpu.memref_squeeze %dma_wait3A_1270 : memref<1x1x2048xf32, #tpu.memory_space<hbm>> -> memref<2048xf32, #tpu.memory_space<hbm>>
    %dma_wait3A_1272 = arith.constant 10240 : i32
    %dma_wait3A_1273 = tpu.memref_slice %arg12[%dma_wait3A_1272] : memref<32768xf32, #tpu.memory_space<vmem>> -> memref<2048xf32, #tpu.memory_space<vmem>>
    %dma_wait3A_1274 = tpu.memref_slice %arg3[%add3A, %dma_wait3A_1267, %add3A_776] : memref<16x16x16384xf32, #tpu.memory_space<hbm>> -> memref<1x1x2048xf32, #tpu.memory_space<hbm>>
    %dma_wait3A_1275 = tpu.memref_squeeze %dma_wait3A_1274 : memref<1x1x2048xf32, #tpu.memory_space<hbm>> -> memref<2048xf32, #tpu.memory_space<hbm>>
    tpu.wait_dma2 semaphore(%arg24 : memref<!tpu.dma_semaphore, #tpu.memory_space<semaphore_mem>>) src(%dma_wait3A_1275 : memref<2048xf32, #tpu.memory_space<hbm>>) dst(%dma_wait3A_1273 : memref<2048xf32, #tpu.memory_space<vmem>>)
    %dma_wait3A_1276 = arith.constant 6 : i32
    %dma_wait3A_1277 = arith.constant 12288 : i32
    %dma_wait3A_1278 = tpu.memref_slice %arg12[%dma_wait3A_1277] : memref<32768xf32, #tpu.memory_space<vmem>> -> memref<2048xf32, #tpu.memory_space<vmem>>
    %dma_wait3A_1279 = tpu.memref_slice %arg3[%add3A, %dma_wait3A_1276, %add3A_787] : memref<16x16x16384xf32, #tpu.memory_space<hbm>> -> memref<1x1x2048xf32, #tpu.memory_space<hbm>>
    %dma_wait3A_1280 = tpu.memref_squeeze %dma_wait3A_1279 : memref<1x1x2048xf32, #tpu.memory_space<hbm>> -> memref<2048xf32, #tpu.memory_space<hbm>>
    %dma_wait3A_1281 = arith.constant 12288 : i32
    %dma_wait3A_1282 = tpu.memref_slice %arg12[%dma_wait3A_1281] : memref<32768xf32, #tpu.memory_space<vmem>> -> memref<2048xf32, #tpu.memory_space<vmem>>
    %dma_wait3A_1283 = tpu.memref_slice %arg3[%add3A, %dma_wait3A_1276, %add3A_787] : memref<16x16x16384xf32, #tpu.memory_space<hbm>> -> memref<1x1x2048xf32, #tpu.memory_space<hbm>>
    %dma_wait3A_1284 = tpu.memref_squeeze %dma_wait3A_1283 : memref<1x1x2048xf32, #tpu.memory_space<hbm>> -> memref<2048xf32, #tpu.memory_space<hbm>>
    tpu.wait_dma2 semaphore(%arg24 : memref<!tpu.dma_semaphore, #tpu.memory_space<semaphore_mem>>) src(%dma_wait3A_1284 : memref<2048xf32, #tpu.memory_space<hbm>>) dst(%dma_wait3A_1282 : memref<2048xf32, #tpu.memory_space<vmem>>)
    %dma_wait3A_1285 = arith.constant 7 : i32
    %dma_wait3A_1286 = arith.constant 14336 : i32
    %dma_wait3A_1287 = tpu.memref_slice %arg12[%dma_wait3A_1286] : memref<32768xf32, #tpu.memory_space<vmem>> -> memref<2048xf32, #tpu.memory_space<vmem>>
    %dma_wait3A_1288 = tpu.memref_slice %arg3[%add3A, %dma_wait3A_1285, %add3A_798] : memref<16x16x16384xf32, #tpu.memory_space<hbm>> -> memref<1x1x2048xf32, #tpu.memory_space<hbm>>
    %dma_wait3A_1289 = tpu.memref_squeeze %dma_wait3A_1288 : memref<1x1x2048xf32, #tpu.memory_space<hbm>> -> memref<2048xf32, #tpu.memory_space<hbm>>
    %dma_wait3A_1290 = arith.constant 14336 : i32
    %dma_wait3A_1291 = tpu.memref_slice %arg12[%dma_wait3A_1290] : memref<32768xf32, #tpu.memory_space<vmem>> -> memref<2048xf32, #tpu.memory_space<vmem>>
    %dma_wait3A_1292 = tpu.memref_slice %arg3[%add3A, %dma_wait3A_1285, %add3A_798] : memref<16x16x16384xf32, #tpu.memory_space<hbm>> -> memref<1x1x2048xf32, #tpu.memory_space<hbm>>
    %dma_wait3A_1293 = tpu.memref_squeeze %dma_wait3A_1292 : memref<1x1x2048xf32, #tpu.memory_space<hbm>> -> memref<2048xf32, #tpu.memory_space<hbm>>
    tpu.wait_dma2 semaphore(%arg24 : memref<!tpu.dma_semaphore, #tpu.memory_space<semaphore_mem>>) src(%dma_wait3A_1293 : memref<2048xf32, #tpu.memory_space<hbm>>) dst(%dma_wait3A_1291 : memref<2048xf32, #tpu.memory_space<vmem>>)
    %dma_wait3A_1294 = arith.constant 8 : i32
    %dma_wait3A_1295 = arith.constant 16384 : i32
    %dma_wait3A_1296 = tpu.memref_slice %arg12[%dma_wait3A_1295] : memref<32768xf32, #tpu.memory_space<vmem>> -> memref<2048xf32, #tpu.memory_space<vmem>>
    %dma_wait3A_1297 = tpu.memref_slice %arg3[%add3A, %dma_wait3A_1294, %add3A_809] : memref<16x16x16384xf32, #tpu.memory_space<hbm>> -> memref<1x1x2048xf32, #tpu.memory_space<hbm>>
    %dma_wait3A_1298 = tpu.memref_squeeze %dma_wait3A_1297 : memref<1x1x2048xf32, #tpu.memory_space<hbm>> -> memref<2048xf32, #tpu.memory_space<hbm>>
    %dma_wait3A_1299 = arith.constant 16384 : i32
    %dma_wait3A_1300 = tpu.memref_slice %arg12[%dma_wait3A_1299] : memref<32768xf32, #tpu.memory_space<vmem>> -> memref<2048xf32, #tpu.memory_space<vmem>>
    %dma_wait3A_1301 = tpu.memref_slice %arg3[%add3A, %dma_wait3A_1294, %add3A_809] : memref<16x16x16384xf32, #tpu.memory_space<hbm>> -> memref<1x1x2048xf32, #tpu.memory_space<hbm>>
    %dma_wait3A_1302 = tpu.memref_squeeze %dma_wait3A_1301 : memref<1x1x2048xf32, #tpu.memory_space<hbm>> -> memref<2048xf32, #tpu.memory_space<hbm>>
    tpu.wait_dma2 semaphore(%arg24 : memref<!tpu.dma_semaphore, #tpu.memory_space<semaphore_mem>>) src(%dma_wait3A_1302 : memref<2048xf32, #tpu.memory_space<hbm>>) dst(%dma_wait3A_1300 : memref<2048xf32, #tpu.memory_space<vmem>>)
    %dma_wait3A_1303 = arith.constant 9 : i32
    %dma_wait3A_1304 = arith.constant 18432 : i32
    %dma_wait3A_1305 = tpu.memref_slice %arg12[%dma_wait3A_1304] : memref<32768xf32, #tpu.memory_space<vmem>> -> memref<2048xf32, #tpu.memory_space<vmem>>
    %dma_wait3A_1306 = tpu.memref_slice %arg3[%add3A, %dma_wait3A_1303, %add3A_820] : memref<16x16x16384xf32, #tpu.memory_space<hbm>> -> memref<1x1x2048xf32, #tpu.memory_space<hbm>>
    %dma_wait3A_1307 = tpu.memref_squeeze %dma_wait3A_1306 : memref<1x1x2048xf32, #tpu.memory_space<hbm>> -> memref<2048xf32, #tpu.memory_space<hbm>>
    %dma_wait3A_1308 = arith.constant 18432 : i32
    %dma_wait3A_1309 = tpu.memref_slice %arg12[%dma_wait3A_1308] : memref<32768xf32, #tpu.memory_space<vmem>> -> memref<2048xf32, #tpu.memory_space<vmem>>
    %dma_wait3A_1310 = tpu.memref_slice %arg3[%add3A, %dma_wait3A_1303, %add3A_820] : memref<16x16x16384xf32, #tpu.memory_space<hbm>> -> memref<1x1x2048xf32, #tpu.memory_space<hbm>>
    %dma_wait3A_1311 = tpu.memref_squeeze %dma_wait3A_1310 : memref<1x1x2048xf32, #tpu.memory_space<hbm>> -> memref<2048xf32, #tpu.memory_space<hbm>>
    tpu.wait_dma2 semaphore(%arg24 : memref<!tpu.dma_semaphore, #tpu.memory_space<semaphore_mem>>) src(%dma_wait3A_1311 : memref<2048xf32, #tpu.memory_space<hbm>>) dst(%dma_wait3A_1309 : memref<2048xf32, #tpu.memory_space<vmem>>)
    %dma_wait3A_1312 = arith.constant 10 : i32
    %dma_wait3A_1313 = arith.constant 20480 : i32
    %dma_wait3A_1314 = tpu.memref_slice %arg12[%dma_wait3A_1313] : memref<32768xf32, #tpu.memory_space<vmem>> -> memref<2048xf32, #tpu.memory_space<vmem>>
    %dma_wait3A_1315 = tpu.memref_slice %arg3[%add3A, %dma_wait3A_1312, %add3A_831] : memref<16x16x16384xf32, #tpu.memory_space<hbm>> -> memref<1x1x2048xf32, #tpu.memory_space<hbm>>
    %dma_wait3A_1316 = tpu.memref_squeeze %dma_wait3A_1315 : memref<1x1x2048xf32, #tpu.memory_space<hbm>> -> memref<2048xf32, #tpu.memory_space<hbm>>
    %dma_wait3A_1317 = arith.constant 20480 : i32
    %dma_wait3A_1318 = tpu.memref_slice %arg12[%dma_wait3A_1317] : memref<32768xf32, #tpu.memory_space<vmem>> -> memref<2048xf32, #tpu.memory_space<vmem>>
    %dma_wait3A_1319 = tpu.memref_slice %arg3[%add3A, %dma_wait3A_1312, %add3A_831] : memref<16x16x16384xf32, #tpu.memory_space<hbm>> -> memref<1x1x2048xf32, #tpu.memory_space<hbm>>
    %dma_wait3A_1320 = tpu.memref_squeeze %dma_wait3A_1319 : memref<1x1x2048xf32, #tpu.memory_space<hbm>> -> memref<2048xf32, #tpu.memory_space<hbm>>
    tpu.wait_dma2 semaphore(%arg24 : memref<!tpu.dma_semaphore, #tpu.memory_space<semaphore_mem>>) src(%dma_wait3A_1320 : memref<2048xf32, #tpu.memory_space<hbm>>) dst(%dma_wait3A_1318 : memref<2048xf32, #tpu.memory_space<vmem>>)
    %dma_wait3A_1321 = arith.constant 11 : i32
    %dma_wait3A_1322 = arith.constant 22528 : i32
    %dma_wait3A_1323 = tpu.memref_slice %arg12[%dma_wait3A_1322] : memref<32768xf32, #tpu.memory_space<vmem>> -> memref<2048xf32, #tpu.memory_space<vmem>>
    %dma_wait3A_1324 = tpu.memref_slice %arg3[%add3A, %dma_wait3A_1321, %add3A_842] : memref<16x16x16384xf32, #tpu.memory_space<hbm>> -> memref<1x1x2048xf32, #tpu.memory_space<hbm>>
    %dma_wait3A_1325 = tpu.memref_squeeze %dma_wait3A_1324 : memref<1x1x2048xf32, #tpu.memory_space<hbm>> -> memref<2048xf32, #tpu.memory_space<hbm>>
    %dma_wait3A_1326 = arith.constant 22528 : i32
    %dma_wait3A_1327 = tpu.memref_slice %arg12[%dma_wait3A_1326] : memref<32768xf32, #tpu.memory_space<vmem>> -> memref<2048xf32, #tpu.memory_space<vmem>>
    %dma_wait3A_1328 = tpu.memref_slice %arg3[%add3A, %dma_wait3A_1321, %add3A_842] : memref<16x16x16384xf32, #tpu.memory_space<hbm>> -> memref<1x1x2048xf32, #tpu.memory_space<hbm>>
    %dma_wait3A_1329 = tpu.memref_squeeze %dma_wait3A_1328 : memref<1x1x2048xf32, #tpu.memory_space<hbm>> -> memref<2048xf32, #tpu.memory_space<hbm>>
    tpu.wait_dma2 semaphore(%arg24 : memref<!tpu.dma_semaphore, #tpu.memory_space<semaphore_mem>>) src(%dma_wait3A_1329 : memref<2048xf32, #tpu.memory_space<hbm>>) dst(%dma_wait3A_1327 : memref<2048xf32, #tpu.memory_space<vmem>>)
    %dma_wait3A_1330 = arith.constant 12 : i32
    %dma_wait3A_1331 = arith.constant 24576 : i32
    %dma_wait3A_1332 = tpu.memref_slice %arg12[%dma_wait3A_1331] : memref<32768xf32, #tpu.memory_space<vmem>> -> memref<2048xf32, #tpu.memory_space<vmem>>
    %dma_wait3A_1333 = tpu.memref_slice %arg3[%add3A, %dma_wait3A_1330, %add3A_853] : memref<16x16x16384xf32, #tpu.memory_space<hbm>> -> memref<1x1x2048xf32, #tpu.memory_space<hbm>>
    %dma_wait3A_1334 = tpu.memref_squeeze %dma_wait3A_1333 : memref<1x1x2048xf32, #tpu.memory_space<hbm>> -> memref<2048xf32, #tpu.memory_space<hbm>>
    %dma_wait3A_1335 = arith.constant 24576 : i32
    %dma_wait3A_1336 = tpu.memref_slice %arg12[%dma_wait3A_1335] : memref<32768xf32, #tpu.memory_space<vmem>> -> memref<2048xf32, #tpu.memory_space<vmem>>
    %dma_wait3A_1337 = tpu.memref_slice %arg3[%add3A, %dma_wait3A_1330, %add3A_853] : memref<16x16x16384xf32, #tpu.memory_space<hbm>> -> memref<1x1x2048xf32, #tpu.memory_space<hbm>>
    %dma_wait3A_1338 = tpu.memref_squeeze %dma_wait3A_1337 : memref<1x1x2048xf32, #tpu.memory_space<hbm>> -> memref<2048xf32, #tpu.memory_space<hbm>>
    tpu.wait_dma2 semaphore(%arg24 : memref<!tpu.dma_semaphore, #tpu.memory_space<semaphore_mem>>) src(%dma_wait3A_1338 : memref<2048xf32, #tpu.memory_space<hbm>>) dst(%dma_wait3A_1336 : memref<2048xf32, #tpu.memory_space<vmem>>)
    %dma_wait3A_1339 = arith.constant 13 : i32
    %dma_wait3A_1340 = arith.constant 26624 : i32
    %dma_wait3A_1341 = tpu.memref_slice %arg12[%dma_wait3A_1340] : memref<32768xf32, #tpu.memory_space<vmem>> -> memref<2048xf32, #tpu.memory_space<vmem>>
    %dma_wait3A_1342 = tpu.memref_slice %arg3[%add3A, %dma_wait3A_1339, %add3A_864] : memref<16x16x16384xf32, #tpu.memory_space<hbm>> -> memref<1x1x2048xf32, #tpu.memory_space<hbm>>
    %dma_wait3A_1343 = tpu.memref_squeeze %dma_wait3A_1342 : memref<1x1x2048xf32, #tpu.memory_space<hbm>> -> memref<2048xf32, #tpu.memory_space<hbm>>
    %dma_wait3A_1344 = arith.constant 26624 : i32
    %dma_wait3A_1345 = tpu.memref_slice %arg12[%dma_wait3A_1344] : memref<32768xf32, #tpu.memory_space<vmem>> -> memref<2048xf32, #tpu.memory_space<vmem>>
    %dma_wait3A_1346 = tpu.memref_slice %arg3[%add3A, %dma_wait3A_1339, %add3A_864] : memref<16x16x16384xf32, #tpu.memory_space<hbm>> -> memref<1x1x2048xf32, #tpu.memory_space<hbm>>
    %dma_wait3A_1347 = tpu.memref_squeeze %dma_wait3A_1346 : memref<1x1x2048xf32, #tpu.memory_space<hbm>> -> memref<2048xf32, #tpu.memory_space<hbm>>
    tpu.wait_dma2 semaphore(%arg24 : memref<!tpu.dma_semaphore, #tpu.memory_space<semaphore_mem>>) src(%dma_wait3A_1347 : memref<2048xf32, #tpu.memory_space<hbm>>) dst(%dma_wait3A_1345 : memref<2048xf32, #tpu.memory_space<vmem>>)
    %dma_wait3A_1348 = arith.constant 14 : i32
    %dma_wait3A_1349 = arith.constant 28672 : i32
    %dma_wait3A_1350 = tpu.memref_slice %arg12[%dma_wait3A_1349] : memref<32768xf32, #tpu.memory_space<vmem>> -> memref<2048xf32, #tpu.memory_space<vmem>>
    %dma_wait3A_1351 = tpu.memref_slice %arg3[%add3A, %dma_wait3A_1348, %add3A_875] : memref<16x16x16384xf32, #tpu.memory_space<hbm>> -> memref<1x1x2048xf32, #tpu.memory_space<hbm>>
    %dma_wait3A_1352 = tpu.memref_squeeze %dma_wait3A_1351 : memref<1x1x2048xf32, #tpu.memory_space<hbm>> -> memref<2048xf32, #tpu.memory_space<hbm>>
    %dma_wait3A_1353 = arith.constant 28672 : i32
    %dma_wait3A_1354 = tpu.memref_slice %arg12[%dma_wait3A_1353] : memref<32768xf32, #tpu.memory_space<vmem>> -> memref<2048xf32, #tpu.memory_space<vmem>>
    %dma_wait3A_1355 = tpu.memref_slice %arg3[%add3A, %dma_wait3A_1348, %add3A_875] : memref<16x16x16384xf32, #tpu.memory_space<hbm>> -> memref<1x1x2048xf32, #tpu.memory_space<hbm>>
    %dma_wait3A_1356 = tpu.memref_squeeze %dma_wait3A_1355 : memref<1x1x2048xf32, #tpu.memory_space<hbm>> -> memref<2048xf32, #tpu.memory_space<hbm>>
    tpu.wait_dma2 semaphore(%arg24 : memref<!tpu.dma_semaphore, #tpu.memory_space<semaphore_mem>>) src(%dma_wait3A_1356 : memref<2048xf32, #tpu.memory_space<hbm>>) dst(%dma_wait3A_1354 : memref<2048xf32, #tpu.memory_space<vmem>>)
    %dma_wait3A_1357 = arith.constant 15 : i32
    %dma_wait3A_1358 = arith.constant 30720 : i32
    %dma_wait3A_1359 = tpu.memref_slice %arg12[%dma_wait3A_1358] : memref<32768xf32, #tpu.memory_space<vmem>> -> memref<2048xf32, #tpu.memory_space<vmem>>
    %dma_wait3A_1360 = tpu.memref_slice %arg3[%add3A, %dma_wait3A_1357, %add3A_886] : memref<16x16x16384xf32, #tpu.memory_space<hbm>> -> memref<1x1x2048xf32, #tpu.memory_space<hbm>>
    %dma_wait3A_1361 = tpu.memref_squeeze %dma_wait3A_1360 : memref<1x1x2048xf32, #tpu.memory_space<hbm>> -> memref<2048xf32, #tpu.memory_space<hbm>>
    %dma_wait3A_1362 = arith.constant 30720 : i32
    %dma_wait3A_1363 = tpu.memref_slice %arg12[%dma_wait3A_1362] : memref<32768xf32, #tpu.memory_space<vmem>> -> memref<2048xf32, #tpu.memory_space<vmem>>
    %dma_wait3A_1364 = tpu.memref_slice %arg3[%add3A, %dma_wait3A_1357, %add3A_886] : memref<16x16x16384xf32, #tpu.memory_space<hbm>> -> memref<1x1x2048xf32, #tpu.memory_space<hbm>>
    %dma_wait3A_1365 = tpu.memref_squeeze %dma_wait3A_1364 : memref<1x1x2048xf32, #tpu.memory_space<hbm>> -> memref<2048xf32, #tpu.memory_space<hbm>>
    tpu.wait_dma2 semaphore(%arg24 : memref<!tpu.dma_semaphore, #tpu.memory_space<semaphore_mem>>) src(%dma_wait3A_1365 : memref<2048xf32, #tpu.memory_space<hbm>>) dst(%dma_wait3A_1363 : memref<2048xf32, #tpu.memory_space<vmem>>)
    %scan3A_1366 = arith.constant 0 : i32
    %scan3A_1367 = arith.constant 64 : i32
    %scan3A_1368 = arith.addi %scan3A_1366, %scan3A_1367 : i32
    %scan3A_1369 = arith.constant 1 : i32
    %scan3A_1370 = scf.for %scan3A_1823 = %scan3A_1366 to %scan3A_1368 step %scan3A_1369 iter_args(%scan3A_1824 = %scan3A_1044) -> (vector<16xf32>)  : i32 {
      %mul3A_1825 = arith.constant 2 : i32
      %mul3A_1826 = arith.muli %scan3A_1823, %mul3A_1825 : i32
      %add3A_1827 = arith.constant 0 : i32
      %add3A_1828 = arith.addi %mul3A_1826, %add3A_1827 : i32
      %mul3A_1829 = arith.constant 16 : i32
      %mul3A_1830 = arith.muli %add3A_1828, %mul3A_1829 : i32
      %add3A_1831 = arith.constant 4096 : i32
      %add3A_1832 = arith.addi %add3A_1831, %mul3A_1830 : i32
      %add3A_1833 = vector.broadcast %mul3A_1830 : i32 to vector<16xi32>
      %add3A_1834 = arith.addi %iota3A, %add3A_1833 : vector<16xi32>
      %get3A_1835 = arith.index_cast %add3A_1832 : i32 to index
      %get3A_1836 = tpu.vector_load %arg10[%get3A_1835] {strides = array<i32>} : memref<8192xi32, #tpu.memory_space<vmem>>, vector<16xi32>,
      %get3A_1837 = arith.index_cast %add3A_1832 : i32 to index
      %get3A_1838 = tpu.vector_load %arg11[%get3A_1837] {strides = array<i32>} : memref<8192xi32, #tpu.memory_space<vmem>>, vector<16xi32>,
      %mul3A_1839 = arith.constant 2048 : i32
      %mul3A_1840 = vector.broadcast %mul3A_1839 : i32 to vector<16xi32>
      %mul3A_1841 = arith.muli %get3A_1836, %mul3A_1840 : vector<16xi32>
      %add3A_1842 = arith.addi %mul3A_1841, %add3A_1834 : vector<16xi32>
      %gather3A = tpu.vector_load_idx %arg12[%add3A_1842] : memref<32768xf32, #tpu.memory_space<vmem>>[vector<16xi32>], vector<16xf32>,
      %get3A_1843 = arith.index_cast %add3A_1832 : i32 to index
      %get3A_1844 = tpu.vector_load %arg7[%get3A_1843] {strides = array<i32>} : memref<8192xf32, #tpu.memory_space<vmem>>, vector<16xf32>,
      %get3A_1845 = arith.index_cast %add3A_1832 : i32 to index
      %get3A_1846 = tpu.vector_load %arg8[%get3A_1845] {strides = array<i32>} : memref<8192xf32, #tpu.memory_space<vmem>>, vector<16xf32>,
      %get3A_1847 = arith.index_cast %add3A_1832 : i32 to index
      %get3A_1848 = tpu.vector_load %arg9[%get3A_1847] {strides = array<i32>} : memref<8192xf32, #tpu.memory_space<vmem>>, vector<16xf32>,
      %add3A_1849 = arith.addi %mul3A_38, %get3A_1838 : vector<16xi32>
      tpu.vector_store_idx %arg14[%add3A_1849], %get3A_1844 {add = true} : memref<256xf32, #tpu.memory_space<vmem>>[vector<16xi32>], vector<16xf32>,
      tpu.vector_store_idx %arg15[%add3A_1849], %get3A_1846 {add = true} : memref<256xf32, #tpu.memory_space<vmem>>[vector<16xi32>], vector<16xf32>,
      tpu.vector_store_idx %arg16[%add3A_1849], %get3A_1848 {add = true} : memref<256xf32, #tpu.memory_space<vmem>>[vector<16xi32>], vector<16xf32>,
      tpu.vector_store_idx %arg17[%add3A_1849], %broadcast_in_dim3A_39 {add = true} : memref<256xf32, #tpu.memory_space<vmem>>[vector<16xi32>], vector<16xf32>,
      %add3A_1850 = arith.addf %scan3A_1824, %gather3A : vector<16xf32>
      %mul3A_1851 = arith.constant 2 : i32
      %mul3A_1852 = arith.muli %scan3A_1823, %mul3A_1851 : i32
      %add3A_1853 = arith.constant 1 : i32
      %add3A_1854 = arith.addi %mul3A_1852, %add3A_1853 : i32
      %mul3A_1855 = arith.constant 16 : i32
      %mul3A_1856 = arith.muli %add3A_1854, %mul3A_1855 : i32
      %add3A_1857 = arith.constant 4096 : i32
      %add3A_1858 = arith.addi %add3A_1857, %mul3A_1856 : i32
      %add3A_1859 = vector.broadcast %mul3A_1856 : i32 to vector<16xi32>
      %add3A_1860 = arith.addi %iota3A, %add3A_1859 : vector<16xi32>
      %get3A_1861 = arith.index_cast %add3A_1858 : i32 to index
      %get3A_1862 = tpu.vector_load %arg10[%get3A_1861] {strides = array<i32>} : memref<8192xi32, #tpu.memory_space<vmem>>, vector<16xi32>,
      %get3A_1863 = arith.index_cast %add3A_1858 : i32 to index
      %get3A_1864 = tpu.vector_load %arg11[%get3A_1863] {strides = array<i32>} : memref<8192xi32, #tpu.memory_space<vmem>>, vector<16xi32>,
      %mul3A_1865 = arith.constant 2048 : i32
      %mul3A_1866 = vector.broadcast %mul3A_1865 : i32 to vector<16xi32>
      %mul3A_1867 = arith.muli %get3A_1862, %mul3A_1866 : vector<16xi32>
      %add3A_1868 = arith.addi %mul3A_1867, %add3A_1860 : vector<16xi32>
      %gather3A_1869 = tpu.vector_load_idx %arg12[%add3A_1868] : memref<32768xf32, #tpu.memory_space<vmem>>[vector<16xi32>], vector<16xf32>,
      %get3A_1870 = arith.index_cast %add3A_1858 : i32 to index
      %get3A_1871 = tpu.vector_load %arg7[%get3A_1870] {strides = array<i32>} : memref<8192xf32, #tpu.memory_space<vmem>>, vector<16xf32>,
      %get3A_1872 = arith.index_cast %add3A_1858 : i32 to index
      %get3A_1873 = tpu.vector_load %arg8[%get3A_1872] {strides = array<i32>} : memref<8192xf32, #tpu.memory_space<vmem>>, vector<16xf32>,
      %get3A_1874 = arith.index_cast %add3A_1858 : i32 to index
      %get3A_1875 = tpu.vector_load %arg9[%get3A_1874] {strides = array<i32>} : memref<8192xf32, #tpu.memory_space<vmem>>, vector<16xf32>,
      %add3A_1876 = arith.addi %mul3A_38, %get3A_1864 : vector<16xi32>
      tpu.vector_store_idx %arg14[%add3A_1876], %get3A_1871 {add = true} : memref<256xf32, #tpu.memory_space<vmem>>[vector<16xi32>], vector<16xf32>,
      tpu.vector_store_idx %arg15[%add3A_1876], %get3A_1873 {add = true} : memref<256xf32, #tpu.memory_space<vmem>>[vector<16xi32>], vector<16xf32>,
      tpu.vector_store_idx %arg16[%add3A_1876], %get3A_1875 {add = true} : memref<256xf32, #tpu.memory_space<vmem>>[vector<16xi32>], vector<16xf32>,
      tpu.vector_store_idx %arg17[%add3A_1876], %broadcast_in_dim3A_39 {add = true} : memref<256xf32, #tpu.memory_space<vmem>>[vector<16xi32>], vector<16xf32>,
      %add3A_1877 = arith.addf %add3A_1850, %gather3A_1869 : vector<16xf32>
      scf.yield %add3A_1877 : vector<16xf32>
    }
    %scan3A_1371 = arith.constant 64 : i32
    %dma_wait3A_1372 = arith.constant 0 : i32
    %dma_wait3A_1373 = arith.constant 0 : i32
    %dma_wait3A_1374 = tpu.memref_slice %arg13[%dma_wait3A_1373] : memref<32768xf32, #tpu.memory_space<vmem>> -> memref<2048xf32, #tpu.memory_space<vmem>>
    %dma_wait3A_1375 = tpu.memref_slice %arg3[%add3A, %dma_wait3A_1372, %add3A_1047] : memref<16x16x16384xf32, #tpu.memory_space<hbm>> -> memref<1x1x2048xf32, #tpu.memory_space<hbm>>
    %dma_wait3A_1376 = tpu.memref_squeeze %dma_wait3A_1375 : memref<1x1x2048xf32, #tpu.memory_space<hbm>> -> memref<2048xf32, #tpu.memory_space<hbm>>
    %dma_wait3A_1377 = arith.constant 0 : i32
    %dma_wait3A_1378 = tpu.memref_slice %arg13[%dma_wait3A_1377] : memref<32768xf32, #tpu.memory_space<vmem>> -> memref<2048xf32, #tpu.memory_space<vmem>>
    %dma_wait3A_1379 = tpu.memref_slice %arg3[%add3A, %dma_wait3A_1372, %add3A_1047] : memref<16x16x16384xf32, #tpu.memory_space<hbm>> -> memref<1x1x2048xf32, #tpu.memory_space<hbm>>
    %dma_wait3A_1380 = tpu.memref_squeeze %dma_wait3A_1379 : memref<1x1x2048xf32, #tpu.memory_space<hbm>> -> memref<2048xf32, #tpu.memory_space<hbm>>
    tpu.wait_dma2 semaphore(%arg25 : memref<!tpu.dma_semaphore, #tpu.memory_space<semaphore_mem>>) src(%dma_wait3A_1380 : memref<2048xf32, #tpu.memory_space<hbm>>) dst(%dma_wait3A_1378 : memref<2048xf32, #tpu.memory_space<vmem>>)
    %dma_wait3A_1381 = arith.constant 1 : i32
    %dma_wait3A_1382 = arith.constant 2048 : i32
    %dma_wait3A_1383 = tpu.memref_slice %arg13[%dma_wait3A_1382] : memref<32768xf32, #tpu.memory_space<vmem>> -> memref<2048xf32, #tpu.memory_space<vmem>>
    %dma_wait3A_1384 = tpu.memref_slice %arg3[%add3A, %dma_wait3A_1381, %add3A_1058] : memref<16x16x16384xf32, #tpu.memory_space<hbm>> -> memref<1x1x2048xf32, #tpu.memory_space<hbm>>
    %dma_wait3A_1385 = tpu.memref_squeeze %dma_wait3A_1384 : memref<1x1x2048xf32, #tpu.memory_space<hbm>> -> memref<2048xf32, #tpu.memory_space<hbm>>
    %dma_wait3A_1386 = arith.constant 2048 : i32
    %dma_wait3A_1387 = tpu.memref_slice %arg13[%dma_wait3A_1386] : memref<32768xf32, #tpu.memory_space<vmem>> -> memref<2048xf32, #tpu.memory_space<vmem>>
    %dma_wait3A_1388 = tpu.memref_slice %arg3[%add3A, %dma_wait3A_1381, %add3A_1058] : memref<16x16x16384xf32, #tpu.memory_space<hbm>> -> memref<1x1x2048xf32, #tpu.memory_space<hbm>>
    %dma_wait3A_1389 = tpu.memref_squeeze %dma_wait3A_1388 : memref<1x1x2048xf32, #tpu.memory_space<hbm>> -> memref<2048xf32, #tpu.memory_space<hbm>>
    tpu.wait_dma2 semaphore(%arg25 : memref<!tpu.dma_semaphore, #tpu.memory_space<semaphore_mem>>) src(%dma_wait3A_1389 : memref<2048xf32, #tpu.memory_space<hbm>>) dst(%dma_wait3A_1387 : memref<2048xf32, #tpu.memory_space<vmem>>)
    %dma_wait3A_1390 = arith.constant 2 : i32
    %dma_wait3A_1391 = arith.constant 4096 : i32
    %dma_wait3A_1392 = tpu.memref_slice %arg13[%dma_wait3A_1391] : memref<32768xf32, #tpu.memory_space<vmem>> -> memref<2048xf32, #tpu.memory_space<vmem>>
    %dma_wait3A_1393 = tpu.memref_slice %arg3[%add3A, %dma_wait3A_1390, %add3A_1069] : memref<16x16x16384xf32, #tpu.memory_space<hbm>> -> memref<1x1x2048xf32, #tpu.memory_space<hbm>>
    %dma_wait3A_1394 = tpu.memref_squeeze %dma_wait3A_1393 : memref<1x1x2048xf32, #tpu.memory_space<hbm>> -> memref<2048xf32, #tpu.memory_space<hbm>>
    %dma_wait3A_1395 = arith.constant 4096 : i32
    %dma_wait3A_1396 = tpu.memref_slice %arg13[%dma_wait3A_1395] : memref<32768xf32, #tpu.memory_space<vmem>> -> memref<2048xf32, #tpu.memory_space<vmem>>
    %dma_wait3A_1397 = tpu.memref_slice %arg3[%add3A, %dma_wait3A_1390, %add3A_1069] : memref<16x16x16384xf32, #tpu.memory_space<hbm>> -> memref<1x1x2048xf32, #tpu.memory_space<hbm>>
    %dma_wait3A_1398 = tpu.memref_squeeze %dma_wait3A_1397 : memref<1x1x2048xf32, #tpu.memory_space<hbm>> -> memref<2048xf32, #tpu.memory_space<hbm>>
    tpu.wait_dma2 semaphore(%arg25 : memref<!tpu.dma_semaphore, #tpu.memory_space<semaphore_mem>>) src(%dma_wait3A_1398 : memref<2048xf32, #tpu.memory_space<hbm>>) dst(%dma_wait3A_1396 : memref<2048xf32, #tpu.memory_space<vmem>>)
    %dma_wait3A_1399 = arith.constant 3 : i32
    %dma_wait3A_1400 = arith.constant 6144 : i32
    %dma_wait3A_1401 = tpu.memref_slice %arg13[%dma_wait3A_1400] : memref<32768xf32, #tpu.memory_space<vmem>> -> memref<2048xf32, #tpu.memory_space<vmem>>
    %dma_wait3A_1402 = tpu.memref_slice %arg3[%add3A, %dma_wait3A_1399, %add3A_1080] : memref<16x16x16384xf32, #tpu.memory_space<hbm>> -> memref<1x1x2048xf32, #tpu.memory_space<hbm>>
    %dma_wait3A_1403 = tpu.memref_squeeze %dma_wait3A_1402 : memref<1x1x2048xf32, #tpu.memory_space<hbm>> -> memref<2048xf32, #tpu.memory_space<hbm>>
    %dma_wait3A_1404 = arith.constant 6144 : i32
    %dma_wait3A_1405 = tpu.memref_slice %arg13[%dma_wait3A_1404] : memref<32768xf32, #tpu.memory_space<vmem>> -> memref<2048xf32, #tpu.memory_space<vmem>>
    %dma_wait3A_1406 = tpu.memref_slice %arg3[%add3A, %dma_wait3A_1399, %add3A_1080] : memref<16x16x16384xf32, #tpu.memory_space<hbm>> -> memref<1x1x2048xf32, #tpu.memory_space<hbm>>
    %dma_wait3A_1407 = tpu.memref_squeeze %dma_wait3A_1406 : memref<1x1x2048xf32, #tpu.memory_space<hbm>> -> memref<2048xf32, #tpu.memory_space<hbm>>
    tpu.wait_dma2 semaphore(%arg25 : memref<!tpu.dma_semaphore, #tpu.memory_space<semaphore_mem>>) src(%dma_wait3A_1407 : memref<2048xf32, #tpu.memory_space<hbm>>) dst(%dma_wait3A_1405 : memref<2048xf32, #tpu.memory_space<vmem>>)
    %dma_wait3A_1408 = arith.constant 4 : i32
    %dma_wait3A_1409 = arith.constant 8192 : i32
    %dma_wait3A_1410 = tpu.memref_slice %arg13[%dma_wait3A_1409] : memref<32768xf32, #tpu.memory_space<vmem>> -> memref<2048xf32, #tpu.memory_space<vmem>>
    %dma_wait3A_1411 = tpu.memref_slice %arg3[%add3A, %dma_wait3A_1408, %add3A_1091] : memref<16x16x16384xf32, #tpu.memory_space<hbm>> -> memref<1x1x2048xf32, #tpu.memory_space<hbm>>
    %dma_wait3A_1412 = tpu.memref_squeeze %dma_wait3A_1411 : memref<1x1x2048xf32, #tpu.memory_space<hbm>> -> memref<2048xf32, #tpu.memory_space<hbm>>
    %dma_wait3A_1413 = arith.constant 8192 : i32
    %dma_wait3A_1414 = tpu.memref_slice %arg13[%dma_wait3A_1413] : memref<32768xf32, #tpu.memory_space<vmem>> -> memref<2048xf32, #tpu.memory_space<vmem>>
    %dma_wait3A_1415 = tpu.memref_slice %arg3[%add3A, %dma_wait3A_1408, %add3A_1091] : memref<16x16x16384xf32, #tpu.memory_space<hbm>> -> memref<1x1x2048xf32, #tpu.memory_space<hbm>>
    %dma_wait3A_1416 = tpu.memref_squeeze %dma_wait3A_1415 : memref<1x1x2048xf32, #tpu.memory_space<hbm>> -> memref<2048xf32, #tpu.memory_space<hbm>>
    tpu.wait_dma2 semaphore(%arg25 : memref<!tpu.dma_semaphore, #tpu.memory_space<semaphore_mem>>) src(%dma_wait3A_1416 : memref<2048xf32, #tpu.memory_space<hbm>>) dst(%dma_wait3A_1414 : memref<2048xf32, #tpu.memory_space<vmem>>)
    %dma_wait3A_1417 = arith.constant 5 : i32
    %dma_wait3A_1418 = arith.constant 10240 : i32
    %dma_wait3A_1419 = tpu.memref_slice %arg13[%dma_wait3A_1418] : memref<32768xf32, #tpu.memory_space<vmem>> -> memref<2048xf32, #tpu.memory_space<vmem>>
    %dma_wait3A_1420 = tpu.memref_slice %arg3[%add3A, %dma_wait3A_1417, %add3A_1102] : memref<16x16x16384xf32, #tpu.memory_space<hbm>> -> memref<1x1x2048xf32, #tpu.memory_space<hbm>>
    %dma_wait3A_1421 = tpu.memref_squeeze %dma_wait3A_1420 : memref<1x1x2048xf32, #tpu.memory_space<hbm>> -> memref<2048xf32, #tpu.memory_space<hbm>>
    %dma_wait3A_1422 = arith.constant 10240 : i32
    %dma_wait3A_1423 = tpu.memref_slice %arg13[%dma_wait3A_1422] : memref<32768xf32, #tpu.memory_space<vmem>> -> memref<2048xf32, #tpu.memory_space<vmem>>
    %dma_wait3A_1424 = tpu.memref_slice %arg3[%add3A, %dma_wait3A_1417, %add3A_1102] : memref<16x16x16384xf32, #tpu.memory_space<hbm>> -> memref<1x1x2048xf32, #tpu.memory_space<hbm>>
    %dma_wait3A_1425 = tpu.memref_squeeze %dma_wait3A_1424 : memref<1x1x2048xf32, #tpu.memory_space<hbm>> -> memref<2048xf32, #tpu.memory_space<hbm>>
    tpu.wait_dma2 semaphore(%arg25 : memref<!tpu.dma_semaphore, #tpu.memory_space<semaphore_mem>>) src(%dma_wait3A_1425 : memref<2048xf32, #tpu.memory_space<hbm>>) dst(%dma_wait3A_1423 : memref<2048xf32, #tpu.memory_space<vmem>>)
    %dma_wait3A_1426 = arith.constant 6 : i32
    %dma_wait3A_1427 = arith.constant 12288 : i32
    %dma_wait3A_1428 = tpu.memref_slice %arg13[%dma_wait3A_1427] : memref<32768xf32, #tpu.memory_space<vmem>> -> memref<2048xf32, #tpu.memory_space<vmem>>
    %dma_wait3A_1429 = tpu.memref_slice %arg3[%add3A, %dma_wait3A_1426, %add3A_1113] : memref<16x16x16384xf32, #tpu.memory_space<hbm>> -> memref<1x1x2048xf32, #tpu.memory_space<hbm>>
    %dma_wait3A_1430 = tpu.memref_squeeze %dma_wait3A_1429 : memref<1x1x2048xf32, #tpu.memory_space<hbm>> -> memref<2048xf32, #tpu.memory_space<hbm>>
    %dma_wait3A_1431 = arith.constant 12288 : i32
    %dma_wait3A_1432 = tpu.memref_slice %arg13[%dma_wait3A_1431] : memref<32768xf32, #tpu.memory_space<vmem>> -> memref<2048xf32, #tpu.memory_space<vmem>>
    %dma_wait3A_1433 = tpu.memref_slice %arg3[%add3A, %dma_wait3A_1426, %add3A_1113] : memref<16x16x16384xf32, #tpu.memory_space<hbm>> -> memref<1x1x2048xf32, #tpu.memory_space<hbm>>
    %dma_wait3A_1434 = tpu.memref_squeeze %dma_wait3A_1433 : memref<1x1x2048xf32, #tpu.memory_space<hbm>> -> memref<2048xf32, #tpu.memory_space<hbm>>
    tpu.wait_dma2 semaphore(%arg25 : memref<!tpu.dma_semaphore, #tpu.memory_space<semaphore_mem>>) src(%dma_wait3A_1434 : memref<2048xf32, #tpu.memory_space<hbm>>) dst(%dma_wait3A_1432 : memref<2048xf32, #tpu.memory_space<vmem>>)
    %dma_wait3A_1435 = arith.constant 7 : i32
    %dma_wait3A_1436 = arith.constant 14336 : i32
    %dma_wait3A_1437 = tpu.memref_slice %arg13[%dma_wait3A_1436] : memref<32768xf32, #tpu.memory_space<vmem>> -> memref<2048xf32, #tpu.memory_space<vmem>>
    %dma_wait3A_1438 = tpu.memref_slice %arg3[%add3A, %dma_wait3A_1435, %add3A_1124] : memref<16x16x16384xf32, #tpu.memory_space<hbm>> -> memref<1x1x2048xf32, #tpu.memory_space<hbm>>
    %dma_wait3A_1439 = tpu.memref_squeeze %dma_wait3A_1438 : memref<1x1x2048xf32, #tpu.memory_space<hbm>> -> memref<2048xf32, #tpu.memory_space<hbm>>
    %dma_wait3A_1440 = arith.constant 14336 : i32
    %dma_wait3A_1441 = tpu.memref_slice %arg13[%dma_wait3A_1440] : memref<32768xf32, #tpu.memory_space<vmem>> -> memref<2048xf32, #tpu.memory_space<vmem>>
    %dma_wait3A_1442 = tpu.memref_slice %arg3[%add3A, %dma_wait3A_1435, %add3A_1124] : memref<16x16x16384xf32, #tpu.memory_space<hbm>> -> memref<1x1x2048xf32, #tpu.memory_space<hbm>>
    %dma_wait3A_1443 = tpu.memref_squeeze %dma_wait3A_1442 : memref<1x1x2048xf32, #tpu.memory_space<hbm>> -> memref<2048xf32, #tpu.memory_space<hbm>>
    tpu.wait_dma2 semaphore(%arg25 : memref<!tpu.dma_semaphore, #tpu.memory_space<semaphore_mem>>) src(%dma_wait3A_1443 : memref<2048xf32, #tpu.memory_space<hbm>>) dst(%dma_wait3A_1441 : memref<2048xf32, #tpu.memory_space<vmem>>)
    %dma_wait3A_1444 = arith.constant 8 : i32
    %dma_wait3A_1445 = arith.constant 16384 : i32
    %dma_wait3A_1446 = tpu.memref_slice %arg13[%dma_wait3A_1445] : memref<32768xf32, #tpu.memory_space<vmem>> -> memref<2048xf32, #tpu.memory_space<vmem>>
    %dma_wait3A_1447 = tpu.memref_slice %arg3[%add3A, %dma_wait3A_1444, %add3A_1135] : memref<16x16x16384xf32, #tpu.memory_space<hbm>> -> memref<1x1x2048xf32, #tpu.memory_space<hbm>>
    %dma_wait3A_1448 = tpu.memref_squeeze %dma_wait3A_1447 : memref<1x1x2048xf32, #tpu.memory_space<hbm>> -> memref<2048xf32, #tpu.memory_space<hbm>>
    %dma_wait3A_1449 = arith.constant 16384 : i32
    %dma_wait3A_1450 = tpu.memref_slice %arg13[%dma_wait3A_1449] : memref<32768xf32, #tpu.memory_space<vmem>> -> memref<2048xf32, #tpu.memory_space<vmem>>
    %dma_wait3A_1451 = tpu.memref_slice %arg3[%add3A, %dma_wait3A_1444, %add3A_1135] : memref<16x16x16384xf32, #tpu.memory_space<hbm>> -> memref<1x1x2048xf32, #tpu.memory_space<hbm>>
    %dma_wait3A_1452 = tpu.memref_squeeze %dma_wait3A_1451 : memref<1x1x2048xf32, #tpu.memory_space<hbm>> -> memref<2048xf32, #tpu.memory_space<hbm>>
    tpu.wait_dma2 semaphore(%arg25 : memref<!tpu.dma_semaphore, #tpu.memory_space<semaphore_mem>>) src(%dma_wait3A_1452 : memref<2048xf32, #tpu.memory_space<hbm>>) dst(%dma_wait3A_1450 : memref<2048xf32, #tpu.memory_space<vmem>>)
    %dma_wait3A_1453 = arith.constant 9 : i32
    %dma_wait3A_1454 = arith.constant 18432 : i32
    %dma_wait3A_1455 = tpu.memref_slice %arg13[%dma_wait3A_1454] : memref<32768xf32, #tpu.memory_space<vmem>> -> memref<2048xf32, #tpu.memory_space<vmem>>
    %dma_wait3A_1456 = tpu.memref_slice %arg3[%add3A, %dma_wait3A_1453, %add3A_1146] : memref<16x16x16384xf32, #tpu.memory_space<hbm>> -> memref<1x1x2048xf32, #tpu.memory_space<hbm>>
    %dma_wait3A_1457 = tpu.memref_squeeze %dma_wait3A_1456 : memref<1x1x2048xf32, #tpu.memory_space<hbm>> -> memref<2048xf32, #tpu.memory_space<hbm>>
    %dma_wait3A_1458 = arith.constant 18432 : i32
    %dma_wait3A_1459 = tpu.memref_slice %arg13[%dma_wait3A_1458] : memref<32768xf32, #tpu.memory_space<vmem>> -> memref<2048xf32, #tpu.memory_space<vmem>>
    %dma_wait3A_1460 = tpu.memref_slice %arg3[%add3A, %dma_wait3A_1453, %add3A_1146] : memref<16x16x16384xf32, #tpu.memory_space<hbm>> -> memref<1x1x2048xf32, #tpu.memory_space<hbm>>
    %dma_wait3A_1461 = tpu.memref_squeeze %dma_wait3A_1460 : memref<1x1x2048xf32, #tpu.memory_space<hbm>> -> memref<2048xf32, #tpu.memory_space<hbm>>
    tpu.wait_dma2 semaphore(%arg25 : memref<!tpu.dma_semaphore, #tpu.memory_space<semaphore_mem>>) src(%dma_wait3A_1461 : memref<2048xf32, #tpu.memory_space<hbm>>) dst(%dma_wait3A_1459 : memref<2048xf32, #tpu.memory_space<vmem>>)
    %dma_wait3A_1462 = arith.constant 10 : i32
    %dma_wait3A_1463 = arith.constant 20480 : i32
    %dma_wait3A_1464 = tpu.memref_slice %arg13[%dma_wait3A_1463] : memref<32768xf32, #tpu.memory_space<vmem>> -> memref<2048xf32, #tpu.memory_space<vmem>>
    %dma_wait3A_1465 = tpu.memref_slice %arg3[%add3A, %dma_wait3A_1462, %add3A_1157] : memref<16x16x16384xf32, #tpu.memory_space<hbm>> -> memref<1x1x2048xf32, #tpu.memory_space<hbm>>
    %dma_wait3A_1466 = tpu.memref_squeeze %dma_wait3A_1465 : memref<1x1x2048xf32, #tpu.memory_space<hbm>> -> memref<2048xf32, #tpu.memory_space<hbm>>
    %dma_wait3A_1467 = arith.constant 20480 : i32
    %dma_wait3A_1468 = tpu.memref_slice %arg13[%dma_wait3A_1467] : memref<32768xf32, #tpu.memory_space<vmem>> -> memref<2048xf32, #tpu.memory_space<vmem>>
    %dma_wait3A_1469 = tpu.memref_slice %arg3[%add3A, %dma_wait3A_1462, %add3A_1157] : memref<16x16x16384xf32, #tpu.memory_space<hbm>> -> memref<1x1x2048xf32, #tpu.memory_space<hbm>>
    %dma_wait3A_1470 = tpu.memref_squeeze %dma_wait3A_1469 : memref<1x1x2048xf32, #tpu.memory_space<hbm>> -> memref<2048xf32, #tpu.memory_space<hbm>>
    tpu.wait_dma2 semaphore(%arg25 : memref<!tpu.dma_semaphore, #tpu.memory_space<semaphore_mem>>) src(%dma_wait3A_1470 : memref<2048xf32, #tpu.memory_space<hbm>>) dst(%dma_wait3A_1468 : memref<2048xf32, #tpu.memory_space<vmem>>)
    %dma_wait3A_1471 = arith.constant 11 : i32
    %dma_wait3A_1472 = arith.constant 22528 : i32
    %dma_wait3A_1473 = tpu.memref_slice %arg13[%dma_wait3A_1472] : memref<32768xf32, #tpu.memory_space<vmem>> -> memref<2048xf32, #tpu.memory_space<vmem>>
    %dma_wait3A_1474 = tpu.memref_slice %arg3[%add3A, %dma_wait3A_1471, %add3A_1168] : memref<16x16x16384xf32, #tpu.memory_space<hbm>> -> memref<1x1x2048xf32, #tpu.memory_space<hbm>>
    %dma_wait3A_1475 = tpu.memref_squeeze %dma_wait3A_1474 : memref<1x1x2048xf32, #tpu.memory_space<hbm>> -> memref<2048xf32, #tpu.memory_space<hbm>>
    %dma_wait3A_1476 = arith.constant 22528 : i32
    %dma_wait3A_1477 = tpu.memref_slice %arg13[%dma_wait3A_1476] : memref<32768xf32, #tpu.memory_space<vmem>> -> memref<2048xf32, #tpu.memory_space<vmem>>
    %dma_wait3A_1478 = tpu.memref_slice %arg3[%add3A, %dma_wait3A_1471, %add3A_1168] : memref<16x16x16384xf32, #tpu.memory_space<hbm>> -> memref<1x1x2048xf32, #tpu.memory_space<hbm>>
    %dma_wait3A_1479 = tpu.memref_squeeze %dma_wait3A_1478 : memref<1x1x2048xf32, #tpu.memory_space<hbm>> -> memref<2048xf32, #tpu.memory_space<hbm>>
    tpu.wait_dma2 semaphore(%arg25 : memref<!tpu.dma_semaphore, #tpu.memory_space<semaphore_mem>>) src(%dma_wait3A_1479 : memref<2048xf32, #tpu.memory_space<hbm>>) dst(%dma_wait3A_1477 : memref<2048xf32, #tpu.memory_space<vmem>>)
    %dma_wait3A_1480 = arith.constant 12 : i32
    %dma_wait3A_1481 = arith.constant 24576 : i32
    %dma_wait3A_1482 = tpu.memref_slice %arg13[%dma_wait3A_1481] : memref<32768xf32, #tpu.memory_space<vmem>> -> memref<2048xf32, #tpu.memory_space<vmem>>
    %dma_wait3A_1483 = tpu.memref_slice %arg3[%add3A, %dma_wait3A_1480, %add3A_1179] : memref<16x16x16384xf32, #tpu.memory_space<hbm>> -> memref<1x1x2048xf32, #tpu.memory_space<hbm>>
    %dma_wait3A_1484 = tpu.memref_squeeze %dma_wait3A_1483 : memref<1x1x2048xf32, #tpu.memory_space<hbm>> -> memref<2048xf32, #tpu.memory_space<hbm>>
    %dma_wait3A_1485 = arith.constant 24576 : i32
    %dma_wait3A_1486 = tpu.memref_slice %arg13[%dma_wait3A_1485] : memref<32768xf32, #tpu.memory_space<vmem>> -> memref<2048xf32, #tpu.memory_space<vmem>>
    %dma_wait3A_1487 = tpu.memref_slice %arg3[%add3A, %dma_wait3A_1480, %add3A_1179] : memref<16x16x16384xf32, #tpu.memory_space<hbm>> -> memref<1x1x2048xf32, #tpu.memory_space<hbm>>
    %dma_wait3A_1488 = tpu.memref_squeeze %dma_wait3A_1487 : memref<1x1x2048xf32, #tpu.memory_space<hbm>> -> memref<2048xf32, #tpu.memory_space<hbm>>
    tpu.wait_dma2 semaphore(%arg25 : memref<!tpu.dma_semaphore, #tpu.memory_space<semaphore_mem>>) src(%dma_wait3A_1488 : memref<2048xf32, #tpu.memory_space<hbm>>) dst(%dma_wait3A_1486 : memref<2048xf32, #tpu.memory_space<vmem>>)
    %dma_wait3A_1489 = arith.constant 13 : i32
    %dma_wait3A_1490 = arith.constant 26624 : i32
    %dma_wait3A_1491 = tpu.memref_slice %arg13[%dma_wait3A_1490] : memref<32768xf32, #tpu.memory_space<vmem>> -> memref<2048xf32, #tpu.memory_space<vmem>>
    %dma_wait3A_1492 = tpu.memref_slice %arg3[%add3A, %dma_wait3A_1489, %add3A_1190] : memref<16x16x16384xf32, #tpu.memory_space<hbm>> -> memref<1x1x2048xf32, #tpu.memory_space<hbm>>
    %dma_wait3A_1493 = tpu.memref_squeeze %dma_wait3A_1492 : memref<1x1x2048xf32, #tpu.memory_space<hbm>> -> memref<2048xf32, #tpu.memory_space<hbm>>
    %dma_wait3A_1494 = arith.constant 26624 : i32
    %dma_wait3A_1495 = tpu.memref_slice %arg13[%dma_wait3A_1494] : memref<32768xf32, #tpu.memory_space<vmem>> -> memref<2048xf32, #tpu.memory_space<vmem>>
    %dma_wait3A_1496 = tpu.memref_slice %arg3[%add3A, %dma_wait3A_1489, %add3A_1190] : memref<16x16x16384xf32, #tpu.memory_space<hbm>> -> memref<1x1x2048xf32, #tpu.memory_space<hbm>>
    %dma_wait3A_1497 = tpu.memref_squeeze %dma_wait3A_1496 : memref<1x1x2048xf32, #tpu.memory_space<hbm>> -> memref<2048xf32, #tpu.memory_space<hbm>>
    tpu.wait_dma2 semaphore(%arg25 : memref<!tpu.dma_semaphore, #tpu.memory_space<semaphore_mem>>) src(%dma_wait3A_1497 : memref<2048xf32, #tpu.memory_space<hbm>>) dst(%dma_wait3A_1495 : memref<2048xf32, #tpu.memory_space<vmem>>)
    %dma_wait3A_1498 = arith.constant 14 : i32
    %dma_wait3A_1499 = arith.constant 28672 : i32
    %dma_wait3A_1500 = tpu.memref_slice %arg13[%dma_wait3A_1499] : memref<32768xf32, #tpu.memory_space<vmem>> -> memref<2048xf32, #tpu.memory_space<vmem>>
    %dma_wait3A_1501 = tpu.memref_slice %arg3[%add3A, %dma_wait3A_1498, %add3A_1201] : memref<16x16x16384xf32, #tpu.memory_space<hbm>> -> memref<1x1x2048xf32, #tpu.memory_space<hbm>>
    %dma_wait3A_1502 = tpu.memref_squeeze %dma_wait3A_1501 : memref<1x1x2048xf32, #tpu.memory_space<hbm>> -> memref<2048xf32, #tpu.memory_space<hbm>>
    %dma_wait3A_1503 = arith.constant 28672 : i32
    %dma_wait3A_1504 = tpu.memref_slice %arg13[%dma_wait3A_1503] : memref<32768xf32, #tpu.memory_space<vmem>> -> memref<2048xf32, #tpu.memory_space<vmem>>
    %dma_wait3A_1505 = tpu.memref_slice %arg3[%add3A, %dma_wait3A_1498, %add3A_1201] : memref<16x16x16384xf32, #tpu.memory_space<hbm>> -> memref<1x1x2048xf32, #tpu.memory_space<hbm>>
    %dma_wait3A_1506 = tpu.memref_squeeze %dma_wait3A_1505 : memref<1x1x2048xf32, #tpu.memory_space<hbm>> -> memref<2048xf32, #tpu.memory_space<hbm>>
    tpu.wait_dma2 semaphore(%arg25 : memref<!tpu.dma_semaphore, #tpu.memory_space<semaphore_mem>>) src(%dma_wait3A_1506 : memref<2048xf32, #tpu.memory_space<hbm>>) dst(%dma_wait3A_1504 : memref<2048xf32, #tpu.memory_space<vmem>>)
    %dma_wait3A_1507 = arith.constant 15 : i32
    %dma_wait3A_1508 = arith.constant 30720 : i32
    %dma_wait3A_1509 = tpu.memref_slice %arg13[%dma_wait3A_1508] : memref<32768xf32, #tpu.memory_space<vmem>> -> memref<2048xf32, #tpu.memory_space<vmem>>
    %dma_wait3A_1510 = tpu.memref_slice %arg3[%add3A, %dma_wait3A_1507, %add3A_1212] : memref<16x16x16384xf32, #tpu.memory_space<hbm>> -> memref<1x1x2048xf32, #tpu.memory_space<hbm>>
    %dma_wait3A_1511 = tpu.memref_squeeze %dma_wait3A_1510 : memref<1x1x2048xf32, #tpu.memory_space<hbm>> -> memref<2048xf32, #tpu.memory_space<hbm>>
    %dma_wait3A_1512 = arith.constant 30720 : i32
    %dma_wait3A_1513 = tpu.memref_slice %arg13[%dma_wait3A_1512] : memref<32768xf32, #tpu.memory_space<vmem>> -> memref<2048xf32, #tpu.memory_space<vmem>>
    %dma_wait3A_1514 = tpu.memref_slice %arg3[%add3A, %dma_wait3A_1507, %add3A_1212] : memref<16x16x16384xf32, #tpu.memory_space<hbm>> -> memref<1x1x2048xf32, #tpu.memory_space<hbm>>
    %dma_wait3A_1515 = tpu.memref_squeeze %dma_wait3A_1514 : memref<1x1x2048xf32, #tpu.memory_space<hbm>> -> memref<2048xf32, #tpu.memory_space<hbm>>
    tpu.wait_dma2 semaphore(%arg25 : memref<!tpu.dma_semaphore, #tpu.memory_space<semaphore_mem>>) src(%dma_wait3A_1515 : memref<2048xf32, #tpu.memory_space<hbm>>) dst(%dma_wait3A_1513 : memref<2048xf32, #tpu.memory_space<vmem>>)
    %dma_start3A_1516 = arith.constant 0 : i32
    %dma_start3A_1517 = arith.constant 0 : i32
    %dma_start3A_1518 = tpu.memref_slice %arg12[%dma_start3A_1517] : memref<32768xf32, #tpu.memory_space<vmem>> -> memref<8192xf32, #tpu.memory_space<vmem>>
    %dma_start3A_1519 = tpu.memref_slice %arg4[%dma_start3A_1516, %add3A, %mul3A_35] : memref<3x16x16384xf32, #tpu.memory_space<hbm>> -> memref<1x1x8192xf32, #tpu.memory_space<hbm>>
    %dma_start3A_1520 = tpu.memref_squeeze %dma_start3A_1519 : memref<1x1x8192xf32, #tpu.memory_space<hbm>> -> memref<8192xf32, #tpu.memory_space<hbm>>
    %dma_start3A_1521 = arith.constant 0 : i32
    %dma_start3A_1522 = tpu.memref_slice %arg12[%dma_start3A_1521] : memref<32768xf32, #tpu.memory_space<vmem>> -> memref<8192xf32, #tpu.memory_space<vmem>>
    %dma_start3A_1523 = tpu.memref_slice %arg4[%dma_start3A_1516, %add3A, %mul3A_35] : memref<3x16x16384xf32, #tpu.memory_space<hbm>> -> memref<1x1x8192xf32, #tpu.memory_space<hbm>>
    %dma_start3A_1524 = tpu.memref_squeeze %dma_start3A_1523 : memref<1x1x8192xf32, #tpu.memory_space<hbm>> -> memref<8192xf32, #tpu.memory_space<hbm>>
    tpu.enqueue_dma source(%dma_start3A_1524 : memref<8192xf32, #tpu.memory_space<hbm>>) target(%dma_start3A_1522 : memref<8192xf32, #tpu.memory_space<vmem>>) target_semaphore(%arg23 : memref<!tpu.dma_semaphore, #tpu.memory_space<semaphore_mem>>)
    %dma_start3A_1525 = arith.constant 1 : i32
    %dma_start3A_1526 = arith.constant 8192 : i32
    %dma_start3A_1527 = tpu.memref_slice %arg12[%dma_start3A_1526] : memref<32768xf32, #tpu.memory_space<vmem>> -> memref<8192xf32, #tpu.memory_space<vmem>>
    %dma_start3A_1528 = tpu.memref_slice %arg4[%dma_start3A_1525, %add3A, %mul3A_35] : memref<3x16x16384xf32, #tpu.memory_space<hbm>> -> memref<1x1x8192xf32, #tpu.memory_space<hbm>>
    %dma_start3A_1529 = tpu.memref_squeeze %dma_start3A_1528 : memref<1x1x8192xf32, #tpu.memory_space<hbm>> -> memref<8192xf32, #tpu.memory_space<hbm>>
    %dma_start3A_1530 = arith.constant 8192 : i32
    %dma_start3A_1531 = tpu.memref_slice %arg12[%dma_start3A_1530] : memref<32768xf32, #tpu.memory_space<vmem>> -> memref<8192xf32, #tpu.memory_space<vmem>>
    %dma_start3A_1532 = tpu.memref_slice %arg4[%dma_start3A_1525, %add3A, %mul3A_35] : memref<3x16x16384xf32, #tpu.memory_space<hbm>> -> memref<1x1x8192xf32, #tpu.memory_space<hbm>>
    %dma_start3A_1533 = tpu.memref_squeeze %dma_start3A_1532 : memref<1x1x8192xf32, #tpu.memory_space<hbm>> -> memref<8192xf32, #tpu.memory_space<hbm>>
    tpu.enqueue_dma source(%dma_start3A_1533 : memref<8192xf32, #tpu.memory_space<hbm>>) target(%dma_start3A_1531 : memref<8192xf32, #tpu.memory_space<vmem>>) target_semaphore(%arg23 : memref<!tpu.dma_semaphore, #tpu.memory_space<semaphore_mem>>)
    %dma_start3A_1534 = arith.constant 2 : i32
    %dma_start3A_1535 = arith.constant 16384 : i32
    %dma_start3A_1536 = tpu.memref_slice %arg12[%dma_start3A_1535] : memref<32768xf32, #tpu.memory_space<vmem>> -> memref<8192xf32, #tpu.memory_space<vmem>>
    %dma_start3A_1537 = tpu.memref_slice %arg4[%dma_start3A_1534, %add3A, %mul3A_35] : memref<3x16x16384xf32, #tpu.memory_space<hbm>> -> memref<1x1x8192xf32, #tpu.memory_space<hbm>>
    %dma_start3A_1538 = tpu.memref_squeeze %dma_start3A_1537 : memref<1x1x8192xf32, #tpu.memory_space<hbm>> -> memref<8192xf32, #tpu.memory_space<hbm>>
    %dma_start3A_1539 = arith.constant 16384 : i32
    %dma_start3A_1540 = tpu.memref_slice %arg12[%dma_start3A_1539] : memref<32768xf32, #tpu.memory_space<vmem>> -> memref<8192xf32, #tpu.memory_space<vmem>>
    %dma_start3A_1541 = tpu.memref_slice %arg4[%dma_start3A_1534, %add3A, %mul3A_35] : memref<3x16x16384xf32, #tpu.memory_space<hbm>> -> memref<1x1x8192xf32, #tpu.memory_space<hbm>>
    %dma_start3A_1542 = tpu.memref_squeeze %dma_start3A_1541 : memref<1x1x8192xf32, #tpu.memory_space<hbm>> -> memref<8192xf32, #tpu.memory_space<hbm>>
    tpu.enqueue_dma source(%dma_start3A_1542 : memref<8192xf32, #tpu.memory_space<hbm>>) target(%dma_start3A_1540 : memref<8192xf32, #tpu.memory_space<vmem>>) target_semaphore(%arg23 : memref<!tpu.dma_semaphore, #tpu.memory_space<semaphore_mem>>)
    %scan3A_1543 = arith.constant 0 : i32
    %scan3A_1544 = arith.constant 64 : i32
    %scan3A_1545 = arith.addi %scan3A_1543, %scan3A_1544 : i32
    %scan3A_1546 = arith.constant 1 : i32
    %scan3A_1547 = scf.for %scan3A_1823 = %scan3A_1543 to %scan3A_1545 step %scan3A_1546 iter_args(%scan3A_1824 = %scan3A_1370) -> (vector<16xf32>)  : i32 {
      %mul3A_1825 = arith.constant 2 : i32
      %mul3A_1826 = arith.muli %scan3A_1823, %mul3A_1825 : i32
      %add3A_1827 = arith.constant 0 : i32
      %add3A_1828 = arith.addi %mul3A_1826, %add3A_1827 : i32
      %mul3A_1829 = arith.constant 16 : i32
      %mul3A_1830 = arith.muli %add3A_1828, %mul3A_1829 : i32
      %add3A_1831 = arith.constant 6144 : i32
      %add3A_1832 = arith.addi %add3A_1831, %mul3A_1830 : i32
      %add3A_1833 = vector.broadcast %mul3A_1830 : i32 to vector<16xi32>
      %add3A_1834 = arith.addi %iota3A, %add3A_1833 : vector<16xi32>
      %get3A_1835 = arith.index_cast %add3A_1832 : i32 to index
      %get3A_1836 = tpu.vector_load %arg10[%get3A_1835] {strides = array<i32>} : memref<8192xi32, #tpu.memory_space<vmem>>, vector<16xi32>,
      %get3A_1837 = arith.index_cast %add3A_1832 : i32 to index
      %get3A_1838 = tpu.vector_load %arg11[%get3A_1837] {strides = array<i32>} : memref<8192xi32, #tpu.memory_space<vmem>>, vector<16xi32>,
      %mul3A_1839 = arith.constant 2048 : i32
      %mul3A_1840 = vector.broadcast %mul3A_1839 : i32 to vector<16xi32>
      %mul3A_1841 = arith.muli %get3A_1836, %mul3A_1840 : vector<16xi32>
      %add3A_1842 = arith.addi %mul3A_1841, %add3A_1834 : vector<16xi32>
      %gather3A = tpu.vector_load_idx %arg13[%add3A_1842] : memref<32768xf32, #tpu.memory_space<vmem>>[vector<16xi32>], vector<16xf32>,
      %get3A_1843 = arith.index_cast %add3A_1832 : i32 to index
      %get3A_1844 = tpu.vector_load %arg7[%get3A_1843] {strides = array<i32>} : memref<8192xf32, #tpu.memory_space<vmem>>, vector<16xf32>,
      %get3A_1845 = arith.index_cast %add3A_1832 : i32 to index
      %get3A_1846 = tpu.vector_load %arg8[%get3A_1845] {strides = array<i32>} : memref<8192xf32, #tpu.memory_space<vmem>>, vector<16xf32>,
      %get3A_1847 = arith.index_cast %add3A_1832 : i32 to index
      %get3A_1848 = tpu.vector_load %arg9[%get3A_1847] {strides = array<i32>} : memref<8192xf32, #tpu.memory_space<vmem>>, vector<16xf32>,
      %add3A_1849 = arith.addi %mul3A_38, %get3A_1838 : vector<16xi32>
      tpu.vector_store_idx %arg14[%add3A_1849], %get3A_1844 {add = true} : memref<256xf32, #tpu.memory_space<vmem>>[vector<16xi32>], vector<16xf32>,
      tpu.vector_store_idx %arg15[%add3A_1849], %get3A_1846 {add = true} : memref<256xf32, #tpu.memory_space<vmem>>[vector<16xi32>], vector<16xf32>,
      tpu.vector_store_idx %arg16[%add3A_1849], %get3A_1848 {add = true} : memref<256xf32, #tpu.memory_space<vmem>>[vector<16xi32>], vector<16xf32>,
      tpu.vector_store_idx %arg17[%add3A_1849], %broadcast_in_dim3A_39 {add = true} : memref<256xf32, #tpu.memory_space<vmem>>[vector<16xi32>], vector<16xf32>,
      %add3A_1850 = arith.addf %scan3A_1824, %gather3A : vector<16xf32>
      %mul3A_1851 = arith.constant 2 : i32
      %mul3A_1852 = arith.muli %scan3A_1823, %mul3A_1851 : i32
      %add3A_1853 = arith.constant 1 : i32
      %add3A_1854 = arith.addi %mul3A_1852, %add3A_1853 : i32
      %mul3A_1855 = arith.constant 16 : i32
      %mul3A_1856 = arith.muli %add3A_1854, %mul3A_1855 : i32
      %add3A_1857 = arith.constant 6144 : i32
      %add3A_1858 = arith.addi %add3A_1857, %mul3A_1856 : i32
      %add3A_1859 = vector.broadcast %mul3A_1856 : i32 to vector<16xi32>
      %add3A_1860 = arith.addi %iota3A, %add3A_1859 : vector<16xi32>
      %get3A_1861 = arith.index_cast %add3A_1858 : i32 to index
      %get3A_1862 = tpu.vector_load %arg10[%get3A_1861] {strides = array<i32>} : memref<8192xi32, #tpu.memory_space<vmem>>, vector<16xi32>,
      %get3A_1863 = arith.index_cast %add3A_1858 : i32 to index
      %get3A_1864 = tpu.vector_load %arg11[%get3A_1863] {strides = array<i32>} : memref<8192xi32, #tpu.memory_space<vmem>>, vector<16xi32>,
      %mul3A_1865 = arith.constant 2048 : i32
      %mul3A_1866 = vector.broadcast %mul3A_1865 : i32 to vector<16xi32>
      %mul3A_1867 = arith.muli %get3A_1862, %mul3A_1866 : vector<16xi32>
      %add3A_1868 = arith.addi %mul3A_1867, %add3A_1860 : vector<16xi32>
      %gather3A_1869 = tpu.vector_load_idx %arg13[%add3A_1868] : memref<32768xf32, #tpu.memory_space<vmem>>[vector<16xi32>], vector<16xf32>,
      %get3A_1870 = arith.index_cast %add3A_1858 : i32 to index
      %get3A_1871 = tpu.vector_load %arg7[%get3A_1870] {strides = array<i32>} : memref<8192xf32, #tpu.memory_space<vmem>>, vector<16xf32>,
      %get3A_1872 = arith.index_cast %add3A_1858 : i32 to index
      %get3A_1873 = tpu.vector_load %arg8[%get3A_1872] {strides = array<i32>} : memref<8192xf32, #tpu.memory_space<vmem>>, vector<16xf32>,
      %get3A_1874 = arith.index_cast %add3A_1858 : i32 to index
      %get3A_1875 = tpu.vector_load %arg9[%get3A_1874] {strides = array<i32>} : memref<8192xf32, #tpu.memory_space<vmem>>, vector<16xf32>,
      %add3A_1876 = arith.addi %mul3A_38, %get3A_1864 : vector<16xi32>
      tpu.vector_store_idx %arg14[%add3A_1876], %get3A_1871 {add = true} : memref<256xf32, #tpu.memory_space<vmem>>[vector<16xi32>], vector<16xf32>,
      tpu.vector_store_idx %arg15[%add3A_1876], %get3A_1873 {add = true} : memref<256xf32, #tpu.memory_space<vmem>>[vector<16xi32>], vector<16xf32>,
      tpu.vector_store_idx %arg16[%add3A_1876], %get3A_1875 {add = true} : memref<256xf32, #tpu.memory_space<vmem>>[vector<16xi32>], vector<16xf32>,
      tpu.vector_store_idx %arg17[%add3A_1876], %broadcast_in_dim3A_39 {add = true} : memref<256xf32, #tpu.memory_space<vmem>>[vector<16xi32>], vector<16xf32>,
      %add3A_1877 = arith.addf %add3A_1850, %gather3A_1869 : vector<16xf32>
      scf.yield %add3A_1877 : vector<16xf32>
    }
    %scan3A_1548 = arith.constant 64 : i32
    %get3A = arith.constant 0 : index
    %get3A_1549 = tpu.vector_load %arg14[%get3A] {strides = array<i32>} : memref<256xf32, #tpu.memory_space<vmem>>, vector<16xf32>,
    %get3A_1550 = arith.constant 16 : index
    %get3A_1551 = tpu.vector_load %arg14[%get3A_1550] {strides = array<i32>} : memref<256xf32, #tpu.memory_space<vmem>>, vector<16xf32>,
    %add3A_1552 = arith.addf %get3A_1549, %get3A_1551 : vector<16xf32>
    %get3A_1553 = arith.constant 32 : index
    %get3A_1554 = tpu.vector_load %arg14[%get3A_1553] {strides = array<i32>} : memref<256xf32, #tpu.memory_space<vmem>>, vector<16xf32>,
    %add3A_1555 = arith.addf %add3A_1552, %get3A_1554 : vector<16xf32>
    %get3A_1556 = arith.constant 48 : index
    %get3A_1557 = tpu.vector_load %arg14[%get3A_1556] {strides = array<i32>} : memref<256xf32, #tpu.memory_space<vmem>>, vector<16xf32>,
    %add3A_1558 = arith.addf %add3A_1555, %get3A_1557 : vector<16xf32>
    %get3A_1559 = arith.constant 64 : index
    %get3A_1560 = tpu.vector_load %arg14[%get3A_1559] {strides = array<i32>} : memref<256xf32, #tpu.memory_space<vmem>>, vector<16xf32>,
    %add3A_1561 = arith.addf %add3A_1558, %get3A_1560 : vector<16xf32>
    %get3A_1562 = arith.constant 80 : index
    %get3A_1563 = tpu.vector_load %arg14[%get3A_1562] {strides = array<i32>} : memref<256xf32, #tpu.memory_space<vmem>>, vector<16xf32>,
    %add3A_1564 = arith.addf %add3A_1561, %get3A_1563 : vector<16xf32>
    %get3A_1565 = arith.constant 96 : index
    %get3A_1566 = tpu.vector_load %arg14[%get3A_1565] {strides = array<i32>} : memref<256xf32, #tpu.memory_space<vmem>>, vector<16xf32>,
    %add3A_1567 = arith.addf %add3A_1564, %get3A_1566 : vector<16xf32>
    %get3A_1568 = arith.constant 112 : index
    %get3A_1569 = tpu.vector_load %arg14[%get3A_1568] {strides = array<i32>} : memref<256xf32, #tpu.memory_space<vmem>>, vector<16xf32>,
    %add3A_1570 = arith.addf %add3A_1567, %get3A_1569 : vector<16xf32>
    %get3A_1571 = arith.constant 128 : index
    %get3A_1572 = tpu.vector_load %arg14[%get3A_1571] {strides = array<i32>} : memref<256xf32, #tpu.memory_space<vmem>>, vector<16xf32>,
    %add3A_1573 = arith.addf %add3A_1570, %get3A_1572 : vector<16xf32>
    %get3A_1574 = arith.constant 144 : index
    %get3A_1575 = tpu.vector_load %arg14[%get3A_1574] {strides = array<i32>} : memref<256xf32, #tpu.memory_space<vmem>>, vector<16xf32>,
    %add3A_1576 = arith.addf %add3A_1573, %get3A_1575 : vector<16xf32>
    %get3A_1577 = arith.constant 160 : index
    %get3A_1578 = tpu.vector_load %arg14[%get3A_1577] {strides = array<i32>} : memref<256xf32, #tpu.memory_space<vmem>>, vector<16xf32>,
    %add3A_1579 = arith.addf %add3A_1576, %get3A_1578 : vector<16xf32>
    %get3A_1580 = arith.constant 176 : index
    %get3A_1581 = tpu.vector_load %arg14[%get3A_1580] {strides = array<i32>} : memref<256xf32, #tpu.memory_space<vmem>>, vector<16xf32>,
    %add3A_1582 = arith.addf %add3A_1579, %get3A_1581 : vector<16xf32>
    %get3A_1583 = arith.constant 192 : index
    %get3A_1584 = tpu.vector_load %arg14[%get3A_1583] {strides = array<i32>} : memref<256xf32, #tpu.memory_space<vmem>>, vector<16xf32>,
    %add3A_1585 = arith.addf %add3A_1582, %get3A_1584 : vector<16xf32>
    %get3A_1586 = arith.constant 208 : index
    %get3A_1587 = tpu.vector_load %arg14[%get3A_1586] {strides = array<i32>} : memref<256xf32, #tpu.memory_space<vmem>>, vector<16xf32>,
    %add3A_1588 = arith.addf %add3A_1585, %get3A_1587 : vector<16xf32>
    %get3A_1589 = arith.constant 224 : index
    %get3A_1590 = tpu.vector_load %arg14[%get3A_1589] {strides = array<i32>} : memref<256xf32, #tpu.memory_space<vmem>>, vector<16xf32>,
    %add3A_1591 = arith.addf %add3A_1588, %get3A_1590 : vector<16xf32>
    %get3A_1592 = arith.constant 240 : index
    %get3A_1593 = tpu.vector_load %arg14[%get3A_1592] {strides = array<i32>} : memref<256xf32, #tpu.memory_space<vmem>>, vector<16xf32>,
    %add3A_1594 = arith.addf %add3A_1591, %get3A_1593 : vector<16xf32>
    %swap3A_1595 = arith.constant 0 : index
    %swap3A_1596 = tpu.vector_load %arg18[%swap3A_1595] {strides = array<i32>} : memref<64xf32, #tpu.memory_space<vmem>>, vector<16xf32>,
    tpu.vector_store %arg18[%swap3A_1595], %add3A_1594 {strides = array<i32>} : memref<64xf32, #tpu.memory_space<vmem>>, vector<16xf32>,
    %get3A_1597 = arith.constant 0 : index
    %get3A_1598 = tpu.vector_load %arg15[%get3A_1597] {strides = array<i32>} : memref<256xf32, #tpu.memory_space<vmem>>, vector<16xf32>,
    %get3A_1599 = arith.constant 16 : index
    %get3A_1600 = tpu.vector_load %arg15[%get3A_1599] {strides = array<i32>} : memref<256xf32, #tpu.memory_space<vmem>>, vector<16xf32>,
    %add3A_1601 = arith.addf %get3A_1598, %get3A_1600 : vector<16xf32>
    %get3A_1602 = arith.constant 32 : index
    %get3A_1603 = tpu.vector_load %arg15[%get3A_1602] {strides = array<i32>} : memref<256xf32, #tpu.memory_space<vmem>>, vector<16xf32>,
    %add3A_1604 = arith.addf %add3A_1601, %get3A_1603 : vector<16xf32>
    %get3A_1605 = arith.constant 48 : index
    %get3A_1606 = tpu.vector_load %arg15[%get3A_1605] {strides = array<i32>} : memref<256xf32, #tpu.memory_space<vmem>>, vector<16xf32>,
    %add3A_1607 = arith.addf %add3A_1604, %get3A_1606 : vector<16xf32>
    %get3A_1608 = arith.constant 64 : index
    %get3A_1609 = tpu.vector_load %arg15[%get3A_1608] {strides = array<i32>} : memref<256xf32, #tpu.memory_space<vmem>>, vector<16xf32>,
    %add3A_1610 = arith.addf %add3A_1607, %get3A_1609 : vector<16xf32>
    %get3A_1611 = arith.constant 80 : index
    %get3A_1612 = tpu.vector_load %arg15[%get3A_1611] {strides = array<i32>} : memref<256xf32, #tpu.memory_space<vmem>>, vector<16xf32>,
    %add3A_1613 = arith.addf %add3A_1610, %get3A_1612 : vector<16xf32>
    %get3A_1614 = arith.constant 96 : index
    %get3A_1615 = tpu.vector_load %arg15[%get3A_1614] {strides = array<i32>} : memref<256xf32, #tpu.memory_space<vmem>>, vector<16xf32>,
    %add3A_1616 = arith.addf %add3A_1613, %get3A_1615 : vector<16xf32>
    %get3A_1617 = arith.constant 112 : index
    %get3A_1618 = tpu.vector_load %arg15[%get3A_1617] {strides = array<i32>} : memref<256xf32, #tpu.memory_space<vmem>>, vector<16xf32>,
    %add3A_1619 = arith.addf %add3A_1616, %get3A_1618 : vector<16xf32>
    %get3A_1620 = arith.constant 128 : index
    %get3A_1621 = tpu.vector_load %arg15[%get3A_1620] {strides = array<i32>} : memref<256xf32, #tpu.memory_space<vmem>>, vector<16xf32>,
    %add3A_1622 = arith.addf %add3A_1619, %get3A_1621 : vector<16xf32>
    %get3A_1623 = arith.constant 144 : index
    %get3A_1624 = tpu.vector_load %arg15[%get3A_1623] {strides = array<i32>} : memref<256xf32, #tpu.memory_space<vmem>>, vector<16xf32>,
    %add3A_1625 = arith.addf %add3A_1622, %get3A_1624 : vector<16xf32>
    %get3A_1626 = arith.constant 160 : index
    %get3A_1627 = tpu.vector_load %arg15[%get3A_1626] {strides = array<i32>} : memref<256xf32, #tpu.memory_space<vmem>>, vector<16xf32>,
    %add3A_1628 = arith.addf %add3A_1625, %get3A_1627 : vector<16xf32>
    %get3A_1629 = arith.constant 176 : index
    %get3A_1630 = tpu.vector_load %arg15[%get3A_1629] {strides = array<i32>} : memref<256xf32, #tpu.memory_space<vmem>>, vector<16xf32>,
    %add3A_1631 = arith.addf %add3A_1628, %get3A_1630 : vector<16xf32>
    %get3A_1632 = arith.constant 192 : index
    %get3A_1633 = tpu.vector_load %arg15[%get3A_1632] {strides = array<i32>} : memref<256xf32, #tpu.memory_space<vmem>>, vector<16xf32>,
    %add3A_1634 = arith.addf %add3A_1631, %get3A_1633 : vector<16xf32>
    %get3A_1635 = arith.constant 208 : index
    %get3A_1636 = tpu.vector_load %arg15[%get3A_1635] {strides = array<i32>} : memref<256xf32, #tpu.memory_space<vmem>>, vector<16xf32>,
    %add3A_1637 = arith.addf %add3A_1634, %get3A_1636 : vector<16xf32>
    %get3A_1638 = arith.constant 224 : index
    %get3A_1639 = tpu.vector_load %arg15[%get3A_1638] {strides = array<i32>} : memref<256xf32, #tpu.memory_space<vmem>>, vector<16xf32>,
    %add3A_1640 = arith.addf %add3A_1637, %get3A_1639 : vector<16xf32>
    %get3A_1641 = arith.constant 240 : index
    %get3A_1642 = tpu.vector_load %arg15[%get3A_1641] {strides = array<i32>} : memref<256xf32, #tpu.memory_space<vmem>>, vector<16xf32>,
    %add3A_1643 = arith.addf %add3A_1640, %get3A_1642 : vector<16xf32>
    %swap3A_1644 = arith.constant 16 : index
    %swap3A_1645 = tpu.vector_load %arg18[%swap3A_1644] {strides = array<i32>} : memref<64xf32, #tpu.memory_space<vmem>>, vector<16xf32>,
    tpu.vector_store %arg18[%swap3A_1644], %add3A_1643 {strides = array<i32>} : memref<64xf32, #tpu.memory_space<vmem>>, vector<16xf32>,
    %get3A_1646 = arith.constant 0 : index
    %get3A_1647 = tpu.vector_load %arg16[%get3A_1646] {strides = array<i32>} : memref<256xf32, #tpu.memory_space<vmem>>, vector<16xf32>,
    %get3A_1648 = arith.constant 16 : index
    %get3A_1649 = tpu.vector_load %arg16[%get3A_1648] {strides = array<i32>} : memref<256xf32, #tpu.memory_space<vmem>>, vector<16xf32>,
    %add3A_1650 = arith.addf %get3A_1647, %get3A_1649 : vector<16xf32>
    %get3A_1651 = arith.constant 32 : index
    %get3A_1652 = tpu.vector_load %arg16[%get3A_1651] {strides = array<i32>} : memref<256xf32, #tpu.memory_space<vmem>>, vector<16xf32>,
    %add3A_1653 = arith.addf %add3A_1650, %get3A_1652 : vector<16xf32>
    %get3A_1654 = arith.constant 48 : index
    %get3A_1655 = tpu.vector_load %arg16[%get3A_1654] {strides = array<i32>} : memref<256xf32, #tpu.memory_space<vmem>>, vector<16xf32>,
    %add3A_1656 = arith.addf %add3A_1653, %get3A_1655 : vector<16xf32>
    %get3A_1657 = arith.constant 64 : index
    %get3A_1658 = tpu.vector_load %arg16[%get3A_1657] {strides = array<i32>} : memref<256xf32, #tpu.memory_space<vmem>>, vector<16xf32>,
    %add3A_1659 = arith.addf %add3A_1656, %get3A_1658 : vector<16xf32>
    %get3A_1660 = arith.constant 80 : index
    %get3A_1661 = tpu.vector_load %arg16[%get3A_1660] {strides = array<i32>} : memref<256xf32, #tpu.memory_space<vmem>>, vector<16xf32>,
    %add3A_1662 = arith.addf %add3A_1659, %get3A_1661 : vector<16xf32>
    %get3A_1663 = arith.constant 96 : index
    %get3A_1664 = tpu.vector_load %arg16[%get3A_1663] {strides = array<i32>} : memref<256xf32, #tpu.memory_space<vmem>>, vector<16xf32>,
    %add3A_1665 = arith.addf %add3A_1662, %get3A_1664 : vector<16xf32>
    %get3A_1666 = arith.constant 112 : index
    %get3A_1667 = tpu.vector_load %arg16[%get3A_1666] {strides = array<i32>} : memref<256xf32, #tpu.memory_space<vmem>>, vector<16xf32>,
    %add3A_1668 = arith.addf %add3A_1665, %get3A_1667 : vector<16xf32>
    %get3A_1669 = arith.constant 128 : index
    %get3A_1670 = tpu.vector_load %arg16[%get3A_1669] {strides = array<i32>} : memref<256xf32, #tpu.memory_space<vmem>>, vector<16xf32>,
    %add3A_1671 = arith.addf %add3A_1668, %get3A_1670 : vector<16xf32>
    %get3A_1672 = arith.constant 144 : index
    %get3A_1673 = tpu.vector_load %arg16[%get3A_1672] {strides = array<i32>} : memref<256xf32, #tpu.memory_space<vmem>>, vector<16xf32>,
    %add3A_1674 = arith.addf %add3A_1671, %get3A_1673 : vector<16xf32>
    %get3A_1675 = arith.constant 160 : index
    %get3A_1676 = tpu.vector_load %arg16[%get3A_1675] {strides = array<i32>} : memref<256xf32, #tpu.memory_space<vmem>>, vector<16xf32>,
    %add3A_1677 = arith.addf %add3A_1674, %get3A_1676 : vector<16xf32>
    %get3A_1678 = arith.constant 176 : index
    %get3A_1679 = tpu.vector_load %arg16[%get3A_1678] {strides = array<i32>} : memref<256xf32, #tpu.memory_space<vmem>>, vector<16xf32>,
    %add3A_1680 = arith.addf %add3A_1677, %get3A_1679 : vector<16xf32>
    %get3A_1681 = arith.constant 192 : index
    %get3A_1682 = tpu.vector_load %arg16[%get3A_1681] {strides = array<i32>} : memref<256xf32, #tpu.memory_space<vmem>>, vector<16xf32>,
    %add3A_1683 = arith.addf %add3A_1680, %get3A_1682 : vector<16xf32>
    %get3A_1684 = arith.constant 208 : index
    %get3A_1685 = tpu.vector_load %arg16[%get3A_1684] {strides = array<i32>} : memref<256xf32, #tpu.memory_space<vmem>>, vector<16xf32>,
    %add3A_1686 = arith.addf %add3A_1683, %get3A_1685 : vector<16xf32>
    %get3A_1687 = arith.constant 224 : index
    %get3A_1688 = tpu.vector_load %arg16[%get3A_1687] {strides = array<i32>} : memref<256xf32, #tpu.memory_space<vmem>>, vector<16xf32>,
    %add3A_1689 = arith.addf %add3A_1686, %get3A_1688 : vector<16xf32>
    %get3A_1690 = arith.constant 240 : index
    %get3A_1691 = tpu.vector_load %arg16[%get3A_1690] {strides = array<i32>} : memref<256xf32, #tpu.memory_space<vmem>>, vector<16xf32>,
    %add3A_1692 = arith.addf %add3A_1689, %get3A_1691 : vector<16xf32>
    %swap3A_1693 = arith.constant 32 : index
    %swap3A_1694 = tpu.vector_load %arg18[%swap3A_1693] {strides = array<i32>} : memref<64xf32, #tpu.memory_space<vmem>>, vector<16xf32>,
    tpu.vector_store %arg18[%swap3A_1693], %add3A_1692 {strides = array<i32>} : memref<64xf32, #tpu.memory_space<vmem>>, vector<16xf32>,
    %get3A_1695 = arith.constant 0 : index
    %get3A_1696 = tpu.vector_load %arg17[%get3A_1695] {strides = array<i32>} : memref<256xf32, #tpu.memory_space<vmem>>, vector<16xf32>,
    %get3A_1697 = arith.constant 16 : index
    %get3A_1698 = tpu.vector_load %arg17[%get3A_1697] {strides = array<i32>} : memref<256xf32, #tpu.memory_space<vmem>>, vector<16xf32>,
    %add3A_1699 = arith.addf %get3A_1696, %get3A_1698 : vector<16xf32>
    %get3A_1700 = arith.constant 32 : index
    %get3A_1701 = tpu.vector_load %arg17[%get3A_1700] {strides = array<i32>} : memref<256xf32, #tpu.memory_space<vmem>>, vector<16xf32>,
    %add3A_1702 = arith.addf %add3A_1699, %get3A_1701 : vector<16xf32>
    %get3A_1703 = arith.constant 48 : index
    %get3A_1704 = tpu.vector_load %arg17[%get3A_1703] {strides = array<i32>} : memref<256xf32, #tpu.memory_space<vmem>>, vector<16xf32>,
    %add3A_1705 = arith.addf %add3A_1702, %get3A_1704 : vector<16xf32>
    %get3A_1706 = arith.constant 64 : index
    %get3A_1707 = tpu.vector_load %arg17[%get3A_1706] {strides = array<i32>} : memref<256xf32, #tpu.memory_space<vmem>>, vector<16xf32>,
    %add3A_1708 = arith.addf %add3A_1705, %get3A_1707 : vector<16xf32>
    %get3A_1709 = arith.constant 80 : index
    %get3A_1710 = tpu.vector_load %arg17[%get3A_1709] {strides = array<i32>} : memref<256xf32, #tpu.memory_space<vmem>>, vector<16xf32>,
    %add3A_1711 = arith.addf %add3A_1708, %get3A_1710 : vector<16xf32>
    %get3A_1712 = arith.constant 96 : index
    %get3A_1713 = tpu.vector_load %arg17[%get3A_1712] {strides = array<i32>} : memref<256xf32, #tpu.memory_space<vmem>>, vector<16xf32>,
    %add3A_1714 = arith.addf %add3A_1711, %get3A_1713 : vector<16xf32>
    %get3A_1715 = arith.constant 112 : index
    %get3A_1716 = tpu.vector_load %arg17[%get3A_1715] {strides = array<i32>} : memref<256xf32, #tpu.memory_space<vmem>>, vector<16xf32>,
    %add3A_1717 = arith.addf %add3A_1714, %get3A_1716 : vector<16xf32>
    %get3A_1718 = arith.constant 128 : index
    %get3A_1719 = tpu.vector_load %arg17[%get3A_1718] {strides = array<i32>} : memref<256xf32, #tpu.memory_space<vmem>>, vector<16xf32>,
    %add3A_1720 = arith.addf %add3A_1717, %get3A_1719 : vector<16xf32>
    %get3A_1721 = arith.constant 144 : index
    %get3A_1722 = tpu.vector_load %arg17[%get3A_1721] {strides = array<i32>} : memref<256xf32, #tpu.memory_space<vmem>>, vector<16xf32>,
    %add3A_1723 = arith.addf %add3A_1720, %get3A_1722 : vector<16xf32>
    %get3A_1724 = arith.constant 160 : index
    %get3A_1725 = tpu.vector_load %arg17[%get3A_1724] {strides = array<i32>} : memref<256xf32, #tpu.memory_space<vmem>>, vector<16xf32>,
    %add3A_1726 = arith.addf %add3A_1723, %get3A_1725 : vector<16xf32>
    %get3A_1727 = arith.constant 176 : index
    %get3A_1728 = tpu.vector_load %arg17[%get3A_1727] {strides = array<i32>} : memref<256xf32, #tpu.memory_space<vmem>>, vector<16xf32>,
    %add3A_1729 = arith.addf %add3A_1726, %get3A_1728 : vector<16xf32>
    %get3A_1730 = arith.constant 192 : index
    %get3A_1731 = tpu.vector_load %arg17[%get3A_1730] {strides = array<i32>} : memref<256xf32, #tpu.memory_space<vmem>>, vector<16xf32>,
    %add3A_1732 = arith.addf %add3A_1729, %get3A_1731 : vector<16xf32>
    %get3A_1733 = arith.constant 208 : index
    %get3A_1734 = tpu.vector_load %arg17[%get3A_1733] {strides = array<i32>} : memref<256xf32, #tpu.memory_space<vmem>>, vector<16xf32>,
    %add3A_1735 = arith.addf %add3A_1732, %get3A_1734 : vector<16xf32>
    %get3A_1736 = arith.constant 224 : index
    %get3A_1737 = tpu.vector_load %arg17[%get3A_1736] {strides = array<i32>} : memref<256xf32, #tpu.memory_space<vmem>>, vector<16xf32>,
    %add3A_1738 = arith.addf %add3A_1735, %get3A_1737 : vector<16xf32>
    %get3A_1739 = arith.constant 240 : index
    %get3A_1740 = tpu.vector_load %arg17[%get3A_1739] {strides = array<i32>} : memref<256xf32, #tpu.memory_space<vmem>>, vector<16xf32>,
    %add3A_1741 = arith.addf %add3A_1738, %get3A_1740 : vector<16xf32>
    %swap3A_1742 = arith.constant 48 : index
    %swap3A_1743 = tpu.vector_load %arg18[%swap3A_1742] {strides = array<i32>} : memref<64xf32, #tpu.memory_space<vmem>>, vector<16xf32>,
    tpu.vector_store %arg18[%swap3A_1742], %add3A_1741 {strides = array<i32>} : memref<64xf32, #tpu.memory_space<vmem>>, vector<16xf32>,
    "tpu.region"() ({
      %run_scoped3A = tpu.sem_alloc : memref<!tpu.dma_semaphore, #tpu.memory_space<semaphore_mem>>
      %dma_start3A_1823 = arith.constant 0 : i32
      %dma_start3A_1824 = tpu.memref_slice %arg22[%arg1, %dma_start3A_1823] : memref<16x64xf32, #tpu.memory_space<vmem_shared>> -> memref<1x64xf32, #tpu.memory_space<vmem_shared>>
      %dma_start3A_1825 = tpu.memref_squeeze %dma_start3A_1824 : memref<1x64xf32, #tpu.memory_space<vmem_shared>> -> memref<64xf32, #tpu.memory_space<vmem_shared>>
      %dma_start3A_1826 = arith.constant 0 : i32
      %dma_start3A_1827 = tpu.memref_slice %arg22[%arg1, %dma_start3A_1826] : memref<16x64xf32, #tpu.memory_space<vmem_shared>> -> memref<1x64xf32, #tpu.memory_space<vmem_shared>>
      %dma_start3A_1828 = tpu.memref_squeeze %dma_start3A_1827 : memref<1x64xf32, #tpu.memory_space<vmem_shared>> -> memref<64xf32, #tpu.memory_space<vmem_shared>>
      tpu.enqueue_dma source(%arg18 : memref<64xf32, #tpu.memory_space<vmem>>) target(%dma_start3A_1828 : memref<64xf32, #tpu.memory_space<vmem_shared>>) target_semaphore(%run_scoped3A : memref<!tpu.dma_semaphore, #tpu.memory_space<semaphore_mem>>)
      %dma_wait3A_1829 = arith.constant 0 : i32
      %dma_wait3A_1830 = tpu.memref_slice %arg22[%arg1, %dma_wait3A_1829] : memref<16x64xf32, #tpu.memory_space<vmem_shared>> -> memref<1x64xf32, #tpu.memory_space<vmem_shared>>
      %dma_wait3A_1831 = tpu.memref_squeeze %dma_wait3A_1830 : memref<1x64xf32, #tpu.memory_space<vmem_shared>> -> memref<64xf32, #tpu.memory_space<vmem_shared>>
      %dma_wait3A_1832 = arith.constant 0 : i32
      %dma_wait3A_1833 = tpu.memref_slice %arg22[%arg1, %dma_wait3A_1832] : memref<16x64xf32, #tpu.memory_space<vmem_shared>> -> memref<1x64xf32, #tpu.memory_space<vmem_shared>>
      %dma_wait3A_1834 = tpu.memref_squeeze %dma_wait3A_1833 : memref<1x64xf32, #tpu.memory_space<vmem_shared>> -> memref<64xf32, #tpu.memory_space<vmem_shared>>
      tpu.wait_dma2 semaphore(%run_scoped3A : memref<!tpu.dma_semaphore, #tpu.memory_space<semaphore_mem>>) src(%arg18 : memref<64xf32, #tpu.memory_space<vmem>>) dst(%dma_wait3A_1834 : memref<64xf32, #tpu.memory_space<vmem_shared>>)
      tpu.yield
    }) : () -> ()
    %barrier3A = arith.constant 0 : index
    tpu.barrier barrier_id(%barrier3A)
    %xor3A = arith.constant 1 : i32
    %xor3A_1744 = arith.xori %arg1, %xor3A : i32
    "tpu.region"() ({
      %run_scoped3A = tpu.sem_alloc : memref<!tpu.dma_semaphore, #tpu.memory_space<semaphore_mem>>
      %dma_start3A_1823 = arith.constant 0 : i32
      %dma_start3A_1824 = tpu.memref_slice %arg22[%xor3A_1744, %dma_start3A_1823] : memref<16x64xf32, #tpu.memory_space<vmem_shared>> -> memref<1x64xf32, #tpu.memory_space<vmem_shared>>
      %dma_start3A_1825 = tpu.memref_squeeze %dma_start3A_1824 : memref<1x64xf32, #tpu.memory_space<vmem_shared>> -> memref<64xf32, #tpu.memory_space<vmem_shared>>
      %dma_start3A_1826 = arith.constant 0 : i32
      %dma_start3A_1827 = tpu.memref_slice %arg22[%xor3A_1744, %dma_start3A_1826] : memref<16x64xf32, #tpu.memory_space<vmem_shared>> -> memref<1x64xf32, #tpu.memory_space<vmem_shared>>
      %dma_start3A_1828 = tpu.memref_squeeze %dma_start3A_1827 : memref<1x64xf32, #tpu.memory_space<vmem_shared>> -> memref<64xf32, #tpu.memory_space<vmem_shared>>
      tpu.enqueue_dma source(%dma_start3A_1828 : memref<64xf32, #tpu.memory_space<vmem_shared>>) target(%arg19 : memref<64xf32, #tpu.memory_space<vmem>>) target_semaphore(%run_scoped3A : memref<!tpu.dma_semaphore, #tpu.memory_space<semaphore_mem>>)
      %dma_wait3A_1829 = arith.constant 0 : i32
      %dma_wait3A_1830 = tpu.memref_slice %arg22[%xor3A_1744, %dma_wait3A_1829] : memref<16x64xf32, #tpu.memory_space<vmem_shared>> -> memref<1x64xf32, #tpu.memory_space<vmem_shared>>
      %dma_wait3A_1831 = tpu.memref_squeeze %dma_wait3A_1830 : memref<1x64xf32, #tpu.memory_space<vmem_shared>> -> memref<64xf32, #tpu.memory_space<vmem_shared>>
      %dma_wait3A_1832 = arith.constant 0 : i32
      %dma_wait3A_1833 = tpu.memref_slice %arg22[%xor3A_1744, %dma_wait3A_1832] : memref<16x64xf32, #tpu.memory_space<vmem_shared>> -> memref<1x64xf32, #tpu.memory_space<vmem_shared>>
      %dma_wait3A_1834 = tpu.memref_squeeze %dma_wait3A_1833 : memref<1x64xf32, #tpu.memory_space<vmem_shared>> -> memref<64xf32, #tpu.memory_space<vmem_shared>>
      tpu.wait_dma2 semaphore(%run_scoped3A : memref<!tpu.dma_semaphore, #tpu.memory_space<semaphore_mem>>) src(%dma_wait3A_1834 : memref<64xf32, #tpu.memory_space<vmem_shared>>) dst(%arg19 : memref<64xf32, #tpu.memory_space<vmem>>)
      tpu.yield
    }) : () -> ()
    %get3A_1745 = arith.constant 48 : index
    %get3A_1746 = tpu.vector_load %arg18[%get3A_1745] {strides = array<i32>} : memref<64xf32, #tpu.memory_space<vmem>>, vector<16xf32>,
    %get3A_1747 = arith.constant 48 : index
    %get3A_1748 = tpu.vector_load %arg19[%get3A_1747] {strides = array<i32>} : memref<64xf32, #tpu.memory_space<vmem>>, vector<16xf32>,
    %add3A_1749 = arith.addf %get3A_1746, %get3A_1748 : vector<16xf32>
    %max3A = arith.constant 1.000000e+00 : f32
    %max3A_1750 = vector.broadcast %max3A : f32 to vector<16xf32>
    %max3A_1751 = arith.maximumf %add3A_1749, %max3A_1750 : vector<16xf32>
    %div3A_1752 = arith.constant 1.000000e+00 : f32
    %div3A_1753 = vector.broadcast %div3A_1752 : f32 to vector<16xf32>
    %div3A_1754 = arith.divf %div3A_1753, %max3A_1751 : vector<16xf32>
    %get3A_1755 = arith.constant 0 : index
    %get3A_1756 = tpu.vector_load %arg18[%get3A_1755] {strides = array<i32>} : memref<64xf32, #tpu.memory_space<vmem>>, vector<16xf32>,
    %get3A_1757 = arith.constant 0 : index
    %get3A_1758 = tpu.vector_load %arg19[%get3A_1757] {strides = array<i32>} : memref<64xf32, #tpu.memory_space<vmem>>, vector<16xf32>,
    %add3A_1759 = arith.addf %get3A_1756, %get3A_1758 : vector<16xf32>
    %mul3A_1760 = arith.mulf %add3A_1759, %div3A_1754 : vector<16xf32>
    %swap3A_1761 = arith.constant 0 : index
    %swap3A_1762 = tpu.vector_load %arg20[%swap3A_1761] {strides = array<i32>} : memref<48xf32, #tpu.memory_space<vmem>>, vector<16xf32>,
    tpu.vector_store %arg20[%swap3A_1761], %mul3A_1760 {strides = array<i32>} : memref<48xf32, #tpu.memory_space<vmem>>, vector<16xf32>,
    %get3A_1763 = arith.constant 16 : index
    %get3A_1764 = tpu.vector_load %arg18[%get3A_1763] {strides = array<i32>} : memref<64xf32, #tpu.memory_space<vmem>>, vector<16xf32>,
    %get3A_1765 = arith.constant 16 : index
    %get3A_1766 = tpu.vector_load %arg19[%get3A_1765] {strides = array<i32>} : memref<64xf32, #tpu.memory_space<vmem>>, vector<16xf32>,
    %add3A_1767 = arith.addf %get3A_1764, %get3A_1766 : vector<16xf32>
    %mul3A_1768 = arith.mulf %add3A_1767, %div3A_1754 : vector<16xf32>
    %swap3A_1769 = arith.constant 16 : index
    %swap3A_1770 = tpu.vector_load %arg20[%swap3A_1769] {strides = array<i32>} : memref<48xf32, #tpu.memory_space<vmem>>, vector<16xf32>,
    tpu.vector_store %arg20[%swap3A_1769], %mul3A_1768 {strides = array<i32>} : memref<48xf32, #tpu.memory_space<vmem>>, vector<16xf32>,
    %get3A_1771 = arith.constant 32 : index
    %get3A_1772 = tpu.vector_load %arg18[%get3A_1771] {strides = array<i32>} : memref<64xf32, #tpu.memory_space<vmem>>, vector<16xf32>,
    %get3A_1773 = arith.constant 32 : index
    %get3A_1774 = tpu.vector_load %arg19[%get3A_1773] {strides = array<i32>} : memref<64xf32, #tpu.memory_space<vmem>>, vector<16xf32>,
    %add3A_1775 = arith.addf %get3A_1772, %get3A_1774 : vector<16xf32>
    %mul3A_1776 = arith.mulf %add3A_1775, %div3A_1754 : vector<16xf32>
    %swap3A_1777 = arith.constant 32 : index
    %swap3A_1778 = tpu.vector_load %arg20[%swap3A_1777] {strides = array<i32>} : memref<48xf32, #tpu.memory_space<vmem>>, vector<16xf32>,
    tpu.vector_store %arg20[%swap3A_1777], %mul3A_1776 {strides = array<i32>} : memref<48xf32, #tpu.memory_space<vmem>>, vector<16xf32>,
    %dma_wait3A_1779 = arith.constant 0 : i32
    %dma_wait3A_1780 = arith.constant 0 : i32
    %dma_wait3A_1781 = tpu.memref_slice %arg12[%dma_wait3A_1780] : memref<32768xf32, #tpu.memory_space<vmem>> -> memref<8192xf32, #tpu.memory_space<vmem>>
    %dma_wait3A_1782 = tpu.memref_slice %arg4[%dma_wait3A_1779, %add3A, %mul3A_35] : memref<3x16x16384xf32, #tpu.memory_space<hbm>> -> memref<1x1x8192xf32, #tpu.memory_space<hbm>>
    %dma_wait3A_1783 = tpu.memref_squeeze %dma_wait3A_1782 : memref<1x1x8192xf32, #tpu.memory_space<hbm>> -> memref<8192xf32, #tpu.memory_space<hbm>>
    %dma_wait3A_1784 = arith.constant 0 : i32
    %dma_wait3A_1785 = tpu.memref_slice %arg12[%dma_wait3A_1784] : memref<32768xf32, #tpu.memory_space<vmem>> -> memref<8192xf32, #tpu.memory_space<vmem>>
    %dma_wait3A_1786 = tpu.memref_slice %arg4[%dma_wait3A_1779, %add3A, %mul3A_35] : memref<3x16x16384xf32, #tpu.memory_space<hbm>> -> memref<1x1x8192xf32, #tpu.memory_space<hbm>>
    %dma_wait3A_1787 = tpu.memref_squeeze %dma_wait3A_1786 : memref<1x1x8192xf32, #tpu.memory_space<hbm>> -> memref<8192xf32, #tpu.memory_space<hbm>>
    tpu.wait_dma2 semaphore(%arg23 : memref<!tpu.dma_semaphore, #tpu.memory_space<semaphore_mem>>) src(%dma_wait3A_1787 : memref<8192xf32, #tpu.memory_space<hbm>>) dst(%dma_wait3A_1785 : memref<8192xf32, #tpu.memory_space<vmem>>)
    %dma_wait3A_1788 = arith.constant 1 : i32
    %dma_wait3A_1789 = arith.constant 8192 : i32
    %dma_wait3A_1790 = tpu.memref_slice %arg12[%dma_wait3A_1789] : memref<32768xf32, #tpu.memory_space<vmem>> -> memref<8192xf32, #tpu.memory_space<vmem>>
    %dma_wait3A_1791 = tpu.memref_slice %arg4[%dma_wait3A_1788, %add3A, %mul3A_35] : memref<3x16x16384xf32, #tpu.memory_space<hbm>> -> memref<1x1x8192xf32, #tpu.memory_space<hbm>>
    %dma_wait3A_1792 = tpu.memref_squeeze %dma_wait3A_1791 : memref<1x1x8192xf32, #tpu.memory_space<hbm>> -> memref<8192xf32, #tpu.memory_space<hbm>>
    %dma_wait3A_1793 = arith.constant 8192 : i32
    %dma_wait3A_1794 = tpu.memref_slice %arg12[%dma_wait3A_1793] : memref<32768xf32, #tpu.memory_space<vmem>> -> memref<8192xf32, #tpu.memory_space<vmem>>
    %dma_wait3A_1795 = tpu.memref_slice %arg4[%dma_wait3A_1788, %add3A, %mul3A_35] : memref<3x16x16384xf32, #tpu.memory_space<hbm>> -> memref<1x1x8192xf32, #tpu.memory_space<hbm>>
    %dma_wait3A_1796 = tpu.memref_squeeze %dma_wait3A_1795 : memref<1x1x8192xf32, #tpu.memory_space<hbm>> -> memref<8192xf32, #tpu.memory_space<hbm>>
    tpu.wait_dma2 semaphore(%arg23 : memref<!tpu.dma_semaphore, #tpu.memory_space<semaphore_mem>>) src(%dma_wait3A_1796 : memref<8192xf32, #tpu.memory_space<hbm>>) dst(%dma_wait3A_1794 : memref<8192xf32, #tpu.memory_space<vmem>>)
    %dma_wait3A_1797 = arith.constant 2 : i32
    %dma_wait3A_1798 = arith.constant 16384 : i32
    %dma_wait3A_1799 = tpu.memref_slice %arg12[%dma_wait3A_1798] : memref<32768xf32, #tpu.memory_space<vmem>> -> memref<8192xf32, #tpu.memory_space<vmem>>
    %dma_wait3A_1800 = tpu.memref_slice %arg4[%dma_wait3A_1797, %add3A, %mul3A_35] : memref<3x16x16384xf32, #tpu.memory_space<hbm>> -> memref<1x1x8192xf32, #tpu.memory_space<hbm>>
    %dma_wait3A_1801 = tpu.memref_squeeze %dma_wait3A_1800 : memref<1x1x8192xf32, #tpu.memory_space<hbm>> -> memref<8192xf32, #tpu.memory_space<hbm>>
    %dma_wait3A_1802 = arith.constant 16384 : i32
    %dma_wait3A_1803 = tpu.memref_slice %arg12[%dma_wait3A_1802] : memref<32768xf32, #tpu.memory_space<vmem>> -> memref<8192xf32, #tpu.memory_space<vmem>>
    %dma_wait3A_1804 = tpu.memref_slice %arg4[%dma_wait3A_1797, %add3A, %mul3A_35] : memref<3x16x16384xf32, #tpu.memory_space<hbm>> -> memref<1x1x8192xf32, #tpu.memory_space<hbm>>
    %dma_wait3A_1805 = tpu.memref_squeeze %dma_wait3A_1804 : memref<1x1x8192xf32, #tpu.memory_space<hbm>> -> memref<8192xf32, #tpu.memory_space<hbm>>
    tpu.wait_dma2 semaphore(%arg23 : memref<!tpu.dma_semaphore, #tpu.memory_space<semaphore_mem>>) src(%dma_wait3A_1805 : memref<8192xf32, #tpu.memory_space<hbm>>) dst(%dma_wait3A_1803 : memref<8192xf32, #tpu.memory_space<vmem>>)
    %broadcast_in_dim3A_1806 = arith.constant 0.000000e+00 : f32
    %broadcast_in_dim3A_1807 = vector.broadcast %broadcast_in_dim3A_1806 : f32 to vector<16xf32>
    %scan3A_1808 = arith.constant 0 : i32
    %scan3A_1809 = arith.constant 256 : i32
    %scan3A_1810 = arith.addi %scan3A_1808, %scan3A_1809 : i32
    %scan3A_1811 = arith.constant 1 : i32
    %scan3A_1812 = scf.for %scan3A_1823 = %scan3A_1808 to %scan3A_1810 step %scan3A_1811 iter_args(%scan3A_1824 = %broadcast_in_dim3A_1807) -> (vector<16xf32>)  : i32 {
      %mul3A_1825 = arith.constant 2 : i32
      %mul3A_1826 = arith.muli %scan3A_1823, %mul3A_1825 : i32
      %add3A_1827 = arith.constant 0 : i32
      %add3A_1828 = arith.addi %mul3A_1826, %add3A_1827 : i32
      %mul3A_1829 = arith.constant 16 : i32
      %mul3A_1830 = arith.muli %add3A_1828, %mul3A_1829 : i32
      %get3A_1831 = arith.index_cast %mul3A_1830 : i32 to index
      %get3A_1832 = tpu.vector_load %arg11[%get3A_1831] {strides = array<i32>} : memref<8192xi32, #tpu.memory_space<vmem>>, vector<16xi32>,
      %gather3A = tpu.vector_load_idx %arg20[%get3A_1832] : memref<48xf32, #tpu.memory_space<vmem>>[vector<16xi32>], vector<16xf32>,
      %add3A_1833 = arith.constant 16 : i32
      %add3A_1834 = vector.broadcast %add3A_1833 : i32 to vector<16xi32>
      %add3A_1835 = arith.addi %get3A_1832, %add3A_1834 : vector<16xi32>
      %gather3A_1836 = tpu.vector_load_idx %arg20[%add3A_1835] : memref<48xf32, #tpu.memory_space<vmem>>[vector<16xi32>], vector<16xf32>,
      %add3A_1837 = arith.constant 32 : i32
      %add3A_1838 = vector.broadcast %add3A_1837 : i32 to vector<16xi32>
      %add3A_1839 = arith.addi %get3A_1832, %add3A_1838 : vector<16xi32>
      %gather3A_1840 = tpu.vector_load_idx %arg20[%add3A_1839] : memref<48xf32, #tpu.memory_space<vmem>>[vector<16xi32>], vector<16xf32>,
      %get3A_1841 = arith.index_cast %mul3A_1830 : i32 to index
      %get3A_1842 = tpu.vector_load %arg7[%get3A_1841] {strides = array<i32>} : memref<8192xf32, #tpu.memory_space<vmem>>, vector<16xf32>,
      %sub3A_1843 = arith.subf %gather3A, %get3A_1842 : vector<16xf32>
      %get3A_1844 = arith.index_cast %mul3A_1830 : i32 to index
      %get3A_1845 = tpu.vector_load %arg8[%get3A_1844] {strides = array<i32>} : memref<8192xf32, #tpu.memory_space<vmem>>, vector<16xf32>,
      %sub3A_1846 = arith.subf %gather3A_1836, %get3A_1845 : vector<16xf32>
      %get3A_1847 = arith.index_cast %mul3A_1830 : i32 to index
      %get3A_1848 = tpu.vector_load %arg9[%get3A_1847] {strides = array<i32>} : memref<8192xf32, #tpu.memory_space<vmem>>, vector<16xf32>,
      %sub3A_1849 = arith.subf %gather3A_1840, %get3A_1848 : vector<16xf32>
      %mul3A_1850 = arith.mulf %sub3A_1843, %sub3A_1843 : vector<16xf32>
      %mul3A_1851 = arith.mulf %sub3A_1846, %sub3A_1846 : vector<16xf32>
      %add3A_1852 = arith.addf %mul3A_1850, %mul3A_1851 : vector<16xf32>
      %mul3A_1853 = arith.mulf %sub3A_1849, %sub3A_1849 : vector<16xf32>
      %add3A_1854 = arith.addf %add3A_1852, %mul3A_1853 : vector<16xf32>
      %max3A_1855 = arith.constant 1.000000e-30 : f32
      %max3A_1856 = vector.broadcast %max3A_1855 : f32 to vector<16xf32>
      %max3A_1857 = arith.maximumf %add3A_1854, %max3A_1856 : vector<16xf32>
      %bitcast3A = vector.bitcast %max3A_1857 : vector<16xf32> to vector<16xi32>
      %broadcast_in_dim3A_1858 = arith.constant 1 : i32
      %broadcast_in_dim3A_1859 = vector.broadcast %broadcast_in_dim3A_1858 : i32 to vector<16xi32>
      %shift_right_arithmetic3A = arith.shrsi %bitcast3A, %broadcast_in_dim3A_1859 : vector<16xi32>
      %sub3A_1860 = arith.constant 1597463007 : i32
      %sub3A_1861 = vector.broadcast %sub3A_1860 : i32 to vector<16xi32>
      %sub3A_1862 = arith.subi %sub3A_1861, %shift_right_arithmetic3A : vector<16xi32>
      %bitcast3A_1863 = vector.bitcast %sub3A_1862 : vector<16xi32> to vector<16xf32>
      %mul3A_1864 = arith.constant 5.000000e-01 : f32
      %mul3A_1865 = vector.broadcast %mul3A_1864 : f32 to vector<16xf32>
      %mul3A_1866 = arith.mulf %mul3A_1865, %max3A_1857 : vector<16xf32>
      %mul3A_1867 = arith.mulf %mul3A_1866, %bitcast3A_1863 : vector<16xf32>
      %mul3A_1868 = arith.mulf %mul3A_1867, %bitcast3A_1863 : vector<16xf32>
      %sub3A_1869 = arith.constant 1.500000e+00 : f32
      %sub3A_1870 = vector.broadcast %sub3A_1869 : f32 to vector<16xf32>
      %sub3A_1871 = arith.subf %sub3A_1870, %mul3A_1868 : vector<16xf32>
      %mul3A_1872 = arith.mulf %bitcast3A_1863, %sub3A_1871 : vector<16xf32>
      %mul3A_1873 = arith.mulf %mul3A_1866, %mul3A_1872 : vector<16xf32>
      %mul3A_1874 = arith.mulf %mul3A_1873, %mul3A_1872 : vector<16xf32>
      %sub3A_1875 = arith.constant 1.500000e+00 : f32
      %sub3A_1876 = vector.broadcast %sub3A_1875 : f32 to vector<16xf32>
      %sub3A_1877 = arith.subf %sub3A_1876, %mul3A_1874 : vector<16xf32>
      %mul3A_1878 = arith.mulf %mul3A_1872, %sub3A_1877 : vector<16xf32>
      %mul3A_1879 = arith.mulf %add3A_1854, %mul3A_1878 : vector<16xf32>
      %min3A = arith.constant 1.000000e+00 : f32
      %min3A_1880 = vector.broadcast %min3A : f32 to vector<16xf32>
      %min3A_1881 = arith.minimumf %mul3A_1879, %min3A_1880 : vector<16xf32>
      %get3A_1882 = arith.index_cast %mul3A_1830 : i32 to index
      %get3A_1883 = tpu.vector_load %arg12[%get3A_1882] {strides = array<i32>} : memref<32768xf32, #tpu.memory_space<vmem>>, vector<16xf32>,
      %sub3A_1884 = arith.subf %sub3A_1843, %get3A_1883 : vector<16xf32>
      %add3A_1885 = arith.constant 8192 : i32
      %add3A_1886 = arith.addi %add3A_1885, %mul3A_1830 : i32
      %get3A_1887 = arith.index_cast %add3A_1886 : i32 to index
      %get3A_1888 = tpu.vector_load %arg12[%get3A_1887] {strides = array<i32>} : memref<32768xf32, #tpu.memory_space<vmem>>, vector<16xf32>,
      %sub3A_1889 = arith.subf %sub3A_1846, %get3A_1888 : vector<16xf32>
      %add3A_1890 = arith.constant 16384 : i32
      %add3A_1891 = arith.addi %add3A_1890, %mul3A_1830 : i32
      %get3A_1892 = arith.index_cast %add3A_1891 : i32 to index
      %get3A_1893 = tpu.vector_load %arg12[%get3A_1892] {strides = array<i32>} : memref<32768xf32, #tpu.memory_space<vmem>>, vector<16xf32>,
      %sub3A_1894 = arith.subf %sub3A_1849, %get3A_1893 : vector<16xf32>
      %mul3A_1895 = arith.mulf %sub3A_1884, %sub3A_1884 : vector<16xf32>
      %mul3A_1896 = arith.mulf %sub3A_1889, %sub3A_1889 : vector<16xf32>
      %add3A_1897 = arith.addf %mul3A_1895, %mul3A_1896 : vector<16xf32>
      %mul3A_1898 = arith.mulf %sub3A_1894, %sub3A_1894 : vector<16xf32>
      %add3A_1899 = arith.addf %add3A_1897, %mul3A_1898 : vector<16xf32>
      %max3A_1900 = arith.constant 1.000000e-30 : f32
      %max3A_1901 = vector.broadcast %max3A_1900 : f32 to vector<16xf32>
      %max3A_1902 = arith.maximumf %add3A_1899, %max3A_1901 : vector<16xf32>
      %bitcast3A_1903 = vector.bitcast %max3A_1902 : vector<16xf32> to vector<16xi32>
      %broadcast_in_dim3A_1904 = arith.constant 1 : i32
      %broadcast_in_dim3A_1905 = vector.broadcast %broadcast_in_dim3A_1904 : i32 to vector<16xi32>
      %shift_right_arithmetic3A_1906 = arith.shrsi %bitcast3A_1903, %broadcast_in_dim3A_1905 : vector<16xi32>
      %sub3A_1907 = arith.constant 1597463007 : i32
      %sub3A_1908 = vector.broadcast %sub3A_1907 : i32 to vector<16xi32>
      %sub3A_1909 = arith.subi %sub3A_1908, %shift_right_arithmetic3A_1906 : vector<16xi32>
      %bitcast3A_1910 = vector.bitcast %sub3A_1909 : vector<16xi32> to vector<16xf32>
      %mul3A_1911 = arith.constant 5.000000e-01 : f32
      %mul3A_1912 = vector.broadcast %mul3A_1911 : f32 to vector<16xf32>
      %mul3A_1913 = arith.mulf %mul3A_1912, %max3A_1902 : vector<16xf32>
      %mul3A_1914 = arith.mulf %mul3A_1913, %bitcast3A_1910 : vector<16xf32>
      %mul3A_1915 = arith.mulf %mul3A_1914, %bitcast3A_1910 : vector<16xf32>
      %sub3A_1916 = arith.constant 1.500000e+00 : f32
      %sub3A_1917 = vector.broadcast %sub3A_1916 : f32 to vector<16xf32>
      %sub3A_1918 = arith.subf %sub3A_1917, %mul3A_1915 : vector<16xf32>
      %mul3A_1919 = arith.mulf %bitcast3A_1910, %sub3A_1918 : vector<16xf32>
      %mul3A_1920 = arith.mulf %mul3A_1913, %mul3A_1919 : vector<16xf32>
      %mul3A_1921 = arith.mulf %mul3A_1920, %mul3A_1919 : vector<16xf32>
      %sub3A_1922 = arith.constant 1.500000e+00 : f32
      %sub3A_1923 = vector.broadcast %sub3A_1922 : f32 to vector<16xf32>
      %sub3A_1924 = arith.subf %sub3A_1923, %mul3A_1921 : vector<16xf32>
      %mul3A_1925 = arith.mulf %mul3A_1919, %sub3A_1924 : vector<16xf32>
      %mul3A_1926 = arith.mulf %add3A_1899, %mul3A_1925 : vector<16xf32>
      %mul3A_1927 = arith.mulf %mul3A_1926, %min3A_1881 : vector<16xf32>
      %add3A_1928 = arith.addf %scan3A_1824, %mul3A_1927 : vector<16xf32>
      %mul3A_1929 = arith.constant 2 : i32
      %mul3A_1930 = arith.muli %scan3A_1823, %mul3A_1929 : i32
      %add3A_1931 = arith.constant 1 : i32
      %add3A_1932 = arith.addi %mul3A_1930, %add3A_1931 : i32
      %mul3A_1933 = arith.constant 16 : i32
      %mul3A_1934 = arith.muli %add3A_1932, %mul3A_1933 : i32
      %get3A_1935 = arith.index_cast %mul3A_1934 : i32 to index
      %get3A_1936 = tpu.vector_load %arg11[%get3A_1935] {strides = array<i32>} : memref<8192xi32, #tpu.memory_space<vmem>>, vector<16xi32>,
      %gather3A_1937 = tpu.vector_load_idx %arg20[%get3A_1936] : memref<48xf32, #tpu.memory_space<vmem>>[vector<16xi32>], vector<16xf32>,
      %add3A_1938 = arith.constant 16 : i32
      %add3A_1939 = vector.broadcast %add3A_1938 : i32 to vector<16xi32>
      %add3A_1940 = arith.addi %get3A_1936, %add3A_1939 : vector<16xi32>
      %gather3A_1941 = tpu.vector_load_idx %arg20[%add3A_1940] : memref<48xf32, #tpu.memory_space<vmem>>[vector<16xi32>], vector<16xf32>,
      %add3A_1942 = arith.constant 32 : i32
      %add3A_1943 = vector.broadcast %add3A_1942 : i32 to vector<16xi32>
      %add3A_1944 = arith.addi %get3A_1936, %add3A_1943 : vector<16xi32>
      %gather3A_1945 = tpu.vector_load_idx %arg20[%add3A_1944] : memref<48xf32, #tpu.memory_space<vmem>>[vector<16xi32>], vector<16xf32>,
      %get3A_1946 = arith.index_cast %mul3A_1934 : i32 to index
      %get3A_1947 = tpu.vector_load %arg7[%get3A_1946] {strides = array<i32>} : memref<8192xf32, #tpu.memory_space<vmem>>, vector<16xf32>,
      %sub3A_1948 = arith.subf %gather3A_1937, %get3A_1947 : vector<16xf32>
      %get3A_1949 = arith.index_cast %mul3A_1934 : i32 to index
      %get3A_1950 = tpu.vector_load %arg8[%get3A_1949] {strides = array<i32>} : memref<8192xf32, #tpu.memory_space<vmem>>, vector<16xf32>,
      %sub3A_1951 = arith.subf %gather3A_1941, %get3A_1950 : vector<16xf32>
      %get3A_1952 = arith.index_cast %mul3A_1934 : i32 to index
      %get3A_1953 = tpu.vector_load %arg9[%get3A_1952] {strides = array<i32>} : memref<8192xf32, #tpu.memory_space<vmem>>, vector<16xf32>,
      %sub3A_1954 = arith.subf %gather3A_1945, %get3A_1953 : vector<16xf32>
      %mul3A_1955 = arith.mulf %sub3A_1948, %sub3A_1948 : vector<16xf32>
      %mul3A_1956 = arith.mulf %sub3A_1951, %sub3A_1951 : vector<16xf32>
      %add3A_1957 = arith.addf %mul3A_1955, %mul3A_1956 : vector<16xf32>
      %mul3A_1958 = arith.mulf %sub3A_1954, %sub3A_1954 : vector<16xf32>
      %add3A_1959 = arith.addf %add3A_1957, %mul3A_1958 : vector<16xf32>
      %max3A_1960 = arith.constant 1.000000e-30 : f32
      %max3A_1961 = vector.broadcast %max3A_1960 : f32 to vector<16xf32>
      %max3A_1962 = arith.maximumf %add3A_1959, %max3A_1961 : vector<16xf32>
      %bitcast3A_1963 = vector.bitcast %max3A_1962 : vector<16xf32> to vector<16xi32>
      %broadcast_in_dim3A_1964 = arith.constant 1 : i32
      %broadcast_in_dim3A_1965 = vector.broadcast %broadcast_in_dim3A_1964 : i32 to vector<16xi32>
      %shift_right_arithmetic3A_1966 = arith.shrsi %bitcast3A_1963, %broadcast_in_dim3A_1965 : vector<16xi32>
      %sub3A_1967 = arith.constant 1597463007 : i32
      %sub3A_1968 = vector.broadcast %sub3A_1967 : i32 to vector<16xi32>
      %sub3A_1969 = arith.subi %sub3A_1968, %shift_right_arithmetic3A_1966 : vector<16xi32>
      %bitcast3A_1970 = vector.bitcast %sub3A_1969 : vector<16xi32> to vector<16xf32>
      %mul3A_1971 = arith.constant 5.000000e-01 : f32
      %mul3A_1972 = vector.broadcast %mul3A_1971 : f32 to vector<16xf32>
      %mul3A_1973 = arith.mulf %mul3A_1972, %max3A_1962 : vector<16xf32>
      %mul3A_1974 = arith.mulf %mul3A_1973, %bitcast3A_1970 : vector<16xf32>
      %mul3A_1975 = arith.mulf %mul3A_1974, %bitcast3A_1970 : vector<16xf32>
      %sub3A_1976 = arith.constant 1.500000e+00 : f32
      %sub3A_1977 = vector.broadcast %sub3A_1976 : f32 to vector<16xf32>
      %sub3A_1978 = arith.subf %sub3A_1977, %mul3A_1975 : vector<16xf32>
      %mul3A_1979 = arith.mulf %bitcast3A_1970, %sub3A_1978 : vector<16xf32>
      %mul3A_1980 = arith.mulf %mul3A_1973, %mul3A_1979 : vector<16xf32>
      %mul3A_1981 = arith.mulf %mul3A_1980, %mul3A_1979 : vector<16xf32>
      %sub3A_1982 = arith.constant 1.500000e+00 : f32
      %sub3A_1983 = vector.broadcast %sub3A_1982 : f32 to vector<16xf32>
      %sub3A_1984 = arith.subf %sub3A_1983, %mul3A_1981 : vector<16xf32>
      %mul3A_1985 = arith.mulf %mul3A_1979, %sub3A_1984 : vector<16xf32>
      %mul3A_1986 = arith.mulf %add3A_1959, %mul3A_1985 : vector<16xf32>
      %min3A_1987 = arith.constant 1.000000e+00 : f32
      %min3A_1988 = vector.broadcast %min3A_1987 : f32 to vector<16xf32>
      %min3A_1989 = arith.minimumf %mul3A_1986, %min3A_1988 : vector<16xf32>
      %get3A_1990 = arith.index_cast %mul3A_1934 : i32 to index
      %get3A_1991 = tpu.vector_load %arg12[%get3A_1990] {strides = array<i32>} : memref<32768xf32, #tpu.memory_space<vmem>>, vector<16xf32>,
      %sub3A_1992 = arith.subf %sub3A_1948, %get3A_1991 : vector<16xf32>
      %add3A_1993 = arith.constant 8192 : i32
      %add3A_1994 = arith.addi %add3A_1993, %mul3A_1934 : i32
      %get3A_1995 = arith.index_cast %add3A_1994 : i32 to index
      %get3A_1996 = tpu.vector_load %arg12[%get3A_1995] {strides = array<i32>} : memref<32768xf32, #tpu.memory_space<vmem>>, vector<16xf32>,
      %sub3A_1997 = arith.subf %sub3A_1951, %get3A_1996 : vector<16xf32>
      %add3A_1998 = arith.constant 16384 : i32
      %add3A_1999 = arith.addi %add3A_1998, %mul3A_1934 : i32
      %get3A_2000 = arith.index_cast %add3A_1999 : i32 to index
      %get3A_2001 = tpu.vector_load %arg12[%get3A_2000] {strides = array<i32>} : memref<32768xf32, #tpu.memory_space<vmem>>, vector<16xf32>,
      %sub3A_2002 = arith.subf %sub3A_1954, %get3A_2001 : vector<16xf32>
      %mul3A_2003 = arith.mulf %sub3A_1992, %sub3A_1992 : vector<16xf32>
      %mul3A_2004 = arith.mulf %sub3A_1997, %sub3A_1997 : vector<16xf32>
      %add3A_2005 = arith.addf %mul3A_2003, %mul3A_2004 : vector<16xf32>
      %mul3A_2006 = arith.mulf %sub3A_2002, %sub3A_2002 : vector<16xf32>
      %add3A_2007 = arith.addf %add3A_2005, %mul3A_2006 : vector<16xf32>
      %max3A_2008 = arith.constant 1.000000e-30 : f32
      %max3A_2009 = vector.broadcast %max3A_2008 : f32 to vector<16xf32>
      %max3A_2010 = arith.maximumf %add3A_2007, %max3A_2009 : vector<16xf32>
      %bitcast3A_2011 = vector.bitcast %max3A_2010 : vector<16xf32> to vector<16xi32>
      %broadcast_in_dim3A_2012 = arith.constant 1 : i32
      %broadcast_in_dim3A_2013 = vector.broadcast %broadcast_in_dim3A_2012 : i32 to vector<16xi32>
      %shift_right_arithmetic3A_2014 = arith.shrsi %bitcast3A_2011, %broadcast_in_dim3A_2013 : vector<16xi32>
      %sub3A_2015 = arith.constant 1597463007 : i32
      %sub3A_2016 = vector.broadcast %sub3A_2015 : i32 to vector<16xi32>
      %sub3A_2017 = arith.subi %sub3A_2016, %shift_right_arithmetic3A_2014 : vector<16xi32>
      %bitcast3A_2018 = vector.bitcast %sub3A_2017 : vector<16xi32> to vector<16xf32>
      %mul3A_2019 = arith.constant 5.000000e-01 : f32
      %mul3A_2020 = vector.broadcast %mul3A_2019 : f32 to vector<16xf32>
      %mul3A_2021 = arith.mulf %mul3A_2020, %max3A_2010 : vector<16xf32>
      %mul3A_2022 = arith.mulf %mul3A_2021, %bitcast3A_2018 : vector<16xf32>
      %mul3A_2023 = arith.mulf %mul3A_2022, %bitcast3A_2018 : vector<16xf32>
      %sub3A_2024 = arith.constant 1.500000e+00 : f32
      %sub3A_2025 = vector.broadcast %sub3A_2024 : f32 to vector<16xf32>
      %sub3A_2026 = arith.subf %sub3A_2025, %mul3A_2023 : vector<16xf32>
      %mul3A_2027 = arith.mulf %bitcast3A_2018, %sub3A_2026 : vector<16xf32>
      %mul3A_2028 = arith.mulf %mul3A_2021, %mul3A_2027 : vector<16xf32>
      %mul3A_2029 = arith.mulf %mul3A_2028, %mul3A_2027 : vector<16xf32>
      %sub3A_2030 = arith.constant 1.500000e+00 : f32
      %sub3A_2031 = vector.broadcast %sub3A_2030 : f32 to vector<16xf32>
      %sub3A_2032 = arith.subf %sub3A_2031, %mul3A_2029 : vector<16xf32>
      %mul3A_2033 = arith.mulf %mul3A_2027, %sub3A_2032 : vector<16xf32>
      %mul3A_2034 = arith.mulf %add3A_2007, %mul3A_2033 : vector<16xf32>
      %mul3A_2035 = arith.mulf %mul3A_2034, %min3A_1989 : vector<16xf32>
      %add3A_2036 = arith.addf %add3A_1928, %mul3A_2035 : vector<16xf32>
      scf.yield %add3A_2036 : vector<16xf32>
    }
    %scan3A_1813 = arith.constant 256 : i32
    %mul3A_1814 = arith.constant 2.000000e-01 : f32
    %mul3A_1815 = vector.broadcast %mul3A_1814 : f32 to vector<16xf32>
    %mul3A_1816 = arith.mulf %scan3A_1812, %mul3A_1815 : vector<16xf32>
    %sub3A_1817 = arith.subf %mul3A_1816, %scan3A_1547 : vector<16xf32>
    %mul3A_1818 = arith.constant 3.81469727E-6 : f32
    %mul3A_1819 = vector.broadcast %mul3A_1818 : f32 to vector<16xf32>
    %mul3A_1820 = arith.mulf %sub3A_1817, %mul3A_1819 : vector<16xf32>
    %swap3A_1821 = arith.constant 0 : index
    %swap3A_1822 = tpu.vector_load %arg21[%swap3A_1821] {strides = array<i32>} : memref<16xf32, #tpu.memory_space<vmem>>, vector<16xf32>,
    tpu.vector_store %arg21[%swap3A_1821], %mul3A_1820 {strides = array<i32>} : memref<16xf32, #tpu.memory_space<vmem>>, vector<16xf32>,
    "tpu.region"() ({
      %run_scoped3A = tpu.sem_alloc : memref<!tpu.dma_semaphore, #tpu.memory_space<semaphore_mem>>
      %dma_start3A_1823 = arith.constant 0 : i32
      %dma_start3A_1824 = tpu.memref_slice %arg6[%add3A_33, %dma_start3A_1823] : memref<32x16xf32, #tpu.memory_space<hbm>> -> memref<1x16xf32, #tpu.memory_space<hbm>>
      %dma_start3A_1825 = tpu.memref_squeeze %dma_start3A_1824 : memref<1x16xf32, #tpu.memory_space<hbm>> -> memref<16xf32, #tpu.memory_space<hbm>>
      %dma_start3A_1826 = arith.constant 0 : i32
      %dma_start3A_1827 = tpu.memref_slice %arg6[%add3A_33, %dma_start3A_1826] : memref<32x16xf32, #tpu.memory_space<hbm>> -> memref<1x16xf32, #tpu.memory_space<hbm>>
      %dma_start3A_1828 = tpu.memref_squeeze %dma_start3A_1827 : memref<1x16xf32, #tpu.memory_space<hbm>> -> memref<16xf32, #tpu.memory_space<hbm>>
      tpu.enqueue_dma source(%arg21 : memref<16xf32, #tpu.memory_space<vmem>>) target(%dma_start3A_1828 : memref<16xf32, #tpu.memory_space<hbm>>) target_semaphore(%run_scoped3A : memref<!tpu.dma_semaphore, #tpu.memory_space<semaphore_mem>>)
      %dma_wait3A_1829 = arith.constant 0 : i32
      %dma_wait3A_1830 = tpu.memref_slice %arg6[%add3A_33, %dma_wait3A_1829] : memref<32x16xf32, #tpu.memory_space<hbm>> -> memref<1x16xf32, #tpu.memory_space<hbm>>
      %dma_wait3A_1831 = tpu.memref_squeeze %dma_wait3A_1830 : memref<1x16xf32, #tpu.memory_space<hbm>> -> memref<16xf32, #tpu.memory_space<hbm>>
      %dma_wait3A_1832 = arith.constant 0 : i32
      %dma_wait3A_1833 = tpu.memref_slice %arg6[%add3A_33, %dma_wait3A_1832] : memref<32x16xf32, #tpu.memory_space<hbm>> -> memref<1x16xf32, #tpu.memory_space<hbm>>
      %dma_wait3A_1834 = tpu.memref_squeeze %dma_wait3A_1833 : memref<1x16xf32, #tpu.memory_space<hbm>> -> memref<16xf32, #tpu.memory_space<hbm>>
      tpu.wait_dma2 semaphore(%run_scoped3A : memref<!tpu.dma_semaphore, #tpu.memory_space<semaphore_mem>>) src(%arg21 : memref<16xf32, #tpu.memory_space<vmem>>) dst(%dma_wait3A_1834 : memref<16xf32, #tpu.memory_space<hbm>>)
      tpu.yield
    }) : () -> ()
    return
  }
}

</mosaic_0001>

<sc_bundles>
// kernel: kernel.3.cloned.1.call-start
scs
__scs_entry_jumppad:
0x0: {  	(pc) =	sbr.rel $0x88, $3  }
0x1: {  	(tag) =	ssettag $0x0;
	lr =	simm.s32 $0x1  }
0x2: {  	[smem:$0x3F9D] =	sst lr;
	_ =	strace $0xD0000000  }
0x3: {  	_ = 	snop  }
0x4: {  	_ = 	snop  }
0x5: {  	_ = 	snop  }
0x6: {  	_ = 	snop  }
0x7: {  	_ = 	snop  }
__scs_overlays_trampoline_lowered:
0x8: {  	[smem:$0x3FAC] =	sst s0  }
0x9: {  	[smem:$0x3FAD] =	sst s1  }
0xa: {  	[smem:$0x3FAE] =	sst s2  }
0xb: {  	[smem:$0x3FAF] =	sst s3  }
0xc: {  	[smem:$0x3FB0] =	sst s4  }
0xd: {  	[smem:$0x3FB1] =	sst s5  }
0xe: {  	[smem:$0x3FB2] =	sst s6  }
0xf: {  	[smem:$0x3FB3] =	sst s7  }
0x10: {  	[smem:$0x3FB4] =	sst s8  }
0x11: {  	[smem:$0x3FB5] =	sst s9;
	s0 =	simm.s32 @!p0 $0x0  }
0x12: {  	s1 =	sld [smem:$0x3F9B];
	s0 =	simm.s32 @p0 $0x1  }
0x13: {  	[smem:$0x3FB6] =	sst s0;
	s0 =	simm.s32 @!p1 $0x0  }
0x14: {  	s2 =	sld [smem:$0x3F9A];
	s0 =	simm.s32 @p1 $0x1  }
0x15: {  	[smem:$0x3FB7] =	sst s0;
	s0 =	simm.s32 @!p2 $0x0  }
0x16: {  	s3 =	sld [smem:$0x3FDB];
	s0 =	simm.s32 @p2 $0x1  }
0x17: {  	s4 =	simm.s32 $0x1BF5;
	[smem:$0x3FB9] =	sst s0  }
0x18: {  	s0 =	sld [smem:$0x3F9C];
	_ =	swait.ge [sflag:s4], $0x0  }
0x19: {  	s7 =	sld [smem:$0x3F9D]  }
0x1a: {  	s8 =	sadd.s32 $0xFFFFE003, lr  }
0x1b: {  	s9 =	sadd.s32 $0xFFFFFEF7, lr;
	s5 =	simm.s32 $0xFFFFFFFF;
	p2 =	slt.u32 s8, $0xFFFFF086  }
0x1c: {  	p1 =	slt.u32 s9, $0xF7A;
	s5 =	simm.s32 @!p2 $0x0  }
0x1d: {  	s5 =	simm.s32 @p1 $0x1;
	p0 =	seq.s32 s7, s2  }
0x1e: {  	s7 =	smul.u32 @!p0 $0xF7A, s2;
	p2 =	seq.s32 @!p0 s5, $0x0  }
0x1f: {  	s9 =	smul.u32 $0xF7A, s1;
	s8 =	simm.s32 @!p0 $0x1BF5;
	p2 =	por !p2, p0  }
0x20: {  	[sflag:s8] =	ssyncset.s32 @!p0 $0xFFFFF086;
	s6 =	sadd.s32 @!p0 s3, s7;
	s7 =	simm.s32 @!p0 $0x108  }
0x21: {  	s3 =	sadd.s32 s3, s9;
	s6 =	sadd.s32 @!p0 $0x88, s6;
	s7 =	simm.s32 @p2 $0x1082  }
0x22: {  	[simem:s7], [sflag:s8] =	dma.local @!p0 [hbm:s6], $0xF7A  }
0x23: {  	s9 =	sor.u32 $0xD0000000, s2;
	s6 =	simm.s32 $0x108;
	_ =	swait.ge @!p0 [sflag:s8], $0x0  }
0x24: {  	s3 =	sadd.s32 $0x88, s3;
	s6 =	simm.s32 @!p1 $0x1082;
	[sflag:s4] =	ssyncset.s32 $0xFFFFF086  }
0x25: {  	[simem:s6], [sflag:s4] =	dma.local [hbm:s3], $0xF7A  }
0x26: {  	[smem:$0x3F9D] =	sst s1;
	(tag) =	ssettag s2;
	_ =	strace s9  }
0x27: {  	s1 =	sld [smem:$0x3FAD]  }
0x28: {  	s2 =	sld [smem:$0x3FAE]  }
0x29: {  	s4 =	sld [smem:$0x3FB0]  }
0x2a: {  	p0 =	seq.s32 s5, $0x0;
	s5 =	sld [smem:$0x3FB1]  }
0x2b: {  	s6 =	sld [smem:$0x3FB2]  }
0x2c: {  	s7 =	sld [smem:$0x3FB3]  }
0x2d: {  	s3 =	simm.s32 $0x108;
	s8 =	sld [smem:$0x3FB4]  }
0x2e: {  	s3 =	simm.s32 @!p0 $0x1082;
	s9 =	sld [smem:$0x3FB5]  }
0x2f: {  	lr =	sadd.s32 s0, s3;
	s0 =	sld [smem:$0x3FAC]  }
0x30: {  	s3 =	sld [smem:$0x3FAF]  }
0x31: {  	[smem:$0x3FB8] =	sst s10  }
0x32: {  	s10 =	sld [smem:$0x3FB6];
	_ =	sdelay $0x3  }
0x33: {  	p0 =	seq.s32 s10, $0x1;
	s10 =	sld [smem:$0x3FB8];
	_ =	sdelay $0x3  }
0x34: {  	[smem:$0x3FB8] =	sst s10  }
0x35: {  	s10 =	sld [smem:$0x3FB7];
	_ =	sdelay $0x3  }
0x36: {  	p1 =	seq.s32 s10, $0x1;
	s10 =	sld [smem:$0x3FB8];
	_ =	sdelay $0x3  }
0x37: {  	[smem:$0x3FB8] =	sst s10  }
0x38: {  	s10 =	sld [smem:$0x3FB9]  }
0x39: {  	_ = 	snop;
	(pc) =	sbr.ind lr, $3  }
0x3a: {  	_ = 	snop  }
0x3b: {  	_ = 	snop  }
0x3c: {  	p2 =	seq.s32 s10, $0x1;
	s10 =	sld [smem:$0x3FB8]  }
0x3d: {  	_ =	shalt  }
0x3e: {  	_ =	shalt  }
0x3f: {  	_ =	shalt  }
0x40: {  	_ =	shalt  }
0x41: {  	_ =	shalt  }
0x42: {  	_ =	shalt  }
0x43: {  	_ =	shalt  }
0x44: {  	_ =	shalt  }
0x45: {  	_ =	shalt  }
0x46: {  	_ =	shalt  }
0x47: {  	_ =	shalt  }
0x48: {  	_ =	shalt  }
0x49: {  	_ =	shalt  }
0x4a: {  	_ =	shalt  }
0x4b: {  	_ =	shalt  }
0x4c: {  	_ =	shalt  }
0x4d: {  	_ =	shalt  }
0x4e: {  	_ =	shalt  }
0x4f: {  	_ =	shalt  }
0x50: {  	_ =	shalt  }
0x51: {  	_ =	shalt  }
0x52: {  	_ =	shalt  }
0x53: {  	_ =	shalt  }
0x54: {  	_ =	shalt  }
0x55: {  	_ =	shalt  }
0x56: {  	_ =	shalt  }
0x57: {  	_ =	shalt  }
0x58: {  	_ =	shalt  }
0x59: {  	_ =	shalt  }
0x5a: {  	_ =	shalt  }
0x5b: {  	_ =	shalt  }
0x5c: {  	_ =	shalt  }
0x5d: {  	_ =	shalt  }
0x5e: {  	_ =	shalt  }
0x5f: {  	_ =	shalt  }
0x60: {  	_ =	shalt  }
0x61: {  	_ =	shalt  }
0x62: {  	_ =	shalt  }
0x63: {  	_ =	shalt  }
0x64: {  	_ =	shalt  }
0x65: {  	_ =	shalt  }
0x66: {  	_ =	shalt  }
0x67: {  	_ =	shalt  }
0x68: {  	_ =	shalt  }
0x69: {  	_ =	shalt  }
0x6a: {  	_ =	shalt  }
0x6b: {  	_ =	shalt  }
0x6c: {  	_ =	shalt  }
0x6d: {  	_ =	shalt  }
0x6e: {  	_ =	shalt  }
0x6f: {  	_ =	shalt  }
0x70: {  	_ =	shalt  }
0x71: {  	_ =	shalt  }
0x72: {  	_ =	shalt  }
0x73: {  	_ =	shalt  }
0x74: {  	_ =	shalt  }
0x75: {  	_ =	shalt  }
0x76: {  	_ =	shalt  }
0x77: {  	_ =	shalt  }
0x78: {  	_ =	shalt  }
0x79: {  	_ =	shalt  }
0x7a: {  	_ =	shalt  }
0x7b: {  	_ =	shalt  }
0x7c: {  	_ =	shalt  }
0x7d: {  	_ =	shalt  }
0x7e: {  	_ =	shalt  }
0x7f: {  	_ =	shalt  }
0x80: {  	_ =	shalt  }
0x81: {  	_ =	shalt  }
0x82: {  	_ =	shalt  }
0x83: {  	_ =	shalt  }
0x84: {  	_ =	shalt  }
0x85: {  	_ =	shalt  }
0x86: {  	_ =	shalt  }
0x87: {  	_ =	shalt  }
.Lfunc_end0:
.L_simem_size_0:
called_computation_lowered:
.L_overlay_start_0:
0x88: {  	s2 =	sld [smem:$0x3FD9]  }
0x89: {  	s3 =	sld [smem:$0x3FFE];
	_ =	sdelay $0x1  }
0x8a: {  	s1 =	srdreg.scid  }
0x8b: {  	s0 =	sand.u32 $0x1, s1  }
0x8c: {  	s17 =	sshll.u32 s0, $0xA;
	s2 =	sadd.s32 s3, s2  }
0x8d: {  	s2 =	sadd.s32 s2, s17  }
0x8e: {  	[smem:$0x3FC4] =	sst s2  }
0x8f: {  	_ = 	snop  }
0x90: {  	s2 =	sld [smem:$0x3FC9]  }
0x91: {  	s18 =	sld [smem:$0x3FC8]  }
0x92: {  	s4 =	sld [smem:$0x3FC7]  }
0x93: {  	s5 =	sld [smem:$0x3FC6];
	(tm) =	ssettm $0x1  }
0x94: {  	s6 =	sld [smem:$0x3FFB];
	_ =	sdelay $0x3  }
0x95: {  	_ =	strace s6  }
0x96: {  	s6 =	sld [smem:$0x3FFC];
	_ =	sdelay $0x3  }
0x97: {  	_ =	strace s6  }
0x98: {  	s6 =	sld [smem:$0x3FFD];
	_ =	sdelay $0x3  }
0x99: {  	_ =	strace s6  }
0x9a: {  	_ =	strace $0x8FFFFFFF  }
0x9b: {  	s19 =	sld [smem:$0x3FDB];
	_ =	sdelay $0x1  }
0x9c: {  	s7 =	simm.s32 $_scs_section_size  }
0x9d: {  	s8 =	simm.s32 $_size__tile_overlayer_lowered;
	s9 =	simm.s32 $_tile_overlayer_lowered  }
0x9e: {  	s22 =	simm.s32 $0x1BFF;
	s21 =	sshll.u32 s9, $0x1;
	s6 =	sadd.s32 s7, s19  }
0x9f: {  	s10 =	simm.s32 $0x0;
	s20 =	sshll.u32 s8, $0x1;
	s8 =	sadd.s32 s21, s6  }
0xa0: {  	[timem:s10], [sflag:s22] =	dma.local [hbm:s8], s20  }
0xa1: {  	_ =	swait.ge [sflag:s22], s20  }
0xa2: {  	s7 =	ssub.s32 $0x0, s20;
	[sflag:s22] =	ssyncset.done $0x0  }
0xa3: {  	[sflag:s22] =	ssyncadd.s32 s7;
	_ =	sdelay $0x1  }
0xa4: {  	s23 =	simm.s32 $0x1B8B  }
0xa5: {  	_ =	swait.ge [sflag:s23], $0x1  }
0xa6: {  	[sflag:s23] =	ssyncset.done $0x0  }
0xa7: {  	s25 =	simm.s32 $0x1B8E;
	s24 =	sld [smem:$0x3FFE];
	[sflag:s23] =	ssyncadd.s32 $0xFFFFFFFF  }
0xa8: {  	s26 =	simm.s32 $execute0_lowered;
	[smem:$0x3FD2] =	sst s25  }
0xa9: {  	s8 =	sshll.u32 s26, $0x1;
	_ =	strace $0x80000046;
	[dreg:$0x1] =	wrdreg $0xFFFFFFFF  }
0xaa: {  	s28 =	simm.s32 $_size_execute0_lowered;
	s6 =	sadd.s32 s6, s8;
	[dreg:$0x0] =	wrdreg $0x0  }
0xab: {  	s8 =	sshll.u32 s28, $0x1;
	[dreg:$0x2] =	wrdreg s6  }
0xac: {  	[dreg:$0x3] =	wrdreg s8  }
0xad: {  	[dreg:$0x4] =	wrdreg $0xC0  }
0xae: {  	_ =	task [dreg:s10], $0x5FFFF  }
0xaf: {  	[dreg:$0x1] =	wrdreg $0xFFFFFFFF  }
0xb0: {  	[dreg:$0x0] =	wrdreg $0x60  }
0xb1: {  	[dreg:$0x2] =	wrdreg s2  }
0xb2: {  	[dreg:$0x3] =	wrdreg s18  }
0xb3: {  	[dreg:$0x4] =	wrdreg s4  }
0xb4: {  	[dreg:$0x5] =	wrdreg s5  }
0xb5: {  	[dreg:$0x6] =	wrdreg s24  }
0xb6: {  	[dreg:$0x7] =	wrdreg $0x1A6000  }
0xb7: {  	[dreg:$0x8] =	wrdreg $0x9  }
0xb8: {  	_ =	task.clear_ibuf [dreg:s10], $0x9FFFF;
	_ =	strace $0x90000046  }
0xb9: {  	s29 =	simm.s32 $0x9;
	_ =	strace $0x80000048  }
0xba: {  	_ =	swait.ge [sflag:s29], $0x1  }
0xbb: {  	[sflag:s29] =	ssyncadd.s32 $0xFFFFFFFF  }
0xbc: {  	_ =	strace $0x90000048  }
0xbd: {  	_ =	sfence  }
0xbe: {  	s30 =	sld [smem:$0x0];
	_ =	sdelay $0x2  }
0xbf: {  	s31 =	sshll.u32 s1, $0xD;
	s1 =	sshrl.u32 s1, $0x2  }
0xc0: {  	s3 =	sand.u32 $0x4000, s31;
	s1 =	sadd.s32 s1, s30  }
0xc1: {  	s0 =	sor.u32 s3, s0;
	s1 =	sshll.u32 s1, $0x11  }
0xc2: {  	s0 =	sor.u32 s1, s0  }
0xc3: {  	s0 =	sadd.s32 $0x8F2B, s0  }
0xc4: {  	[sflag:s0] =	ssyncadd.remote.s32 $0x1  }
0xc5: {  	_ =	sfence.sel $0xFFFF  }
0xc6: {  	[dreg:$0x0] =	wrdreg $0xFFFFFFFF;
	(pc) =	sbr.abs _section_cstart, $3  }
0xc7: {  	[dreg:$0x1] =	wrdreg $0xFFFFFFFF  }
0xc8: {  	_ =	task.clear_ibuf [dreg:s10], $0x2FFFF;
	_ =	strace $0x9FFFFFFF  }
0xc9: {  	(tm) =	ssettm $0x7FFFFFFF  }
tec
execute0_lowered:
.L_overlay_start_1:
0x0: {  	(tag) =	ssettag $0x1  }
0x1: {  	s0 =	srdreg.scid;
	s2 =	rddreg [dreg:$0x1]  }
0x2: {  	s10 =	rddreg [dreg:$0x3];
	s20 =	stileid.u32;
	s1 =	sand.u32 $0x1, s0  }
0x3: {  	s7 =	sshrl.u32 s20, $0x1;
	s16 =	sshll.u32 s20, $0xD;
	s6 =	sadd.s32 $0x40, s2  }
0x4: {  	s9 =	sadd.s32 $0x60, s2;
	s0 =	ssub.s32 $0x2, s1;
	s4 =	sshll.u32 s1, $0x3  }
0x5: {  	s11 =	sand.u32 $0x2000, s16;
	s3 =	sshrl.u32 s0, $0x1;
	s15 =	sor.u32 s7, s4  }
0x6: {  	s14 =	sshll.u32 s11, $0x3;
	s4 =	sadd.s32 $0x20, s2;
	s7 =	sshll.u32 s7, $0x4  }
0x7: {  	s0 =	ssub.s32 s0, s3;
	s12 =	sshll.u32 s15, $0x12;
	s13 =	sshll.u32 s15, $0xF  }
0x8: {  	s3 =	sadd.s32 $0x10, s2;
	s22 =	sor.u32 $0x4000, s14;
	s15 =	sor.u32 s11, s13  }
0x9: {  	s24 =	sor.u32 $0x8000, s14;
	s14 =	sor.u32 $0xC000, s14;
	s17 =	sadd.s32 s2, s15  }
0xa: {  	s16 =	sor.u32 $0x20000, s12;
	s18 =	sadd.s32 s15, s3;
	[dreg:$0x7] =	wrdreg s17  }
0xb: {  	s23 =	sor.u32 s12, s22;
	s5 =	sadd.s32 s15, s4;
	[dreg:$0x8] =	wrdreg s18  }
0xc: {  	s19 =	sadd.s32 s15, s6;
	s26 =	sadd.s32 s15, s9;
	[dreg:$0x9] =	wrdreg s5  }
0xd: {  	s5 =	sadd.s32 $0x30, s2;
	[dreg:$0xb] =	wrdreg s19;
	s17 =	sshrl.u32 s16, $0x3  }
0xe: {  	s18 =	sshll.u32 s1, $0xE;
	s19 =	sshll.u32 s11, $0x1;
	[dreg:$0xd] =	wrdreg s26  }
0xf: {  	s8 =	sadd.s32 s15, s5;
	s17 =	sor.u32 s11, s17;
	s7 =	sor.u32 s18, s7  }
0x10: {  	s13 =	sor.u32 s19, s13;
	s18 =	sor.u32 s12, s24;
	s19 =	sor.u32 s24, s16  }
0x11: {  	s12 =	sor.u32 s12, s14;
	s14 =	sor.u32 s14, s16;
	[dreg:$0xa] =	wrdreg s8  }
0x12: {  	s21 =	sshrl.u32 s13, $0x3;
	s13 =	sor.u32 s22, s16;
	s16 =	sadd.s32 s2, s17  }
0x13: {  	s7 =	sor.u32 s11, s7;
	s22 =	sadd.s32 s17, s3;
	[dreg:$0xf] =	wrdreg s16  }
0x14: {  	s11 =	sshrl.u32 s23, $0x3;
	s23 =	sadd.s32 s17, s4;
	[dreg:$0x10] =	wrdreg s22  }
0x15: {  	s8 =	sadd.s32 $0x50, s2;
	s24 =	sadd.s32 s17, s5;
	[dreg:$0x11] =	wrdreg s23  }
0x16: {  	s25 =	sadd.s32 s15, s8;
	[dreg:$0x12] =	wrdreg s24  }
0x17: {  	s26 =	sadd.s32 s17, s8;
	[dreg:$0xc] =	wrdreg s25  }
0x18: {  	s16 =	sadd.s32 s17, s9;
	[dreg:$0x14] =	wrdreg s26  }
0x19: {  	s21 =	sadd.s32 s10, s21;
	s23 =	sadd.s32 s2, s11;
	[dreg:$0x15] =	wrdreg s16  }
0x1a: {  	s10 =	sadd.s32 $0x70, s2;
	s24 =	sadd.s32 s11, s3;
	[dreg:$0x17] =	wrdreg s23  }
0x1b: {  	s15 =	sadd.s32 s15, s10;
	[dreg:$0x18] =	wrdreg s24  }
0x1c: {  	s25 =	sadd.s32 s17, s6;
	[dreg:$0xe] =	wrdreg s15  }
0x1d: {  	s22 =	sadd.s32 s17, s10;
	[dreg:$0x13] =	wrdreg s25  }
0x1e: {  	s26 =	sadd.s32 s11, s5;
	[dreg:$0x16] =	wrdreg s22  }
0x1f: {  	s16 =	sadd.s32 s11, s6;
	[dreg:$0x1a] =	wrdreg s26  }
0x20: {  	s13 =	sshrl.u32 s13, $0x3;
	s17 =	sadd.s32 s11, s8;
	[dreg:$0x1b] =	wrdreg s16  }
0x21: {  	s23 =	sadd.s32 s2, s13;
	[dreg:$0x1c] =	wrdreg s17  }
0x22: {  	s24 =	sadd.s32 s13, s3;
	[dreg:$0x1f] =	wrdreg s23  }
0x23: {  	s25 =	sadd.s32 s11, s4;
	[smem:$0x7CC] =	sst s24  }
0x24: {  	s22 =	sadd.s32 s11, s9;
	[dreg:$0x19] =	wrdreg s25  }
0x25: {  	s11 =	sadd.s32 s11, s10;
	[dreg:$0x1d] =	wrdreg s22  }
0x26: {  	s26 =	sadd.s32 s13, s5;
	[dreg:$0x1e] =	wrdreg s11  }
0x27: {  	s16 =	sadd.s32 s13, s6;
	[smem:$0x7CE] =	sst s26  }
0x28: {  	s17 =	sadd.s32 s13, s8;
	[smem:$0x7CF] =	sst s16  }
0x29: {  	s25 =	sadd.s32 s13, s4;
	[smem:$0x7D0] =	sst s17  }
0x2a: {  	s11 =	sshrl.u32 s18, $0x3;
	s18 =	sadd.s32 s13, s9;
	[smem:$0x7CD] =	sst s25  }
0x2b: {  	s13 =	sadd.s32 s13, s10;
	[smem:$0x7D1] =	sst s18  }
0x2c: {  	[smem:$0x7D2] =	sst s13;
	s22 =	sadd.s32 s2, s11  }
0x2d: {  	s23 =	sadd.s32 s11, s3;
	[smem:$0x7D3] =	sst s22  }
0x2e: {  	s24 =	sadd.s32 s11, s4;
	[smem:$0x7D4] =	sst s23  }
0x2f: {  	s25 =	sadd.s32 s11, s5;
	[smem:$0x7D5] =	sst s24  }
0x30: {  	s26 =	sadd.s32 s11, s6;
	[smem:$0x7D6] =	sst s25  }
0x31: {  	s16 =	sadd.s32 s11, s8;
	[smem:$0x7D7] =	sst s26  }
0x32: {  	s17 =	sadd.s32 s11, s9;
	[smem:$0x7D8] =	sst s16  }
0x33: {  	s11 =	sadd.s32 s11, s10;
	[smem:$0x7D9] =	sst s17  }
0x34: {  	s13 =	sshrl.u32 s19, $0x3;
	[smem:$0x7DA] =	sst s11  }
0x35: {  	s11 =	sshrl.u32 s12, $0x3;
	s18 =	sadd.s32 s2, s13;
	s12 =	rddreg [dreg:$0x2]  }
0x36: {  	s19 =	sadd.s32 s13, s3;
	[smem:$0x7DB] =	sst s18  }
0x37: {  	s22 =	sadd.s32 s13, s4;
	[smem:$0x7DC] =	sst s19  }
0x38: {  	s23 =	sadd.s32 s13, s5;
	[smem:$0x7DD] =	sst s22  }
0x39: {  	s24 =	sadd.s32 s13, s6;
	[smem:$0x7DE] =	sst s23  }
0x3a: {  	s25 =	sadd.s32 s13, s8;
	[smem:$0x7DF] =	sst s24  }
0x3b: {  	s26 =	sadd.s32 s13, s9;
	[smem:$0x7E0] =	sst s25  }
0x3c: {  	s15 =	sadd.s32 s13, s10;
	s16 =	sshrl.u32 s14, $0x3;
	[smem:$0x7E1] =	sst s26  }
0x3d: {  	[smem:$0x7E2] =	sst s15;
	s17 =	sadd.s32 s2, s11;
	s18 =	sadd.s32 s11, s3  }
0x3e: {  	s19 =	sadd.s32 s11, s4;
	s22 =	sadd.s32 s11, s5;
	s23 =	sadd.s32 s11, s6  }
0x3f: {  	s24 =	sadd.s32 s11, s8;
	s25 =	sadd.s32 s11, s9;
	s26 =	sadd.s32 s16, s3  }
0x40: {  	s3 =	sadd.s32 s16, s4;
	s4 =	sadd.s32 s16, s5;
	s5 =	sadd.s32 s16, s6  }
0x41: {  	s6 =	sadd.s32 s16, s8;
	s8 =	sadd.s32 s16, s9;
	s9 =	rddreg [dreg:$0x0]  }
0x42: {  	[smem:$0x7E3] =	sst s17  }
0x43: {  	[smem:$0x7E4] =	sst s18  }
0x44: {  	[smem:$0x7E5] =	sst s19  }
0x45: {  	[smem:$0x7E6] =	sst s22  }
0x46: {  	[smem:$0x7E7] =	sst s23  }
0x47: {  	[smem:$0x7E8] =	sst s24  }
0x48: {  	s11 =	sadd.s32 s11, s10;
	[smem:$0x7E9] =	sst s25  }
0x49: {  	s2 =	sadd.s32 s2, s16;
	[smem:$0x7EA] =	sst s11  }
0x4a: {  	[smem:$0x7EB] =	sst s2  }
0x4b: {  	[smem:$0x7EC] =	sst s26  }
0x4c: {  	[smem:$0x7ED] =	sst s3  }
0x4d: {  	s28 =	simm.s32 $0xE000;
	s29 =	simm.s32 $0x18000;
	[smem:$0x7EE] =	sst s4  }
0x4e: {  	s30 =	simm.s32 $0x18800;
	s31 =	simm.s32 $0x19000;
	[smem:$0x7EF] =	sst s5  }
0x4f: {  	s0 =	smax.u32 s0, $0x1;
	s1 =	sshll.u32 s1, $0xB;
	[smem:$0x7F0] =	sst s6  }
0x50: {  	s13 =	sor.u32 $0x8000, s7;
	[smem:$0x7F1] =	sst s8;
	s11 =	sadd.s32 s16, s10  }
0x51: {  	s14 =	sadd.s32 s9, s7;
	s15 =	sadd.s32 s9, s13;
	s22 =	rddreg [dreg:$0x5]  }
0x52: {  	s16 =	sor.u32 $0x10000, s7;
	s17 =	sadd.s32 s12, s7;
	s24 =	rddreg [dreg:$0x4]  }
0x53: {  	s8 =	simm.s32 $0x0;
	s18 =	sadd.s32 s12, s13;
	[smem:$0x7F2] =	sst s11  }
0x54: {  	s23 =	sshll.u32 s20, $0x7;
	s26 =	sadd.s32 $0x10, s21;
	[smem:$0x7F3] =	sst s14  }
0x55: {  	s10 =	simm.s32 $0xA800;
	s5 =	simm.s32 $0x1;
	[smem:$0x7F4] =	sst s15  }
0x56: {  	s7 =	simm.s32 $0x12000;
	s13 =	simm.s32 $0x1A300;
	[smem:$0x7F6] =	sst s17  }
0x57: {  	s4 =	simm.s32 $0x4;
	s2 =	sadd.s32 s9, s16;
	[smem:$0x7F7] =	sst s18  }
0x58: {  	s19 =	sadd.s32 s12, s16;
	[smem:$0x7FF] =	sst s8;
	s1 =	sor.u32 s23, s1  }
0x59: {  	s25 =	sadd.s32 s23, s22;
	s3 =	sxor.u32 $0x80, s23;
	s17 =	simm.s32 $0x80  }
0x5a: {  	s18 =	simm.s32 $0x400;
	s23 =	simm.s32 $0xC000;
	s11 =	simm.s32 $0x16800  }
0x5b: {  	s12 =	simm.s32 $0x2;
	s14 =	simm.s32 $0x3;
	[smem:$0x7F5] =	sst s2  }
0x5c: {  	s15 =	simm.s32 $0x1A500;
	s16 =	simm.s32 $0x0;
	[smem:$0x7F8] =	sst s19  }
0x5d: {  	[smem:$0x7F9] =	sst s25;
	s1 =	sshrl.u32 s1, $0x3;
	s2 =	sadd.s32 s3, s22  }
0x5e: {  	s19 =	simm.s32 $0xA000;
	s22 =	simm.s32 $0xB000;
	s25 =	simm.s32 $0x17000  }
0x5f: {  	s3 =	simm.s32 $0x1A200;
	[smem:$0x7FA] =	sst s2;
	s1 =	sadd.s32 s24, s1  }
0x60: {  	s24 =	smov.u32 s21;
	s2 =	simm.s32 $0x1A100;
	[smem:$0x7FB] =	sst s1  }
0x61: {  	v0 =	vlaneseq.u32;
	s1 =	simm.s32 $0x1A000;
	_ =	strace $0x80000047;
	[smem:$0x7FC] =	sst s0  }
0x62: {  	v2 =	vimm.f32 $1.000000000e+00;
	v1 =	vmul.u32 $0x10, v0;
	[smem:$0x7FD] =	sst s26;
	s26 =	simm.s32 $0x17800;
	s0 =	simm.s32 $0x19800  }
.LBB2_1:
0x63: {  	s6 =	rddreg [dreg:$0x7]  }
0x64: {  	s20 =	rddreg [dreg:$0x8]  }
0x65: {  	[tilespmem:s19], [sflag:$0x2] =	stream.strided.gather [hbm4b:s6+s17], $0x800, s18, s17, $0x38;
	[tilespmem:$0x1A640] =	vst v63  }
0x66: {  	s21 =	rddreg [dreg:$0x9]  }
0x67: {  	[tilespmem:s10], [sflag:$0x2] =	stream.strided.gather [hbm4b:s20+s17], $0x800, s18, s17, $0x38;
	[tilespmem:$0x1A640] =	vst v63  }
0x68: {  	s10 =	rddreg [dreg:$0xc]  }
0x69: {  	[tilespmem:s22], [sflag:$0x2] =	stream.strided.gather [hbm4b:s21+s17], $0x800, s18, s17, $0x38;
	[tilespmem:$0x1A640] =	vst v63  }
0x6a: {  	s9 =	simm.s32 $0xB800;
	s22 =	rddreg [dreg:$0xa]  }
0x6b: {  	[tilespmem:s9], [sflag:$0x2] =	stream.strided.gather [hbm4b:s22+s17], $0x800, s18, s17, $0x38;
	[tilespmem:$0x1A640] =	vst v63  }
0x6c: {  	s9 =	rddreg [dreg:$0xb]  }
0x6d: {  	[tilespmem:s23], [sflag:$0x2] =	stream.strided.gather [hbm4b:s9+s17], $0x800, s18, s17, $0x38;
	[tilespmem:$0x1A640] =	vst v63  }
0x6e: {  	s20 =	simm.s32 $0xC800;
	s21 =	rddreg [dreg:$0xd]  }
0x6f: {  	[tilespmem:s20], [sflag:$0x2] =	stream.strided.gather [hbm4b:s10+s17], $0x800, s18, s17, $0x38;
	[tilespmem:$0x1A640] =	vst v63  }
0x70: {  	s22 =	simm.s32 $0xD000;
	s9 =	rddreg [dreg:$0xe]  }
0x71: {  	[tilespmem:s22], [sflag:$0x2] =	stream.strided.gather [hbm4b:s21+s17], $0x800, s18, s17, $0x38;
	[tilespmem:$0x1A640] =	vst v63  }
0x72: {  	s10 =	simm.s32 $0xD800;
	s20 =	rddreg [dreg:$0xf]  }
0x73: {  	[tilespmem:s10], [sflag:$0x2] =	stream.strided.gather [hbm4b:s9+s17], $0x800, s18, s17, $0x38;
	[tilespmem:$0x1A640] =	vst v63  }
0x74: {  	s21 =	rddreg [dreg:$0x10]  }
0x75: {  	[tilespmem:s28], [sflag:$0x2] =	stream.strided.gather [hbm4b:s20+s17], $0x800, s18, s17, $0x38;
	[tilespmem:$0x1A640] =	vst v63  }
0x76: {  	s22 =	simm.s32 $0xE800;
	s10 =	rddreg [dreg:$0x11]  }
0x77: {  	[tilespmem:s22], [sflag:$0x2] =	stream.strided.gather [hbm4b:s21+s17], $0x800, s18, s17, $0x38;
	[tilespmem:$0x1A640] =	vst v63  }
0x78: {  	s9 =	sld [smem:$0x7F3];
	s20 =	simm.s32 $0xF000  }
0x79: {  	[tilespmem:s20], [sflag:$0x2] =	stream.strided.gather [hbm4b:s10+s17], $0x800, s18, s17, $0x38;
	[tilespmem:$0x1A640] =	vst v63  }
0x7a: {  	s21 =	rddreg [dreg:$0x12];
	s22 =	simm.s32 $0xF800  }
0x7b: {  	[tilespmem:s22], [sflag:$0x2] =	stream.strided.gather [hbm4b:s21+s17], $0x800, s18, s17, $0x38;
	[tilespmem:$0x1A640] =	vst v63  }
0x7c: {  	s10 =	rddreg [dreg:$0x13];
	s20 =	simm.s32 $0x10000  }
0x7d: {  	[tilespmem:s20], [sflag:$0x2] =	stream.strided.gather [hbm4b:s10+s17], $0x800, s18, s17, $0x38;
	[tilespmem:$0x1A640] =	vst v63  }
0x7e: {  	s21 =	rddreg [dreg:$0x14];
	s22 =	simm.s32 $0x10800  }
0x7f: {  	[tilespmem:s22], [sflag:$0x2] =	stream.strided.gather [hbm4b:s21+s17], $0x800, s18, s17, $0x38;
	[tilespmem:$0x1A640] =	vst v63  }
0x80: {  	s10 =	rddreg [dreg:$0x15];
	s20 =	simm.s32 $0x11000  }
0x81: {  	[tilespmem:s20], [sflag:$0x2] =	stream.strided.gather [hbm4b:s10+s17], $0x800, s18, s17, $0x38;
	[tilespmem:$0x1A640] =	vst v63  }
0x82: {  	s21 =	rddreg [dreg:$0x16];
	s22 =	simm.s32 $0x11800  }
0x83: {  	[tilespmem:s22], [sflag:$0x2] =	stream.strided.gather [hbm4b:s21+s17], $0x800, s18, s17, $0x38;
	[tilespmem:$0x1A640] =	vst v63  }
0x84: {  	s10 =	sld [smem:$0x7F4]  }
0x85: {  	[tilespmem:s8], [sflag:$0x1] =	stream.strided.gather [hbm4b:s9+s17], $0x2000, s18, s17, $0x38;
	[tilespmem:$0x1A640] =	vst v63  }
0x86: {  	s20 =	simm.s32 $0x2000;
	s21 =	sld [smem:$0x7F5]  }
0x87: {  	[tilespmem:s20], [sflag:$0x1] =	stream.strided.gather [hbm4b:s10+s17], $0x2000, s18, s17, $0x38;
	[tilespmem:$0x1A640] =	vst v63  }
0x88: {  	s22 =	simm.s32 $0x4000  }
0x89: {  	[tilespmem:s22], [sflag:$0x1] =	stream.strided.gather [hbm4b:s21+s17], $0x2000, s18, s17, $0x38;
	[tilespmem:$0x1A640] =	vst v63  }
0x8a: {  	s9 =	simm.s32 $0x100;
	s10 =	simm.s32 $0x6000;
	s20 =	sld [smem:$0x7FD]  }
0x8b: {  	[tilespmem:s10], [sflag:$0x1] =	stream.strided.gather [hbm4b:s24+s17], $0x2000, s9, s17, $0x38;
	[tilespmem:$0x1A640] =	vst v63  }
0x8c: {  	s21 =	simm.s32 $0x8000  }
0x8d: {  	v3 =	vimm.f32 $0.0e+00;
	[tilespmem:s21], [sflag:$0x1] =	stream.strided.gather [hbm4b:s20+s17], $0x2000, s9, s17, $0x38;
	[tilespmem:$0x1A640] =	vst v63  }
0x8e: {  	[tilespmem:$0x1A000] =	vst v3  }
0x8f: {  	[tilespmem:$0x1A100] =	vst v3  }
0x90: {  	[tilespmem:$0x1A200] =	vst v3  }
0x91: {  	[tilespmem:$0x1A300] =	vst v3  }
0x92: {  	[tilespmem:$0x1A010] =	vst v3  }
0x93: {  	[tilespmem:$0x1A110] =	vst v3  }
0x94: {  	[tilespmem:$0x1A210] =	vst v3  }
0x95: {  	[tilespmem:$0x1A310] =	vst v3  }
0x96: {  	[tilespmem:$0x1A020] =	vst v3  }
0x97: {  	[tilespmem:$0x1A120] =	vst v3  }
0x98: {  	[tilespmem:$0x1A220] =	vst v3  }
0x99: {  	[tilespmem:$0x1A320] =	vst v3  }
0x9a: {  	[tilespmem:$0x1A030] =	vst v3  }
0x9b: {  	[tilespmem:$0x1A130] =	vst v3  }
0x9c: {  	[tilespmem:$0x1A230] =	vst v3  }
0x9d: {  	[tilespmem:$0x1A330] =	vst v3  }
0x9e: {  	[tilespmem:$0x1A040] =	vst v3  }
0x9f: {  	[tilespmem:$0x1A140] =	vst v3  }
0xa0: {  	[tilespmem:$0x1A240] =	vst v3  }
0xa1: {  	[tilespmem:$0x1A340] =	vst v3  }
0xa2: {  	[tilespmem:$0x1A050] =	vst v3  }
0xa3: {  	[tilespmem:$0x1A150] =	vst v3  }
0xa4: {  	[tilespmem:$0x1A250] =	vst v3  }
0xa5: {  	[tilespmem:$0x1A350] =	vst v3  }
0xa6: {  	[tilespmem:$0x1A060] =	vst v3  }
0xa7: {  	[tilespmem:$0x1A160] =	vst v3  }
0xa8: {  	[tilespmem:$0x1A260] =	vst v3  }
0xa9: {  	[tilespmem:$0x1A360] =	vst v3  }
0xaa: {  	[tilespmem:$0x1A070] =	vst v3  }
0xab: {  	[tilespmem:$0x1A170] =	vst v3  }
0xac: {  	[tilespmem:$0x1A270] =	vst v3  }
0xad: {  	[tilespmem:$0x1A370] =	vst v3  }
0xae: {  	[tilespmem:$0x1A080] =	vst v3  }
0xaf: {  	[tilespmem:$0x1A180] =	vst v3  }
0xb0: {  	[tilespmem:$0x1A280] =	vst v3  }
0xb1: {  	[tilespmem:$0x1A380] =	vst v3  }
0xb2: {  	[tilespmem:$0x1A090] =	vst v3  }
0xb3: {  	[tilespmem:$0x1A190] =	vst v3  }
0xb4: {  	[tilespmem:$0x1A290] =	vst v3  }
0xb5: {  	[tilespmem:$0x1A390] =	vst v3  }
0xb6: {  	[tilespmem:$0x1A0A0] =	vst v3  }
0xb7: {  	[tilespmem:$0x1A1A0] =	vst v3  }
0xb8: {  	[tilespmem:$0x1A2A0] =	vst v3  }
0xb9: {  	[tilespmem:$0x1A3A0] =	vst v3  }
0xba: {  	[tilespmem:$0x1A0B0] =	vst v3  }
0xbb: {  	[tilespmem:$0x1A1B0] =	vst v3  }
0xbc: {  	[tilespmem:$0x1A2B0] =	vst v3  }
0xbd: {  	[tilespmem:$0x1A3B0] =	vst v3  }
0xbe: {  	[tilespmem:$0x1A0C0] =	vst v3  }
0xbf: {  	[tilespmem:$0x1A1C0] =	vst v3  }
0xc0: {  	[tilespmem:$0x1A2C0] =	vst v3  }
0xc1: {  	[tilespmem:$0x1A3C0] =	vst v3  }
0xc2: {  	[tilespmem:$0x1A0D0] =	vst v3  }
0xc3: {  	[tilespmem:$0x1A1D0] =	vst v3  }
0xc4: {  	[tilespmem:$0x1A2D0] =	vst v3  }
0xc5: {  	[tilespmem:$0x1A3D0] =	vst v3  }
0xc6: {  	[tilespmem:$0x1A0E0] =	vst v3  }
0xc7: {  	[tilespmem:$0x1A1E0] =	vst v3  }
0xc8: {  	[tilespmem:$0x1A2E0] =	vst v3  }
0xc9: {  	[tilespmem:$0x1A3E0] =	vst v3  }
0xca: {  	[tilespmem:$0x1A0F0] =	vst v3  }
0xcb: {  	[tilespmem:$0x1A1F0] =	vst v3  }
0xcc: {  	[tilespmem:$0x1A2F0] =	vst v3  }
0xcd: {  	[tilespmem:$0x1A3F0] =	vst v3  }
0xce: {  	_ =	swait.ge [sflag:s5], $0x2000  }
0xcf: {  	[sflag:s5] =	ssyncset.done $0x0  }
0xd0: {  	[sflag:s5] =	ssyncadd.s32 $0xFFFFE000  }
0xd1: {  	_ =	swait.ge [sflag:s5], $0x2000  }
0xd2: {  	[sflag:s5] =	ssyncset.done $0x0  }
0xd3: {  	[sflag:s5] =	ssyncadd.s32 $0xFFFFE000  }
0xd4: {  	_ =	swait.ge [sflag:s5], $0x2000  }
0xd5: {  	[sflag:s5] =	ssyncset.done $0x0  }
0xd6: {  	[sflag:s5] =	ssyncadd.s32 $0xFFFFE000  }
0xd7: {  	_ =	swait.ge [sflag:s5], $0x2000  }
0xd8: {  	[sflag:s5] =	ssyncset.done $0x0  }
0xd9: {  	[sflag:s5] =	ssyncadd.s32 $0xFFFFE000  }
0xda: {  	_ =	swait.ge [sflag:s5], $0x2000  }
0xdb: {  	[sflag:s5] =	ssyncset.done $0x0;
	s22 =	rddreg [dreg:$0x17]  }
0xdc: {  	s8 =	rddreg [dreg:$0x18];
	[sflag:s5] =	ssyncadd.s32 $0xFFFFE000  }
0xdd: {  	[tilespmem:s7], [sflag:$0x3] =	stream.strided.gather [hbm4b:s22+s17], $0x800, s18, s17, $0x38;
	[tilespmem:$0x1A640] =	vst v63  }
0xde: {  	s9 =	simm.s32 $0x12800;
	s10 =	rddreg [dreg:$0x19]  }
0xdf: {  	[tilespmem:s9], [sflag:$0x3] =	stream.strided.gather [hbm4b:s8+s17], $0x800, s18, s17, $0x38;
	[tilespmem:$0x1A640] =	vst v63  }
0xe0: {  	s20 =	simm.s32 $0x13000;
	s21 =	rddreg [dreg:$0x1a]  }
0xe1: {  	[tilespmem:s20], [sflag:$0x3] =	stream.strided.gather [hbm4b:s10+s17], $0x800, s18, s17, $0x38;
	[tilespmem:$0x1A640] =	vst v63  }
0xe2: {  	s22 =	simm.s32 $0x13800;
	s8 =	rddreg [dreg:$0x1b]  }
0xe3: {  	[tilespmem:s22], [sflag:$0x3] =	stream.strided.gather [hbm4b:s21+s17], $0x800, s18, s17, $0x38;
	[tilespmem:$0x1A640] =	vst v63  }
0xe4: {  	s9 =	simm.s32 $0x14000;
	s10 =	rddreg [dreg:$0x1c]  }
0xe5: {  	[tilespmem:s9], [sflag:$0x3] =	stream.strided.gather [hbm4b:s8+s17], $0x800, s18, s17, $0x38;
	[tilespmem:$0x1A640] =	vst v63  }
0xe6: {  	s20 =	simm.s32 $0x14800;
	s21 =	rddreg [dreg:$0x1d]  }
0xe7: {  	[tilespmem:s20], [sflag:$0x3] =	stream.strided.gather [hbm4b:s10+s17], $0x800, s18, s17, $0x38;
	[tilespmem:$0x1A640] =	vst v63  }
0xe8: {  	s22 =	simm.s32 $0x15000;
	s9 =	rddreg [dreg:$0x1e]  }
0xe9: {  	[tilespmem:s22], [sflag:$0x3] =	stream.strided.gather [hbm4b:s21+s17], $0x800, s18, s17, $0x38;
	[tilespmem:$0x1A640] =	vst v63  }
0xea: {  	s10 =	simm.s32 $0x15800;
	s20 =	rddreg [dreg:$0x1f]  }
0xeb: {  	[tilespmem:s10], [sflag:$0x3] =	stream.strided.gather [hbm4b:s9+s17], $0x800, s18, s17, $0x38;
	[tilespmem:$0x1A640] =	vst v63  }
0xec: {  	s21 =	simm.s32 $0x16000;
	s22 =	sld [smem:$0x7CC]  }
0xed: {  	[tilespmem:s21], [sflag:$0x3] =	stream.strided.gather [hbm4b:s20+s17], $0x800, s18, s17, $0x38;
	[tilespmem:$0x1A640] =	vst v63  }
0xee: {  	s8 =	sld [smem:$0x7CD]  }
0xef: {  	[tilespmem:s11], [sflag:$0x3] =	stream.strided.gather [hbm4b:s22+s17], $0x800, s18, s17, $0x38;
	[tilespmem:$0x1A640] =	vst v63  }
0xf0: {  	s9 =	sld [smem:$0x7CE]  }
0xf1: {  	[tilespmem:s25], [sflag:$0x3] =	stream.strided.gather [hbm4b:s8+s17], $0x800, s18, s17, $0x38;
	[tilespmem:$0x1A640] =	vst v63  }
0xf2: {  	s10 =	sld [smem:$0x7CF]  }
0xf3: {  	[tilespmem:s26], [sflag:$0x3] =	stream.strided.gather [hbm4b:s9+s17], $0x800, s18, s17, $0x38;
	[tilespmem:$0x1A640] =	vst v63  }
0xf4: {  	s20 =	sld [smem:$0x7D0]  }
0xf5: {  	[tilespmem:s29], [sflag:$0x3] =	stream.strided.gather [hbm4b:s10+s17], $0x800, s18, s17, $0x38;
	[tilespmem:$0x1A640] =	vst v63  }
0xf6: {  	s21 =	sld [smem:$0x7D1]  }
0xf7: {  	[tilespmem:s30], [sflag:$0x3] =	stream.strided.gather [hbm4b:s20+s17], $0x800, s18, s17, $0x38;
	[tilespmem:$0x1A640] =	vst v63  }
0xf8: {  	s22 =	sld [smem:$0x7D2]  }
0xf9: {  	[tilespmem:s31], [sflag:$0x3] =	stream.strided.gather [hbm4b:s21+s17], $0x800, s18, s17, $0x38;
	[tilespmem:$0x1A640] =	vst v63  }
0xfa: {  	_ = 	snop  }
0xfb: {  	[tilespmem:s0], [sflag:$0x3] =	stream.strided.gather [hbm4b:s22+s17], $0x800, s18, s17, $0x38;
	[tilespmem:$0x1A640] =	vst v63  }
0xfc: {  	_ =	swait.ge [sflag:s12], $0x800  }
0xfd: {  	[sflag:s12] =	ssyncset.done $0x0  }
0xfe: {  	[sflag:s12] =	ssyncadd.s32 $0xFFFFF800  }
0xff: {  	_ =	swait.ge [sflag:s12], $0x800  }
0x100: {  	[sflag:s12] =	ssyncset.done $0x0  }
0x101: {  	[sflag:s12] =	ssyncadd.s32 $0xFFFFF800  }
0x102: {  	_ =	swait.ge [sflag:s12], $0x800  }
0x103: {  	[sflag:s12] =	ssyncset.done $0x0  }
0x104: {  	[sflag:s12] =	ssyncadd.s32 $0xFFFFF800  }
0x105: {  	_ =	swait.ge [sflag:s12], $0x800  }
0x106: {  	[sflag:s12] =	ssyncset.done $0x0  }
0x107: {  	[sflag:s12] =	ssyncadd.s32 $0xFFFFF800  }
0x108: {  	_ =	swait.ge [sflag:s12], $0x800  }
0x109: {  	[sflag:s12] =	ssyncset.done $0x0  }
0x10a: {  	[sflag:s12] =	ssyncadd.s32 $0xFFFFF800  }
0x10b: {  	_ =	swait.ge [sflag:s12], $0x800  }
0x10c: {  	[sflag:s12] =	ssyncset.done $0x0  }
0x10d: {  	[sflag:s12] =	ssyncadd.s32 $0xFFFFF800  }
0x10e: {  	_ =	swait.ge [sflag:s12], $0x800  }
0x10f: {  	[sflag:s12] =	ssyncset.done $0x0  }
0x110: {  	[sflag:s12] =	ssyncadd.s32 $0xFFFFF800  }
0x111: {  	_ =	swait.ge [sflag:s12], $0x800  }
0x112: {  	[sflag:s12] =	ssyncset.done $0x0  }
0x113: {  	[sflag:s12] =	ssyncadd.s32 $0xFFFFF800  }
0x114: {  	_ =	swait.ge [sflag:s12], $0x800  }
0x115: {  	[sflag:s12] =	ssyncset.done $0x0  }
0x116: {  	[sflag:s12] =	ssyncadd.s32 $0xFFFFF800  }
0x117: {  	_ =	swait.ge [sflag:s12], $0x800  }
0x118: {  	[sflag:s12] =	ssyncset.done $0x0  }
0x119: {  	[sflag:s12] =	ssyncadd.s32 $0xFFFFF800  }
0x11a: {  	_ =	swait.ge [sflag:s12], $0x800  }
0x11b: {  	[sflag:s12] =	ssyncset.done $0x0  }
0x11c: {  	[sflag:s12] =	ssyncadd.s32 $0xFFFFF800  }
0x11d: {  	_ =	swait.ge [sflag:s12], $0x800  }
0x11e: {  	[sflag:s12] =	ssyncset.done $0x0  }
0x11f: {  	[sflag:s12] =	ssyncadd.s32 $0xFFFFF800  }
0x120: {  	_ =	swait.ge [sflag:s12], $0x800  }
0x121: {  	[sflag:s12] =	ssyncset.done $0x0  }
0x122: {  	[sflag:s12] =	ssyncadd.s32 $0xFFFFF800  }
0x123: {  	_ =	swait.ge [sflag:s12], $0x800  }
0x124: {  	[sflag:s12] =	ssyncset.done $0x0  }
0x125: {  	[sflag:s12] =	ssyncadd.s32 $0xFFFFF800  }
0x126: {  	_ =	swait.ge [sflag:s12], $0x800  }
0x127: {  	[sflag:s12] =	ssyncset.done $0x0  }
0x128: {  	[sflag:s12] =	ssyncadd.s32 $0xFFFFF800  }
0x129: {  	s8 =	simm.s32 $0x8010;
	s9 =	simm.s32 $0x10;
	_ =	swait.ge [sflag:s12], $0x800  }
0x12a: {  	s10 =	simm.s32 $0x0;
	s20 =	simm.s32 $0x2010;
	[sflag:s12] =	ssyncset.done $0x0  }
0x12b: {  	s21 =	simm.s32 $0x4010;
	s22 =	simm.s32 $0x6010;
	[sflag:s12] =	ssyncadd.s32 $0xFFFFF800  }
.LBB2_2:
0x12c: {  	v4 =	vld [tilespmem:s22+$0xFFFFFFF0];
	_ =	sdelay $0x2  }
0x12d: {  	v5 =	vld [tilespmem:s8+$0xFFFFFFF0]  }
0x12e: {  	v6 =	vmov s10  }
0x12f: {  	v7 =	vor.u32 s10, v0;
	v6 =	vand.u32 $0x780, v6;
	v4 =	vshll.u32 v4, $0xB  }
0x130: {  	v61 =	vand.u32 $0x6F, v7;
	v4 =	vor.u32 v6, v4  }
0x131: {  	v4 =	vor.u32 v61, v4  }
0x132: {  	v62 =	vld [tilespmem:s9+$0xFFFFFFF0];
	v5 =	vadd.s32 v1, v5  }
0x133: {  	v63 =	vld [tilespmem:s20+$0xFFFFFFF0]  }
0x134: {  	v8 =	vld [tilespmem:s21+$0xFFFFFFF0];
	_ =	sdelay $0x1  }
0x135: {  	v4 =	vld.idx.msk [tilespmem:v4+s19+$0x0], $0xffff  }
0x136: {  	[tilespmem:v5+s1+$0x0] =	vst.idx.add.f32.msk $0xffff, v62  }
0x137: {  	[tilespmem:v5+s2+$0x0] =	vst.idx.add.f32.msk $0xffff, v63  }
0x138: {  	[tilespmem:v5+s3+$0x0] =	vst.idx.add.f32.msk $0xffff, v8  }
0x139: {  	[tilespmem:v5+s13+$0x0] =	vst.idx.add.f32.msk $0xffff, v2  }
0x13a: {  	v5 =	vld [tilespmem:s22+$0x0];
	_ =	sdelay $0x3  }
0x13b: {  	v6 =	vld [tilespmem:s8+$0x0]  }
0x13c: {  	s6 =	sadd.s32 $0x10, s10;
	v5 =	vshll.u32 v5, $0xB  }
0x13d: {  	v5 =	vadd.s32 s6, v5  }
0x13e: {  	v5 =	vadd.s32 v0, v5;
	_ =	sdelay $0x1  }
0x13f: {  	v7 =	vld [tilespmem:s9+$0x0];
	v6 =	vadd.s32 v1, v6  }
0x140: {  	v8 =	vld [tilespmem:s20+$0x0]  }
0x141: {  	v9 =	vld [tilespmem:s21+$0x0]  }
0x142: {  	p0 =	sne.s32 s10, $0x7E0;
	v5 =	vld.idx.msk [tilespmem:v5+s19+$0x0], $0xffff  }
.Ltmp0:
0x143: {  	_ = 	snop;
	(pc) =	sbr.rel @p0 .LBB2_2-.Ltmp0, $4  }
0x144: {  	[tilespmem:v6+s1+$0x0] =	vst.idx.add.f32.msk $0xffff, v7  }
0x145: {  	v3 =	vadd.f32 v4, v3;
	[tilespmem:v6+s2+$0x0] =	vst.idx.add.f32.msk $0xffff, v8  }
0x146: {  	s10 =	sadd.s32 $0x20, s10;
	s8 =	sadd.s32 $0x20, s8;
	s9 =	sadd.s32 $0x20, s9;
	[tilespmem:v6+s3+$0x0] =	vst.idx.add.f32.msk $0xffff, v9  }
0x147: {  	s20 =	sadd.s32 $0x20, s20;
	s21 =	sadd.s32 $0x20, s21;
	s22 =	sadd.s32 $0x20, s22;
	[tilespmem:v6+s13+$0x0] =	vst.idx.add.f32.msk $0xffff, v2;
	v3 =	vadd.f32 v5, v3  }
0x148: {  	s6 =	sld [smem:$0x7D3];
	_ =	sdelay $0x1  }
0x149: {  	s9 =	sld [smem:$0x7D4]  }
0x14a: {  	[tilespmem:s19], [sflag:$0x2] =	stream.strided.gather [hbm4b:s6+s17], $0x800, s18, s17, $0x38;
	[tilespmem:$0x1A640] =	vst v63  }
0x14b: {  	s10 =	simm.s32 $0xA800;
	s20 =	sld [smem:$0x7D5]  }
0x14c: {  	[tilespmem:s10], [sflag:$0x2] =	stream.strided.gather [hbm4b:s9+s17], $0x800, s18, s17, $0x38;
	[tilespmem:$0x1A640] =	vst v63  }
0x14d: {  	s22 =	simm.s32 $0xB000;
	s21 =	sld [smem:$0x7D6]  }
0x14e: {  	[tilespmem:s22], [sflag:$0x2] =	stream.strided.gather [hbm4b:s20+s17], $0x800, s18, s17, $0x38;
	[tilespmem:$0x1A640] =	vst v63  }
0x14f: {  	s8 =	simm.s32 $0xB800;
	s9 =	sld [smem:$0x7D7]  }
0x150: {  	[tilespmem:s8], [sflag:$0x2] =	stream.strided.gather [hbm4b:s21+s17], $0x800, s18, s17, $0x38;
	[tilespmem:$0x1A640] =	vst v63  }
0x151: {  	s20 =	sld [smem:$0x7D8]  }
0x152: {  	[tilespmem:s23], [sflag:$0x2] =	stream.strided.gather [hbm4b:s9+s17], $0x800, s18, s17, $0x38;
	[tilespmem:$0x1A640] =	vst v63  }
0x153: {  	s21 =	simm.s32 $0xC800;
	s8 =	sld [smem:$0x7D9]  }
0x154: {  	[tilespmem:s21], [sflag:$0x2] =	stream.strided.gather [hbm4b:s20+s17], $0x800, s18, s17, $0x38;
	[tilespmem:$0x1A640] =	vst v63  }
0x155: {  	s9 =	simm.s32 $0xD000;
	s20 =	sld [smem:$0x7DA]  }
0x156: {  	[tilespmem:s9], [sflag:$0x2] =	stream.strided.gather [hbm4b:s8+s17], $0x800, s18, s17, $0x38;
	[tilespmem:$0x1A640] =	vst v63  }
0x157: {  	s21 =	simm.s32 $0xD800;
	s9 =	sld [smem:$0x7DB]  }
0x158: {  	[tilespmem:s21], [sflag:$0x2] =	stream.strided.gather [hbm4b:s20+s17], $0x800, s18, s17, $0x38;
	[tilespmem:$0x1A640] =	vst v63  }
0x159: {  	s20 =	sld [smem:$0x7DC]  }
0x15a: {  	[tilespmem:s28], [sflag:$0x2] =	stream.strided.gather [hbm4b:s9+s17], $0x800, s18, s17, $0x38;
	[tilespmem:$0x1A640] =	vst v63  }
0x15b: {  	s8 =	sld [smem:$0x7DD];
	s21 =	simm.s32 $0xE800  }
0x15c: {  	[tilespmem:s21], [sflag:$0x2] =	stream.strided.gather [hbm4b:s20+s17], $0x800, s18, s17, $0x38;
	[tilespmem:$0x1A640] =	vst v63  }
0x15d: {  	s9 =	simm.s32 $0xF000;
	s20 =	sld [smem:$0x7DE]  }
0x15e: {  	[tilespmem:s9], [sflag:$0x2] =	stream.strided.gather [hbm4b:s8+s17], $0x800, s18, s17, $0x38;
	[tilespmem:$0x1A640] =	vst v63  }
0x15f: {  	s21 =	simm.s32 $0xF800;
	s8 =	sld [smem:$0x7DF]  }
0x160: {  	[tilespmem:s21], [sflag:$0x2] =	stream.strided.gather [hbm4b:s20+s17], $0x800, s18, s17, $0x38;
	[tilespmem:$0x1A640] =	vst v63  }
0x161: {  	s9 =	simm.s32 $0x10000;
	s20 =	sld [smem:$0x7E0]  }
0x162: {  	[tilespmem:s9], [sflag:$0x2] =	stream.strided.gather [hbm4b:s8+s17], $0x800, s18, s17, $0x38;
	[tilespmem:$0x1A640] =	vst v63  }
0x163: {  	s21 =	simm.s32 $0x10800;
	s8 =	sld [smem:$0x7E1]  }
0x164: {  	[tilespmem:s21], [sflag:$0x2] =	stream.strided.gather [hbm4b:s20+s17], $0x800, s18, s17, $0x38;
	[tilespmem:$0x1A640] =	vst v63  }
0x165: {  	s9 =	simm.s32 $0x11000;
	s20 =	sld [smem:$0x7E2]  }
0x166: {  	[tilespmem:s9], [sflag:$0x2] =	stream.strided.gather [hbm4b:s8+s17], $0x800, s18, s17, $0x38;
	[tilespmem:$0x1A640] =	vst v63  }
0x167: {  	s21 =	simm.s32 $0x11800  }
0x168: {  	[tilespmem:s21], [sflag:$0x2] =	stream.strided.gather [hbm4b:s20+s17], $0x800, s18, s17, $0x38;
	[tilespmem:$0x1A640] =	vst v63  }
0x169: {  	_ =	swait.ge [sflag:s14], $0x800  }
0x16a: {  	[sflag:s14] =	ssyncset.done $0x0  }
0x16b: {  	[sflag:s14] =	ssyncadd.s32 $0xFFFFF800  }
0x16c: {  	_ =	swait.ge [sflag:s14], $0x800  }
0x16d: {  	[sflag:s14] =	ssyncset.done $0x0  }
0x16e: {  	[sflag:s14] =	ssyncadd.s32 $0xFFFFF800  }
0x16f: {  	_ =	swait.ge [sflag:s14], $0x800  }
0x170: {  	[sflag:s14] =	ssyncset.done $0x0  }
0x171: {  	[sflag:s14] =	ssyncadd.s32 $0xFFFFF800  }
0x172: {  	_ =	swait.ge [sflag:s14], $0x800  }
0x173: {  	[sflag:s14] =	ssyncset.done $0x0  }
0x174: {  	[sflag:s14] =	ssyncadd.s32 $0xFFFFF800  }
0x175: {  	_ =	swait.ge [sflag:s14], $0x800  }
0x176: {  	[sflag:s14] =	ssyncset.done $0x0  }
0x177: {  	[sflag:s14] =	ssyncadd.s32 $0xFFFFF800  }
0x178: {  	_ =	swait.ge [sflag:s14], $0x800  }
0x179: {  	[sflag:s14] =	ssyncset.done $0x0  }
0x17a: {  	[sflag:s14] =	ssyncadd.s32 $0xFFFFF800  }
0x17b: {  	_ =	swait.ge [sflag:s14], $0x800  }
0x17c: {  	[sflag:s14] =	ssyncset.done $0x0  }
0x17d: {  	[sflag:s14] =	ssyncadd.s32 $0xFFFFF800  }
0x17e: {  	_ =	swait.ge [sflag:s14], $0x800  }
0x17f: {  	[sflag:s14] =	ssyncset.done $0x0  }
0x180: {  	[sflag:s14] =	ssyncadd.s32 $0xFFFFF800  }
0x181: {  	_ =	swait.ge [sflag:s14], $0x800  }
0x182: {  	[sflag:s14] =	ssyncset.done $0x0  }
0x183: {  	[sflag:s14] =	ssyncadd.s32 $0xFFFFF800  }
0x184: {  	_ =	swait.ge [sflag:s14], $0x800  }
0x185: {  	[sflag:s14] =	ssyncset.done $0x0  }
0x186: {  	[sflag:s14] =	ssyncadd.s32 $0xFFFFF800  }
0x187: {  	_ =	swait.ge [sflag:s14], $0x800  }
0x188: {  	[sflag:s14] =	ssyncset.done $0x0  }
0x189: {  	[sflag:s14] =	ssyncadd.s32 $0xFFFFF800  }
0x18a: {  	_ =	swait.ge [sflag:s14], $0x800  }
0x18b: {  	[sflag:s14] =	ssyncset.done $0x0  }
0x18c: {  	[sflag:s14] =	ssyncadd.s32 $0xFFFFF800  }
0x18d: {  	_ =	swait.ge [sflag:s14], $0x800  }
0x18e: {  	[sflag:s14] =	ssyncset.done $0x0  }
0x18f: {  	[sflag:s14] =	ssyncadd.s32 $0xFFFFF800  }
0x190: {  	_ =	swait.ge [sflag:s14], $0x800  }
0x191: {  	[sflag:s14] =	ssyncset.done $0x0  }
0x192: {  	[sflag:s14] =	ssyncadd.s32 $0xFFFFF800  }
0x193: {  	_ =	swait.ge [sflag:s14], $0x800  }
0x194: {  	[sflag:s14] =	ssyncset.done $0x0  }
0x195: {  	[sflag:s14] =	ssyncadd.s32 $0xFFFFF800  }
0x196: {  	_ =	swait.ge [sflag:s14], $0x800  }
0x197: {  	[sflag:s14] =	ssyncset.done $0x0  }
0x198: {  	s9 =	simm.s32 $0x0;
	[sflag:s14] =	ssyncadd.s32 $0xFFFFF800  }
0x199: {  	v4 =	vld [tilespmem:s9+$0x6800];
	_ =	sdelay $0x2  }
0x19a: {  	s21 =	simm.s32 $0x0;
	v5 =	vld [tilespmem:s9+$0x8800]  }
0x19b: {  	v6 =	vmov s21  }
0x19c: {  	v7 =	vor.u32 s21, v0;
	v6 =	vand.u32 $0x780, v6;
	v4 =	vshll.u32 v4, $0xB  }
0x19d: {  	v4 =	vor.u32 v6, v4;
	v6 =	vand.u32 $0x6F, v7  }
0x19e: {  	v4 =	vor.u32 v6, v4  }
0x19f: {  	v5 =	vadd.s32 v1, v5;
	v6 =	vld [tilespmem:s9+$0x800]  }
0x1a0: {  	v7 =	vld [tilespmem:s9+$0x2800]  }
0x1a1: {  	v8 =	vld [tilespmem:s9+$0x4800];
	_ =	sdelay $0x1  }
0x1a2: {  	v9 =	vld.idx.msk [tilespmem:v4+s7+$0x0], $0xffff  }
0x1a3: {  	[tilespmem:v5+s1+$0x0] =	vst.idx.add.f32.msk $0xffff, v6  }
0x1a4: {  	[tilespmem:v5+s2+$0x0] =	vst.idx.add.f32.msk $0xffff, v7  }
0x1a5: {  	[tilespmem:v5+s3+$0x0] =	vst.idx.add.f32.msk $0xffff, v8  }
0x1a6: {  	[tilespmem:v5+s13+$0x0] =	vst.idx.add.f32.msk $0xffff, v2  }
0x1a7: {  	v4 =	vld [tilespmem:s9+$0x6810];
	_ =	sdelay $0x2  }
0x1a8: {  	v5 =	vld [tilespmem:s9+$0x8810];
	_ =	sdelay $0x1  }
0x1a9: {  	s20 =	simm.s32 $0x10;
	v4 =	vshll.u32 v4, $0xB  }
0x1aa: {  	v4 =	vadd.s32 s20, v4  }
0x1ab: {  	v4 =	vadd.s32 v0, v4  }
0x1ac: {  	v6 =	vld [tilespmem:s9+$0x810];
	v5 =	vadd.s32 v1, v5  }
0x1ad: {  	v7 =	vld [tilespmem:s9+$0x2810]  }
0x1ae: {  	v8 =	vld [tilespmem:s9+$0x4810];
	_ =	sdelay $0x1  }
0x1af: {  	v4 =	vld.idx.msk [tilespmem:v4+s7+$0x0], $0xffff  }
0x1b0: {  	[tilespmem:v5+s1+$0x0] =	vst.idx.add.f32.msk $0xffff, v6  }
0x1b1: {  	[tilespmem:v5+s2+$0x0] =	vst.idx.add.f32.msk $0xffff, v7  }
0x1b2: {  	[tilespmem:v5+s3+$0x0] =	vst.idx.add.f32.msk $0xffff, v8  }
0x1b3: {  	s8 =	simm.s32 $0x20;
	[tilespmem:v5+s13+$0x0] =	vst.idx.add.f32.msk $0xffff, v2  }
0x1b4: {  	s21 =	simm.s32 $0x100;
	v3 =	vadd.f32 v9, v3;
	v5 =	vld [tilespmem:s8+$0x6800]  }
.LBB2_4:
0x1b5: {  	p0 =	sne.s32 s21, $0x1F80  }
0x1b6: {  	v3 =	vadd.f32 v4, v3;
	s20 =	sadd.s32 $0x20, s20;
	s9 =	smov.u32 s21;
	s21 =	sadd.s32 $0x80, s21  }
0x1b7: {  	_ = 	snop  }
0x1b8: {  	s6 =	sadd.s32 $0xFFFFFFF0, s20;
	v4 =	vld [tilespmem:s8+$0x8800]  }
0x1b9: {  	v6 =	vmov s6;
	v7 =	vor.u32 s6, v0  }
0x1ba: {  	v6 =	vand.u32 $0x780, v6;
	v5 =	vshll.u32 v5, $0xB  }
0x1bb: {  	v5 =	vor.u32 v6, v5;
	v6 =	vand.u32 $0x6F, v7  }
0x1bc: {  	v5 =	vor.u32 v6, v5  }
0x1bd: {  	v6 =	vld [tilespmem:s8+$0x800];
	v4 =	vadd.s32 v1, v4  }
0x1be: {  	v7 =	vld [tilespmem:s8+$0x2800]  }
0x1bf: {  	v8 =	vld [tilespmem:s8+$0x4800];
	_ =	sdelay $0x1  }
0x1c0: {  	v5 =	vld.idx.msk [tilespmem:v5+s7+$0x0], $0xffff  }
0x1c1: {  	[tilespmem:v4+s1+$0x0] =	vst.idx.add.f32.msk $0xffff, v6  }
0x1c2: {  	[tilespmem:v4+s2+$0x0] =	vst.idx.add.f32.msk $0xffff, v7  }
0x1c3: {  	[tilespmem:v4+s3+$0x0] =	vst.idx.add.f32.msk $0xffff, v8  }
0x1c4: {  	[tilespmem:v4+s13+$0x0] =	vst.idx.add.f32.msk $0xffff, v2  }
0x1c5: {  	v4 =	vld [tilespmem:s8+$0x6810]  }
0x1c6: {  	v6 =	vld [tilespmem:s8+$0x8810];
	_ =	sdelay $0x3  }
0x1c7: {  	v4 =	vshll.u32 v4, $0xB  }
0x1c8: {  	v4 =	vadd.s32 s20, v4  }
0x1c9: {  	v4 =	vadd.s32 v0, v4  }
0x1ca: {  	v6 =	vadd.s32 v1, v6;
	v7 =	vld [tilespmem:s8+$0x810]  }
0x1cb: {  	v8 =	vld [tilespmem:s8+$0x2810]  }
0x1cc: {  	v9 =	vld [tilespmem:s8+$0x4810];
	_ =	sdelay $0x1  }
0x1cd: {  	v4 =	vld.idx.msk [tilespmem:v4+s7+$0x0], $0xffff  }
.Ltmp1:
0x1ce: {  	[tilespmem:v6+s1+$0x0] =	vst.idx.add.f32.msk $0xffff, v7;
	(pc) =	sbr.rel @p0 .LBB2_4-.Ltmp1, $4  }
0x1cf: {  	[tilespmem:v6+s2+$0x0] =	vst.idx.add.f32.msk $0xffff, v8  }
0x1d0: {  	[tilespmem:v6+s3+$0x0] =	vst.idx.add.f32.msk $0xffff, v9  }
0x1d1: {  	v3 =	vadd.f32 v5, v3;
	s8 =	sshra.s32 s9, $0x2;
	[tilespmem:v6+s13+$0x0] =	vst.idx.add.f32.msk $0xffff, v2  }
0x1d2: {  	v5 =	vld [tilespmem:s8+$0x6800]  }
0x1d3: {  	_ = 	snop  }
0x1d4: {  	s6 =	sadd.s32 $0x20, s20  }
0x1d5: {  	v6 =	vld [tilespmem:s8+$0x8800];
	s9 =	sadd.s32 $0xFFFFFFF0, s6  }
0x1d6: {  	v7 =	vmov s9  }
0x1d7: {  	v8 =	vor.u32 s9, v0;
	v7 =	vand.u32 $0x780, v7;
	v5 =	vshll.u32 v5, $0xB  }
0x1d8: {  	v5 =	vor.u32 v7, v5;
	v7 =	vand.u32 $0x6F, v8  }
0x1d9: {  	v5 =	vor.u32 v7, v5  }
0x1da: {  	v6 =	vadd.s32 v1, v6;
	v7 =	vld [tilespmem:s8+$0x800]  }
0x1db: {  	v57 =	vld [tilespmem:s8+$0x2800]  }
0x1dc: {  	v9 =	vld [tilespmem:s8+$0x4800];
	_ =	sdelay $0x1  }
0x1dd: {  	v5 =	vld.idx.msk [tilespmem:v5+s7+$0x0], $0xffff  }
0x1de: {  	[tilespmem:v6+s1+$0x0] =	vst.idx.add.f32.msk $0xffff, v7  }
0x1df: {  	[tilespmem:v6+s2+$0x0] =	vst.idx.add.f32.msk $0xffff, v57  }
0x1e0: {  	[tilespmem:v6+s3+$0x0] =	vst.idx.add.f32.msk $0xffff, v9  }
0x1e1: {  	[tilespmem:v6+s13+$0x0] =	vst.idx.add.f32.msk $0xffff, v2  }
0x1e2: {  	v6 =	vld [tilespmem:s8+$0x6810];
	_ =	sdelay $0x2  }
0x1e3: {  	v7 =	vld [tilespmem:s8+$0x8810];
	_ =	sdelay $0x1  }
0x1e4: {  	v6 =	vshll.u32 v6, $0xB  }
0x1e5: {  	v6 =	vadd.s32 s6, v6  }
0x1e6: {  	v6 =	vadd.s32 v0, v6  }
0x1e7: {  	v8 =	vld [tilespmem:s8+$0x810];
	v7 =	vadd.s32 v1, v7  }
0x1e8: {  	v9 =	vld [tilespmem:s8+$0x2810]  }
0x1e9: {  	v10 =	vld [tilespmem:s8+$0x4810];
	_ =	sdelay $0x1  }
0x1ea: {  	v6 =	vld.idx.msk [tilespmem:v6+s7+$0x0], $0xffff  }
0x1eb: {  	[tilespmem:v7+s1+$0x0] =	vst.idx.add.f32.msk $0xffff, v8  }
0x1ec: {  	s9 =	sld [smem:$0x7E3];
	[tilespmem:v7+s2+$0x0] =	vst.idx.add.f32.msk $0xffff, v9  }
0x1ed: {  	[tilespmem:v7+s3+$0x0] =	vst.idx.add.f32.msk $0xffff, v10  }
0x1ee: {  	s20 =	sld [smem:$0x7E4];
	[tilespmem:v7+s13+$0x0] =	vst.idx.add.f32.msk $0xffff, v2  }
0x1ef: {  	[tilespmem:s7], [sflag:$0x3] =	stream.strided.gather [hbm4b:s9+s17], $0x800, s18, s17, $0x38;
	[tilespmem:$0x1A640] =	vst v63  }
0x1f0: {  	s21 =	simm.s32 $0x12800;
	s8 =	sld [smem:$0x7E5]  }
0x1f1: {  	[tilespmem:s21], [sflag:$0x3] =	stream.strided.gather [hbm4b:s20+s17], $0x800, s18, s17, $0x38;
	[tilespmem:$0x1A640] =	vst v63  }
0x1f2: {  	s9 =	simm.s32 $0x13000;
	s20 =	sld [smem:$0x7E6]  }
0x1f3: {  	[tilespmem:s9], [sflag:$0x3] =	stream.strided.gather [hbm4b:s8+s17], $0x800, s18, s17, $0x38;
	[tilespmem:$0x1A640] =	vst v63  }
0x1f4: {  	s21 =	simm.s32 $0x13800;
	s8 =	sld [smem:$0x7E7]  }
0x1f5: {  	[tilespmem:s21], [sflag:$0x3] =	stream.strided.gather [hbm4b:s20+s17], $0x800, s18, s17, $0x38;
	[tilespmem:$0x1A640] =	vst v63  }
0x1f6: {  	s9 =	simm.s32 $0x14000;
	s20 =	sld [smem:$0x7E8]  }
0x1f7: {  	[tilespmem:s9], [sflag:$0x3] =	stream.strided.gather [hbm4b:s8+s17], $0x800, s18, s17, $0x38;
	[tilespmem:$0x1A640] =	vst v63  }
0x1f8: {  	s21 =	simm.s32 $0x14800;
	s8 =	sld [smem:$0x7E9]  }
0x1f9: {  	[tilespmem:s21], [sflag:$0x3] =	stream.strided.gather [hbm4b:s20+s17], $0x800, s18, s17, $0x38;
	[tilespmem:$0x1A640] =	vst v63  }
0x1fa: {  	s9 =	simm.s32 $0x15000;
	s20 =	sld [smem:$0x7EA]  }
0x1fb: {  	[tilespmem:s9], [sflag:$0x3] =	stream.strided.gather [hbm4b:s8+s17], $0x800, s18, s17, $0x38;
	[tilespmem:$0x1A640] =	vst v63  }
0x1fc: {  	s21 =	simm.s32 $0x15800;
	s8 =	sld [smem:$0x7EB]  }
0x1fd: {  	[tilespmem:s21], [sflag:$0x3] =	stream.strided.gather [hbm4b:s20+s17], $0x800, s18, s17, $0x38;
	[tilespmem:$0x1A640] =	vst v63  }
0x1fe: {  	s9 =	simm.s32 $0x16000;
	s20 =	sld [smem:$0x7EC]  }
0x1ff: {  	[tilespmem:s9], [sflag:$0x3] =	stream.strided.gather [hbm4b:s8+s17], $0x800, s18, s17, $0x38;
	[tilespmem:$0x1A640] =	vst v63  }
0x200: {  	s21 =	sld [smem:$0x7ED]  }
0x201: {  	[tilespmem:s11], [sflag:$0x3] =	stream.strided.gather [hbm4b:s20+s17], $0x800, s18, s17, $0x38;
	[tilespmem:$0x1A640] =	vst v63  }
0x202: {  	s8 =	sld [smem:$0x7EE]  }
0x203: {  	[tilespmem:s25], [sflag:$0x3] =	stream.strided.gather [hbm4b:s21+s17], $0x800, s18, s17, $0x38;
	[tilespmem:$0x1A640] =	vst v63  }
0x204: {  	s9 =	sld [smem:$0x7EF]  }
0x205: {  	[tilespmem:s26], [sflag:$0x3] =	stream.strided.gather [hbm4b:s8+s17], $0x800, s18, s17, $0x38;
	[tilespmem:$0x1A640] =	vst v63  }
0x206: {  	s20 =	sld [smem:$0x7F0]  }
0x207: {  	[tilespmem:s29], [sflag:$0x3] =	stream.strided.gather [hbm4b:s9+s17], $0x800, s18, s17, $0x38;
	[tilespmem:$0x1A640] =	vst v63  }
0x208: {  	s21 =	sld [smem:$0x7F1]  }
0x209: {  	[tilespmem:s30], [sflag:$0x3] =	stream.strided.gather [hbm4b:s20+s17], $0x800, s18, s17, $0x38;
	[tilespmem:$0x1A640] =	vst v63  }
0x20a: {  	s8 =	sld [smem:$0x7F2]  }
0x20b: {  	[tilespmem:s31], [sflag:$0x3] =	stream.strided.gather [hbm4b:s21+s17], $0x800, s18, s17, $0x38;
	[tilespmem:$0x1A640] =	vst v63  }
0x20c: {  	_ = 	snop  }
0x20d: {  	[tilespmem:s0], [sflag:$0x3] =	stream.strided.gather [hbm4b:s8+s17], $0x800, s18, s17, $0x38;
	[tilespmem:$0x1A640] =	vst v63  }
0x20e: {  	_ =	swait.ge [sflag:s12], $0x800  }
0x20f: {  	[sflag:s12] =	ssyncset.done $0x0  }
0x210: {  	[sflag:s12] =	ssyncadd.s32 $0xFFFFF800  }
0x211: {  	_ =	swait.ge [sflag:s12], $0x800  }
0x212: {  	[sflag:s12] =	ssyncset.done $0x0  }
0x213: {  	[sflag:s12] =	ssyncadd.s32 $0xFFFFF800  }
0x214: {  	_ =	swait.ge [sflag:s12], $0x800  }
0x215: {  	[sflag:s12] =	ssyncset.done $0x0  }
0x216: {  	[sflag:s12] =	ssyncadd.s32 $0xFFFFF800  }
0x217: {  	_ =	swait.ge [sflag:s12], $0x800  }
0x218: {  	[sflag:s12] =	ssyncset.done $0x0  }
0x219: {  	[sflag:s12] =	ssyncadd.s32 $0xFFFFF800  }
0x21a: {  	_ =	swait.ge [sflag:s12], $0x800  }
0x21b: {  	[sflag:s12] =	ssyncset.done $0x0  }
0x21c: {  	[sflag:s12] =	ssyncadd.s32 $0xFFFFF800  }
0x21d: {  	_ =	swait.ge [sflag:s12], $0x800  }
0x21e: {  	[sflag:s12] =	ssyncset.done $0x0  }
0x21f: {  	[sflag:s12] =	ssyncadd.s32 $0xFFFFF800  }
0x220: {  	_ =	swait.ge [sflag:s12], $0x800  }
0x221: {  	[sflag:s12] =	ssyncset.done $0x0  }
0x222: {  	[sflag:s12] =	ssyncadd.s32 $0xFFFFF800  }
0x223: {  	_ =	swait.ge [sflag:s12], $0x800  }
0x224: {  	[sflag:s12] =	ssyncset.done $0x0  }
0x225: {  	[sflag:s12] =	ssyncadd.s32 $0xFFFFF800  }
0x226: {  	_ =	swait.ge [sflag:s12], $0x800  }
0x227: {  	[sflag:s12] =	ssyncset.done $0x0  }
0x228: {  	[sflag:s12] =	ssyncadd.s32 $0xFFFFF800  }
0x229: {  	_ =	swait.ge [sflag:s12], $0x800  }
0x22a: {  	[sflag:s12] =	ssyncset.done $0x0  }
0x22b: {  	[sflag:s12] =	ssyncadd.s32 $0xFFFFF800  }
0x22c: {  	_ =	swait.ge [sflag:s12], $0x800  }
0x22d: {  	[sflag:s12] =	ssyncset.done $0x0  }
0x22e: {  	[sflag:s12] =	ssyncadd.s32 $0xFFFFF800  }
0x22f: {  	_ =	swait.ge [sflag:s12], $0x800  }
0x230: {  	[sflag:s12] =	ssyncset.done $0x0  }
0x231: {  	[sflag:s12] =	ssyncadd.s32 $0xFFFFF800  }
0x232: {  	_ =	swait.ge [sflag:s12], $0x800  }
0x233: {  	[sflag:s12] =	ssyncset.done $0x0  }
0x234: {  	[sflag:s12] =	ssyncadd.s32 $0xFFFFF800  }
0x235: {  	_ =	swait.ge [sflag:s12], $0x800  }
0x236: {  	[sflag:s12] =	ssyncset.done $0x0  }
0x237: {  	[sflag:s12] =	ssyncadd.s32 $0xFFFFF800  }
0x238: {  	_ =	swait.ge [sflag:s12], $0x800  }
0x239: {  	[sflag:s12] =	ssyncset.done $0x0  }
0x23a: {  	[sflag:s12] =	ssyncadd.s32 $0xFFFFF800  }
0x23b: {  	_ =	swait.ge [sflag:s12], $0x800  }
0x23c: {  	[sflag:s12] =	ssyncset.done $0x0  }
0x23d: {  	s9 =	simm.s32 $0x0;
	[sflag:s12] =	ssyncadd.s32 $0xFFFFF800  }
0x23e: {  	v7 =	vld [tilespmem:s9+$0x7000];
	_ =	sdelay $0x2  }
0x23f: {  	s21 =	simm.s32 $0x0;
	v58 =	vld [tilespmem:s9+$0x9000]  }
0x240: {  	v59 =	vmov s21  }
0x241: {  	v60 =	vor.u32 s21, v0;
	v9 =	vand.u32 $0x780, v59;
	v7 =	vshll.u32 v7, $0xB  }
0x242: {  	v61 =	vand.u32 $0x6F, v60;
	v7 =	vor.u32 v9, v7  }
0x243: {  	v7 =	vor.u32 v61, v7  }
0x244: {  	v62 =	vld [tilespmem:s9+$0x1000];
	v8 =	vadd.s32 v1, v58  }
0x245: {  	v63 =	vld [tilespmem:s9+$0x3000]  }
0x246: {  	v11 =	vld [tilespmem:s9+$0x5000];
	_ =	sdelay $0x1  }
0x247: {  	v7 =	vld.idx.msk [tilespmem:v7+s19+$0x0], $0xffff  }
0x248: {  	[tilespmem:v8+s1+$0x0] =	vst.idx.add.f32.msk $0xffff, v62  }
0x249: {  	[tilespmem:v8+s2+$0x0] =	vst.idx.add.f32.msk $0xffff, v63  }
0x24a: {  	[tilespmem:v8+s3+$0x0] =	vst.idx.add.f32.msk $0xffff, v11  }
0x24b: {  	[tilespmem:v8+s13+$0x0] =	vst.idx.add.f32.msk $0xffff, v2  }
0x24c: {  	v8 =	vld [tilespmem:s9+$0x7010];
	_ =	sdelay $0x2  }
0x24d: {  	v9 =	vld [tilespmem:s9+$0x9010];
	_ =	sdelay $0x1  }
0x24e: {  	s20 =	simm.s32 $0x10;
	v8 =	vshll.u32 v8, $0xB  }
0x24f: {  	v8 =	vadd.s32 s20, v8  }
0x250: {  	v8 =	vadd.s32 v0, v8  }
0x251: {  	v10 =	vld [tilespmem:s9+$0x1010];
	v9 =	vadd.s32 v1, v9  }
0x252: {  	v11 =	vld [tilespmem:s9+$0x3010]  }
0x253: {  	v12 =	vld [tilespmem:s9+$0x5010]  }
0x254: {  	v4 =	vadd.f32 v4, v3  }
0x255: {  	v3 =	vld.idx.msk [tilespmem:v8+s19+$0x0], $0xffff  }
0x256: {  	v4 =	vadd.f32 v5, v4;
	[tilespmem:v9+s1+$0x0] =	vst.idx.add.f32.msk $0xffff, v10  }
0x257: {  	[tilespmem:v9+s2+$0x0] =	vst.idx.add.f32.msk $0xffff, v11  }
0x258: {  	v4 =	vadd.f32 v6, v4;
	[tilespmem:v9+s3+$0x0] =	vst.idx.add.f32.msk $0xffff, v12  }
0x259: {  	s8 =	simm.s32 $0x20;
	[tilespmem:v9+s13+$0x0] =	vst.idx.add.f32.msk $0xffff, v2  }
0x25a: {  	s21 =	simm.s32 $0x100;
	v4 =	vadd.f32 v7, v4;
	v5 =	vld [tilespmem:s8+$0x7000]  }
.LBB2_6:
0x25b: {  	p0 =	sne.s32 s21, $0x1F80  }
0x25c: {  	v4 =	vadd.f32 v3, v4;
	s20 =	sadd.s32 $0x20, s20;
	s9 =	smov.u32 s21;
	s21 =	sadd.s32 $0x80, s21  }
0x25d: {  	_ = 	snop  }
0x25e: {  	s6 =	sadd.s32 $0xFFFFFFF0, s20;
	v3 =	vld [tilespmem:s8+$0x9000]  }
0x25f: {  	v6 =	vmov s6;
	v7 =	vor.u32 s6, v0  }
0x260: {  	v6 =	vand.u32 $0x780, v6;
	v5 =	vshll.u32 v5, $0xB  }
0x261: {  	v5 =	vor.u32 v6, v5;
	v6 =	vand.u32 $0x6F, v7  }
0x262: {  	v5 =	vor.u32 v6, v5  }
0x263: {  	v6 =	vld [tilespmem:s8+$0x1000];
	v3 =	vadd.s32 v1, v3  }
0x264: {  	v7 =	vld [tilespmem:s8+$0x3000]  }
0x265: {  	v8 =	vld [tilespmem:s8+$0x5000];
	_ =	sdelay $0x1  }
0x266: {  	v5 =	vld.idx.msk [tilespmem:v5+s19+$0x0], $0xffff  }
0x267: {  	[tilespmem:v3+s1+$0x0] =	vst.idx.add.f32.msk $0xffff, v6  }
0x268: {  	[tilespmem:v3+s2+$0x0] =	vst.idx.add.f32.msk $0xffff, v7  }
0x269: {  	[tilespmem:v3+s3+$0x0] =	vst.idx.add.f32.msk $0xffff, v8  }
0x26a: {  	[tilespmem:v3+s13+$0x0] =	vst.idx.add.f32.msk $0xffff, v2  }
0x26b: {  	v3 =	vld [tilespmem:s8+$0x7010]  }
0x26c: {  	v6 =	vld [tilespmem:s8+$0x9010];
	_ =	sdelay $0x3  }
0x26d: {  	v3 =	vshll.u32 v3, $0xB  }
0x26e: {  	v3 =	vadd.s32 s20, v3  }
0x26f: {  	v3 =	vadd.s32 v0, v3  }
0x270: {  	v6 =	vadd.s32 v1, v6;
	v7 =	vld [tilespmem:s8+$0x1010]  }
0x271: {  	v8 =	vld [tilespmem:s8+$0x3010]  }
0x272: {  	v9 =	vld [tilespmem:s8+$0x5010];
	_ =	sdelay $0x1  }
0x273: {  	v3 =	vld.idx.msk [tilespmem:v3+s19+$0x0], $0xffff  }
.Ltmp2:
0x274: {  	[tilespmem:v6+s1+$0x0] =	vst.idx.add.f32.msk $0xffff, v7;
	(pc) =	sbr.rel @p0 .LBB2_6-.Ltmp2, $4  }
0x275: {  	[tilespmem:v6+s2+$0x0] =	vst.idx.add.f32.msk $0xffff, v8  }
0x276: {  	[tilespmem:v6+s3+$0x0] =	vst.idx.add.f32.msk $0xffff, v9  }
0x277: {  	v4 =	vadd.f32 v5, v4;
	s8 =	sshra.s32 s9, $0x2;
	[tilespmem:v6+s13+$0x0] =	vst.idx.add.f32.msk $0xffff, v2  }
0x278: {  	v5 =	vld [tilespmem:s8+$0x7000]  }
0x279: {  	_ = 	snop  }
0x27a: {  	s6 =	sadd.s32 $0x20, s20  }
0x27b: {  	v6 =	vld [tilespmem:s8+$0x9000];
	s9 =	sadd.s32 $0xFFFFFFF0, s6  }
0x27c: {  	v7 =	vmov s9  }
0x27d: {  	v8 =	vor.u32 s9, v0;
	v7 =	vand.u32 $0x780, v7;
	v5 =	vshll.u32 v5, $0xB  }
0x27e: {  	v5 =	vor.u32 v7, v5;
	v7 =	vand.u32 $0x6F, v8  }
0x27f: {  	v5 =	vor.u32 v7, v5  }
0x280: {  	v6 =	vadd.s32 v1, v6;
	v7 =	vld [tilespmem:s8+$0x1000]  }
0x281: {  	v57 =	vld [tilespmem:s8+$0x3000]  }
0x282: {  	v9 =	vld [tilespmem:s8+$0x5000];
	_ =	sdelay $0x1  }
0x283: {  	v5 =	vld.idx.msk [tilespmem:v5+s19+$0x0], $0xffff  }
0x284: {  	[tilespmem:v6+s1+$0x0] =	vst.idx.add.f32.msk $0xffff, v7  }
0x285: {  	[tilespmem:v6+s2+$0x0] =	vst.idx.add.f32.msk $0xffff, v57  }
0x286: {  	[tilespmem:v6+s3+$0x0] =	vst.idx.add.f32.msk $0xffff, v9  }
0x287: {  	[tilespmem:v6+s13+$0x0] =	vst.idx.add.f32.msk $0xffff, v2  }
0x288: {  	v6 =	vld [tilespmem:s8+$0x7010];
	_ =	sdelay $0x2  }
0x289: {  	v7 =	vld [tilespmem:s8+$0x9010];
	_ =	sdelay $0x1  }
0x28a: {  	v6 =	vshll.u32 v6, $0xB  }
0x28b: {  	v6 =	vadd.s32 s6, v6  }
0x28c: {  	v6 =	vadd.s32 v0, v6  }
0x28d: {  	v8 =	vld [tilespmem:s8+$0x1010];
	v7 =	vadd.s32 v1, v7  }
0x28e: {  	v9 =	vld [tilespmem:s8+$0x3010]  }
0x28f: {  	v10 =	vld [tilespmem:s8+$0x5010];
	_ =	sdelay $0x1  }
0x290: {  	v6 =	vld.idx.msk [tilespmem:v6+s19+$0x0], $0xffff  }
0x291: {  	[tilespmem:v7+s1+$0x0] =	vst.idx.add.f32.msk $0xffff, v8  }
0x292: {  	[tilespmem:v7+s2+$0x0] =	vst.idx.add.f32.msk $0xffff, v9  }
0x293: {  	[tilespmem:v7+s3+$0x0] =	vst.idx.add.f32.msk $0xffff, v10  }
0x294: {  	[tilespmem:v7+s13+$0x0] =	vst.idx.add.f32.msk $0xffff, v2  }
0x295: {  	_ =	swait.ge [sflag:s14], $0x800  }
0x296: {  	[sflag:s14] =	ssyncset.done $0x0  }
0x297: {  	[sflag:s14] =	ssyncadd.s32 $0xFFFFF800  }
0x298: {  	_ =	swait.ge [sflag:s14], $0x800  }
0x299: {  	[sflag:s14] =	ssyncset.done $0x0  }
0x29a: {  	[sflag:s14] =	ssyncadd.s32 $0xFFFFF800  }
0x29b: {  	_ =	swait.ge [sflag:s14], $0x800  }
0x29c: {  	[sflag:s14] =	ssyncset.done $0x0  }
0x29d: {  	[sflag:s14] =	ssyncadd.s32 $0xFFFFF800  }
0x29e: {  	_ =	swait.ge [sflag:s14], $0x800  }
0x29f: {  	[sflag:s14] =	ssyncset.done $0x0  }
0x2a0: {  	[sflag:s14] =	ssyncadd.s32 $0xFFFFF800  }
0x2a1: {  	_ =	swait.ge [sflag:s14], $0x800  }
0x2a2: {  	[sflag:s14] =	ssyncset.done $0x0  }
0x2a3: {  	[sflag:s14] =	ssyncadd.s32 $0xFFFFF800  }
0x2a4: {  	_ =	swait.ge [sflag:s14], $0x800  }
0x2a5: {  	[sflag:s14] =	ssyncset.done $0x0  }
0x2a6: {  	[sflag:s14] =	ssyncadd.s32 $0xFFFFF800  }
0x2a7: {  	_ =	swait.ge [sflag:s14], $0x800  }
0x2a8: {  	[sflag:s14] =	ssyncset.done $0x0  }
0x2a9: {  	[sflag:s14] =	ssyncadd.s32 $0xFFFFF800  }
0x2aa: {  	_ =	swait.ge [sflag:s14], $0x800  }
0x2ab: {  	[sflag:s14] =	ssyncset.done $0x0  }
0x2ac: {  	[sflag:s14] =	ssyncadd.s32 $0xFFFFF800  }
0x2ad: {  	_ =	swait.ge [sflag:s14], $0x800  }
0x2ae: {  	[sflag:s14] =	ssyncset.done $0x0  }
0x2af: {  	[sflag:s14] =	ssyncadd.s32 $0xFFFFF800  }
0x2b0: {  	_ =	swait.ge [sflag:s14], $0x800  }
0x2b1: {  	[sflag:s14] =	ssyncset.done $0x0  }
0x2b2: {  	[sflag:s14] =	ssyncadd.s32 $0xFFFFF800  }
0x2b3: {  	_ =	swait.ge [sflag:s14], $0x800  }
0x2b4: {  	[sflag:s14] =	ssyncset.done $0x0  }
0x2b5: {  	[sflag:s14] =	ssyncadd.s32 $0xFFFFF800  }
0x2b6: {  	_ =	swait.ge [sflag:s14], $0x800  }
0x2b7: {  	[sflag:s14] =	ssyncset.done $0x0  }
0x2b8: {  	[sflag:s14] =	ssyncadd.s32 $0xFFFFF800  }
0x2b9: {  	_ =	swait.ge [sflag:s14], $0x800  }
0x2ba: {  	[sflag:s14] =	ssyncset.done $0x0  }
0x2bb: {  	[sflag:s14] =	ssyncadd.s32 $0xFFFFF800  }
0x2bc: {  	_ =	swait.ge [sflag:s14], $0x800  }
0x2bd: {  	[sflag:s14] =	ssyncset.done $0x0  }
0x2be: {  	[sflag:s14] =	ssyncadd.s32 $0xFFFFF800  }
0x2bf: {  	_ =	swait.ge [sflag:s14], $0x800  }
0x2c0: {  	[sflag:s14] =	ssyncset.done $0x0  }
0x2c1: {  	[sflag:s14] =	ssyncadd.s32 $0xFFFFF800  }
0x2c2: {  	_ =	swait.ge [sflag:s14], $0x800  }
0x2c3: {  	s20 =	sld [smem:$0x7F6]  }
0x2c4: {  	[sflag:s14] =	ssyncset.done $0x0  }
0x2c5: {  	s21 =	sld [smem:$0x7F7];
	[sflag:s14] =	ssyncadd.s32 $0xFFFFF800  }
0x2c6: {  	[tilespmem:s19], [sflag:$0x1] =	stream.strided.gather [hbm4b:s20+s17], $0x2000, s18, s17, $0x38;
	[tilespmem:$0x1A640] =	vst v63  }
0x2c7: {  	s8 =	sld [smem:$0x7F8]  }
0x2c8: {  	[tilespmem:s23], [sflag:$0x1] =	stream.strided.gather [hbm4b:s21+s17], $0x2000, s18, s17, $0x38;
	[tilespmem:$0x1A640] =	vst v63  }
0x2c9: {  	s9 =	simm.s32 $0x0  }
0x2ca: {  	[tilespmem:s28], [sflag:$0x1] =	stream.strided.gather [hbm4b:s8+s17], $0x2000, s18, s17, $0x38;
	[tilespmem:$0x1A640] =	vst v63  }
0x2cb: {  	v7 =	vld [tilespmem:s9+$0x7800];
	_ =	sdelay $0x2  }
0x2cc: {  	s21 =	simm.s32 $0x0;
	v58 =	vld [tilespmem:s9+$0x9800]  }
0x2cd: {  	v59 =	vmov s21  }
0x2ce: {  	v60 =	vor.u32 s21, v0;
	v9 =	vand.u32 $0x780, v59;
	v7 =	vshll.u32 v7, $0xB  }
0x2cf: {  	v61 =	vand.u32 $0x6F, v60;
	v7 =	vor.u32 v9, v7  }
0x2d0: {  	v7 =	vor.u32 v61, v7  }
0x2d1: {  	v62 =	vld [tilespmem:s9+$0x1800];
	v8 =	vadd.s32 v1, v58  }
0x2d2: {  	v63 =	vld [tilespmem:s9+$0x3800]  }
0x2d3: {  	v11 =	vld [tilespmem:s9+$0x5800];
	_ =	sdelay $0x1  }
0x2d4: {  	v7 =	vld.idx.msk [tilespmem:v7+s7+$0x0], $0xffff  }
0x2d5: {  	[tilespmem:v8+s1+$0x0] =	vst.idx.add.f32.msk $0xffff, v62  }
0x2d6: {  	[tilespmem:v8+s2+$0x0] =	vst.idx.add.f32.msk $0xffff, v63  }
0x2d7: {  	[tilespmem:v8+s3+$0x0] =	vst.idx.add.f32.msk $0xffff, v11  }
0x2d8: {  	[tilespmem:v8+s13+$0x0] =	vst.idx.add.f32.msk $0xffff, v2  }
0x2d9: {  	v8 =	vld [tilespmem:s9+$0x7810];
	_ =	sdelay $0x2  }
0x2da: {  	v9 =	vld [tilespmem:s9+$0x9810];
	_ =	sdelay $0x1  }
0x2db: {  	s20 =	simm.s32 $0x10;
	v8 =	vshll.u32 v8, $0xB  }
0x2dc: {  	v8 =	vadd.s32 s20, v8  }
0x2dd: {  	v8 =	vadd.s32 v0, v8  }
0x2de: {  	v10 =	vld [tilespmem:s9+$0x1810];
	v9 =	vadd.s32 v1, v9  }
0x2df: {  	v11 =	vld [tilespmem:s9+$0x3810]  }
0x2e0: {  	v12 =	vld [tilespmem:s9+$0x5810]  }
0x2e1: {  	v4 =	vadd.f32 v3, v4  }
0x2e2: {  	v3 =	vld.idx.msk [tilespmem:v8+s7+$0x0], $0xffff  }
0x2e3: {  	v4 =	vadd.f32 v5, v4;
	[tilespmem:v9+s1+$0x0] =	vst.idx.add.f32.msk $0xffff, v10  }
0x2e4: {  	[tilespmem:v9+s2+$0x0] =	vst.idx.add.f32.msk $0xffff, v11  }
0x2e5: {  	v4 =	vadd.f32 v6, v4;
	[tilespmem:v9+s3+$0x0] =	vst.idx.add.f32.msk $0xffff, v12  }
0x2e6: {  	s8 =	simm.s32 $0x20;
	[tilespmem:v9+s13+$0x0] =	vst.idx.add.f32.msk $0xffff, v2  }
0x2e7: {  	s21 =	simm.s32 $0x100;
	v4 =	vadd.f32 v7, v4;
	v5 =	vld [tilespmem:s8+$0x7800]  }
.LBB2_8:
0x2e8: {  	p0 =	sne.s32 s21, $0x1F80  }
0x2e9: {  	v4 =	vadd.f32 v3, v4;
	s20 =	sadd.s32 $0x20, s20;
	s9 =	smov.u32 s21;
	s21 =	sadd.s32 $0x80, s21  }
0x2ea: {  	_ = 	snop  }
0x2eb: {  	s6 =	sadd.s32 $0xFFFFFFF0, s20;
	v3 =	vld [tilespmem:s8+$0x9800]  }
0x2ec: {  	v6 =	vmov s6;
	v7 =	vor.u32 s6, v0  }
0x2ed: {  	v6 =	vand.u32 $0x780, v6;
	v5 =	vshll.u32 v5, $0xB  }
0x2ee: {  	v5 =	vor.u32 v6, v5;
	v6 =	vand.u32 $0x6F, v7  }
0x2ef: {  	v5 =	vor.u32 v6, v5  }
0x2f0: {  	v6 =	vld [tilespmem:s8+$0x1800];
	v3 =	vadd.s32 v1, v3  }
0x2f1: {  	v7 =	vld [tilespmem:s8+$0x3800]  }
0x2f2: {  	v8 =	vld [tilespmem:s8+$0x5800];
	_ =	sdelay $0x1  }
0x2f3: {  	v5 =	vld.idx.msk [tilespmem:v5+s7+$0x0], $0xffff  }
0x2f4: {  	[tilespmem:v3+s1+$0x0] =	vst.idx.add.f32.msk $0xffff, v6  }
0x2f5: {  	[tilespmem:v3+s2+$0x0] =	vst.idx.add.f32.msk $0xffff, v7  }
0x2f6: {  	[tilespmem:v3+s3+$0x0] =	vst.idx.add.f32.msk $0xffff, v8  }
0x2f7: {  	[tilespmem:v3+s13+$0x0] =	vst.idx.add.f32.msk $0xffff, v2  }
0x2f8: {  	v3 =	vld [tilespmem:s8+$0x7810]  }
0x2f9: {  	v6 =	vld [tilespmem:s8+$0x9810];
	_ =	sdelay $0x3  }
0x2fa: {  	v3 =	vshll.u32 v3, $0xB  }
0x2fb: {  	v3 =	vadd.s32 s20, v3  }
0x2fc: {  	v3 =	vadd.s32 v0, v3  }
0x2fd: {  	v6 =	vadd.s32 v1, v6;
	v7 =	vld [tilespmem:s8+$0x1810]  }
0x2fe: {  	v8 =	vld [tilespmem:s8+$0x3810]  }
0x2ff: {  	v9 =	vld [tilespmem:s8+$0x5810];
	_ =	sdelay $0x1  }
0x300: {  	v3 =	vld.idx.msk [tilespmem:v3+s7+$0x0], $0xffff  }
.Ltmp3:
0x301: {  	[tilespmem:v6+s1+$0x0] =	vst.idx.add.f32.msk $0xffff, v7;
	(pc) =	sbr.rel @p0 .LBB2_8-.Ltmp3, $4  }
0x302: {  	[tilespmem:v6+s2+$0x0] =	vst.idx.add.f32.msk $0xffff, v8  }
0x303: {  	[tilespmem:v6+s3+$0x0] =	vst.idx.add.f32.msk $0xffff, v9  }
0x304: {  	v4 =	vadd.f32 v5, v4;
	s8 =	sshra.s32 s9, $0x2;
	[tilespmem:v6+s13+$0x0] =	vst.idx.add.f32.msk $0xffff, v2  }
0x305: {  	v5 =	vld [tilespmem:s8+$0x7800]  }
0x306: {  	_ = 	snop  }
0x307: {  	s6 =	sadd.s32 $0x20, s20  }
0x308: {  	v6 =	vld [tilespmem:s8+$0x9800];
	s9 =	sadd.s32 $0xFFFFFFF0, s6  }
0x309: {  	v7 =	vmov s9  }
0x30a: {  	v8 =	vor.u32 s9, v0;
	v7 =	vand.u32 $0x780, v7;
	v5 =	vshll.u32 v5, $0xB  }
0x30b: {  	v5 =	vor.u32 v7, v5;
	v7 =	vand.u32 $0x6F, v8  }
0x30c: {  	v5 =	vor.u32 v7, v5  }
0x30d: {  	v6 =	vadd.s32 v1, v6;
	v7 =	vld [tilespmem:s8+$0x1800]  }
0x30e: {  	v8 =	vld [tilespmem:s8+$0x3800]  }
0x30f: {  	v9 =	vld [tilespmem:s8+$0x5800];
	_ =	sdelay $0x1  }
0x310: {  	v5 =	vld.idx.msk [tilespmem:v5+s7+$0x0], $0xffff  }
0x311: {  	[tilespmem:v6+s1+$0x0] =	vst.idx.add.f32.msk $0xffff, v7  }
0x312: {  	[tilespmem:v6+s2+$0x0] =	vst.idx.add.f32.msk $0xffff, v8  }
0x313: {  	[tilespmem:v6+s3+$0x0] =	vst.idx.add.f32.msk $0xffff, v9  }
0x314: {  	[tilespmem:v6+s13+$0x0] =	vst.idx.add.f32.msk $0xffff, v2  }
0x315: {  	v6 =	vld [tilespmem:s8+$0x7810];
	_ =	sdelay $0x2  }
0x316: {  	v7 =	vld [tilespmem:s8+$0x9810];
	_ =	sdelay $0x1  }
0x317: {  	v6 =	vshll.u32 v6, $0xB  }
0x318: {  	v6 =	vadd.s32 s6, v6  }
0x319: {  	v6 =	vadd.s32 v0, v6  }
0x31a: {  	v8 =	vld [tilespmem:s8+$0x1810];
	v7 =	vadd.s32 v1, v7  }
0x31b: {  	v9 =	vld [tilespmem:s8+$0x3810]  }
0x31c: {  	v10 =	vld [tilespmem:s8+$0x5810];
	_ =	sdelay $0x1  }
0x31d: {  	v6 =	vld.idx.msk [tilespmem:v6+s7+$0x0], $0xffff  }
0x31e: {  	[tilespmem:v7+s1+$0x0] =	vst.idx.add.f32.msk $0xffff, v8  }
0x31f: {  	[tilespmem:v7+s2+$0x0] =	vst.idx.add.f32.msk $0xffff, v9  }
0x320: {  	[tilespmem:v7+s3+$0x0] =	vst.idx.add.f32.msk $0xffff, v10  }
0x321: {  	[tilespmem:v7+s13+$0x0] =	vst.idx.add.f32.msk $0xffff, v2  }
0x322: {  	v7 =	vld [tilespmem:$0x1A000]  }
0x323: {  	v8 =	vld [tilespmem:$0x1A010]  }
0x324: {  	v9 =	vld [tilespmem:$0x1A020]  }
0x325: {  	v10 =	vld [tilespmem:$0x1A030]  }
0x326: {  	v11 =	vld [tilespmem:$0x1A040]  }
0x327: {  	v12 =	vld [tilespmem:$0x1A050]  }
0x328: {  	v13 =	vld [tilespmem:$0x1A060]  }
0x329: {  	v14 =	vld [tilespmem:$0x1A070]  }
0x32a: {  	v15 =	vld [tilespmem:$0x1A080]  }
0x32b: {  	v16 =	vld [tilespmem:$0x1A090]  }
0x32c: {  	v17 =	vld [tilespmem:$0x1A0A0]  }
0x32d: {  	v18 =	vld [tilespmem:$0x1A0B0]  }
0x32e: {  	v19 =	vld [tilespmem:$0x1A0C0]  }
0x32f: {  	v20 =	vld [tilespmem:$0x1A0D0]  }
0x330: {  	v21 =	vld [tilespmem:$0x1A0E0]  }
0x331: {  	v22 =	vld [tilespmem:$0x1A0F0]  }
0x332: {  	v23 =	vld [tilespmem:$0x1A100]  }
0x333: {  	v24 =	vld [tilespmem:$0x1A110]  }
0x334: {  	v25 =	vld [tilespmem:$0x1A120]  }
0x335: {  	v26 =	vld [tilespmem:$0x1A130]  }
0x336: {  	v27 =	vld [tilespmem:$0x1A140]  }
0x337: {  	v28 =	vld [tilespmem:$0x1A150]  }
0x338: {  	v29 =	vld [tilespmem:$0x1A160]  }
0x339: {  	v30 =	vld [tilespmem:$0x1A170]  }
0x33a: {  	v31 =	vld [tilespmem:$0x1A180]  }
0x33b: {  	v32 =	vld [tilespmem:$0x1A190]  }
0x33c: {  	v33 =	vld [tilespmem:$0x1A1A0]  }
0x33d: {  	v34 =	vld [tilespmem:$0x1A1B0]  }
0x33e: {  	v35 =	vld [tilespmem:$0x1A1C0]  }
0x33f: {  	v36 =	vld [tilespmem:$0x1A1D0]  }
0x340: {  	v37 =	vld [tilespmem:$0x1A1E0]  }
0x341: {  	v38 =	vld [tilespmem:$0x1A1F0]  }
0x342: {  	v39 =	vld [tilespmem:$0x1A200]  }
0x343: {  	v40 =	vld [tilespmem:$0x1A210]  }
0x344: {  	v41 =	vld [tilespmem:$0x1A300]  }
0x345: {  	v42 =	vld [tilespmem:$0x1A310]  }
0x346: {  	v43 =	vld [tilespmem:$0x1A220]  }
0x347: {  	v7 =	vadd.f32 v8, v7;
	v8 =	vld [tilespmem:$0x1A320]  }
0x348: {  	v23 =	vadd.f32 v24, v23;
	v24 =	vld [tilespmem:$0x1A230]  }
0x349: {  	v58 =	vld [tilespmem:$0x1A330];
	v7 =	vadd.f32 v9, v7;
	v9 =	vadd.f32 v40, v39  }
0x34a: {  	v59 =	vld [tilespmem:$0x1A240];
	v23 =	vadd.f32 v25, v23;
	v25 =	vadd.f32 v42, v41  }
0x34b: {  	v7 =	vadd.f32 v10, v7;
	v9 =	vadd.f32 v43, v9;
	v10 =	vld [tilespmem:$0x1A340]  }
0x34c: {  	v23 =	vadd.f32 v26, v23;
	v8 =	vadd.f32 v8, v25;
	v25 =	vld [tilespmem:$0x1A250]  }
0x34d: {  	v7 =	vadd.f32 v11, v7;
	v9 =	vadd.f32 v24, v9;
	v11 =	vld [tilespmem:$0x1A350]  }
0x34e: {  	v23 =	vadd.f32 v27, v23;
	v24 =	vld [tilespmem:$0x1A260];
	v8 =	vadd.f32 v58, v8  }
0x34f: {  	v7 =	vadd.f32 v12, v7;
	v9 =	vadd.f32 v59, v9;
	v12 =	vld [tilespmem:$0x1A360]  }
0x350: {  	v23 =	vadd.f32 v28, v23;
	v8 =	vadd.f32 v10, v8;
	v10 =	vld [tilespmem:$0x1A270]  }
0x351: {  	v7 =	vadd.f32 v13, v7;
	v9 =	vadd.f32 v25, v9;
	v13 =	vld [tilespmem:$0x1A370]  }
0x352: {  	v23 =	vadd.f32 v29, v23;
	v8 =	vadd.f32 v11, v8;
	v11 =	vld [tilespmem:$0x1A280]  }
0x353: {  	v7 =	vadd.f32 v14, v7;
	v9 =	vadd.f32 v24, v9;
	v14 =	vld [tilespmem:$0x1A380]  }
0x354: {  	v23 =	vadd.f32 v30, v23;
	v24 =	vld [tilespmem:$0x1A290];
	v8 =	vadd.f32 v12, v8  }
0x355: {  	v7 =	vadd.f32 v15, v7;
	v9 =	vadd.f32 v10, v9;
	v10 =	vld [tilespmem:$0x1A390]  }
0x356: {  	v12 =	vadd.f32 v31, v23;
	v15 =	vld [tilespmem:$0x1A2A0];
	v8 =	vadd.f32 v13, v8  }
0x357: {  	v7 =	vadd.f32 v16, v7;
	v9 =	vadd.f32 v11, v9;
	v11 =	vld [tilespmem:$0x1A3A0]  }
0x358: {  	v13 =	vld [tilespmem:$0x1A2B0];
	v12 =	vadd.f32 v32, v12;
	v8 =	vadd.f32 v14, v8  }
0x359: {  	v14 =	vld [tilespmem:$0x1A3B0];
	v7 =	vadd.f32 v17, v7;
	v9 =	vadd.f32 v24, v9  }
0x35a: {  	v16 =	vld [tilespmem:$0x1A2C0];
	v12 =	vadd.f32 v33, v12;
	v8 =	vadd.f32 v10, v8  }
0x35b: {  	v10 =	vld [tilespmem:$0x1A3C0];
	v7 =	vadd.f32 v18, v7;
	v9 =	vadd.f32 v15, v9  }
0x35c: {  	v12 =	vadd.f32 v34, v12;
	v15 =	vld [tilespmem:$0x1A2D0];
	v8 =	vadd.f32 v11, v8  }
0x35d: {  	v11 =	vld [tilespmem:$0x1A3D0];
	v7 =	vadd.f32 v19, v7;
	v9 =	vadd.f32 v13, v9  }
0x35e: {  	v12 =	vadd.f32 v35, v12;
	v13 =	vld [tilespmem:$0x1A2E0];
	v8 =	vadd.f32 v14, v8  }
0x35f: {  	v14 =	vld [tilespmem:$0x1A3E0];
	v7 =	vadd.f32 v20, v7;
	v9 =	vadd.f32 v16, v9  }
0x360: {  	v12 =	vadd.f32 v36, v12;
	v16 =	vld [tilespmem:$0x1A2F0];
	v8 =	vadd.f32 v10, v8  }
0x361: {  	v10 =	vld [tilespmem:$0x1A3F0];
	v7 =	vadd.f32 v21, v7;
	v9 =	vadd.f32 v15, v9  }
0x362: {  	v12 =	vadd.f32 v37, v12;
	v8 =	vadd.f32 v11, v8  }
0x363: {  	v7 =	vadd.f32 v22, v7;
	v9 =	vadd.f32 v13, v9  }
0x364: {  	v11 =	vadd.f32 v38, v12;
	v8 =	vadd.f32 v14, v8  }
0x365: {  	[tilespmem:$0x1A400] =	vst v7;
	v7 =	vadd.f32 v16, v9  }
0x366: {  	s20 =	sld [smem:$0x7F9];
	[tilespmem:$0x1A410] =	vst v11;
	v8 =	vadd.f32 v10, v8  }
0x367: {  	[tilespmem:$0x1A420] =	vst v7  }
0x368: {  	s21 =	simm.s32 $0x1A400;
	[tilespmem:$0x1A430] =	vst v8  }
0x369: {  	[spmem:s20] =	stream.linear.scatter [tilespmem:s21], [sflag:$0x4], $0x80, $0x38;
	[tilespmem:$0x1A640] =	vst v63  }
0x36a: {  	_ =	swait.ge [sflag:s4], $0x80  }
0x36b: {  	[sflag:s4] =	ssyncset.done $0x0  }
0x36c: {  	[sflag:s4] =	ssyncadd.s32 $0xFFFFFF80  }
0x36d: {  	[bflag:$0x0] =	sbarrier.arrive $0xFFFF  }
0x36e: {  	s8 =	sld [smem:$0x7FA];
	_ =	sdelay $0x1  }
0x36f: {  	s9 =	simm.s32 $0x1A480  }
0x370: {  	[tilespmem:s9], [sflag:$0x4] =	stream.linear.gather [spmem:s8], $0x80, $0x38;
	[tilespmem:$0x1A640] =	vst v63  }
0x371: {  	_ =	swait.ge [sflag:s4], $0x80  }
0x372: {  	[sflag:s4] =	ssyncset.done $0x0  }
0x373: {  	[sflag:s4] =	ssyncadd.s32 $0xFFFFFF80  }
0x374: {  	v7 =	vld [tilespmem:$0x1A430]  }
0x375: {  	v8 =	vld [tilespmem:$0x1A4B0];
	_ =	sdelay $0x4  }
0x376: {  	v7 =	vadd.f32 v8, v7;
	_ =	sdelay $0x1  }
0x377: {  	v7 =	vmax.f32 v7, $1.000000000e+00  }
0x378: {  	v9 =	vld [tilespmem:$0x1A410];
	(erf) = vrcp.f32 v7  }
0x379: {  	v10 =	vld [tilespmem:$0x1A490]  }
0x37a: {  	v8 =	vld [tilespmem:$0x1A480]  }
0x37b: {  	v7 =	vld [tilespmem:$0x1A400]  }
0x37c: {  	v11 =	vld [tilespmem:$0x1A420]  }
0x37d: {  	v12 =	vld [tilespmem:$0x1A4A0];
	_ =	sdelay $0x2  }
0x37e: {  	v7 =	vadd.f32 v8, v7  }
0x37f: {  	v9 =	vadd.f32 v10, v9;
	v8 =	vpop (erf)  }
0x380: {  	v10 =	vadd.f32 v12, v11;
	v7 =	vmul.f32 v8, v7  }
0x381: {  	v9 =	vmul.f32 v9, v8  }
0x382: {  	[tilespmem:$0x1A500] =	vst v7;
	v7 =	vmul.f32 v10, v8  }
0x383: {  	[tilespmem:$0x1A510] =	vst v9  }
0x384: {  	[tilespmem:$0x1A520] =	vst v7  }
0x385: {  	_ =	swait.ge [sflag:s5], $0x2000  }
0x386: {  	[sflag:s5] =	ssyncset.done $0x0  }
0x387: {  	[sflag:s5] =	ssyncadd.s32 $0xFFFFE000  }
0x388: {  	_ =	swait.ge [sflag:s5], $0x2000  }
0x389: {  	[sflag:s5] =	ssyncset.done $0x0  }
0x38a: {  	[sflag:s5] =	ssyncadd.s32 $0xFFFFE000  }
0x38b: {  	_ =	swait.ge [sflag:s5], $0x2000  }
0x38c: {  	[sflag:s5] =	ssyncset.done $0x0  }
0x38d: {  	s20 =	simm.s32 $0x0;
	[sflag:s5] =	ssyncadd.s32 $0xFFFFE000  }
0x38e: {  	v7 =	vld [tilespmem:s20+$0xC010]  }
0x38f: {  	v8 =	vld [tilespmem:s20+$0x8000]  }
0x390: {  	v9 =	vld [tilespmem:s20+$0x8010]  }
0x391: {  	v10 =	vld [tilespmem:s20+$0xA000]  }
0x392: {  	v11 =	vld [tilespmem:s20+$0x2010]  }
0x393: {  	v12 =	vld [tilespmem:s20+$0x4000]  }
0x394: {  	v14 =	vld [tilespmem:s20+$0x10]  }
0x395: {  	v16 =	vld [tilespmem:s20+$0x0];
	v13 =	vadd.s32 $0x20, v8  }
0x396: {  	v17 =	vld [tilespmem:s20+$0x4010];
	v15 =	vadd.s32 $0x10, v8  }
0x397: {  	v3 =	vadd.f32 v3, v4;
	v4 =	vld [tilespmem:s20+$0x2000];
	v18 =	vadd.s32 $0x10, v9  }
0x398: {  	v19 =	vadd.s32 $0x20, v9;
	v8 =	vld.idx.msk [tilespmem:v8+s15+$0x0], $0xffff  }
0x399: {  	v9 =	vld.idx.msk [tilespmem:v9+s15+$0x0], $0xffff  }
0x39a: {  	v13 =	vld.idx.msk [tilespmem:v13+s15+$0x0], $0xffff  }
0x39b: {  	v15 =	vld.idx.msk [tilespmem:v15+s15+$0x0], $0xffff  }
0x39c: {  	s21 =	simm.s32 $0x0;
	v18 =	vld.idx.msk [tilespmem:v18+s15+$0x0], $0xffff  }
0x39d: {  	v3 =	vadd.f32 v5, v3;
	s8 =	sand.u32 $0x1FE0, s21;
	v5 =	vld.idx.msk [tilespmem:v19+s15+$0x0], $0xffff  }
0x39e: {  	v19 =	vld [tilespmem:s8+$0xE000]  }
0x39f: {  	v3 =	vadd.f32 v6, v3;
	v6 =	vsub.f32 v8, v16;
	v8 =	vld [tilespmem:s8+$0xC000]  }
0x3a0: {  	v12 =	vsub.f32 v13, v12;
	v13 =	vld [tilespmem:s20+$0xA010];
	v4 =	vsub.f32 v15, v4  }
0x3a1: {  	s9 =	simm.s32 $0x20;
	v9 =	vsub.f32 v9, v14;
	v11 =	vsub.f32 v18, v11;
	v15 =	vld [tilespmem:s20+$0xE010]  }
0x3a2: {  	v10 =	vsub.f32 v6, v10;
	v6 =	vmul.f32 v6, v6;
	v18 =	vld [tilespmem:s9+$0x8010];
	v16 =	vmul.f32 v4, v4  }
0x3a3: {  	v5 =	vsub.f32 v5, v17;
	v17 =	vmul.f32 v12, v12;
	v12 =	vsub.f32 v12, v19  }
0x3a4: {  	v20 =	vld [tilespmem:s9+$0x4000];
	v10 =	vmul.f32 v10, v10;
	v4 =	vsub.f32 v4, v8;
	v6 =	vadd.f32 v16, v6  }
0x3a5: {  	v7 =	vsub.f32 v11, v7;
	v11 =	vmul.f32 v11, v11;
	v8 =	vld [tilespmem:s9+$0x8000];
	v16 =	vmul.f32 v5, v5  }
0x3a6: {  	v23 =	vld [tilespmem:s9+$0x10];
	v12 =	vmul.f32 v12, v12;
	v4 =	vmul.f32 v4, v4;
	v6 =	vadd.f32 v17, v6  }
0x3a7: {  	v24 =	vld [tilespmem:s9+$0x0];
	v13 =	vsub.f32 v9, v13;
	v5 =	vsub.f32 v5, v15;
	v25 =	vadd.s32 $0x10, v18  }
0x3a8: {  	v26 =	vld [tilespmem:s9+$0x4010];
	v4 =	vadd.f32 v4, v10;
	v10 =	vmul.f32 v7, v7;
	v7 =	vmax.f32 v6, $1.000000000e-30  }
0x3a9: {  	v62 =	vld [tilespmem:s9+$0x2000];
	v9 =	vmul.f32 v9, v9;
	v15 =	vshra.s32 v7, $0x1;
	v21 =	vmul.f32 $5.000000000e-01, v7  }
0x3aa: {  	v14 =	vld [tilespmem:s9+$0xC010];
	v13 =	vmul.f32 v13, v13;
	v22 =	vadd.s32 $0x20, v8;
	v15 =	vsub.s32 $0x5F3759DF, v15  }
0x3ab: {  	v19 =	vld [tilespmem:s9+$0x2010];
	v5 =	vmul.f32 v5, v5;
	v7 =	vadd.f32 v12, v4;
	v4 =	vmul.f32 v15, v21  }
0x3ac: {  	v9 =	vadd.f32 v11, v9;
	v11 =	vadd.s32 $0x10, v8;
	v12 =	vadd.s32 $0x20, v18;
	v25 =	vld.idx.msk [tilespmem:v25+s15+$0x0], $0xffff  }
0x3ad: {  	v10 =	vadd.f32 v10, v13;
	v27 =	vld.idx.msk [tilespmem:v8+s15+$0x0], $0xffff;
	v8 =	vmax.f32 v7, $1.000000000e-30;
	v13 =	vmul.f32 v15, v4  }
0x3ae: {  	v28 =	vld.idx.msk [tilespmem:v18+s15+$0x0], $0xffff;
	v4 =	vadd.f32 v16, v9;
	v9 =	vshra.s32 v8, $0x1;
	v16 =	vmul.f32 $5.000000000e-01, v8  }
0x3af: {  	v5 =	vadd.f32 v5, v10;
	v18 =	vld.idx.msk [tilespmem:v22+s15+$0x0], $0xffff;
	v22 =	vsub.s32 $0x5F3759DF, v9;
	v13 =	vsub.f32 $1.500000000e+00, v13  }
0x3b0: {  	v17 =	vld [tilespmem:s9+$0xA000];
	v8 =	vimm.f32 $0.0e+00;
	v9 =	vmax.f32 v4, $1.000000000e-30;
	v10 =	vmul.f32 v22, v16  }
0x3b1: {  	s20 =	simm.s32 $0x20;
	v30 =	vld.idx.msk [tilespmem:v11+s15+$0x0], $0xffff;
	v25 =	vsub.f32 v25, v19;
	v29 =	vshra.s32 v9, $0x1;
	v13 =	vmul.f32 v15, v13  }
0x3b2: {  	s21 =	sand.u32 $0x1FE0, s20;
	v12 =	vld.idx.msk [tilespmem:v12+s15+$0x0], $0xffff;
	v9 =	vmul.f32 $5.000000000e-01, v9;
	v11 =	vsub.s32 $0x5F3759DF, v29;
	v29 =	vmul.f32 v22, v10  }
0x3b3: {  	v31 =	vld [tilespmem:s21+$0xE000];
	v24 =	vsub.f32 v27, v24;
	v15 =	vmax.f32 v5, $1.000000000e-30;
	v21 =	vmul.f32 v13, v21  }
0x3b4: {  	v14 =	vsub.f32 v25, v14;
	v61 =	vmul.f32 v11, v9;
	v27 =	vsub.f32 $1.500000000e+00, v29;
	v29 =	vld [tilespmem:s9+$0xA010]  }
0x3b5: {  	v60 =	vshra.s32 v15, $0x1;
	v10 =	vmul.f32 $5.000000000e-01, v15;
	v63 =	vmul.f32 v21, v13;
	v21 =	vld [tilespmem:s21+$0xC000]  }
0x3b6: {  	v20 =	vsub.f32 v18, v20;
	v17 =	vsub.f32 v24, v17;
	v18 =	vmul.f32 v22, v27;
	v22 =	vld [tilespmem:s9+$0xE010]  }
0x3b7: {  	v24 =	vmul.f32 v24, v24;
	v12 =	vsub.f32 v12, v26;
	v26 =	vsub.f32 v28, v23  }
0x3b8: {  	v23 =	vsub.f32 v30, v62;
	v15 =	vmul.f32 v11, v61;
	v17 =	vmul.f32 v17, v17  }
0x3b9: {  	v27 =	vmul.f32 v20, v20;
	v20 =	vsub.f32 v20, v31;
	v28 =	vsub.f32 v26, v29  }
0x3ba: {  	v19 =	vmul.f32 v12, v12;
	v29 =	vmul.f32 v23, v23;
	v30 =	vsub.f32 v23, v21  }
0x3bb: {  	v21 =	vmul.f32 v25, v25;
	v22 =	vsub.f32 v12, v22;
	v23 =	vmul.f32 v28, v28  }
0x3bc: {  	v28 =	vmul.f32 v18, v16;
	v16 =	vadd.f32 v29, v24;
	v29 =	vmul.f32 v20, v20  }
0x3bd: {  	v12 =	vsub.s32 $0x5F3759DF, v60;
	v25 =	vmul.f32 v14, v14;
	v24 =	vmul.f32 v30, v30  }
0x3be: {  	v20 =	vsub.f32 $1.500000000e+00, v63;
	v16 =	vadd.f32 v27, v16;
	v28 =	vmul.f32 v28, v18  }
0x3bf: {  	v22 =	vmul.f32 v22, v22;
	v27 =	vmul.f32 v26, v26;
	v17 =	vadd.f32 v24, v17  }
0x3c0: {  	v26 =	vmul.f32 v12, v10;
	v14 =	vmax.f32 v16, $1.000000000e-30;
	v28 =	vsub.f32 $1.500000000e+00, v28  }
0x3c1: {  	s8 =	simm.s32 $0x100;
	v24 =	vshra.s32 v14, $0x1;
	v14 =	vmul.f32 $5.000000000e-01, v14;
	v17 =	vadd.f32 v29, v17  }
.LBB2_10:
0x3c2: {  	s21 =	sshra.s32 s8, $0x2;
	p0 =	sne.s32 s8, $0x7F80;
	s8 =	sadd.s32 $0x80, s8;
	v21 =	vadd.f32 v21, v27;
	v23 =	vadd.f32 v25, v23;
	v13 =	vmul.f32 v20, v13  }
0x3c3: {  	v15 =	vsub.f32 $1.500000000e+00, v15;
	v20 =	vmul.f32 v12, v26;
	v25 =	vld [tilespmem:s21+$0xC010];
	v18 =	vmul.f32 v28, v18  }
0x3c4: {  	v26 =	vld [tilespmem:s21+$0x8000];
	v19 =	vadd.f32 v19, v21;
	v21 =	vadd.f32 v22, v23;
	v13 =	vmul.f32 v13, v6;
	v6 =	vmovc v16  }
0x3c5: {  	v15 =	vmul.f32 v11, v15;
	v11 =	vsub.f32 $1.500000000e+00, v20;
	v16 =	vld [tilespmem:s21+$0x8010];
	v18 =	vmul.f32 v18, v7;
	v7 =	vmovc v17  }
0x3c6: {  	v17 =	vld [tilespmem:s21+$0xA000];
	v20 =	vmax.f32 v7, $1.000000000e-30;
	v22 =	vmax.f32 v21, $1.000000000e-30;
	v23 =	vmin.f32 v13, $1.000000000e+00  }
0x3c7: {  	v13 =	vsub.s32 $0x5F3759DF, v24;
	v28 =	vmul.f32 v12, v11;
	v27 =	vld [tilespmem:s21+$0x2010];
	v24 =	vshra.s32 v20, $0x1  }
0x3c8: {  	v9 =	vmul.f32 v15, v9;
	v11 =	vmul.f32 v13, v14;
	v29 =	vld [tilespmem:s21+$0x4000];
	v24 =	vsub.s32 $0x5F3759DF, v24  }
0x3c9: {  	v33 =	vmul.f32 v28, v10;
	v30 =	vadd.s32 $0x10, v26;
	v31 =	vadd.s32 $0x20, v26;
	v32 =	vld [tilespmem:s21+$0x10]  }
0x3ca: {  	v10 =	vmul.f32 v13, v11;
	v34 =	vld [tilespmem:s21+$0x0];
	v35 =	vadd.s32 $0x10, v16;
	v36 =	vadd.s32 $0x20, v16  }
0x3cb: {  	v12 =	vshra.s32 v22, $0x1;
	v38 =	vmul.f32 v9, v15;
	v11 =	vmax.f32 v19, $1.000000000e-30;
	v37 =	vld [tilespmem:s21+$0x4010]  }
0x3cc: {  	v40 =	vshra.s32 v11, $0x1;
	v39 =	vsub.f32 $1.500000000e+00, v10;
	v10 =	vmul.f32 $5.000000000e-01, v22;
	v26 =	vld.idx.msk [tilespmem:v26+s15+$0x0], $0xffff  }
0x3cd: {  	v12 =	vsub.s32 $0x5F3759DF, v12;
	v9 =	vmul.f32 $5.000000000e-01, v11;
	v22 =	vmul.f32 $5.000000000e-01, v20;
	v16 =	vld.idx.msk [tilespmem:v16+s15+$0x0], $0xffff  }
0x3ce: {  	s20 =	sadd.s32 $0x20, s20;
	v11 =	vsub.s32 $0x5F3759DF, v40;
	v13 =	vmul.f32 v13, v39;
	v20 =	vld.idx.msk [tilespmem:v31+s15+$0x0], $0xffff;
	v31 =	vmul.f32 v33, v28  }
0x3cf: {  	v38 =	vsub.f32 $1.500000000e+00, v38;
	v39 =	vmul.f32 v11, v9;
	v33 =	vld.idx.msk [tilespmem:v35+s15+$0x0], $0xffff;
	v35 =	vmul.f32 v24, v22  }
0x3d0: {  	v18 =	vmul.f32 v18, v23;
	v14 =	vmul.f32 v13, v14;
	v36 =	vld.idx.msk [tilespmem:v36+s15+$0x0], $0xffff  }
0x3d1: {  	s6 =	sand.u32 $0x1FE0, s20;
	v31 =	vsub.f32 $1.500000000e+00, v31;
	v23 =	vld.idx.msk [tilespmem:v30+s15+$0x0], $0xffff;
	v30 =	vmul.f32 v24, v35;
	v35 =	vmul.f32 v38, v15  }
0x3d2: {  	v26 =	vsub.f32 v26, v34;
	v14 =	vmul.f32 v14, v13;
	v15 =	vmul.f32 v11, v39;
	v34 =	vld [tilespmem:s6+$0xE000]  }
0x3d3: {  	v8 =	vadd.f32 v18, v8;
	v28 =	vmul.f32 v31, v28;
	v38 =	vld [tilespmem:s21+$0x2000];
	v30 =	vsub.f32 $1.500000000e+00, v30  }
0x3d4: {  	v29 =	vsub.f32 v20, v29;
	v20 =	vsub.f32 $1.500000000e+00, v14;
	v14 =	vmul.f32 v35, v4;
	v4 =	vmovc v19;
	v31 =	vld [tilespmem:s21+$0xA010]  }
0x3d5: {  	v27 =	vsub.f32 v33, v27;
	v35 =	vld [tilespmem:s6+$0xC000];
	v18 =	vmul.f32 v24, v30;
	v24 =	vmul.f32 v28, v5;
	v5 =	vmovc v21  }
0x3d6: {  	v17 =	vsub.f32 v26, v17;
	v28 =	vmul.f32 v29, v29;
	v30 =	vsub.f32 v36, v37;
	v33 =	vld [tilespmem:s21+$0xE010]  }
0x3d7: {  	v32 =	vsub.f32 v16, v32;
	v14 =	vmin.f32 v14, $1.000000000e+00;
	v29 =	vsub.f32 v29, v34  }
0x3d8: {  	v17 =	vmul.f32 v17, v17;
	v25 =	vsub.f32 v27, v25;
	v16 =	vsub.f32 v23, v38  }
0x3d9: {  	v26 =	vmul.f32 v26, v26;
	v19 =	vmul.f32 v30, v30;
	v23 =	vsub.f32 v32, v31  }
0x3da: {  	v21 =	vmul.f32 v27, v27;
	v31 =	vmul.f32 v16, v16;
	v16 =	vsub.f32 v16, v35  }
0x3db: {  	v27 =	vsub.f32 v30, v33;
	v23 =	vmul.f32 v23, v23;
	v30 =	vmul.f32 v18, v22  }
0x3dc: {  	v14 =	vmul.f32 v24, v14;
	v26 =	vadd.f32 v31, v26;
	v31 =	vmul.f32 v16, v16  }
.Ltmp4:
0x3dd: {  	v24 =	vmul.f32 v29, v29;
	v22 =	vmul.f32 v27, v27;
	(pc) =	sbr.rel @p0 .LBB2_10-.Ltmp4, $4  }
0x3de: {  	v25 =	vmul.f32 v25, v25;
	v16 =	vadd.f32 v28, v26;
	v17 =	vadd.f32 v31, v17  }
0x3df: {  	v8 =	vadd.f32 v14, v8;
	v27 =	vmul.f32 v32, v32;
	v28 =	vmul.f32 v30, v18  }
0x3e0: {  	v26 =	vmul.f32 v12, v10;
	v14 =	vmax.f32 v16, $1.000000000e-30;
	v17 =	vadd.f32 v24, v17  }
0x3e1: {  	v28 =	vsub.f32 $1.500000000e+00, v28;
	v24 =	vshra.s32 v14, $0x1;
	v14 =	vmul.f32 $5.000000000e-01, v14  }
0x3e2: {  	v21 =	vadd.f32 v21, v27;
	v23 =	vadd.f32 v25, v23;
	v13 =	vmul.f32 v20, v13  }
0x3e3: {  	v15 =	vsub.f32 $1.500000000e+00, v15;
	v34 =	vmul.f32 v12, v26;
	v37 =	vmax.f32 v17, $1.000000000e-30  }
0x3e4: {  	v38 =	vsub.s32 $0x5F3759DF, v24;
	v18 =	vmul.f32 v28, v18;
	v39 =	vshra.s32 v37, $0x1  }
0x3e5: {  	v41 =	vmul.f32 v38, v14;
	v19 =	vadd.f32 v19, v21;
	v35 =	vadd.f32 v22, v23  }
0x3e6: {  	v6 =	vmul.f32 v13, v6;
	v36 =	vsub.f32 $1.500000000e+00, v34;
	v11 =	vmul.f32 v11, v15  }
0x3e7: {  	v20 =	vsub.s32 $0x5F3759DF, v39;
	v15 =	vmul.f32 $5.000000000e-01, v37;
	v7 =	vmul.f32 v18, v7  }
0x3e8: {  	v13 =	vmul.f32 v38, v41;
	v40 =	vmul.f32 v12, v36;
	v22 =	vmax.f32 v35, $1.000000000e-30  }
0x3e9: {  	v9 =	vmul.f32 v11, v9;
	v42 =	vmax.f32 v19, $1.000000000e-30;
	v45 =	vmul.f32 v20, v15  }
0x3ea: {  	v6 =	vmin.f32 v6, $1.000000000e+00;
	v43 =	vshra.s32 v22, $0x1;
	v13 =	vsub.f32 $1.500000000e+00, v13  }
0x3eb: {  	v44 =	vshra.s32 v42, $0x1;
	v23 =	vmul.f32 $5.000000000e-01, v42;
	v22 =	vmul.f32 $5.000000000e-01, v22  }
0x3ec: {  	v6 =	vmul.f32 v7, v6;
	v10 =	vmul.f32 v40, v10;
	v25 =	vsub.s32 $0x5F3759DF, v44  }
0x3ed: {  	v9 =	vmul.f32 v9, v11;
	v24 =	vsub.s32 $0x5F3759DF, v43;
	v46 =	vmul.f32 v25, v23  }
0x3ee: {  	v26 =	vmul.f32 v20, v45;
	v47 =	vmul.f32 v24, v22  }
0x3ef: {  	v13 =	vmul.f32 v38, v13;
	v18 =	vmul.f32 v25, v46  }
0x3f0: {  	v9 =	vsub.f32 $1.500000000e+00, v9;
	v26 =	vsub.f32 $1.500000000e+00, v26;
	v27 =	vmul.f32 v24, v47  }
0x3f1: {  	v10 =	vmul.f32 v10, v40;
	v48 =	vmul.f32 v13, v14;
	v49 =	vsub.f32 $1.500000000e+00, v18  }
0x3f2: {  	v9 =	vmul.f32 v9, v11;
	v50 =	vmul.f32 v20, v26;
	v51 =	vsub.f32 $1.500000000e+00, v27  }
0x3f3: {  	v10 =	vsub.f32 $1.500000000e+00, v10;
	v14 =	vmul.f32 v48, v13;
	v7 =	vmul.f32 v25, v49  }
0x3f4: {  	v15 =	vmul.f32 v50, v15;
	v18 =	vmul.f32 v24, v51  }
0x3f5: {  	v10 =	vmul.f32 v10, v40;
	v52 =	vmul.f32 v7, v23  }
0x3f6: {  	v15 =	vmul.f32 v15, v50;
	v53 =	vmul.f32 v18, v22  }
0x3f7: {  	v4 =	vmul.f32 v9, v4;
	v14 =	vsub.f32 $1.500000000e+00, v14;
	v54 =	vmul.f32 v52, v7  }
0x3f8: {  	v5 =	vmul.f32 v10, v5;
	v55 =	vsub.f32 $1.500000000e+00, v15;
	v56 =	vmul.f32 v53, v18  }
0x3f9: {  	v4 =	vmin.f32 v4, $1.000000000e+00;
	v13 =	vmul.f32 v14, v13;
	v9 =	vsub.f32 $1.500000000e+00, v54  }
0x3fa: {  	v4 =	vmul.f32 v5, v4;
	v57 =	vmul.f32 v55, v50;
	v58 =	vsub.f32 $1.500000000e+00, v56  }
0x3fb: {  	v59 =	vmul.f32 v13, v16;
	v7 =	vmul.f32 v9, v7  }
0x3fc: {  	v6 =	vadd.f32 v6, v8;
	v5 =	vmul.f32 v57, v17;
	v60 =	vmul.f32 v58, v18  }
0x3fd: {  	v61 =	vmin.f32 v59, $1.000000000e+00;
	v7 =	vmul.f32 v7, v19  }
0x3fe: {  	v4 =	vadd.f32 v4, v6;
	v5 =	vmul.f32 v5, v61;
	v62 =	vmul.f32 v60, v35  }
0x3ff: {  	v7 =	vmin.f32 v7, $1.000000000e+00  }
0x400: {  	v4 =	vadd.f32 v5, v4;
	v63 =	vmul.f32 v62, v7;
	_ =	sdelay $0x1  }
0x401: {  	v4 =	vadd.f32 v63, v4;
	_ =	sdelay $0x1  }
0x402: {  	v4 =	vmul.f32 $2.000000030e-01, v4;
	_ =	sdelay $0x1  }
0x403: {  	v3 =	vsub.f32 v4, v3;
	_ =	sdelay $0x1  }
0x404: {  	s6 =	sld [smem:$0x7FB];
	v3 =	vmul.f32 $3.814697270e-06, v3;
	_ =	sdelay $0x1  }
0x405: {  	s8 =	simm.s32 $0x0;
	s9 =	simm.s32 $0x1A580;
	[tilespmem:$0x1A580] =	vst v3  }
0x406: {  	[hbm4b:s6+s8] =	stream.linear.scatter [tilespmem:s9], [sflag:$0x4], $0x80, $0x38;
	[tilespmem:$0x1A640] =	vst v63  }
0x407: {  	_ =	swait.ge [sflag:s4], $0x80  }
0x408: {  	s21 =	sld [smem:$0x7FC];
	_ =	sdelay $0x1  }
0x409: {  	s16 =	sadd.s32 $0x1, s16  }
0x40a: {  	p0 =	sne.s32 s16, s21  }
.Ltmp5:
0x40b: {  	_ = 	snop;
	(pc) =	sbr.rel @p0 .LBB2_1-.Ltmp5, $3  }
0x40c: {  	_ =	sdelay $0x1  }
0x40d: {  	[sflag:s4] =	ssyncset.done $0x0  }
0x40e: {  	[sflag:s4] =	ssyncadd.s32 $0xFFFFFF80  }
0x40f: {  	_ =	sfence.sel $0x180000  }
0x410: {  	[bflag:$0x0] =	sbarrier.arrive $0xFFFF  }
0x411: {  	_ =	strace $0x90000047  }
0x412: {  	s0 =	stileid.u32;
	[bflag:$0x2] =	sbarrier.arrive $0xFFFF  }
0x413: {  	p0 =	sne.s32 s0, $0x0;
	s0 =	rddreg [dreg:$0x6]  }
0x414: {  	s0 =	sadd.s32 @!p0 $0x100000, s0  }
0x415: {  	[sflag:s0] =	ssyncadd.tile.s32 @!p0 $0x1;
	_ =	shalt  }
.Lfunc_end2:
_tile_overlayer_lowered:
.L_overlay_start_2:
0x416: {  	(tag) =	ssettag $0x2  }
0x417: {  	s0 =	rddreg [dreg:$0x0];
	s2 =	stileid.u32  }
0x418: {  	s1 =	rddreg [dreg:$0x1];
	p0 =	sne.s32 s2, $0x0  }
0x419: {  	s3 =	rddreg [dreg:$0x2];
	[bflag:$0x3] =	sbarrier.arrive $0xFFFF;
	s2 =	simm.s32 @!p0 $0x1C04  }
0x41a: {  	[timem:s3], [sflag:s2] =	dma.local @!p0 [hbm:s0], s1  }
0x41b: {  	s0 =	simm.s32 @!p0 $0x4  }
0x41c: {  	_ =	swait.ge @!p0 [sflag:s0], s1  }
0x41d: {  	s1 =	ssub.s32 @!p0 $0x0, s1;
	[sflag:s0] =	ssyncset.done @!p0 $0x0  }
0x41e: {  	[sflag:s0] =	ssyncadd.s32 @!p0 s1  }
0x41f: {  	[bflag:$0x3] =	sbarrier.arrive $0xFFFF  }
0x420: {  	_ =	shalt  }

</sc_bundles>
